<compile_context>
chip_gen: v7x
topology: tpu7x:2x2x1
jax: 0.10.2.dev20260603
libtpu: 0.0.44.dev20260713+nightly
codegen_flags: <defaults>
</compile_context>

<pallas_src>
import functools

import jax
import jax.numpy as jnp
from jax import lax
from jax.experimental import pallas as pl
from jax.experimental.pallas import tpu as pltpu
from jax.experimental.pallas import tpu_sc as plsc

NC = 2
NS = 16
NW = NC * NS
C = 128
NB = 3
LA = 2
LANES = 128


def _agg_body(Q0, Q1, REM, RPT, NT, D, MODE, CW, g_hbm, ei3, z_hbm, out_hbm,
              acc, tbl, src_v, dst_v, *bufs):
  rows = bufs[:NB]
  gsems = bufs[NB:2 * NB]
  ssems = bufs[2 * NB:3 * NB]
  ones_v = bufs[3 * NB] if MODE == "const" else None
  cid = lax.axis_index("c")
  sid = lax.axis_index("s")
  wid = sid * NC + cid
  qmax = max(Q0, Q1)
  base = jnp.where(cid == 0, sid * Q0, NS * Q0 + sid * Q1)
  ebase = NS * (Q0 + Q1)

  @pl.when(cid == 0)
  def _():
    pltpu.sync_copy(ei3.at[0, pl.ds(base, Q0)], src_v.at[pl.ds(0, Q0)])
    pltpu.sync_copy(ei3.at[1, pl.ds(base, Q0)], dst_v.at[pl.ds(0, Q0)])

  @pl.when(cid == 1)
  def _():
    pltpu.sync_copy(ei3.at[0, pl.ds(base, Q1)], src_v.at[pl.ds(0, Q1)])
    pltpu.sync_copy(ei3.at[1, pl.ds(base, Q1)], dst_v.at[pl.ds(0, Q1)])

  @pl.when(wid < REM)
  def _():
    pltpu.sync_copy(ei3.at[0, pl.ds(ebase + wid, 1)],
                    src_v.at[pl.ds(qmax, 1)])
    pltpu.sync_copy(ei3.at[1, pl.ds(ebase + wid, 1)],
                    dst_v.at[pl.ds(qmax, 1)])

  pltpu.sync_copy(z_hbm.at[pl.ds(sid * RPT, RPT)],
                  acc.at[pl.ds(sid * RPT, RPT)])

  if MODE == "const":
    pltpu.sync_copy(g_hbm, ones_v)
  else:
    stage = (cid == 1) if MODE == "hybrid" else (cid >= 0)
    last = NT - (NS - 1) * RPT

    @pl.when(jnp.logical_and(stage, sid < NS - 1))
    def _():
      pltpu.sync_copy(g_hbm.at[pl.ds(sid * RPT, RPT)],
                      tbl.at[pl.ds(sid * RPT, RPT)])

    @pl.when(jnp.logical_and(stage, sid == NS - 1))
    def _():
      pltpu.sync_copy(g_hbm.at[pl.ds((NS - 1) * RPT, last)],
                      tbl.at[pl.ds((NS - 1) * RPT, last)])

  plsc.subcore_barrier()

  if MODE == "const":
    def cstep(c0, carry):
      for b in range(NB):
        c = c0 * NB + b

        @pl.when(c >= NB)
        def _():
          pltpu.make_async_copy(ones_v, acc.at[dst_v.at[c - NB]],
                                ssems[b]).wait()

        pltpu.async_copy(ones_v, acc.at[dst_v.at[c]], ssems[b], add=True)
      return carry

    lax.fori_loop(0, Q0 // NB, cstep, 0)
    for b in range(NB):
      pltpu.make_async_copy(ones_v, acc.at[dst_v.at[Q0 - NB + b]],
                            ssems[b]).wait()

    @pl.when(wid < REM)
    def _():
      pltpu.sync_copy(ones_v, acc.at[dst_v.at[qmax]], add=True)

  else:
    def pipeline(srcs, q):
      for j in range(LA):
        pltpu.async_copy(srcs[j].at[src_v.at[j]], rows[j], gsems[j])

      def step(c0, carry):
        for b in range(NB):
          c = c0 * NB + b
          f = c + LA
          bf = (b + LA) % NB

          @pl.when(jnp.logical_and(f < q, f >= NB))
          def _():
            pltpu.make_async_copy(rows[bf], acc.at[dst_v.at[f - NB]],
                                  ssems[bf]).wait()

          @pl.when(f < q)
          def _():
            pltpu.async_copy(srcs[bf].at[src_v.at[f]], rows[bf],
                             gsems[bf])

          pltpu.make_async_copy(srcs[b].at[src_v.at[c]], rows[b],
                                gsems[b]).wait()
          pltpu.async_copy(rows[b], acc.at[dst_v.at[c]], ssems[b],
                           add=True)
        return carry

      lax.fori_loop(0, q // NB, step, 0)
      for b in range(NB):
        pltpu.make_async_copy(rows[b], acc.at[dst_v.at[q - NB + b]],
                              ssems[b]).wait()

      @pl.when(wid < REM)
      def _():
        pltpu.async_copy(srcs[0].at[src_v.at[qmax]], rows[0],
                         gsems[0]).wait()
        pltpu.sync_copy(rows[0], acc.at[dst_v.at[qmax]], add=True)

    if MODE == "hybrid":
      @pl.when(cid == 0)
      def _():
        pipeline([g_hbm] * NB, Q0)

      @pl.when(cid == 1)
      def _():
        pipeline([tbl] * NB, Q1)
    else:
      pipeline([tbl] * NB, Q0)

  plsc.subcore_barrier()
  pltpu.sync_copy(acc.at[pl.ds(sid * RPT, RPT)],
                  out_hbm.at[pl.ds(sid * RPT, RPT), pl.ds(cid * D, D)])


@functools.cache
def _make_agg(d, q0, q1, rem, nrows, nt, mode, cw):
  rpt = nrows // NS
  qmax = max(q0, q1)
  assert q0 % NB == 0 and q1 % NB == 0, (q0, q1)
  mesh = plsc.VectorSubcoreMesh(core_axis_name="c", subcore_axis_name="s",
                                num_cores=NC, num_subcores=NS)
  scratch = [
      pltpu.VMEM_SHARED((nrows, d), jnp.float32),
      pltpu.VMEM_SHARED((nt, d), jnp.float32),
      pltpu.VMEM((qmax + 1, cw), jnp.int32),
      pltpu.VMEM((qmax + 1, cw), jnp.int32),
      *[pltpu.VMEM((cw, d), jnp.float32) for _ in range(NB)],
      *[pltpu.SemaphoreType.DMA for _ in range(2 * NB)],
  ]
  if mode == "const":
    scratch.append(pltpu.VMEM((cw, d), jnp.float32))
  return pl.kernel(
      functools.partial(_agg_body, q0, q1, rem, rpt, nt, d, mode, cw),
      out_type=jax.ShapeDtypeStruct((nrows, LANES), jnp.float32),
      mesh=mesh,
      compiler_params=pltpu.CompilerParams(use_tc_tiling_on_sc=False),
      scratch_types=scratch,
  )


def _tc_mm(x_ref, w_ref, p_ref):
  p_ref[...] = jnp.dot(x_ref[...], w_ref[...],
                       preferred_element_type=jnp.float32)


def _tc_scale(n, d3, dp_ref, p_ref, g_ref, dinv_ref):
  deg = dp_ref[:n, 0:1] + dp_ref[:n, d3:d3 + 1] + 1.0
  dinv = lax.rsqrt(jnp.maximum(deg, 1.0))
  g_ref[...] = dinv * p_ref[...]
  dinv_ref[...] = dinv


def _tc_mid(n, dh, ap_ref, g_ref, dinv_ref, b_ref, w_ref, gout_ref):
  dinv = dinv_ref[...]
  t = (dinv * (ap_ref[:n, :dh] + ap_ref[:n, dh:2 * dh] + g_ref[...])
       + b_ref[...])
  t = jnp.maximum(t, 0.0)
  gout_ref[...] = dinv * jnp.dot(t, w_ref[...],
                                 preferred_element_type=jnp.float32)


def _tc_tail(n, d3, do, ap_ref, g_ref, dinv_ref, b_ref, out_ref):
  t = (dinv_ref[...] * (ap_ref[:n, :d3] + ap_ref[:n, d3:2 * d3]
                        + g_ref[...]) + b_ref[...])
  out_ref[...] = t[:, :do]


def _splits(tchunks, ratio):
  s = tchunks // NS
  q0 = int(round(s * ratio / (1.0 + ratio) / NB)) * NB
  q0 = max(NB, min(q0, s - NB))
  q1 = ((s - q0) // NB) * NB
  rem = tchunks - NS * (q0 + q1)
  assert 0 <= rem <= NW and q0 >= NB and q1 >= NB, (tchunks, q0, q1, rem)
  return q0, q1, rem


def kernel(x, edge_index, W1, b1, W2, b2, W3, b3):
  n, d_in = x.shape
  e = edge_index.shape[1]
  dh = W1.shape[1]
  do = W3.shape[1]
  d3 = 8

  def chunked(cw):
    if e % cw == 0:
      ei = edge_index
    else:
      tail = cw - e % cw
      ei = jnp.concatenate(
          [edge_index,
           jnp.stack([jnp.zeros((tail,), edge_index.dtype),
                      jnp.full((tail,), n, edge_index.dtype)])], axis=1)
    tchunks = ei.shape[1] // cw
    return ei.reshape(2, tchunks, cw), tchunks

  ei3, tchunks = chunked(C)
  cw8 = 2 * C if e % (2 * C) == 0 else C
  ei3w, tchunksw = chunked(cw8)

  q0h, q1h, remh = _splits(tchunks, 1.55)
  q0s, q1s, rems = _splits(tchunksw, 1.0)

  nrows = -(-(n + 1) // (NS * 8)) * (NS * 8)

  z64 = jnp.zeros((nrows, dh), jnp.float32)
  z8 = jnp.zeros((nrows, d3), jnp.float32)
  ones8 = jnp.ones((cw8, d3), jnp.float32)
  W3p = jnp.concatenate([W3, jnp.zeros((dh, d3 - do), W3.dtype)], axis=1)
  b3p = jnp.concatenate([b3, jnp.zeros((d3 - do,), b3.dtype)])

  agg64 = _make_agg(dh, q0h, q1h, remh, nrows, n, "hybrid", C)
  agg8 = _make_agg(d3, q0s, q1s, rems, nrows, n, "spmem", cw8)
  deg8 = _make_agg(d3, q0s, q1s, rems, nrows, n, "const", cw8)

  blk = n
  for cand in (2000, 2500, 1250, 1000):
    if n % cand == 0 and cand % 8 == 0:
      blk = cand
      break
  nb = n // blk

  def row(bs):
    return pl.BlockSpec((blk, bs), lambda i: (i, 0))

  def full(a, b):
    return pl.BlockSpec((a, b), lambda i: (0, 0))

  degp = deg8(ones8, ei3w, z8)
  p1 = pl.pallas_call(
      _tc_mm, out_shape=jax.ShapeDtypeStruct((n, dh), jnp.float32),
      grid=(nb,), in_specs=[row(d_in), full(d_in, dh)],
      out_specs=row(dh),
  )(x, W1)

  g1, dinv = pl.pallas_call(
      functools.partial(_tc_scale, blk, d3),
      out_shape=(jax.ShapeDtypeStruct((n, dh), jnp.float32),
                 jax.ShapeDtypeStruct((n, 1), jnp.float32)),
      grid=(nb,), in_specs=[row(LANES), row(dh)],
      out_specs=(row(dh), row(1)),
  )(degp, p1)

  a1 = agg64(g1, ei3, z64)
  g2 = pl.pallas_call(
      functools.partial(_tc_mid, blk, dh),
      out_shape=jax.ShapeDtypeStruct((n, dh), jnp.float32),
      grid=(nb,),
      in_specs=[row(LANES), row(dh), row(1), full(1, dh), full(dh, dh)],
      out_specs=row(dh),
  )(a1, g1, dinv, b1.reshape(1, dh), W2)

  a2 = agg64(g2, ei3, z64)
  g3 = pl.pallas_call(
      functools.partial(_tc_mid, blk, dh),
      out_shape=jax.ShapeDtypeStruct((n, d3), jnp.float32),
      grid=(nb,),
      in_specs=[row(LANES), row(dh), row(1), full(1, dh), full(dh, d3)],
      out_specs=row(d3),
  )(a2, g2, dinv, b2.reshape(1, dh), W3p)

  a3 = agg8(g3, ei3w, z8)
  dx = pl.pallas_call(
      functools.partial(_tc_tail, blk, d3, do),
      out_shape=jax.ShapeDtypeStruct((n, do), jnp.float32),
      grid=(nb,),
      in_specs=[row(LANES), row(d3), row(1), full(1, d3)],
      out_specs=row(do),
  )(a3, g3, dinv, b3p.reshape(1, d3))

  return dx

# --- scband reference (transcript-rebuilt; emitter-appended) ---
"""Pipeline reference for scband-converge-to-target-gnn-730144440899 (READ-ONLY COPY).

The authoritative reference and input builder live on the scoring server;
editing this copy changes nothing except your own understanding.
"""

import jax, jax.numpy as jnp
import numpy as np

N = 10000
E = 320000
D_IN = 128
D_H = 64
D_OUT = 3


def setup_inputs(seed: int = 0) -> dict:
    key = jax.random.key(seed)
    ks = jax.random.split(key, 8)
    x = jax.random.normal(ks[0], (N, D_IN), dtype=jnp.float32)
    edge_index = jax.random.randint(ks[1], (2, E), 0, N, dtype=jnp.int32)
    W1 = jax.random.normal(ks[2], (D_IN, D_H), dtype=jnp.float32) * (1.0 / np.sqrt(D_IN))
    b1 = jnp.zeros((D_H,), dtype=jnp.float32)
    W2 = jax.random.normal(ks[3], (D_H, D_H), dtype=jnp.float32) * (1.0 / np.sqrt(D_H))
    b2 = jnp.zeros((D_H,), dtype=jnp.float32)
    W3 = jax.random.normal(ks[4], (D_H, D_OUT), dtype=jnp.float32) * (1.0 / np.sqrt(D_H))
    b3 = jnp.zeros((D_OUT,), dtype=jnp.float32)
    return {"x": x, "edge_index": edge_index, "W1": W1, "b1": b1, "W2": W2, "b2": b2, "W3": W3, "b3": b3}


def _gcn_conv(x, src, dst, W, b):
    n = x.shape[0]
    deg = jnp.zeros((n,), x.dtype).at[dst].add(1.0)
    dinv = jax.lax.rsqrt(jnp.maximum(deg, 1.0))
    norm = dinv[src] * dinv[dst]
    h = x @ W
    msg = jnp.take(h, src, axis=0) * norm[:, None]
    out = jnp.zeros((n, W.shape[1]), x.dtype).at[dst].add(msg)
    return out + b


def reference(x, edge_index, W1, b1, W2, b2, W3, b3):
    n = x.shape[0]
    loop = jnp.arange(n, dtype=edge_index.dtype)
    src = jnp.concatenate([edge_index[0], loop])
    dst = jnp.concatenate([edge_index[1], loop])
    h = jax.nn.relu(_gcn_conv(x, src, dst, W1, b1))
    h = jax.nn.relu(_gcn_conv(h, src, dst, W2, b2))
    dx = _gcn_conv(h, src, dst, W3, b3)
    return dx

if __name__ == "__main__":
    import jax
    _d = setup_inputs()
    print(jax.jit(kernel)(*tuple(_d.values())))

</pallas_src>

<mosaic_0001>
#map = affine_map<(d0, d1) -> (0, 0)>
#map1 = affine_map<(d0, d1) -> (0, 0, 0)>
module attributes {stable_mosaic.version = 14 : i64} {
  func.func @_agg_body(%arg0: i32, %arg1: i32, %arg2: memref<256x8xf32, #tpu.memory_space<hbm>>, %arg3: memref<2x1250x256xi32, #tpu.memory_space<hbm>>, %arg4: memref<10112x8xf32, #tpu.memory_space<hbm>>, %arg5: memref<10112x128xf32, #tpu.memory_space<hbm>>, %arg6: memref<10112x8xf32, #tpu.memory_space<vmem_shared>>, %arg7: memref<10000x8xf32, #tpu.memory_space<vmem_shared>>, %arg8: memref<40x256xi32, #tpu.memory_space<vmem>>, %arg9: memref<40x256xi32, #tpu.memory_space<vmem>>, %arg10: memref<256x8xf32, #tpu.memory_space<vmem>>, %arg11: memref<256x8xf32, #tpu.memory_space<vmem>>, %arg12: memref<256x8xf32, #tpu.memory_space<vmem>>, %arg13: memref<!tpu.dma_semaphore, #tpu.memory_space<semaphore_mem>>, %arg14: memref<!tpu.dma_semaphore, #tpu.memory_space<semaphore_mem>>, %arg15: memref<!tpu.dma_semaphore, #tpu.memory_space<semaphore_mem>>, %arg16: memref<!tpu.dma_semaphore, #tpu.memory_space<semaphore_mem>>, %arg17: memref<!tpu.dma_semaphore, #tpu.memory_space<semaphore_mem>>, %arg18: memref<!tpu.dma_semaphore, #tpu.memory_space<semaphore_mem>>, %arg19: memref<256x8xf32, #tpu.memory_space<vmem>>) attributes {dimension_semantics = [#tpu.dimension_semantics<core_parallel>, #tpu.dimension_semantics<subcore_parallel>], iteration_bounds = array<i64: 2, 16>, scalar_prefetch = 0 : i64, scratch_operands = 14 : i64, tpu.core_type = #tpu.core_type<sc_vector_subcore>, window_params = [{transform_indices = #map}, {transform_indices = #map1}, {transform_indices = #map}, {transform_indices = #map}]} {
    %mul3A = arith.constant 2 : i32
    %mul3A_0 = arith.muli %arg1, %mul3A : i32
    %add3A = arith.addi %mul3A_0, %arg0 : i32
    %eq3A = arith.constant 0 : i32
    %eq3A_1 = arith.cmpi eq, %arg0, %eq3A : i32
    %mul3A_2 = arith.constant 39 : i32
    %mul3A_3 = arith.muli %arg1, %mul3A_2 : i32
    %mul3A_4 = arith.constant 39 : i32
    %mul3A_5 = arith.muli %arg1, %mul3A_4 : i32
    %add3A_6 = arith.constant 624 : i32
    %add3A_7 = arith.addi %add3A_6, %mul3A_5 : i32
    %select_n3A = arith.select %eq3A_1, %mul3A_3, %add3A_7 : i32
    %eq3A_8 = arith.constant 0 : i32
    %eq3A_9 = arith.cmpi eq, %arg0, %eq3A_8 : i32
    %convert_element_type3A = arith.extui %eq3A_9 : i1 to i32
    %cond3A = arith.constant 0 : i32
    %cond3A_10 = arith.cmpi ne, %convert_element_type3A, %cond3A : i32
    scf.if %cond3A_10 {
      %run_scoped3A = arith.constant 0 : i32
      "tpu.region"() ({
        %run_scoped3A_62 = tpu.sem_alloc : memref<!tpu.dma_semaphore, #tpu.memory_space<semaphore_mem>>
        %dma_start3A = arith.constant 0 : i32
        %dma_start3A_63 = arith.constant 0 : i32
        %dma_start3A_64 = tpu.memref_slice %arg8[%dma_start3A, %dma_start3A_63] : memref<40x256xi32, #tpu.memory_space<vmem>> -> memref<39x256xi32, #tpu.memory_space<vmem>>
        %dma_start3A_65 = arith.constant 0 : i32
        %dma_start3A_66 = tpu.memref_slice %arg3[%run_scoped3A, %select_n3A, %dma_start3A_65] : memref<2x1250x256xi32, #tpu.memory_space<hbm>> -> memref<1x39x256xi32, #tpu.memory_space<hbm>>
        %dma_start3A_67 = tpu.memref_squeeze %dma_start3A_66 : memref<1x39x256xi32, #tpu.memory_space<hbm>> -> memref<39x256xi32, #tpu.memory_space<hbm>>
        %dma_start3A_68 = arith.constant 0 : i32
        %dma_start3A_69 = arith.constant 0 : i32
        %dma_start3A_70 = tpu.memref_slice %arg8[%dma_start3A_68, %dma_start3A_69] : memref<40x256xi32, #tpu.memory_space<vmem>> -> memref<39x256xi32, #tpu.memory_space<vmem>>
        %dma_start3A_71 = arith.constant 0 : i32
        %dma_start3A_72 = tpu.memref_slice %arg3[%run_scoped3A, %select_n3A, %dma_start3A_71] : memref<2x1250x256xi32, #tpu.memory_space<hbm>> -> memref<1x39x256xi32, #tpu.memory_space<hbm>>
        %dma_start3A_73 = tpu.memref_squeeze %dma_start3A_72 : memref<1x39x256xi32, #tpu.memory_space<hbm>> -> memref<39x256xi32, #tpu.memory_space<hbm>>
        tpu.enqueue_dma source(%dma_start3A_73 : memref<39x256xi32, #tpu.memory_space<hbm>>) target(%dma_start3A_70 : memref<39x256xi32, #tpu.memory_space<vmem>>) target_semaphore(%run_scoped3A_62 : memref<!tpu.dma_semaphore, #tpu.memory_space<semaphore_mem>>)
        %dma_wait3A_74 = arith.constant 0 : i32
        %dma_wait3A_75 = arith.constant 0 : i32
        %dma_wait3A_76 = tpu.memref_slice %arg8[%dma_wait3A_74, %dma_wait3A_75] : memref<40x256xi32, #tpu.memory_space<vmem>> -> memref<39x256xi32, #tpu.memory_space<vmem>>
        %dma_wait3A_77 = arith.constant 0 : i32
        %dma_wait3A_78 = tpu.memref_slice %arg3[%run_scoped3A, %select_n3A, %dma_wait3A_77] : memref<2x1250x256xi32, #tpu.memory_space<hbm>> -> memref<1x39x256xi32, #tpu.memory_space<hbm>>
        %dma_wait3A_79 = tpu.memref_squeeze %dma_wait3A_78 : memref<1x39x256xi32, #tpu.memory_space<hbm>> -> memref<39x256xi32, #tpu.memory_space<hbm>>
        %dma_wait3A_80 = arith.constant 0 : i32
        %dma_wait3A_81 = arith.constant 0 : i32
        %dma_wait3A_82 = tpu.memref_slice %arg8[%dma_wait3A_80, %dma_wait3A_81] : memref<40x256xi32, #tpu.memory_space<vmem>> -> memref<39x256xi32, #tpu.memory_space<vmem>>
        %dma_wait3A_83 = arith.constant 0 : i32
        %dma_wait3A_84 = tpu.memref_slice %arg3[%run_scoped3A, %select_n3A, %dma_wait3A_83] : memref<2x1250x256xi32, #tpu.memory_space<hbm>> -> memref<1x39x256xi32, #tpu.memory_space<hbm>>
        %dma_wait3A_85 = tpu.memref_squeeze %dma_wait3A_84 : memref<1x39x256xi32, #tpu.memory_space<hbm>> -> memref<39x256xi32, #tpu.memory_space<hbm>>
        tpu.wait_dma2 semaphore(%run_scoped3A_62 : memref<!tpu.dma_semaphore, #tpu.memory_space<semaphore_mem>>) src(%dma_wait3A_85 : memref<39x256xi32, #tpu.memory_space<hbm>>) dst(%dma_wait3A_82 : memref<39x256xi32, #tpu.memory_space<vmem>>)
        tpu.yield
      }) : () -> ()
      %run_scoped3A_61 = arith.constant 1 : i32
      "tpu.region"() ({
        %run_scoped3A_62 = tpu.sem_alloc : memref<!tpu.dma_semaphore, #tpu.memory_space<semaphore_mem>>
        %dma_start3A = arith.constant 0 : i32
        %dma_start3A_63 = arith.constant 0 : i32
        %dma_start3A_64 = tpu.memref_slice %arg9[%dma_start3A, %dma_start3A_63] : memref<40x256xi32, #tpu.memory_space<vmem>> -> memref<39x256xi32, #tpu.memory_space<vmem>>
        %dma_start3A_65 = arith.constant 0 : i32
        %dma_start3A_66 = tpu.memref_slice %arg3[%run_scoped3A_61, %select_n3A, %dma_start3A_65] : memref<2x1250x256xi32, #tpu.memory_space<hbm>> -> memref<1x39x256xi32, #tpu.memory_space<hbm>>
        %dma_start3A_67 = tpu.memref_squeeze %dma_start3A_66 : memref<1x39x256xi32, #tpu.memory_space<hbm>> -> memref<39x256xi32, #tpu.memory_space<hbm>>
        %dma_start3A_68 = arith.constant 0 : i32
        %dma_start3A_69 = arith.constant 0 : i32
        %dma_start3A_70 = tpu.memref_slice %arg9[%dma_start3A_68, %dma_start3A_69] : memref<40x256xi32, #tpu.memory_space<vmem>> -> memref<39x256xi32, #tpu.memory_space<vmem>>
        %dma_start3A_71 = arith.constant 0 : i32
        %dma_start3A_72 = tpu.memref_slice %arg3[%run_scoped3A_61, %select_n3A, %dma_start3A_71] : memref<2x1250x256xi32, #tpu.memory_space<hbm>> -> memref<1x39x256xi32, #tpu.memory_space<hbm>>
        %dma_start3A_73 = tpu.memref_squeeze %dma_start3A_72 : memref<1x39x256xi32, #tpu.memory_space<hbm>> -> memref<39x256xi32, #tpu.memory_space<hbm>>
        tpu.enqueue_dma source(%dma_start3A_73 : memref<39x256xi32, #tpu.memory_space<hbm>>) target(%dma_start3A_70 : memref<39x256xi32, #tpu.memory_space<vmem>>) target_semaphore(%run_scoped3A_62 : memref<!tpu.dma_semaphore, #tpu.memory_space<semaphore_mem>>)
        %dma_wait3A_74 = arith.constant 0 : i32
        %dma_wait3A_75 = arith.constant 0 : i32
        %dma_wait3A_76 = tpu.memref_slice %arg9[%dma_wait3A_74, %dma_wait3A_75] : memref<40x256xi32, #tpu.memory_space<vmem>> -> memref<39x256xi32, #tpu.memory_space<vmem>>
        %dma_wait3A_77 = arith.constant 0 : i32
        %dma_wait3A_78 = tpu.memref_slice %arg3[%run_scoped3A_61, %select_n3A, %dma_wait3A_77] : memref<2x1250x256xi32, #tpu.memory_space<hbm>> -> memref<1x39x256xi32, #tpu.memory_space<hbm>>
        %dma_wait3A_79 = tpu.memref_squeeze %dma_wait3A_78 : memref<1x39x256xi32, #tpu.memory_space<hbm>> -> memref<39x256xi32, #tpu.memory_space<hbm>>
        %dma_wait3A_80 = arith.constant 0 : i32
        %dma_wait3A_81 = arith.constant 0 : i32
        %dma_wait3A_82 = tpu.memref_slice %arg9[%dma_wait3A_80, %dma_wait3A_81] : memref<40x256xi32, #tpu.memory_space<vmem>> -> memref<39x256xi32, #tpu.memory_space<vmem>>
        %dma_wait3A_83 = arith.constant 0 : i32
        %dma_wait3A_84 = tpu.memref_slice %arg3[%run_scoped3A_61, %select_n3A, %dma_wait3A_83] : memref<2x1250x256xi32, #tpu.memory_space<hbm>> -> memref<1x39x256xi32, #tpu.memory_space<hbm>>
        %dma_wait3A_85 = tpu.memref_squeeze %dma_wait3A_84 : memref<1x39x256xi32, #tpu.memory_space<hbm>> -> memref<39x256xi32, #tpu.memory_space<hbm>>
        tpu.wait_dma2 semaphore(%run_scoped3A_62 : memref<!tpu.dma_semaphore, #tpu.memory_space<semaphore_mem>>) src(%dma_wait3A_85 : memref<39x256xi32, #tpu.memory_space<hbm>>) dst(%dma_wait3A_82 : memref<39x256xi32, #tpu.memory_space<vmem>>)
        tpu.yield
      }) : () -> ()
    } else {
    }
    %eq3A_11 = arith.constant 1 : i32
    %eq3A_12 = arith.cmpi eq, %arg0, %eq3A_11 : i32
    %convert_element_type3A_13 = arith.extui %eq3A_12 : i1 to i32
    %cond3A_14 = arith.constant 0 : i32
    %cond3A_15 = arith.cmpi ne, %convert_element_type3A_13, %cond3A_14 : i32
    scf.if %cond3A_15 {
      %run_scoped3A = arith.constant 0 : i32
      "tpu.region"() ({
        %run_scoped3A_62 = tpu.sem_alloc : memref<!tpu.dma_semaphore, #tpu.memory_space<semaphore_mem>>
        %dma_start3A = arith.constant 0 : i32
        %dma_start3A_63 = arith.constant 0 : i32
        %dma_start3A_64 = tpu.memref_slice %arg8[%dma_start3A, %dma_start3A_63] : memref<40x256xi32, #tpu.memory_space<vmem>> -> memref<39x256xi32, #tpu.memory_space<vmem>>
        %dma_start3A_65 = arith.constant 0 : i32
        %dma_start3A_66 = tpu.memref_slice %arg3[%run_scoped3A, %select_n3A, %dma_start3A_65] : memref<2x1250x256xi32, #tpu.memory_space<hbm>> -> memref<1x39x256xi32, #tpu.memory_space<hbm>>
        %dma_start3A_67 = tpu.memref_squeeze %dma_start3A_66 : memref<1x39x256xi32, #tpu.memory_space<hbm>> -> memref<39x256xi32, #tpu.memory_space<hbm>>
        %dma_start3A_68 = arith.constant 0 : i32
        %dma_start3A_69 = arith.constant 0 : i32
        %dma_start3A_70 = tpu.memref_slice %arg8[%dma_start3A_68, %dma_start3A_69] : memref<40x256xi32, #tpu.memory_space<vmem>> -> memref<39x256xi32, #tpu.memory_space<vmem>>
        %dma_start3A_71 = arith.constant 0 : i32
        %dma_start3A_72 = tpu.memref_slice %arg3[%run_scoped3A, %select_n3A, %dma_start3A_71] : memref<2x1250x256xi32, #tpu.memory_space<hbm>> -> memref<1x39x256xi32, #tpu.memory_space<hbm>>
        %dma_start3A_73 = tpu.memref_squeeze %dma_start3A_72 : memref<1x39x256xi32, #tpu.memory_space<hbm>> -> memref<39x256xi32, #tpu.memory_space<hbm>>
        tpu.enqueue_dma source(%dma_start3A_73 : memref<39x256xi32, #tpu.memory_space<hbm>>) target(%dma_start3A_70 : memref<39x256xi32, #tpu.memory_space<vmem>>) target_semaphore(%run_scoped3A_62 : memref<!tpu.dma_semaphore, #tpu.memory_space<semaphore_mem>>)
        %dma_wait3A_74 = arith.constant 0 : i32
        %dma_wait3A_75 = arith.constant 0 : i32
        %dma_wait3A_76 = tpu.memref_slice %arg8[%dma_wait3A_74, %dma_wait3A_75] : memref<40x256xi32, #tpu.memory_space<vmem>> -> memref<39x256xi32, #tpu.memory_space<vmem>>
        %dma_wait3A_77 = arith.constant 0 : i32
        %dma_wait3A_78 = tpu.memref_slice %arg3[%run_scoped3A, %select_n3A, %dma_wait3A_77] : memref<2x1250x256xi32, #tpu.memory_space<hbm>> -> memref<1x39x256xi32, #tpu.memory_space<hbm>>
        %dma_wait3A_79 = tpu.memref_squeeze %dma_wait3A_78 : memref<1x39x256xi32, #tpu.memory_space<hbm>> -> memref<39x256xi32, #tpu.memory_space<hbm>>
        %dma_wait3A_80 = arith.constant 0 : i32
        %dma_wait3A_81 = arith.constant 0 : i32
        %dma_wait3A_82 = tpu.memref_slice %arg8[%dma_wait3A_80, %dma_wait3A_81] : memref<40x256xi32, #tpu.memory_space<vmem>> -> memref<39x256xi32, #tpu.memory_space<vmem>>
        %dma_wait3A_83 = arith.constant 0 : i32
        %dma_wait3A_84 = tpu.memref_slice %arg3[%run_scoped3A, %select_n3A, %dma_wait3A_83] : memref<2x1250x256xi32, #tpu.memory_space<hbm>> -> memref<1x39x256xi32, #tpu.memory_space<hbm>>
        %dma_wait3A_85 = tpu.memref_squeeze %dma_wait3A_84 : memref<1x39x256xi32, #tpu.memory_space<hbm>> -> memref<39x256xi32, #tpu.memory_space<hbm>>
        tpu.wait_dma2 semaphore(%run_scoped3A_62 : memref<!tpu.dma_semaphore, #tpu.memory_space<semaphore_mem>>) src(%dma_wait3A_85 : memref<39x256xi32, #tpu.memory_space<hbm>>) dst(%dma_wait3A_82 : memref<39x256xi32, #tpu.memory_space<vmem>>)
        tpu.yield
      }) : () -> ()
      %run_scoped3A_61 = arith.constant 1 : i32
      "tpu.region"() ({
        %run_scoped3A_62 = tpu.sem_alloc : memref<!tpu.dma_semaphore, #tpu.memory_space<semaphore_mem>>
        %dma_start3A = arith.constant 0 : i32
        %dma_start3A_63 = arith.constant 0 : i32
        %dma_start3A_64 = tpu.memref_slice %arg9[%dma_start3A, %dma_start3A_63] : memref<40x256xi32, #tpu.memory_space<vmem>> -> memref<39x256xi32, #tpu.memory_space<vmem>>
        %dma_start3A_65 = arith.constant 0 : i32
        %dma_start3A_66 = tpu.memref_slice %arg3[%run_scoped3A_61, %select_n3A, %dma_start3A_65] : memref<2x1250x256xi32, #tpu.memory_space<hbm>> -> memref<1x39x256xi32, #tpu.memory_space<hbm>>
        %dma_start3A_67 = tpu.memref_squeeze %dma_start3A_66 : memref<1x39x256xi32, #tpu.memory_space<hbm>> -> memref<39x256xi32, #tpu.memory_space<hbm>>
        %dma_start3A_68 = arith.constant 0 : i32
        %dma_start3A_69 = arith.constant 0 : i32
        %dma_start3A_70 = tpu.memref_slice %arg9[%dma_start3A_68, %dma_start3A_69] : memref<40x256xi32, #tpu.memory_space<vmem>> -> memref<39x256xi32, #tpu.memory_space<vmem>>
        %dma_start3A_71 = arith.constant 0 : i32
        %dma_start3A_72 = tpu.memref_slice %arg3[%run_scoped3A_61, %select_n3A, %dma_start3A_71] : memref<2x1250x256xi32, #tpu.memory_space<hbm>> -> memref<1x39x256xi32, #tpu.memory_space<hbm>>
        %dma_start3A_73 = tpu.memref_squeeze %dma_start3A_72 : memref<1x39x256xi32, #tpu.memory_space<hbm>> -> memref<39x256xi32, #tpu.memory_space<hbm>>
        tpu.enqueue_dma source(%dma_start3A_73 : memref<39x256xi32, #tpu.memory_space<hbm>>) target(%dma_start3A_70 : memref<39x256xi32, #tpu.memory_space<vmem>>) target_semaphore(%run_scoped3A_62 : memref<!tpu.dma_semaphore, #tpu.memory_space<semaphore_mem>>)
        %dma_wait3A_74 = arith.constant 0 : i32
        %dma_wait3A_75 = arith.constant 0 : i32
        %dma_wait3A_76 = tpu.memref_slice %arg9[%dma_wait3A_74, %dma_wait3A_75] : memref<40x256xi32, #tpu.memory_space<vmem>> -> memref<39x256xi32, #tpu.memory_space<vmem>>
        %dma_wait3A_77 = arith.constant 0 : i32
        %dma_wait3A_78 = tpu.memref_slice %arg3[%run_scoped3A_61, %select_n3A, %dma_wait3A_77] : memref<2x1250x256xi32, #tpu.memory_space<hbm>> -> memref<1x39x256xi32, #tpu.memory_space<hbm>>
        %dma_wait3A_79 = tpu.memref_squeeze %dma_wait3A_78 : memref<1x39x256xi32, #tpu.memory_space<hbm>> -> memref<39x256xi32, #tpu.memory_space<hbm>>
        %dma_wait3A_80 = arith.constant 0 : i32
        %dma_wait3A_81 = arith.constant 0 : i32
        %dma_wait3A_82 = tpu.memref_slice %arg9[%dma_wait3A_80, %dma_wait3A_81] : memref<40x256xi32, #tpu.memory_space<vmem>> -> memref<39x256xi32, #tpu.memory_space<vmem>>
        %dma_wait3A_83 = arith.constant 0 : i32
        %dma_wait3A_84 = tpu.memref_slice %arg3[%run_scoped3A_61, %select_n3A, %dma_wait3A_83] : memref<2x1250x256xi32, #tpu.memory_space<hbm>> -> memref<1x39x256xi32, #tpu.memory_space<hbm>>
        %dma_wait3A_85 = tpu.memref_squeeze %dma_wait3A_84 : memref<1x39x256xi32, #tpu.memory_space<hbm>> -> memref<39x256xi32, #tpu.memory_space<hbm>>
        tpu.wait_dma2 semaphore(%run_scoped3A_62 : memref<!tpu.dma_semaphore, #tpu.memory_space<semaphore_mem>>) src(%dma_wait3A_85 : memref<39x256xi32, #tpu.memory_space<hbm>>) dst(%dma_wait3A_82 : memref<39x256xi32, #tpu.memory_space<vmem>>)
        tpu.yield
      }) : () -> ()
    } else {
    }
    %lt3A = arith.constant 2 : i32
    %lt3A_16 = arith.cmpi slt, %add3A, %lt3A : i32
    %convert_element_type3A_17 = arith.extui %lt3A_16 : i1 to i32
    %cond3A_18 = arith.constant 0 : i32
    %cond3A_19 = arith.cmpi ne, %convert_element_type3A_17, %cond3A_18 : i32
    scf.if %cond3A_19 {
      %add3A_61 = arith.constant 1248 : i32
      %add3A_62 = arith.addi %add3A_61, %add3A : i32
      %run_scoped3A = arith.constant 0 : i32
      "tpu.region"() ({
        %run_scoped3A_66 = tpu.sem_alloc : memref<!tpu.dma_semaphore, #tpu.memory_space<semaphore_mem>>
        %dma_start3A = arith.constant 39 : i32
        %dma_start3A_67 = arith.constant 0 : i32
        %dma_start3A_68 = tpu.memref_slice %arg8[%dma_start3A, %dma_start3A_67] : memref<40x256xi32, #tpu.memory_space<vmem>> -> memref<1x256xi32, #tpu.memory_space<vmem>>
        %dma_start3A_69 = arith.constant 0 : i32
        %dma_start3A_70 = tpu.memref_slice %arg3[%run_scoped3A, %add3A_62, %dma_start3A_69] : memref<2x1250x256xi32, #tpu.memory_space<hbm>> -> memref<1x1x256xi32, #tpu.memory_space<hbm>>
        %dma_start3A_71 = tpu.memref_squeeze %dma_start3A_70 : memref<1x1x256xi32, #tpu.memory_space<hbm>> -> memref<1x256xi32, #tpu.memory_space<hbm>>
        %dma_start3A_72 = arith.constant 39 : i32
        %dma_start3A_73 = arith.constant 0 : i32
        %dma_start3A_74 = tpu.memref_slice %arg8[%dma_start3A_72, %dma_start3A_73] : memref<40x256xi32, #tpu.memory_space<vmem>> -> memref<1x256xi32, #tpu.memory_space<vmem>>
        %dma_start3A_75 = arith.constant 0 : i32
        %dma_start3A_76 = tpu.memref_slice %arg3[%run_scoped3A, %add3A_62, %dma_start3A_75] : memref<2x1250x256xi32, #tpu.memory_space<hbm>> -> memref<1x1x256xi32, #tpu.memory_space<hbm>>
        %dma_start3A_77 = tpu.memref_squeeze %dma_start3A_76 : memref<1x1x256xi32, #tpu.memory_space<hbm>> -> memref<1x256xi32, #tpu.memory_space<hbm>>
        tpu.enqueue_dma source(%dma_start3A_77 : memref<1x256xi32, #tpu.memory_space<hbm>>) target(%dma_start3A_74 : memref<1x256xi32, #tpu.memory_space<vmem>>) target_semaphore(%run_scoped3A_66 : memref<!tpu.dma_semaphore, #tpu.memory_space<semaphore_mem>>)
        %dma_wait3A_78 = arith.constant 39 : i32
        %dma_wait3A_79 = arith.constant 0 : i32
        %dma_wait3A_80 = tpu.memref_slice %arg8[%dma_wait3A_78, %dma_wait3A_79] : memref<40x256xi32, #tpu.memory_space<vmem>> -> memref<1x256xi32, #tpu.memory_space<vmem>>
        %dma_wait3A_81 = arith.constant 0 : i32
        %dma_wait3A_82 = tpu.memref_slice %arg3[%run_scoped3A, %add3A_62, %dma_wait3A_81] : memref<2x1250x256xi32, #tpu.memory_space<hbm>> -> memref<1x1x256xi32, #tpu.memory_space<hbm>>
        %dma_wait3A_83 = tpu.memref_squeeze %dma_wait3A_82 : memref<1x1x256xi32, #tpu.memory_space<hbm>> -> memref<1x256xi32, #tpu.memory_space<hbm>>
        %dma_wait3A_84 = arith.constant 39 : i32
        %dma_wait3A_85 = arith.constant 0 : i32
        %dma_wait3A_86 = tpu.memref_slice %arg8[%dma_wait3A_84, %dma_wait3A_85] : memref<40x256xi32, #tpu.memory_space<vmem>> -> memref<1x256xi32, #tpu.memory_space<vmem>>
        %dma_wait3A_87 = arith.constant 0 : i32
        %dma_wait3A_88 = tpu.memref_slice %arg3[%run_scoped3A, %add3A_62, %dma_wait3A_87] : memref<2x1250x256xi32, #tpu.memory_space<hbm>> -> memref<1x1x256xi32, #tpu.memory_space<hbm>>
        %dma_wait3A_89 = tpu.memref_squeeze %dma_wait3A_88 : memref<1x1x256xi32, #tpu.memory_space<hbm>> -> memref<1x256xi32, #tpu.memory_space<hbm>>
        tpu.wait_dma2 semaphore(%run_scoped3A_66 : memref<!tpu.dma_semaphore, #tpu.memory_space<semaphore_mem>>) src(%dma_wait3A_89 : memref<1x256xi32, #tpu.memory_space<hbm>>) dst(%dma_wait3A_86 : memref<1x256xi32, #tpu.memory_space<vmem>>)
        tpu.yield
      }) : () -> ()
      %add3A_63 = arith.constant 1248 : i32
      %add3A_64 = arith.addi %add3A_63, %add3A : i32
      %run_scoped3A_65 = arith.constant 1 : i32
      "tpu.region"() ({
        %run_scoped3A_66 = tpu.sem_alloc : memref<!tpu.dma_semaphore, #tpu.memory_space<semaphore_mem>>
        %dma_start3A = arith.constant 39 : i32
        %dma_start3A_67 = arith.constant 0 : i32
        %dma_start3A_68 = tpu.memref_slice %arg9[%dma_start3A, %dma_start3A_67] : memref<40x256xi32, #tpu.memory_space<vmem>> -> memref<1x256xi32, #tpu.memory_space<vmem>>
        %dma_start3A_69 = arith.constant 0 : i32
        %dma_start3A_70 = tpu.memref_slice %arg3[%run_scoped3A_65, %add3A_64, %dma_start3A_69] : memref<2x1250x256xi32, #tpu.memory_space<hbm>> -> memref<1x1x256xi32, #tpu.memory_space<hbm>>
        %dma_start3A_71 = tpu.memref_squeeze %dma_start3A_70 : memref<1x1x256xi32, #tpu.memory_space<hbm>> -> memref<1x256xi32, #tpu.memory_space<hbm>>
        %dma_start3A_72 = arith.constant 39 : i32
        %dma_start3A_73 = arith.constant 0 : i32
        %dma_start3A_74 = tpu.memref_slice %arg9[%dma_start3A_72, %dma_start3A_73] : memref<40x256xi32, #tpu.memory_space<vmem>> -> memref<1x256xi32, #tpu.memory_space<vmem>>
        %dma_start3A_75 = arith.constant 0 : i32
        %dma_start3A_76 = tpu.memref_slice %arg3[%run_scoped3A_65, %add3A_64, %dma_start3A_75] : memref<2x1250x256xi32, #tpu.memory_space<hbm>> -> memref<1x1x256xi32, #tpu.memory_space<hbm>>
        %dma_start3A_77 = tpu.memref_squeeze %dma_start3A_76 : memref<1x1x256xi32, #tpu.memory_space<hbm>> -> memref<1x256xi32, #tpu.memory_space<hbm>>
        tpu.enqueue_dma source(%dma_start3A_77 : memref<1x256xi32, #tpu.memory_space<hbm>>) target(%dma_start3A_74 : memref<1x256xi32, #tpu.memory_space<vmem>>) target_semaphore(%run_scoped3A_66 : memref<!tpu.dma_semaphore, #tpu.memory_space<semaphore_mem>>)
        %dma_wait3A_78 = arith.constant 39 : i32
        %dma_wait3A_79 = arith.constant 0 : i32
        %dma_wait3A_80 = tpu.memref_slice %arg9[%dma_wait3A_78, %dma_wait3A_79] : memref<40x256xi32, #tpu.memory_space<vmem>> -> memref<1x256xi32, #tpu.memory_space<vmem>>
        %dma_wait3A_81 = arith.constant 0 : i32
        %dma_wait3A_82 = tpu.memref_slice %arg3[%run_scoped3A_65, %add3A_64, %dma_wait3A_81] : memref<2x1250x256xi32, #tpu.memory_space<hbm>> -> memref<1x1x256xi32, #tpu.memory_space<hbm>>
        %dma_wait3A_83 = tpu.memref_squeeze %dma_wait3A_82 : memref<1x1x256xi32, #tpu.memory_space<hbm>> -> memref<1x256xi32, #tpu.memory_space<hbm>>
        %dma_wait3A_84 = arith.constant 39 : i32
        %dma_wait3A_85 = arith.constant 0 : i32
        %dma_wait3A_86 = tpu.memref_slice %arg9[%dma_wait3A_84, %dma_wait3A_85] : memref<40x256xi32, #tpu.memory_space<vmem>> -> memref<1x256xi32, #tpu.memory_space<vmem>>
        %dma_wait3A_87 = arith.constant 0 : i32
        %dma_wait3A_88 = tpu.memref_slice %arg3[%run_scoped3A_65, %add3A_64, %dma_wait3A_87] : memref<2x1250x256xi32, #tpu.memory_space<hbm>> -> memref<1x1x256xi32, #tpu.memory_space<hbm>>
        %dma_wait3A_89 = tpu.memref_squeeze %dma_wait3A_88 : memref<1x1x256xi32, #tpu.memory_space<hbm>> -> memref<1x256xi32, #tpu.memory_space<hbm>>
        tpu.wait_dma2 semaphore(%run_scoped3A_66 : memref<!tpu.dma_semaphore, #tpu.memory_space<semaphore_mem>>) src(%dma_wait3A_89 : memref<1x256xi32, #tpu.memory_space<hbm>>) dst(%dma_wait3A_86 : memref<1x256xi32, #tpu.memory_space<vmem>>)
        tpu.yield
      }) : () -> ()
    } else {
    }
    %mul3A_20 = arith.constant 632 : i32
    %mul3A_21 = arith.muli %arg1, %mul3A_20 : i32
    %mul3A_22 = arith.constant 632 : i32
    %mul3A_23 = arith.muli %arg1, %mul3A_22 : i32
    "tpu.region"() ({
      %run_scoped3A = tpu.sem_alloc : memref<!tpu.dma_semaphore, #tpu.memory_space<semaphore_mem>>
      %dma_start3A = arith.constant 0 : i32
      %dma_start3A_61 = tpu.memref_slice %arg6[%mul3A_23, %dma_start3A] : memref<10112x8xf32, #tpu.memory_space<vmem_shared>> -> memref<632x8xf32, #tpu.memory_space<vmem_shared>>
      %dma_start3A_62 = arith.constant 0 : i32
      %dma_start3A_63 = tpu.memref_slice %arg4[%mul3A_21, %dma_start3A_62] : memref<10112x8xf32, #tpu.memory_space<hbm>> -> memref<632x8xf32, #tpu.memory_space<hbm>>
      tpu.enqueue_dma source(%dma_start3A_63 : memref<632x8xf32, #tpu.memory_space<hbm>>) target(%dma_start3A_61 : memref<632x8xf32, #tpu.memory_space<vmem_shared>>) target_semaphore(%run_scoped3A : memref<!tpu.dma_semaphore, #tpu.memory_space<semaphore_mem>>)
      %dma_wait3A_64 = arith.constant 0 : i32
      %dma_wait3A_65 = tpu.memref_slice %arg6[%mul3A_23, %dma_wait3A_64] : memref<10112x8xf32, #tpu.memory_space<vmem_shared>> -> memref<632x8xf32, #tpu.memory_space<vmem_shared>>
      %dma_wait3A_66 = arith.constant 0 : i32
      %dma_wait3A_67 = tpu.memref_slice %arg4[%mul3A_21, %dma_wait3A_66] : memref<10112x8xf32, #tpu.memory_space<hbm>> -> memref<632x8xf32, #tpu.memory_space<hbm>>
      tpu.wait_dma2 semaphore(%run_scoped3A : memref<!tpu.dma_semaphore, #tpu.memory_space<semaphore_mem>>) src(%dma_wait3A_67 : memref<632x8xf32, #tpu.memory_space<hbm>>) dst(%dma_wait3A_65 : memref<632x8xf32, #tpu.memory_space<vmem_shared>>)
      tpu.yield
    }) : () -> ()
    "tpu.region"() ({
      %run_scoped3A = tpu.sem_alloc : memref<!tpu.dma_semaphore, #tpu.memory_space<semaphore_mem>>
      tpu.enqueue_dma source(%arg2 : memref<256x8xf32, #tpu.memory_space<hbm>>) target(%arg19 : memref<256x8xf32, #tpu.memory_space<vmem>>) target_semaphore(%run_scoped3A : memref<!tpu.dma_semaphore, #tpu.memory_space<semaphore_mem>>)
      tpu.wait_dma2 semaphore(%run_scoped3A : memref<!tpu.dma_semaphore, #tpu.memory_space<semaphore_mem>>) src(%arg2 : memref<256x8xf32, #tpu.memory_space<hbm>>) dst(%arg19 : memref<256x8xf32, #tpu.memory_space<vmem>>)
      tpu.yield
    }) : () -> ()
    %barrier3A = arith.constant 0 : index
    tpu.barrier barrier_id(%barrier3A)
    %scan3A = arith.constant 0 : i32
    %scan3A_24 = arith.constant 0 : i32
    %scan3A_25 = arith.constant 13 : i32
    %scan3A_26 = arith.addi %scan3A_24, %scan3A_25 : i32
    %scan3A_27 = arith.constant 1 : i32
    scf.for %scan3A_61 = %scan3A_24 to %scan3A_26 step %scan3A_27  : i32 {
      %mul3A_62 = arith.constant 3 : i32
      %mul3A_63 = arith.muli %scan3A_61, %mul3A_62 : i32
      %add3A_64 = arith.constant 0 : i32
      %add3A_65 = arith.addi %mul3A_63, %add3A_64 : i32
      %ge3A = arith.constant 3 : i32
      %ge3A_66 = arith.cmpi sge, %add3A_65, %ge3A : i32
      %convert_element_type3A_67 = arith.extui %ge3A_66 : i1 to i32
      %cond3A_68 = arith.constant 0 : i32
      %cond3A_69 = arith.cmpi ne, %convert_element_type3A_67, %cond3A_68 : i32
      scf.if %cond3A_69 {
        %sub3A = arith.constant 3 : i32
        %sub3A_105 = arith.subi %add3A_65, %sub3A : i32
        %dma_wait3A_106 = arith.constant 0 : i32
        %dma_wait3A_107 = tpu.memref_slice %arg9[%sub3A_105, %dma_wait3A_106] : memref<40x256xi32, #tpu.memory_space<vmem>> -> memref<1x256xi32, #tpu.memory_space<vmem>>
        %dma_wait3A_108 = tpu.memref_squeeze %dma_wait3A_107 : memref<1x256xi32, #tpu.memory_space<vmem>> -> memref<256xi32, #tpu.memory_space<vmem>>
        %dma_wait3A_109 = arith.constant 0 : i32
        %dma_wait3A_110 = arith.constant 0 : i32
        %dma_wait3A_111 = tpu.memref_slice %arg6[%dma_wait3A_109, %dma_wait3A_110] : memref<10112x8xf32, #tpu.memory_space<vmem_shared>> -> memref<10112x8xf32, #tpu.memory_space<vmem_shared>>
        tpu.wait_indirect_dma semaphore(%arg16 : memref<!tpu.dma_semaphore, #tpu.memory_space<semaphore_mem>>) src(%arg19 : memref<256x8xf32, #tpu.memory_space<vmem>>) dst(%dma_wait3A_111 : memref<10112x8xf32, #tpu.memory_space<vmem_shared>>)
      } else {
      }
      %dma_start3A = arith.constant 0 : i32
      %dma_start3A_70 = tpu.memref_slice %arg9[%add3A_65, %dma_start3A] : memref<40x256xi32, #tpu.memory_space<vmem>> -> memref<1x256xi32, #tpu.memory_space<vmem>>
      %dma_start3A_71 = tpu.memref_squeeze %dma_start3A_70 : memref<1x256xi32, #tpu.memory_space<vmem>> -> memref<256xi32, #tpu.memory_space<vmem>>
      %dma_start3A_72 = arith.constant 0 : i32
      %dma_start3A_73 = arith.constant 0 : i32
      %dma_start3A_74 = tpu.memref_slice %arg6[%dma_start3A_72, %dma_start3A_73] : memref<10112x8xf32, #tpu.memory_space<vmem_shared>> -> memref<10112x8xf32, #tpu.memory_space<vmem_shared>>
      tpu.enqueue_indirect_dma source(%arg19 : memref<256x8xf32, #tpu.memory_space<vmem>>) target(%dma_start3A_74 : memref<10112x8xf32, #tpu.memory_space<vmem_shared>>) offsets(%dma_start3A_71 : memref<256xi32, #tpu.memory_space<vmem>>) semaphore(%arg16 : memref<!tpu.dma_semaphore, #tpu.memory_space<semaphore_mem>>) {add = true}
      %mul3A_75 = arith.constant 3 : i32
      %mul3A_76 = arith.muli %scan3A_61, %mul3A_75 : i32
      %add3A_77 = arith.constant 1 : i32
      %add3A_78 = arith.addi %mul3A_76, %add3A_77 : i32
      %ge3A_79 = arith.constant 3 : i32
      %ge3A_80 = arith.cmpi sge, %add3A_78, %ge3A_79 : i32
      %convert_element_type3A_81 = arith.extui %ge3A_80 : i1 to i32
      %cond3A_82 = arith.constant 0 : i32
      %cond3A_83 = arith.cmpi ne, %convert_element_type3A_81, %cond3A_82 : i32
      scf.if %cond3A_83 {
        %sub3A = arith.constant 3 : i32
        %sub3A_105 = arith.subi %add3A_78, %sub3A : i32
        %dma_wait3A_106 = arith.constant 0 : i32
        %dma_wait3A_107 = tpu.memref_slice %arg9[%sub3A_105, %dma_wait3A_106] : memref<40x256xi32, #tpu.memory_space<vmem>> -> memref<1x256xi32, #tpu.memory_space<vmem>>
        %dma_wait3A_108 = tpu.memref_squeeze %dma_wait3A_107 : memref<1x256xi32, #tpu.memory_space<vmem>> -> memref<256xi32, #tpu.memory_space<vmem>>
        %dma_wait3A_109 = arith.constant 0 : i32
        %dma_wait3A_110 = arith.constant 0 : i32
        %dma_wait3A_111 = tpu.memref_slice %arg6[%dma_wait3A_109, %dma_wait3A_110] : memref<10112x8xf32, #tpu.memory_space<vmem_shared>> -> memref<10112x8xf32, #tpu.memory_space<vmem_shared>>
        tpu.wait_indirect_dma semaphore(%arg17 : memref<!tpu.dma_semaphore, #tpu.memory_space<semaphore_mem>>) src(%arg19 : memref<256x8xf32, #tpu.memory_space<vmem>>) dst(%dma_wait3A_111 : memref<10112x8xf32, #tpu.memory_space<vmem_shared>>)
      } else {
      }
      %dma_start3A_84 = arith.constant 0 : i32
      %dma_start3A_85 = tpu.memref_slice %arg9[%add3A_78, %dma_start3A_84] : memref<40x256xi32, #tpu.memory_space<vmem>> -> memref<1x256xi32, #tpu.memory_space<vmem>>
      %dma_start3A_86 = tpu.memref_squeeze %dma_start3A_85 : memref<1x256xi32, #tpu.memory_space<vmem>> -> memref<256xi32, #tpu.memory_space<vmem>>
      %dma_start3A_87 = arith.constant 0 : i32
      %dma_start3A_88 = arith.constant 0 : i32
      %dma_start3A_89 = tpu.memref_slice %arg6[%dma_start3A_87, %dma_start3A_88] : memref<10112x8xf32, #tpu.memory_space<vmem_shared>> -> memref<10112x8xf32, #tpu.memory_space<vmem_shared>>
      tpu.enqueue_indirect_dma source(%arg19 : memref<256x8xf32, #tpu.memory_space<vmem>>) target(%dma_start3A_89 : memref<10112x8xf32, #tpu.memory_space<vmem_shared>>) offsets(%dma_start3A_86 : memref<256xi32, #tpu.memory_space<vmem>>) semaphore(%arg17 : memref<!tpu.dma_semaphore, #tpu.memory_space<semaphore_mem>>) {add = true}
      %mul3A_90 = arith.constant 3 : i32
      %mul3A_91 = arith.muli %scan3A_61, %mul3A_90 : i32
      %add3A_92 = arith.constant 2 : i32
      %add3A_93 = arith.addi %mul3A_91, %add3A_92 : i32
      %ge3A_94 = arith.constant 3 : i32
      %ge3A_95 = arith.cmpi sge, %add3A_93, %ge3A_94 : i32
      %convert_element_type3A_96 = arith.extui %ge3A_95 : i1 to i32
      %cond3A_97 = arith.constant 0 : i32
      %cond3A_98 = arith.cmpi ne, %convert_element_type3A_96, %cond3A_97 : i32
      scf.if %cond3A_98 {
        %sub3A = arith.constant 3 : i32
        %sub3A_105 = arith.subi %add3A_93, %sub3A : i32
        %dma_wait3A_106 = arith.constant 0 : i32
        %dma_wait3A_107 = tpu.memref_slice %arg9[%sub3A_105, %dma_wait3A_106] : memref<40x256xi32, #tpu.memory_space<vmem>> -> memref<1x256xi32, #tpu.memory_space<vmem>>
        %dma_wait3A_108 = tpu.memref_squeeze %dma_wait3A_107 : memref<1x256xi32, #tpu.memory_space<vmem>> -> memref<256xi32, #tpu.memory_space<vmem>>
        %dma_wait3A_109 = arith.constant 0 : i32
        %dma_wait3A_110 = arith.constant 0 : i32
        %dma_wait3A_111 = tpu.memref_slice %arg6[%dma_wait3A_109, %dma_wait3A_110] : memref<10112x8xf32, #tpu.memory_space<vmem_shared>> -> memref<10112x8xf32, #tpu.memory_space<vmem_shared>>
        tpu.wait_indirect_dma semaphore(%arg18 : memref<!tpu.dma_semaphore, #tpu.memory_space<semaphore_mem>>) src(%arg19 : memref<256x8xf32, #tpu.memory_space<vmem>>) dst(%dma_wait3A_111 : memref<10112x8xf32, #tpu.memory_space<vmem_shared>>)
      } else {
      }
      %dma_start3A_99 = arith.constant 0 : i32
      %dma_start3A_100 = tpu.memref_slice %arg9[%add3A_93, %dma_start3A_99] : memref<40x256xi32, #tpu.memory_space<vmem>> -> memref<1x256xi32, #tpu.memory_space<vmem>>
      %dma_start3A_101 = tpu.memref_squeeze %dma_start3A_100 : memref<1x256xi32, #tpu.memory_space<vmem>> -> memref<256xi32, #tpu.memory_space<vmem>>
      %dma_start3A_102 = arith.constant 0 : i32
      %dma_start3A_103 = arith.constant 0 : i32
      %dma_start3A_104 = tpu.memref_slice %arg6[%dma_start3A_102, %dma_start3A_103] : memref<10112x8xf32, #tpu.memory_space<vmem_shared>> -> memref<10112x8xf32, #tpu.memory_space<vmem_shared>>
      tpu.enqueue_indirect_dma source(%arg19 : memref<256x8xf32, #tpu.memory_space<vmem>>) target(%dma_start3A_104 : memref<10112x8xf32, #tpu.memory_space<vmem_shared>>) offsets(%dma_start3A_101 : memref<256xi32, #tpu.memory_space<vmem>>) semaphore(%arg18 : memref<!tpu.dma_semaphore, #tpu.memory_space<semaphore_mem>>) {add = true}
    }
    %scan3A_28 = arith.constant 13 : i32
    %dma_wait3A = arith.constant 36 : i32
    %dma_wait3A_29 = arith.constant 0 : i32
    %dma_wait3A_30 = tpu.memref_slice %arg9[%dma_wait3A, %dma_wait3A_29] : memref<40x256xi32, #tpu.memory_space<vmem>> -> memref<1x256xi32, #tpu.memory_space<vmem>>
    %dma_wait3A_31 = tpu.memref_squeeze %dma_wait3A_30 : memref<1x256xi32, #tpu.memory_space<vmem>> -> memref<256xi32, #tpu.memory_space<vmem>>
    %dma_wait3A_32 = arith.constant 0 : i32
    %dma_wait3A_33 = arith.constant 0 : i32
    %dma_wait3A_34 = tpu.memref_slice %arg6[%dma_wait3A_32, %dma_wait3A_33] : memref<10112x8xf32, #tpu.memory_space<vmem_shared>> -> memref<10112x8xf32, #tpu.memory_space<vmem_shared>>
    tpu.wait_indirect_dma semaphore(%arg16 : memref<!tpu.dma_semaphore, #tpu.memory_space<semaphore_mem>>) src(%arg19 : memref<256x8xf32, #tpu.memory_space<vmem>>) dst(%dma_wait3A_34 : memref<10112x8xf32, #tpu.memory_space<vmem_shared>>)
    %dma_wait3A_35 = arith.constant 37 : i32
    %dma_wait3A_36 = arith.constant 0 : i32
    %dma_wait3A_37 = tpu.memref_slice %arg9[%dma_wait3A_35, %dma_wait3A_36] : memref<40x256xi32, #tpu.memory_space<vmem>> -> memref<1x256xi32, #tpu.memory_space<vmem>>
    %dma_wait3A_38 = tpu.memref_squeeze %dma_wait3A_37 : memref<1x256xi32, #tpu.memory_space<vmem>> -> memref<256xi32, #tpu.memory_space<vmem>>
    %dma_wait3A_39 = arith.constant 0 : i32
    %dma_wait3A_40 = arith.constant 0 : i32
    %dma_wait3A_41 = tpu.memref_slice %arg6[%dma_wait3A_39, %dma_wait3A_40] : memref<10112x8xf32, #tpu.memory_space<vmem_shared>> -> memref<10112x8xf32, #tpu.memory_space<vmem_shared>>
    tpu.wait_indirect_dma semaphore(%arg17 : memref<!tpu.dma_semaphore, #tpu.memory_space<semaphore_mem>>) src(%arg19 : memref<256x8xf32, #tpu.memory_space<vmem>>) dst(%dma_wait3A_41 : memref<10112x8xf32, #tpu.memory_space<vmem_shared>>)
    %dma_wait3A_42 = arith.constant 38 : i32
    %dma_wait3A_43 = arith.constant 0 : i32
    %dma_wait3A_44 = tpu.memref_slice %arg9[%dma_wait3A_42, %dma_wait3A_43] : memref<40x256xi32, #tpu.memory_space<vmem>> -> memref<1x256xi32, #tpu.memory_space<vmem>>
    %dma_wait3A_45 = tpu.memref_squeeze %dma_wait3A_44 : memref<1x256xi32, #tpu.memory_space<vmem>> -> memref<256xi32, #tpu.memory_space<vmem>>
    %dma_wait3A_46 = arith.constant 0 : i32
    %dma_wait3A_47 = arith.constant 0 : i32
    %dma_wait3A_48 = tpu.memref_slice %arg6[%dma_wait3A_46, %dma_wait3A_47] : memref<10112x8xf32, #tpu.memory_space<vmem_shared>> -> memref<10112x8xf32, #tpu.memory_space<vmem_shared>>
    tpu.wait_indirect_dma semaphore(%arg18 : memref<!tpu.dma_semaphore, #tpu.memory_space<semaphore_mem>>) src(%arg19 : memref<256x8xf32, #tpu.memory_space<vmem>>) dst(%dma_wait3A_48 : memref<10112x8xf32, #tpu.memory_space<vmem_shared>>)
    %lt3A_49 = arith.constant 2 : i32
    %lt3A_50 = arith.cmpi slt, %add3A, %lt3A_49 : i32
    %convert_element_type3A_51 = arith.extui %lt3A_50 : i1 to i32
    %cond3A_52 = arith.constant 0 : i32
    %cond3A_53 = arith.cmpi ne, %convert_element_type3A_51, %cond3A_52 : i32
    scf.if %cond3A_53 {
      %run_scoped3A = arith.constant 39 : i32
      "tpu.region"() ({
        %run_scoped3A_61 = tpu.sem_alloc : memref<!tpu.dma_semaphore, #tpu.memory_space<semaphore_mem>>
        %dma_start3A = arith.constant 0 : i32
        %dma_start3A_62 = tpu.memref_slice %arg9[%run_scoped3A, %dma_start3A] : memref<40x256xi32, #tpu.memory_space<vmem>> -> memref<1x256xi32, #tpu.memory_space<vmem>>
        %dma_start3A_63 = tpu.memref_squeeze %dma_start3A_62 : memref<1x256xi32, #tpu.memory_space<vmem>> -> memref<256xi32, #tpu.memory_space<vmem>>
        %dma_start3A_64 = arith.constant 0 : i32
        %dma_start3A_65 = arith.constant 0 : i32
        %dma_start3A_66 = tpu.memref_slice %arg6[%dma_start3A_64, %dma_start3A_65] : memref<10112x8xf32, #tpu.memory_space<vmem_shared>> -> memref<10112x8xf32, #tpu.memory_space<vmem_shared>>
        tpu.enqueue_indirect_dma source(%arg19 : memref<256x8xf32, #tpu.memory_space<vmem>>) target(%dma_start3A_66 : memref<10112x8xf32, #tpu.memory_space<vmem_shared>>) offsets(%dma_start3A_63 : memref<256xi32, #tpu.memory_space<vmem>>) semaphore(%run_scoped3A_61 : memref<!tpu.dma_semaphore, #tpu.memory_space<semaphore_mem>>) {add = true}
        %dma_wait3A_67 = arith.constant 0 : i32
        %dma_wait3A_68 = tpu.memref_slice %arg9[%run_scoped3A, %dma_wait3A_67] : memref<40x256xi32, #tpu.memory_space<vmem>> -> memref<1x256xi32, #tpu.memory_space<vmem>>
        %dma_wait3A_69 = tpu.memref_squeeze %dma_wait3A_68 : memref<1x256xi32, #tpu.memory_space<vmem>> -> memref<256xi32, #tpu.memory_space<vmem>>
        %dma_wait3A_70 = arith.constant 0 : i32
        %dma_wait3A_71 = arith.constant 0 : i32
        %dma_wait3A_72 = tpu.memref_slice %arg6[%dma_wait3A_70, %dma_wait3A_71] : memref<10112x8xf32, #tpu.memory_space<vmem_shared>> -> memref<10112x8xf32, #tpu.memory_space<vmem_shared>>
        tpu.wait_indirect_dma semaphore(%run_scoped3A_61 : memref<!tpu.dma_semaphore, #tpu.memory_space<semaphore_mem>>) src(%arg19 : memref<256x8xf32, #tpu.memory_space<vmem>>) dst(%dma_wait3A_72 : memref<10112x8xf32, #tpu.memory_space<vmem_shared>>)
        tpu.yield
      }) : () -> ()
    } else {
    }
    %barrier3A_54 = arith.constant 0 : index
    tpu.barrier barrier_id(%barrier3A_54)
    %mul3A_55 = arith.constant 632 : i32
    %mul3A_56 = arith.muli %arg1, %mul3A_55 : i32
    %mul3A_57 = arith.constant 632 : i32
    %mul3A_58 = arith.muli %arg1, %mul3A_57 : i32
    %mul3A_59 = arith.constant 8 : i32
    %mul3A_60 = arith.muli %arg0, %mul3A_59 : i32
    "tpu.region"() ({
      %run_scoped3A = tpu.sem_alloc : memref<!tpu.dma_semaphore, #tpu.memory_space<semaphore_mem>>
      %dma_start3A = tpu.memref_slice %arg5[%mul3A_58, %mul3A_60] : memref<10112x128xf32, #tpu.memory_space<hbm>> -> memref<632x8xf32, #tpu.memory_space<hbm>>
      %dma_start3A_61 = arith.constant 0 : i32
      %dma_start3A_62 = tpu.memref_slice %arg6[%mul3A_56, %dma_start3A_61] : memref<10112x8xf32, #tpu.memory_space<vmem_shared>> -> memref<632x8xf32, #tpu.memory_space<vmem_shared>>
      tpu.enqueue_dma source(%dma_start3A_62 : memref<632x8xf32, #tpu.memory_space<vmem_shared>>) target(%dma_start3A : memref<632x8xf32, #tpu.memory_space<hbm>>) target_semaphore(%run_scoped3A : memref<!tpu.dma_semaphore, #tpu.memory_space<semaphore_mem>>)
      %dma_wait3A_63 = tpu.memref_slice %arg5[%mul3A_58, %mul3A_60] : memref<10112x128xf32, #tpu.memory_space<hbm>> -> memref<632x8xf32, #tpu.memory_space<hbm>>
      %dma_wait3A_64 = arith.constant 0 : i32
      %dma_wait3A_65 = tpu.memref_slice %arg6[%mul3A_56, %dma_wait3A_64] : memref<10112x8xf32, #tpu.memory_space<vmem_shared>> -> memref<632x8xf32, #tpu.memory_space<vmem_shared>>
      tpu.wait_dma2 semaphore(%run_scoped3A : memref<!tpu.dma_semaphore, #tpu.memory_space<semaphore_mem>>) src(%dma_wait3A_65 : memref<632x8xf32, #tpu.memory_space<vmem_shared>>) dst(%dma_wait3A_63 : memref<632x8xf32, #tpu.memory_space<hbm>>)
      tpu.yield
    }) : () -> ()
    return
  }
}

#map = affine_map<(d0, d1) -> (0, 0)>
#map1 = affine_map<(d0, d1) -> (0, 0, 0)>
module attributes {stable_mosaic.version = 14 : i64} {
  func.func @_agg_body(%arg0: i32, %arg1: i32, %arg2: memref<10000x64xf32, #tpu.memory_space<hbm>>, %arg3: memref<2x2500x128xi32, #tpu.memory_space<hbm>>, %arg4: memref<10112x64xf32, #tpu.memory_space<hbm>>, %arg5: memref<10112x128xf32, #tpu.memory_space<hbm>>, %arg6: memref<10112x64xf32, #tpu.memory_space<vmem_shared>>, %arg7: memref<10000x64xf32, #tpu.memory_space<vmem_shared>>, %arg8: memref<97x128xi32, #tpu.memory_space<vmem>>, %arg9: memref<97x128xi32, #tpu.memory_space<vmem>>, %arg10: memref<128x64xf32, #tpu.memory_space<vmem>>, %arg11: memref<128x64xf32, #tpu.memory_space<vmem>>, %arg12: memref<128x64xf32, #tpu.memory_space<vmem>>, %arg13: memref<!tpu.dma_semaphore, #tpu.memory_space<semaphore_mem>>, %arg14: memref<!tpu.dma_semaphore, #tpu.memory_space<semaphore_mem>>, %arg15: memref<!tpu.dma_semaphore, #tpu.memory_space<semaphore_mem>>, %arg16: memref<!tpu.dma_semaphore, #tpu.memory_space<semaphore_mem>>, %arg17: memref<!tpu.dma_semaphore, #tpu.memory_space<semaphore_mem>>, %arg18: memref<!tpu.dma_semaphore, #tpu.memory_space<semaphore_mem>>) attributes {dimension_semantics = [#tpu.dimension_semantics<core_parallel>, #tpu.dimension_semantics<subcore_parallel>], iteration_bounds = array<i64: 2, 16>, scalar_prefetch = 0 : i64, scratch_operands = 13 : i64, tpu.core_type = #tpu.core_type<sc_vector_subcore>, window_params = [{transform_indices = #map}, {transform_indices = #map1}, {transform_indices = #map}, {transform_indices = #map}]} {
    %mul3A = arith.constant 2 : i32
    %mul3A_0 = arith.muli %arg1, %mul3A : i32
    %add3A = arith.addi %mul3A_0, %arg0 : i32
    %eq3A = arith.constant 0 : i32
    %eq3A_1 = arith.cmpi eq, %arg0, %eq3A : i32
    %mul3A_2 = arith.constant 96 : i32
    %mul3A_3 = arith.muli %arg1, %mul3A_2 : i32
    %mul3A_4 = arith.constant 60 : i32
    %mul3A_5 = arith.muli %arg1, %mul3A_4 : i32
    %add3A_6 = arith.constant 1536 : i32
    %add3A_7 = arith.addi %add3A_6, %mul3A_5 : i32
    %select_n3A = arith.select %eq3A_1, %mul3A_3, %add3A_7 : i32
    %eq3A_8 = arith.constant 0 : i32
    %eq3A_9 = arith.cmpi eq, %arg0, %eq3A_8 : i32
    %convert_element_type3A = arith.extui %eq3A_9 : i1 to i32
    %cond3A = arith.constant 0 : i32
    %cond3A_10 = arith.cmpi ne, %convert_element_type3A, %cond3A : i32
    scf.if %cond3A_10 {
      %run_scoped3A = arith.constant 0 : i32
      "tpu.region"() ({
        %run_scoped3A_55 = tpu.sem_alloc : memref<!tpu.dma_semaphore, #tpu.memory_space<semaphore_mem>>
        %dma_start3A = arith.constant 0 : i32
        %dma_start3A_56 = arith.constant 0 : i32
        %dma_start3A_57 = tpu.memref_slice %arg8[%dma_start3A, %dma_start3A_56] : memref<97x128xi32, #tpu.memory_space<vmem>> -> memref<96x128xi32, #tpu.memory_space<vmem>>
        %dma_start3A_58 = arith.constant 0 : i32
        %dma_start3A_59 = tpu.memref_slice %arg3[%run_scoped3A, %select_n3A, %dma_start3A_58] : memref<2x2500x128xi32, #tpu.memory_space<hbm>> -> memref<1x96x128xi32, #tpu.memory_space<hbm>>
        %dma_start3A_60 = tpu.memref_squeeze %dma_start3A_59 : memref<1x96x128xi32, #tpu.memory_space<hbm>> -> memref<96x128xi32, #tpu.memory_space<hbm>>
        %dma_start3A_61 = arith.constant 0 : i32
        %dma_start3A_62 = arith.constant 0 : i32
        %dma_start3A_63 = tpu.memref_slice %arg8[%dma_start3A_61, %dma_start3A_62] : memref<97x128xi32, #tpu.memory_space<vmem>> -> memref<96x128xi32, #tpu.memory_space<vmem>>
        %dma_start3A_64 = arith.constant 0 : i32
        %dma_start3A_65 = tpu.memref_slice %arg3[%run_scoped3A, %select_n3A, %dma_start3A_64] : memref<2x2500x128xi32, #tpu.memory_space<hbm>> -> memref<1x96x128xi32, #tpu.memory_space<hbm>>
        %dma_start3A_66 = tpu.memref_squeeze %dma_start3A_65 : memref<1x96x128xi32, #tpu.memory_space<hbm>> -> memref<96x128xi32, #tpu.memory_space<hbm>>
        tpu.enqueue_dma source(%dma_start3A_66 : memref<96x128xi32, #tpu.memory_space<hbm>>) target(%dma_start3A_63 : memref<96x128xi32, #tpu.memory_space<vmem>>) target_semaphore(%run_scoped3A_55 : memref<!tpu.dma_semaphore, #tpu.memory_space<semaphore_mem>>)
        %dma_wait3A = arith.constant 0 : i32
        %dma_wait3A_67 = arith.constant 0 : i32
        %dma_wait3A_68 = tpu.memref_slice %arg8[%dma_wait3A, %dma_wait3A_67] : memref<97x128xi32, #tpu.memory_space<vmem>> -> memref<96x128xi32, #tpu.memory_space<vmem>>
        %dma_wait3A_69 = arith.constant 0 : i32
        %dma_wait3A_70 = tpu.memref_slice %arg3[%run_scoped3A, %select_n3A, %dma_wait3A_69] : memref<2x2500x128xi32, #tpu.memory_space<hbm>> -> memref<1x96x128xi32, #tpu.memory_space<hbm>>
        %dma_wait3A_71 = tpu.memref_squeeze %dma_wait3A_70 : memref<1x96x128xi32, #tpu.memory_space<hbm>> -> memref<96x128xi32, #tpu.memory_space<hbm>>
        %dma_wait3A_72 = arith.constant 0 : i32
        %dma_wait3A_73 = arith.constant 0 : i32
        %dma_wait3A_74 = tpu.memref_slice %arg8[%dma_wait3A_72, %dma_wait3A_73] : memref<97x128xi32, #tpu.memory_space<vmem>> -> memref<96x128xi32, #tpu.memory_space<vmem>>
        %dma_wait3A_75 = arith.constant 0 : i32
        %dma_wait3A_76 = tpu.memref_slice %arg3[%run_scoped3A, %select_n3A, %dma_wait3A_75] : memref<2x2500x128xi32, #tpu.memory_space<hbm>> -> memref<1x96x128xi32, #tpu.memory_space<hbm>>
        %dma_wait3A_77 = tpu.memref_squeeze %dma_wait3A_76 : memref<1x96x128xi32, #tpu.memory_space<hbm>> -> memref<96x128xi32, #tpu.memory_space<hbm>>
        tpu.wait_dma2 semaphore(%run_scoped3A_55 : memref<!tpu.dma_semaphore, #tpu.memory_space<semaphore_mem>>) src(%dma_wait3A_77 : memref<96x128xi32, #tpu.memory_space<hbm>>) dst(%dma_wait3A_74 : memref<96x128xi32, #tpu.memory_space<vmem>>)
        tpu.yield
      }) : () -> ()
      %run_scoped3A_54 = arith.constant 1 : i32
      "tpu.region"() ({
        %run_scoped3A_55 = tpu.sem_alloc : memref<!tpu.dma_semaphore, #tpu.memory_space<semaphore_mem>>
        %dma_start3A = arith.constant 0 : i32
        %dma_start3A_56 = arith.constant 0 : i32
        %dma_start3A_57 = tpu.memref_slice %arg9[%dma_start3A, %dma_start3A_56] : memref<97x128xi32, #tpu.memory_space<vmem>> -> memref<96x128xi32, #tpu.memory_space<vmem>>
        %dma_start3A_58 = arith.constant 0 : i32
        %dma_start3A_59 = tpu.memref_slice %arg3[%run_scoped3A_54, %select_n3A, %dma_start3A_58] : memref<2x2500x128xi32, #tpu.memory_space<hbm>> -> memref<1x96x128xi32, #tpu.memory_space<hbm>>
        %dma_start3A_60 = tpu.memref_squeeze %dma_start3A_59 : memref<1x96x128xi32, #tpu.memory_space<hbm>> -> memref<96x128xi32, #tpu.memory_space<hbm>>
        %dma_start3A_61 = arith.constant 0 : i32
        %dma_start3A_62 = arith.constant 0 : i32
        %dma_start3A_63 = tpu.memref_slice %arg9[%dma_start3A_61, %dma_start3A_62] : memref<97x128xi32, #tpu.memory_space<vmem>> -> memref<96x128xi32, #tpu.memory_space<vmem>>
        %dma_start3A_64 = arith.constant 0 : i32
        %dma_start3A_65 = tpu.memref_slice %arg3[%run_scoped3A_54, %select_n3A, %dma_start3A_64] : memref<2x2500x128xi32, #tpu.memory_space<hbm>> -> memref<1x96x128xi32, #tpu.memory_space<hbm>>
        %dma_start3A_66 = tpu.memref_squeeze %dma_start3A_65 : memref<1x96x128xi32, #tpu.memory_space<hbm>> -> memref<96x128xi32, #tpu.memory_space<hbm>>
        tpu.enqueue_dma source(%dma_start3A_66 : memref<96x128xi32, #tpu.memory_space<hbm>>) target(%dma_start3A_63 : memref<96x128xi32, #tpu.memory_space<vmem>>) target_semaphore(%run_scoped3A_55 : memref<!tpu.dma_semaphore, #tpu.memory_space<semaphore_mem>>)
        %dma_wait3A = arith.constant 0 : i32
        %dma_wait3A_67 = arith.constant 0 : i32
        %dma_wait3A_68 = tpu.memref_slice %arg9[%dma_wait3A, %dma_wait3A_67] : memref<97x128xi32, #tpu.memory_space<vmem>> -> memref<96x128xi32, #tpu.memory_space<vmem>>
        %dma_wait3A_69 = arith.constant 0 : i32
        %dma_wait3A_70 = tpu.memref_slice %arg3[%run_scoped3A_54, %select_n3A, %dma_wait3A_69] : memref<2x2500x128xi32, #tpu.memory_space<hbm>> -> memref<1x96x128xi32, #tpu.memory_space<hbm>>
        %dma_wait3A_71 = tpu.memref_squeeze %dma_wait3A_70 : memref<1x96x128xi32, #tpu.memory_space<hbm>> -> memref<96x128xi32, #tpu.memory_space<hbm>>
        %dma_wait3A_72 = arith.constant 0 : i32
        %dma_wait3A_73 = arith.constant 0 : i32
        %dma_wait3A_74 = tpu.memref_slice %arg9[%dma_wait3A_72, %dma_wait3A_73] : memref<97x128xi32, #tpu.memory_space<vmem>> -> memref<96x128xi32, #tpu.memory_space<vmem>>
        %dma_wait3A_75 = arith.constant 0 : i32
        %dma_wait3A_76 = tpu.memref_slice %arg3[%run_scoped3A_54, %select_n3A, %dma_wait3A_75] : memref<2x2500x128xi32, #tpu.memory_space<hbm>> -> memref<1x96x128xi32, #tpu.memory_space<hbm>>
        %dma_wait3A_77 = tpu.memref_squeeze %dma_wait3A_76 : memref<1x96x128xi32, #tpu.memory_space<hbm>> -> memref<96x128xi32, #tpu.memory_space<hbm>>
        tpu.wait_dma2 semaphore(%run_scoped3A_55 : memref<!tpu.dma_semaphore, #tpu.memory_space<semaphore_mem>>) src(%dma_wait3A_77 : memref<96x128xi32, #tpu.memory_space<hbm>>) dst(%dma_wait3A_74 : memref<96x128xi32, #tpu.memory_space<vmem>>)
        tpu.yield
      }) : () -> ()
    } else {
    }
    %eq3A_11 = arith.constant 1 : i32
    %eq3A_12 = arith.cmpi eq, %arg0, %eq3A_11 : i32
    %convert_element_type3A_13 = arith.extui %eq3A_12 : i1 to i32
    %cond3A_14 = arith.constant 0 : i32
    %cond3A_15 = arith.cmpi ne, %convert_element_type3A_13, %cond3A_14 : i32
    scf.if %cond3A_15 {
      %run_scoped3A = arith.constant 0 : i32
      "tpu.region"() ({
        %run_scoped3A_55 = tpu.sem_alloc : memref<!tpu.dma_semaphore, #tpu.memory_space<semaphore_mem>>
        %dma_start3A = arith.constant 0 : i32
        %dma_start3A_56 = arith.constant 0 : i32
        %dma_start3A_57 = tpu.memref_slice %arg8[%dma_start3A, %dma_start3A_56] : memref<97x128xi32, #tpu.memory_space<vmem>> -> memref<60x128xi32, #tpu.memory_space<vmem>>
        %dma_start3A_58 = arith.constant 0 : i32
        %dma_start3A_59 = tpu.memref_slice %arg3[%run_scoped3A, %select_n3A, %dma_start3A_58] : memref<2x2500x128xi32, #tpu.memory_space<hbm>> -> memref<1x60x128xi32, #tpu.memory_space<hbm>>
        %dma_start3A_60 = tpu.memref_squeeze %dma_start3A_59 : memref<1x60x128xi32, #tpu.memory_space<hbm>> -> memref<60x128xi32, #tpu.memory_space<hbm>>
        %dma_start3A_61 = arith.constant 0 : i32
        %dma_start3A_62 = arith.constant 0 : i32
        %dma_start3A_63 = tpu.memref_slice %arg8[%dma_start3A_61, %dma_start3A_62] : memref<97x128xi32, #tpu.memory_space<vmem>> -> memref<60x128xi32, #tpu.memory_space<vmem>>
        %dma_start3A_64 = arith.constant 0 : i32
        %dma_start3A_65 = tpu.memref_slice %arg3[%run_scoped3A, %select_n3A, %dma_start3A_64] : memref<2x2500x128xi32, #tpu.memory_space<hbm>> -> memref<1x60x128xi32, #tpu.memory_space<hbm>>
        %dma_start3A_66 = tpu.memref_squeeze %dma_start3A_65 : memref<1x60x128xi32, #tpu.memory_space<hbm>> -> memref<60x128xi32, #tpu.memory_space<hbm>>
        tpu.enqueue_dma source(%dma_start3A_66 : memref<60x128xi32, #tpu.memory_space<hbm>>) target(%dma_start3A_63 : memref<60x128xi32, #tpu.memory_space<vmem>>) target_semaphore(%run_scoped3A_55 : memref<!tpu.dma_semaphore, #tpu.memory_space<semaphore_mem>>)
        %dma_wait3A = arith.constant 0 : i32
        %dma_wait3A_67 = arith.constant 0 : i32
        %dma_wait3A_68 = tpu.memref_slice %arg8[%dma_wait3A, %dma_wait3A_67] : memref<97x128xi32, #tpu.memory_space<vmem>> -> memref<60x128xi32, #tpu.memory_space<vmem>>
        %dma_wait3A_69 = arith.constant 0 : i32
        %dma_wait3A_70 = tpu.memref_slice %arg3[%run_scoped3A, %select_n3A, %dma_wait3A_69] : memref<2x2500x128xi32, #tpu.memory_space<hbm>> -> memref<1x60x128xi32, #tpu.memory_space<hbm>>
        %dma_wait3A_71 = tpu.memref_squeeze %dma_wait3A_70 : memref<1x60x128xi32, #tpu.memory_space<hbm>> -> memref<60x128xi32, #tpu.memory_space<hbm>>
        %dma_wait3A_72 = arith.constant 0 : i32
        %dma_wait3A_73 = arith.constant 0 : i32
        %dma_wait3A_74 = tpu.memref_slice %arg8[%dma_wait3A_72, %dma_wait3A_73] : memref<97x128xi32, #tpu.memory_space<vmem>> -> memref<60x128xi32, #tpu.memory_space<vmem>>
        %dma_wait3A_75 = arith.constant 0 : i32
        %dma_wait3A_76 = tpu.memref_slice %arg3[%run_scoped3A, %select_n3A, %dma_wait3A_75] : memref<2x2500x128xi32, #tpu.memory_space<hbm>> -> memref<1x60x128xi32, #tpu.memory_space<hbm>>
        %dma_wait3A_77 = tpu.memref_squeeze %dma_wait3A_76 : memref<1x60x128xi32, #tpu.memory_space<hbm>> -> memref<60x128xi32, #tpu.memory_space<hbm>>
        tpu.wait_dma2 semaphore(%run_scoped3A_55 : memref<!tpu.dma_semaphore, #tpu.memory_space<semaphore_mem>>) src(%dma_wait3A_77 : memref<60x128xi32, #tpu.memory_space<hbm>>) dst(%dma_wait3A_74 : memref<60x128xi32, #tpu.memory_space<vmem>>)
        tpu.yield
      }) : () -> ()
      %run_scoped3A_54 = arith.constant 1 : i32
      "tpu.region"() ({
        %run_scoped3A_55 = tpu.sem_alloc : memref<!tpu.dma_semaphore, #tpu.memory_space<semaphore_mem>>
        %dma_start3A = arith.constant 0 : i32
        %dma_start3A_56 = arith.constant 0 : i32
        %dma_start3A_57 = tpu.memref_slice %arg9[%dma_start3A, %dma_start3A_56] : memref<97x128xi32, #tpu.memory_space<vmem>> -> memref<60x128xi32, #tpu.memory_space<vmem>>
        %dma_start3A_58 = arith.constant 0 : i32
        %dma_start3A_59 = tpu.memref_slice %arg3[%run_scoped3A_54, %select_n3A, %dma_start3A_58] : memref<2x2500x128xi32, #tpu.memory_space<hbm>> -> memref<1x60x128xi32, #tpu.memory_space<hbm>>
        %dma_start3A_60 = tpu.memref_squeeze %dma_start3A_59 : memref<1x60x128xi32, #tpu.memory_space<hbm>> -> memref<60x128xi32, #tpu.memory_space<hbm>>
        %dma_start3A_61 = arith.constant 0 : i32
        %dma_start3A_62 = arith.constant 0 : i32
        %dma_start3A_63 = tpu.memref_slice %arg9[%dma_start3A_61, %dma_start3A_62] : memref<97x128xi32, #tpu.memory_space<vmem>> -> memref<60x128xi32, #tpu.memory_space<vmem>>
        %dma_start3A_64 = arith.constant 0 : i32
        %dma_start3A_65 = tpu.memref_slice %arg3[%run_scoped3A_54, %select_n3A, %dma_start3A_64] : memref<2x2500x128xi32, #tpu.memory_space<hbm>> -> memref<1x60x128xi32, #tpu.memory_space<hbm>>
        %dma_start3A_66 = tpu.memref_squeeze %dma_start3A_65 : memref<1x60x128xi32, #tpu.memory_space<hbm>> -> memref<60x128xi32, #tpu.memory_space<hbm>>
        tpu.enqueue_dma source(%dma_start3A_66 : memref<60x128xi32, #tpu.memory_space<hbm>>) target(%dma_start3A_63 : memref<60x128xi32, #tpu.memory_space<vmem>>) target_semaphore(%run_scoped3A_55 : memref<!tpu.dma_semaphore, #tpu.memory_space<semaphore_mem>>)
        %dma_wait3A = arith.constant 0 : i32
        %dma_wait3A_67 = arith.constant 0 : i32
        %dma_wait3A_68 = tpu.memref_slice %arg9[%dma_wait3A, %dma_wait3A_67] : memref<97x128xi32, #tpu.memory_space<vmem>> -> memref<60x128xi32, #tpu.memory_space<vmem>>
        %dma_wait3A_69 = arith.constant 0 : i32
        %dma_wait3A_70 = tpu.memref_slice %arg3[%run_scoped3A_54, %select_n3A, %dma_wait3A_69] : memref<2x2500x128xi32, #tpu.memory_space<hbm>> -> memref<1x60x128xi32, #tpu.memory_space<hbm>>
        %dma_wait3A_71 = tpu.memref_squeeze %dma_wait3A_70 : memref<1x60x128xi32, #tpu.memory_space<hbm>> -> memref<60x128xi32, #tpu.memory_space<hbm>>
        %dma_wait3A_72 = arith.constant 0 : i32
        %dma_wait3A_73 = arith.constant 0 : i32
        %dma_wait3A_74 = tpu.memref_slice %arg9[%dma_wait3A_72, %dma_wait3A_73] : memref<97x128xi32, #tpu.memory_space<vmem>> -> memref<60x128xi32, #tpu.memory_space<vmem>>
        %dma_wait3A_75 = arith.constant 0 : i32
        %dma_wait3A_76 = tpu.memref_slice %arg3[%run_scoped3A_54, %select_n3A, %dma_wait3A_75] : memref<2x2500x128xi32, #tpu.memory_space<hbm>> -> memref<1x60x128xi32, #tpu.memory_space<hbm>>
        %dma_wait3A_77 = tpu.memref_squeeze %dma_wait3A_76 : memref<1x60x128xi32, #tpu.memory_space<hbm>> -> memref<60x128xi32, #tpu.memory_space<hbm>>
        tpu.wait_dma2 semaphore(%run_scoped3A_55 : memref<!tpu.dma_semaphore, #tpu.memory_space<semaphore_mem>>) src(%dma_wait3A_77 : memref<60x128xi32, #tpu.memory_space<hbm>>) dst(%dma_wait3A_74 : memref<60x128xi32, #tpu.memory_space<vmem>>)
        tpu.yield
      }) : () -> ()
    } else {
    }
    %lt3A = arith.constant 4 : i32
    %lt3A_16 = arith.cmpi slt, %add3A, %lt3A : i32
    %convert_element_type3A_17 = arith.extui %lt3A_16 : i1 to i32
    %cond3A_18 = arith.constant 0 : i32
    %cond3A_19 = arith.cmpi ne, %convert_element_type3A_17, %cond3A_18 : i32
    scf.if %cond3A_19 {
      %add3A_54 = arith.constant 2496 : i32
      %add3A_55 = arith.addi %add3A_54, %add3A : i32
      %run_scoped3A = arith.constant 0 : i32
      "tpu.region"() ({
        %run_scoped3A_59 = tpu.sem_alloc : memref<!tpu.dma_semaphore, #tpu.memory_space<semaphore_mem>>
        %dma_start3A = arith.constant 96 : i32
        %dma_start3A_60 = arith.constant 0 : i32
        %dma_start3A_61 = tpu.memref_slice %arg8[%dma_start3A, %dma_start3A_60] : memref<97x128xi32, #tpu.memory_space<vmem>> -> memref<1x128xi32, #tpu.memory_space<vmem>>
        %dma_start3A_62 = arith.constant 0 : i32
        %dma_start3A_63 = tpu.memref_slice %arg3[%run_scoped3A, %add3A_55, %dma_start3A_62] : memref<2x2500x128xi32, #tpu.memory_space<hbm>> -> memref<1x1x128xi32, #tpu.memory_space<hbm>>
        %dma_start3A_64 = tpu.memref_squeeze %dma_start3A_63 : memref<1x1x128xi32, #tpu.memory_space<hbm>> -> memref<1x128xi32, #tpu.memory_space<hbm>>
        %dma_start3A_65 = arith.constant 96 : i32
        %dma_start3A_66 = arith.constant 0 : i32
        %dma_start3A_67 = tpu.memref_slice %arg8[%dma_start3A_65, %dma_start3A_66] : memref<97x128xi32, #tpu.memory_space<vmem>> -> memref<1x128xi32, #tpu.memory_space<vmem>>
        %dma_start3A_68 = arith.constant 0 : i32
        %dma_start3A_69 = tpu.memref_slice %arg3[%run_scoped3A, %add3A_55, %dma_start3A_68] : memref<2x2500x128xi32, #tpu.memory_space<hbm>> -> memref<1x1x128xi32, #tpu.memory_space<hbm>>
        %dma_start3A_70 = tpu.memref_squeeze %dma_start3A_69 : memref<1x1x128xi32, #tpu.memory_space<hbm>> -> memref<1x128xi32, #tpu.memory_space<hbm>>
        tpu.enqueue_dma source(%dma_start3A_70 : memref<1x128xi32, #tpu.memory_space<hbm>>) target(%dma_start3A_67 : memref<1x128xi32, #tpu.memory_space<vmem>>) target_semaphore(%run_scoped3A_59 : memref<!tpu.dma_semaphore, #tpu.memory_space<semaphore_mem>>)
        %dma_wait3A = arith.constant 96 : i32
        %dma_wait3A_71 = arith.constant 0 : i32
        %dma_wait3A_72 = tpu.memref_slice %arg8[%dma_wait3A, %dma_wait3A_71] : memref<97x128xi32, #tpu.memory_space<vmem>> -> memref<1x128xi32, #tpu.memory_space<vmem>>
        %dma_wait3A_73 = arith.constant 0 : i32
        %dma_wait3A_74 = tpu.memref_slice %arg3[%run_scoped3A, %add3A_55, %dma_wait3A_73] : memref<2x2500x128xi32, #tpu.memory_space<hbm>> -> memref<1x1x128xi32, #tpu.memory_space<hbm>>
        %dma_wait3A_75 = tpu.memref_squeeze %dma_wait3A_74 : memref<1x1x128xi32, #tpu.memory_space<hbm>> -> memref<1x128xi32, #tpu.memory_space<hbm>>
        %dma_wait3A_76 = arith.constant 96 : i32
        %dma_wait3A_77 = arith.constant 0 : i32
        %dma_wait3A_78 = tpu.memref_slice %arg8[%dma_wait3A_76, %dma_wait3A_77] : memref<97x128xi32, #tpu.memory_space<vmem>> -> memref<1x128xi32, #tpu.memory_space<vmem>>
        %dma_wait3A_79 = arith.constant 0 : i32
        %dma_wait3A_80 = tpu.memref_slice %arg3[%run_scoped3A, %add3A_55, %dma_wait3A_79] : memref<2x2500x128xi32, #tpu.memory_space<hbm>> -> memref<1x1x128xi32, #tpu.memory_space<hbm>>
        %dma_wait3A_81 = tpu.memref_squeeze %dma_wait3A_80 : memref<1x1x128xi32, #tpu.memory_space<hbm>> -> memref<1x128xi32, #tpu.memory_space<hbm>>
        tpu.wait_dma2 semaphore(%run_scoped3A_59 : memref<!tpu.dma_semaphore, #tpu.memory_space<semaphore_mem>>) src(%dma_wait3A_81 : memref<1x128xi32, #tpu.memory_space<hbm>>) dst(%dma_wait3A_78 : memref<1x128xi32, #tpu.memory_space<vmem>>)
        tpu.yield
      }) : () -> ()
      %add3A_56 = arith.constant 2496 : i32
      %add3A_57 = arith.addi %add3A_56, %add3A : i32
      %run_scoped3A_58 = arith.constant 1 : i32
      "tpu.region"() ({
        %run_scoped3A_59 = tpu.sem_alloc : memref<!tpu.dma_semaphore, #tpu.memory_space<semaphore_mem>>
        %dma_start3A = arith.constant 96 : i32
        %dma_start3A_60 = arith.constant 0 : i32
        %dma_start3A_61 = tpu.memref_slice %arg9[%dma_start3A, %dma_start3A_60] : memref<97x128xi32, #tpu.memory_space<vmem>> -> memref<1x128xi32, #tpu.memory_space<vmem>>
        %dma_start3A_62 = arith.constant 0 : i32
        %dma_start3A_63 = tpu.memref_slice %arg3[%run_scoped3A_58, %add3A_57, %dma_start3A_62] : memref<2x2500x128xi32, #tpu.memory_space<hbm>> -> memref<1x1x128xi32, #tpu.memory_space<hbm>>
        %dma_start3A_64 = tpu.memref_squeeze %dma_start3A_63 : memref<1x1x128xi32, #tpu.memory_space<hbm>> -> memref<1x128xi32, #tpu.memory_space<hbm>>
        %dma_start3A_65 = arith.constant 96 : i32
        %dma_start3A_66 = arith.constant 0 : i32
        %dma_start3A_67 = tpu.memref_slice %arg9[%dma_start3A_65, %dma_start3A_66] : memref<97x128xi32, #tpu.memory_space<vmem>> -> memref<1x128xi32, #tpu.memory_space<vmem>>
        %dma_start3A_68 = arith.constant 0 : i32
        %dma_start3A_69 = tpu.memref_slice %arg3[%run_scoped3A_58, %add3A_57, %dma_start3A_68] : memref<2x2500x128xi32, #tpu.memory_space<hbm>> -> memref<1x1x128xi32, #tpu.memory_space<hbm>>
        %dma_start3A_70 = tpu.memref_squeeze %dma_start3A_69 : memref<1x1x128xi32, #tpu.memory_space<hbm>> -> memref<1x128xi32, #tpu.memory_space<hbm>>
        tpu.enqueue_dma source(%dma_start3A_70 : memref<1x128xi32, #tpu.memory_space<hbm>>) target(%dma_start3A_67 : memref<1x128xi32, #tpu.memory_space<vmem>>) target_semaphore(%run_scoped3A_59 : memref<!tpu.dma_semaphore, #tpu.memory_space<semaphore_mem>>)
        %dma_wait3A = arith.constant 96 : i32
        %dma_wait3A_71 = arith.constant 0 : i32
        %dma_wait3A_72 = tpu.memref_slice %arg9[%dma_wait3A, %dma_wait3A_71] : memref<97x128xi32, #tpu.memory_space<vmem>> -> memref<1x128xi32, #tpu.memory_space<vmem>>
        %dma_wait3A_73 = arith.constant 0 : i32
        %dma_wait3A_74 = tpu.memref_slice %arg3[%run_scoped3A_58, %add3A_57, %dma_wait3A_73] : memref<2x2500x128xi32, #tpu.memory_space<hbm>> -> memref<1x1x128xi32, #tpu.memory_space<hbm>>
        %dma_wait3A_75 = tpu.memref_squeeze %dma_wait3A_74 : memref<1x1x128xi32, #tpu.memory_space<hbm>> -> memref<1x128xi32, #tpu.memory_space<hbm>>
        %dma_wait3A_76 = arith.constant 96 : i32
        %dma_wait3A_77 = arith.constant 0 : i32
        %dma_wait3A_78 = tpu.memref_slice %arg9[%dma_wait3A_76, %dma_wait3A_77] : memref<97x128xi32, #tpu.memory_space<vmem>> -> memref<1x128xi32, #tpu.memory_space<vmem>>
        %dma_wait3A_79 = arith.constant 0 : i32
        %dma_wait3A_80 = tpu.memref_slice %arg3[%run_scoped3A_58, %add3A_57, %dma_wait3A_79] : memref<2x2500x128xi32, #tpu.memory_space<hbm>> -> memref<1x1x128xi32, #tpu.memory_space<hbm>>
        %dma_wait3A_81 = tpu.memref_squeeze %dma_wait3A_80 : memref<1x1x128xi32, #tpu.memory_space<hbm>> -> memref<1x128xi32, #tpu.memory_space<hbm>>
        tpu.wait_dma2 semaphore(%run_scoped3A_59 : memref<!tpu.dma_semaphore, #tpu.memory_space<semaphore_mem>>) src(%dma_wait3A_81 : memref<1x128xi32, #tpu.memory_space<hbm>>) dst(%dma_wait3A_78 : memref<1x128xi32, #tpu.memory_space<vmem>>)
        tpu.yield
      }) : () -> ()
    } else {
    }
    %mul3A_20 = arith.constant 632 : i32
    %mul3A_21 = arith.muli %arg1, %mul3A_20 : i32
    %mul3A_22 = arith.constant 632 : i32
    %mul3A_23 = arith.muli %arg1, %mul3A_22 : i32
    "tpu.region"() ({
      %run_scoped3A = tpu.sem_alloc : memref<!tpu.dma_semaphore, #tpu.memory_space<semaphore_mem>>
      %dma_start3A = arith.constant 0 : i32
      %dma_start3A_54 = tpu.memref_slice %arg6[%mul3A_23, %dma_start3A] : memref<10112x64xf32, #tpu.memory_space<vmem_shared>> -> memref<632x64xf32, #tpu.memory_space<vmem_shared>>
      %dma_start3A_55 = arith.constant 0 : i32
      %dma_start3A_56 = tpu.memref_slice %arg4[%mul3A_21, %dma_start3A_55] : memref<10112x64xf32, #tpu.memory_space<hbm>> -> memref<632x64xf32, #tpu.memory_space<hbm>>
      tpu.enqueue_dma source(%dma_start3A_56 : memref<632x64xf32, #tpu.memory_space<hbm>>) target(%dma_start3A_54 : memref<632x64xf32, #tpu.memory_space<vmem_shared>>) target_semaphore(%run_scoped3A : memref<!tpu.dma_semaphore, #tpu.memory_space<semaphore_mem>>)
      %dma_wait3A = arith.constant 0 : i32
      %dma_wait3A_57 = tpu.memref_slice %arg6[%mul3A_23, %dma_wait3A] : memref<10112x64xf32, #tpu.memory_space<vmem_shared>> -> memref<632x64xf32, #tpu.memory_space<vmem_shared>>
      %dma_wait3A_58 = arith.constant 0 : i32
      %dma_wait3A_59 = tpu.memref_slice %arg4[%mul3A_21, %dma_wait3A_58] : memref<10112x64xf32, #tpu.memory_space<hbm>> -> memref<632x64xf32, #tpu.memory_space<hbm>>
      tpu.wait_dma2 semaphore(%run_scoped3A : memref<!tpu.dma_semaphore, #tpu.memory_space<semaphore_mem>>) src(%dma_wait3A_59 : memref<632x64xf32, #tpu.memory_space<hbm>>) dst(%dma_wait3A_57 : memref<632x64xf32, #tpu.memory_space<vmem_shared>>)
      tpu.yield
    }) : () -> ()
    %eq3A_24 = arith.constant 1 : i32
    %eq3A_25 = arith.cmpi eq, %arg0, %eq3A_24 : i32
    %lt3A_26 = arith.constant 15 : i32
    %lt3A_27 = arith.cmpi slt, %arg1, %lt3A_26 : i32
    %and3A = arith.andi %eq3A_25, %lt3A_27 : i1
    %convert_element_type3A_28 = arith.extui %and3A : i1 to i32
    %cond3A_29 = arith.constant 0 : i32
    %cond3A_30 = arith.cmpi ne, %convert_element_type3A_28, %cond3A_29 : i32
    scf.if %cond3A_30 {
      %mul3A_54 = arith.constant 632 : i32
      %mul3A_55 = arith.muli %arg1, %mul3A_54 : i32
      %mul3A_56 = arith.constant 632 : i32
      %mul3A_57 = arith.muli %arg1, %mul3A_56 : i32
      "tpu.region"() ({
        %run_scoped3A = tpu.sem_alloc : memref<!tpu.dma_semaphore, #tpu.memory_space<semaphore_mem>>
        %dma_start3A = arith.constant 0 : i32
        %dma_start3A_58 = tpu.memref_slice %arg7[%mul3A_57, %dma_start3A] : memref<10000x64xf32, #tpu.memory_space<vmem_shared>> -> memref<632x64xf32, #tpu.memory_space<vmem_shared>>
        %dma_start3A_59 = arith.constant 0 : i32
        %dma_start3A_60 = tpu.memref_slice %arg2[%mul3A_55, %dma_start3A_59] : memref<10000x64xf32, #tpu.memory_space<hbm>> -> memref<632x64xf32, #tpu.memory_space<hbm>>
        tpu.enqueue_dma source(%dma_start3A_60 : memref<632x64xf32, #tpu.memory_space<hbm>>) target(%dma_start3A_58 : memref<632x64xf32, #tpu.memory_space<vmem_shared>>) target_semaphore(%run_scoped3A : memref<!tpu.dma_semaphore, #tpu.memory_space<semaphore_mem>>)
        %dma_wait3A = arith.constant 0 : i32
        %dma_wait3A_61 = tpu.memref_slice %arg7[%mul3A_57, %dma_wait3A] : memref<10000x64xf32, #tpu.memory_space<vmem_shared>> -> memref<632x64xf32, #tpu.memory_space<vmem_shared>>
        %dma_wait3A_62 = arith.constant 0 : i32
        %dma_wait3A_63 = tpu.memref_slice %arg2[%mul3A_55, %dma_wait3A_62] : memref<10000x64xf32, #tpu.memory_space<hbm>> -> memref<632x64xf32, #tpu.memory_space<hbm>>
        tpu.wait_dma2 semaphore(%run_scoped3A : memref<!tpu.dma_semaphore, #tpu.memory_space<semaphore_mem>>) src(%dma_wait3A_63 : memref<632x64xf32, #tpu.memory_space<hbm>>) dst(%dma_wait3A_61 : memref<632x64xf32, #tpu.memory_space<vmem_shared>>)
        tpu.yield
      }) : () -> ()
    } else {
    }
    %eq3A_31 = arith.constant 15 : i32
    %eq3A_32 = arith.cmpi eq, %arg1, %eq3A_31 : i32
    %and3A_33 = arith.andi %eq3A_25, %eq3A_32 : i1
    %convert_element_type3A_34 = arith.extui %and3A_33 : i1 to i32
    %cond3A_35 = arith.constant 0 : i32
    %cond3A_36 = arith.cmpi ne, %convert_element_type3A_34, %cond3A_35 : i32
    scf.if %cond3A_36 {
      "tpu.region"() ({
        %run_scoped3A = tpu.sem_alloc : memref<!tpu.dma_semaphore, #tpu.memory_space<semaphore_mem>>
        %dma_start3A = arith.constant 9480 : i32
        %dma_start3A_54 = arith.constant 0 : i32
        %dma_start3A_55 = tpu.memref_slice %arg7[%dma_start3A, %dma_start3A_54] : memref<10000x64xf32, #tpu.memory_space<vmem_shared>> -> memref<520x64xf32, #tpu.memory_space<vmem_shared>>
        %dma_start3A_56 = arith.constant 9480 : i32
        %dma_start3A_57 = arith.constant 0 : i32
        %dma_start3A_58 = tpu.memref_slice %arg2[%dma_start3A_56, %dma_start3A_57] : memref<10000x64xf32, #tpu.memory_space<hbm>> -> memref<520x64xf32, #tpu.memory_space<hbm>>
        tpu.enqueue_dma source(%dma_start3A_58 : memref<520x64xf32, #tpu.memory_space<hbm>>) target(%dma_start3A_55 : memref<520x64xf32, #tpu.memory_space<vmem_shared>>) target_semaphore(%run_scoped3A : memref<!tpu.dma_semaphore, #tpu.memory_space<semaphore_mem>>)
        %dma_wait3A = arith.constant 9480 : i32
        %dma_wait3A_59 = arith.constant 0 : i32
        %dma_wait3A_60 = tpu.memref_slice %arg7[%dma_wait3A, %dma_wait3A_59] : memref<10000x64xf32, #tpu.memory_space<vmem_shared>> -> memref<520x64xf32, #tpu.memory_space<vmem_shared>>
        %dma_wait3A_61 = arith.constant 9480 : i32
        %dma_wait3A_62 = arith.constant 0 : i32
        %dma_wait3A_63 = tpu.memref_slice %arg2[%dma_wait3A_61, %dma_wait3A_62] : memref<10000x64xf32, #tpu.memory_space<hbm>> -> memref<520x64xf32, #tpu.memory_space<hbm>>
        tpu.wait_dma2 semaphore(%run_scoped3A : memref<!tpu.dma_semaphore, #tpu.memory_space<semaphore_mem>>) src(%dma_wait3A_63 : memref<520x64xf32, #tpu.memory_space<hbm>>) dst(%dma_wait3A_60 : memref<520x64xf32, #tpu.memory_space<vmem_shared>>)
        tpu.yield
      }) : () -> ()
    } else {
    }
    %barrier3A = arith.constant 0 : index
    tpu.barrier barrier_id(%barrier3A)
    %eq3A_37 = arith.constant 0 : i32
    %eq3A_38 = arith.cmpi eq, %arg0, %eq3A_37 : i32
    %convert_element_type3A_39 = arith.extui %eq3A_38 : i1 to i32
    %cond3A_40 = arith.constant 0 : i32
    %cond3A_41 = arith.cmpi ne, %convert_element_type3A_39, %cond3A_40 : i32
    scf.if %cond3A_41 {
      %dma_start3A = arith.constant 0 : i32
      %dma_start3A_54 = arith.constant 0 : i32
      %dma_start3A_55 = tpu.memref_slice %arg8[%dma_start3A, %dma_start3A_54] : memref<97x128xi32, #tpu.memory_space<vmem>> -> memref<1x128xi32, #tpu.memory_space<vmem>>
      %dma_start3A_56 = tpu.memref_squeeze %dma_start3A_55 : memref<1x128xi32, #tpu.memory_space<vmem>> -> memref<128xi32, #tpu.memory_space<vmem>>
      %dma_start3A_57 = arith.constant 0 : i32
      %dma_start3A_58 = arith.constant 0 : i32
      %dma_start3A_59 = tpu.memref_slice %arg2[%dma_start3A_57, %dma_start3A_58] : memref<10000x64xf32, #tpu.memory_space<hbm>> -> memref<10000x64xf32, #tpu.memory_space<hbm>>
      tpu.enqueue_indirect_dma source(%dma_start3A_59 : memref<10000x64xf32, #tpu.memory_space<hbm>>) target(%arg10 : memref<128x64xf32, #tpu.memory_space<vmem>>) offsets(%dma_start3A_56 : memref<128xi32, #tpu.memory_space<vmem>>) semaphore(%arg13 : memref<!tpu.dma_semaphore, #tpu.memory_space<semaphore_mem>>)
      %dma_start3A_60 = arith.constant 1 : i32
      %dma_start3A_61 = arith.constant 0 : i32
      %dma_start3A_62 = tpu.memref_slice %arg8[%dma_start3A_60, %dma_start3A_61] : memref<97x128xi32, #tpu.memory_space<vmem>> -> memref<1x128xi32, #tpu.memory_space<vmem>>
      %dma_start3A_63 = tpu.memref_squeeze %dma_start3A_62 : memref<1x128xi32, #tpu.memory_space<vmem>> -> memref<128xi32, #tpu.memory_space<vmem>>
      %dma_start3A_64 = arith.constant 0 : i32
      %dma_start3A_65 = arith.constant 0 : i32
      %dma_start3A_66 = tpu.memref_slice %arg2[%dma_start3A_64, %dma_start3A_65] : memref<10000x64xf32, #tpu.memory_space<hbm>> -> memref<10000x64xf32, #tpu.memory_space<hbm>>
      tpu.enqueue_indirect_dma source(%dma_start3A_66 : memref<10000x64xf32, #tpu.memory_space<hbm>>) target(%arg11 : memref<128x64xf32, #tpu.memory_space<vmem>>) offsets(%dma_start3A_63 : memref<128xi32, #tpu.memory_space<vmem>>) semaphore(%arg14 : memref<!tpu.dma_semaphore, #tpu.memory_space<semaphore_mem>>)
      %scan3A = arith.constant 0 : i32
      %scan3A_67 = arith.constant 0 : i32
      %scan3A_68 = arith.constant 32 : i32
      %scan3A_69 = arith.addi %scan3A_67, %scan3A_68 : i32
      %scan3A_70 = arith.constant 1 : i32
      scf.for %scan3A_97 = %scan3A_67 to %scan3A_69 step %scan3A_70  : i32 {
        %mul3A_98 = arith.constant 3 : i32
        %mul3A_99 = arith.muli %scan3A_97, %mul3A_98 : i32
        %add3A_100 = arith.constant 0 : i32
        %add3A_101 = arith.addi %mul3A_99, %add3A_100 : i32
        %add3A_102 = arith.constant 2 : i32
        %add3A_103 = arith.addi %add3A_101, %add3A_102 : i32
        %lt3A_104 = arith.constant 96 : i32
        %lt3A_105 = arith.cmpi slt, %add3A_103, %lt3A_104 : i32
        %ge3A = arith.constant 3 : i32
        %ge3A_106 = arith.cmpi sge, %add3A_103, %ge3A : i32
        %and3A_107 = arith.andi %lt3A_105, %ge3A_106 : i1
        %convert_element_type3A_108 = arith.extui %and3A_107 : i1 to i32
        %cond3A_109 = arith.constant 0 : i32
        %cond3A_110 = arith.cmpi ne, %convert_element_type3A_108, %cond3A_109 : i32
        scf.if %cond3A_110 {
          %sub3A = arith.constant 3 : i32
          %sub3A_190 = arith.subi %add3A_103, %sub3A : i32
          %dma_wait3A_191 = arith.constant 0 : i32
          %dma_wait3A_192 = tpu.memref_slice %arg9[%sub3A_190, %dma_wait3A_191] : memref<97x128xi32, #tpu.memory_space<vmem>> -> memref<1x128xi32, #tpu.memory_space<vmem>>
          %dma_wait3A_193 = tpu.memref_squeeze %dma_wait3A_192 : memref<1x128xi32, #tpu.memory_space<vmem>> -> memref<128xi32, #tpu.memory_space<vmem>>
          %dma_wait3A_194 = arith.constant 0 : i32
          %dma_wait3A_195 = arith.constant 0 : i32
          %dma_wait3A_196 = tpu.memref_slice %arg6[%dma_wait3A_194, %dma_wait3A_195] : memref<10112x64xf32, #tpu.memory_space<vmem_shared>> -> memref<10112x64xf32, #tpu.memory_space<vmem_shared>>
          tpu.wait_indirect_dma semaphore(%arg18 : memref<!tpu.dma_semaphore, #tpu.memory_space<semaphore_mem>>) src(%arg12 : memref<128x64xf32, #tpu.memory_space<vmem>>) dst(%dma_wait3A_196 : memref<10112x64xf32, #tpu.memory_space<vmem_shared>>)
        } else {
        }
        %lt3A_111 = arith.constant 96 : i32
        %lt3A_112 = arith.cmpi slt, %add3A_103, %lt3A_111 : i32
        %convert_element_type3A_113 = arith.extui %lt3A_112 : i1 to i32
        %cond3A_114 = arith.constant 0 : i32
        %cond3A_115 = arith.cmpi ne, %convert_element_type3A_113, %cond3A_114 : i32
        scf.if %cond3A_115 {
          %dma_start3A_190 = arith.constant 0 : i32
          %dma_start3A_191 = tpu.memref_slice %arg8[%add3A_103, %dma_start3A_190] : memref<97x128xi32, #tpu.memory_space<vmem>> -> memref<1x128xi32, #tpu.memory_space<vmem>>
          %dma_start3A_192 = tpu.memref_squeeze %dma_start3A_191 : memref<1x128xi32, #tpu.memory_space<vmem>> -> memref<128xi32, #tpu.memory_space<vmem>>
          %dma_start3A_193 = arith.constant 0 : i32
          %dma_start3A_194 = arith.constant 0 : i32
          %dma_start3A_195 = tpu.memref_slice %arg2[%dma_start3A_193, %dma_start3A_194] : memref<10000x64xf32, #tpu.memory_space<hbm>> -> memref<10000x64xf32, #tpu.memory_space<hbm>>
          tpu.enqueue_indirect_dma source(%dma_start3A_195 : memref<10000x64xf32, #tpu.memory_space<hbm>>) target(%arg12 : memref<128x64xf32, #tpu.memory_space<vmem>>) offsets(%dma_start3A_192 : memref<128xi32, #tpu.memory_space<vmem>>) semaphore(%arg15 : memref<!tpu.dma_semaphore, #tpu.memory_space<semaphore_mem>>)
        } else {
        }
        %dma_wait3A_116 = arith.constant 0 : i32
        %dma_wait3A_117 = tpu.memref_slice %arg8[%add3A_101, %dma_wait3A_116] : memref<97x128xi32, #tpu.memory_space<vmem>> -> memref<1x128xi32, #tpu.memory_space<vmem>>
        %dma_wait3A_118 = tpu.memref_squeeze %dma_wait3A_117 : memref<1x128xi32, #tpu.memory_space<vmem>> -> memref<128xi32, #tpu.memory_space<vmem>>
        %dma_wait3A_119 = arith.constant 0 : i32
        %dma_wait3A_120 = arith.constant 0 : i32
        %dma_wait3A_121 = tpu.memref_slice %arg2[%dma_wait3A_119, %dma_wait3A_120] : memref<10000x64xf32, #tpu.memory_space<hbm>> -> memref<10000x64xf32, #tpu.memory_space<hbm>>
        tpu.wait_indirect_dma semaphore(%arg13 : memref<!tpu.dma_semaphore, #tpu.memory_space<semaphore_mem>>) src(%dma_wait3A_121 : memref<10000x64xf32, #tpu.memory_space<hbm>>) dst(%arg10 : memref<128x64xf32, #tpu.memory_space<vmem>>)
        %dma_start3A_122 = arith.constant 0 : i32
        %dma_start3A_123 = tpu.memref_slice %arg9[%add3A_101, %dma_start3A_122] : memref<97x128xi32, #tpu.memory_space<vmem>> -> memref<1x128xi32, #tpu.memory_space<vmem>>
        %dma_start3A_124 = tpu.memref_squeeze %dma_start3A_123 : memref<1x128xi32, #tpu.memory_space<vmem>> -> memref<128xi32, #tpu.memory_space<vmem>>
        %dma_start3A_125 = arith.constant 0 : i32
        %dma_start3A_126 = arith.constant 0 : i32
        %dma_start3A_127 = tpu.memref_slice %arg6[%dma_start3A_125, %dma_start3A_126] : memref<10112x64xf32, #tpu.memory_space<vmem_shared>> -> memref<10112x64xf32, #tpu.memory_space<vmem_shared>>
        tpu.enqueue_indirect_dma source(%arg10 : memref<128x64xf32, #tpu.memory_space<vmem>>) target(%dma_start3A_127 : memref<10112x64xf32, #tpu.memory_space<vmem_shared>>) offsets(%dma_start3A_124 : memref<128xi32, #tpu.memory_space<vmem>>) semaphore(%arg16 : memref<!tpu.dma_semaphore, #tpu.memory_space<semaphore_mem>>) {add = true}
        %mul3A_128 = arith.constant 3 : i32
        %mul3A_129 = arith.muli %scan3A_97, %mul3A_128 : i32
        %add3A_130 = arith.constant 1 : i32
        %add3A_131 = arith.addi %mul3A_129, %add3A_130 : i32
        %add3A_132 = arith.constant 2 : i32
        %add3A_133 = arith.addi %add3A_131, %add3A_132 : i32
        %lt3A_134 = arith.constant 96 : i32
        %lt3A_135 = arith.cmpi slt, %add3A_133, %lt3A_134 : i32
        %ge3A_136 = arith.constant 3 : i32
        %ge3A_137 = arith.cmpi sge, %add3A_133, %ge3A_136 : i32
        %and3A_138 = arith.andi %lt3A_135, %ge3A_137 : i1
        %convert_element_type3A_139 = arith.extui %and3A_138 : i1 to i32
        %cond3A_140 = arith.constant 0 : i32
        %cond3A_141 = arith.cmpi ne, %convert_element_type3A_139, %cond3A_140 : i32
        scf.if %cond3A_141 {
          %sub3A = arith.constant 3 : i32
          %sub3A_190 = arith.subi %add3A_133, %sub3A : i32
          %dma_wait3A_191 = arith.constant 0 : i32
          %dma_wait3A_192 = tpu.memref_slice %arg9[%sub3A_190, %dma_wait3A_191] : memref<97x128xi32, #tpu.memory_space<vmem>> -> memref<1x128xi32, #tpu.memory_space<vmem>>
          %dma_wait3A_193 = tpu.memref_squeeze %dma_wait3A_192 : memref<1x128xi32, #tpu.memory_space<vmem>> -> memref<128xi32, #tpu.memory_space<vmem>>
          %dma_wait3A_194 = arith.constant 0 : i32
          %dma_wait3A_195 = arith.constant 0 : i32
          %dma_wait3A_196 = tpu.memref_slice %arg6[%dma_wait3A_194, %dma_wait3A_195] : memref<10112x64xf32, #tpu.memory_space<vmem_shared>> -> memref<10112x64xf32, #tpu.memory_space<vmem_shared>>
          tpu.wait_indirect_dma semaphore(%arg16 : memref<!tpu.dma_semaphore, #tpu.memory_space<semaphore_mem>>) src(%arg10 : memref<128x64xf32, #tpu.memory_space<vmem>>) dst(%dma_wait3A_196 : memref<10112x64xf32, #tpu.memory_space<vmem_shared>>)
        } else {
        }
        %lt3A_142 = arith.constant 96 : i32
        %lt3A_143 = arith.cmpi slt, %add3A_133, %lt3A_142 : i32
        %convert_element_type3A_144 = arith.extui %lt3A_143 : i1 to i32
        %cond3A_145 = arith.constant 0 : i32
        %cond3A_146 = arith.cmpi ne, %convert_element_type3A_144, %cond3A_145 : i32
        scf.if %cond3A_146 {
          %dma_start3A_190 = arith.constant 0 : i32
          %dma_start3A_191 = tpu.memref_slice %arg8[%add3A_133, %dma_start3A_190] : memref<97x128xi32, #tpu.memory_space<vmem>> -> memref<1x128xi32, #tpu.memory_space<vmem>>
          %dma_start3A_192 = tpu.memref_squeeze %dma_start3A_191 : memref<1x128xi32, #tpu.memory_space<vmem>> -> memref<128xi32, #tpu.memory_space<vmem>>
          %dma_start3A_193 = arith.constant 0 : i32
          %dma_start3A_194 = arith.constant 0 : i32
          %dma_start3A_195 = tpu.memref_slice %arg2[%dma_start3A_193, %dma_start3A_194] : memref<10000x64xf32, #tpu.memory_space<hbm>> -> memref<10000x64xf32, #tpu.memory_space<hbm>>
          tpu.enqueue_indirect_dma source(%dma_start3A_195 : memref<10000x64xf32, #tpu.memory_space<hbm>>) target(%arg10 : memref<128x64xf32, #tpu.memory_space<vmem>>) offsets(%dma_start3A_192 : memref<128xi32, #tpu.memory_space<vmem>>) semaphore(%arg13 : memref<!tpu.dma_semaphore, #tpu.memory_space<semaphore_mem>>)
        } else {
        }
        %dma_wait3A_147 = arith.constant 0 : i32
        %dma_wait3A_148 = tpu.memref_slice %arg8[%add3A_131, %dma_wait3A_147] : memref<97x128xi32, #tpu.memory_space<vmem>> -> memref<1x128xi32, #tpu.memory_space<vmem>>
        %dma_wait3A_149 = tpu.memref_squeeze %dma_wait3A_148 : memref<1x128xi32, #tpu.memory_space<vmem>> -> memref<128xi32, #tpu.memory_space<vmem>>
        %dma_wait3A_150 = arith.constant 0 : i32
        %dma_wait3A_151 = arith.constant 0 : i32
        %dma_wait3A_152 = tpu.memref_slice %arg2[%dma_wait3A_150, %dma_wait3A_151] : memref<10000x64xf32, #tpu.memory_space<hbm>> -> memref<10000x64xf32, #tpu.memory_space<hbm>>
        tpu.wait_indirect_dma semaphore(%arg14 : memref<!tpu.dma_semaphore, #tpu.memory_space<semaphore_mem>>) src(%dma_wait3A_152 : memref<10000x64xf32, #tpu.memory_space<hbm>>) dst(%arg11 : memref<128x64xf32, #tpu.memory_space<vmem>>)
        %dma_start3A_153 = arith.constant 0 : i32
        %dma_start3A_154 = tpu.memref_slice %arg9[%add3A_131, %dma_start3A_153] : memref<97x128xi32, #tpu.memory_space<vmem>> -> memref<1x128xi32, #tpu.memory_space<vmem>>
        %dma_start3A_155 = tpu.memref_squeeze %dma_start3A_154 : memref<1x128xi32, #tpu.memory_space<vmem>> -> memref<128xi32, #tpu.memory_space<vmem>>
        %dma_start3A_156 = arith.constant 0 : i32
        %dma_start3A_157 = arith.constant 0 : i32
        %dma_start3A_158 = tpu.memref_slice %arg6[%dma_start3A_156, %dma_start3A_157] : memref<10112x64xf32, #tpu.memory_space<vmem_shared>> -> memref<10112x64xf32, #tpu.memory_space<vmem_shared>>
        tpu.enqueue_indirect_dma source(%arg11 : memref<128x64xf32, #tpu.memory_space<vmem>>) target(%dma_start3A_158 : memref<10112x64xf32, #tpu.memory_space<vmem_shared>>) offsets(%dma_start3A_155 : memref<128xi32, #tpu.memory_space<vmem>>) semaphore(%arg17 : memref<!tpu.dma_semaphore, #tpu.memory_space<semaphore_mem>>) {add = true}
        %mul3A_159 = arith.constant 3 : i32
        %mul3A_160 = arith.muli %scan3A_97, %mul3A_159 : i32
        %add3A_161 = arith.constant 2 : i32
        %add3A_162 = arith.addi %mul3A_160, %add3A_161 : i32
        %add3A_163 = arith.constant 2 : i32
        %add3A_164 = arith.addi %add3A_162, %add3A_163 : i32
        %lt3A_165 = arith.constant 96 : i32
        %lt3A_166 = arith.cmpi slt, %add3A_164, %lt3A_165 : i32
        %ge3A_167 = arith.constant 3 : i32
        %ge3A_168 = arith.cmpi sge, %add3A_164, %ge3A_167 : i32
        %and3A_169 = arith.andi %lt3A_166, %ge3A_168 : i1
        %convert_element_type3A_170 = arith.extui %and3A_169 : i1 to i32
        %cond3A_171 = arith.constant 0 : i32
        %cond3A_172 = arith.cmpi ne, %convert_element_type3A_170, %cond3A_171 : i32
        scf.if %cond3A_172 {
          %sub3A = arith.constant 3 : i32
          %sub3A_190 = arith.subi %add3A_164, %sub3A : i32
          %dma_wait3A_191 = arith.constant 0 : i32
          %dma_wait3A_192 = tpu.memref_slice %arg9[%sub3A_190, %dma_wait3A_191] : memref<97x128xi32, #tpu.memory_space<vmem>> -> memref<1x128xi32, #tpu.memory_space<vmem>>
          %dma_wait3A_193 = tpu.memref_squeeze %dma_wait3A_192 : memref<1x128xi32, #tpu.memory_space<vmem>> -> memref<128xi32, #tpu.memory_space<vmem>>
          %dma_wait3A_194 = arith.constant 0 : i32
          %dma_wait3A_195 = arith.constant 0 : i32
          %dma_wait3A_196 = tpu.memref_slice %arg6[%dma_wait3A_194, %dma_wait3A_195] : memref<10112x64xf32, #tpu.memory_space<vmem_shared>> -> memref<10112x64xf32, #tpu.memory_space<vmem_shared>>
          tpu.wait_indirect_dma semaphore(%arg17 : memref<!tpu.dma_semaphore, #tpu.memory_space<semaphore_mem>>) src(%arg11 : memref<128x64xf32, #tpu.memory_space<vmem>>) dst(%dma_wait3A_196 : memref<10112x64xf32, #tpu.memory_space<vmem_shared>>)
        } else {
        }
        %lt3A_173 = arith.constant 96 : i32
        %lt3A_174 = arith.cmpi slt, %add3A_164, %lt3A_173 : i32
        %convert_element_type3A_175 = arith.extui %lt3A_174 : i1 to i32
        %cond3A_176 = arith.constant 0 : i32
        %cond3A_177 = arith.cmpi ne, %convert_element_type3A_175, %cond3A_176 : i32
        scf.if %cond3A_177 {
          %dma_start3A_190 = arith.constant 0 : i32
          %dma_start3A_191 = tpu.memref_slice %arg8[%add3A_164, %dma_start3A_190] : memref<97x128xi32, #tpu.memory_space<vmem>> -> memref<1x128xi32, #tpu.memory_space<vmem>>
          %dma_start3A_192 = tpu.memref_squeeze %dma_start3A_191 : memref<1x128xi32, #tpu.memory_space<vmem>> -> memref<128xi32, #tpu.memory_space<vmem>>
          %dma_start3A_193 = arith.constant 0 : i32
          %dma_start3A_194 = arith.constant 0 : i32
          %dma_start3A_195 = tpu.memref_slice %arg2[%dma_start3A_193, %dma_start3A_194] : memref<10000x64xf32, #tpu.memory_space<hbm>> -> memref<10000x64xf32, #tpu.memory_space<hbm>>
          tpu.enqueue_indirect_dma source(%dma_start3A_195 : memref<10000x64xf32, #tpu.memory_space<hbm>>) target(%arg11 : memref<128x64xf32, #tpu.memory_space<vmem>>) offsets(%dma_start3A_192 : memref<128xi32, #tpu.memory_space<vmem>>) semaphore(%arg14 : memref<!tpu.dma_semaphore, #tpu.memory_space<semaphore_mem>>)
        } else {
        }
        %dma_wait3A_178 = arith.constant 0 : i32
        %dma_wait3A_179 = tpu.memref_slice %arg8[%add3A_162, %dma_wait3A_178] : memref<97x128xi32, #tpu.memory_space<vmem>> -> memref<1x128xi32, #tpu.memory_space<vmem>>
        %dma_wait3A_180 = tpu.memref_squeeze %dma_wait3A_179 : memref<1x128xi32, #tpu.memory_space<vmem>> -> memref<128xi32, #tpu.memory_space<vmem>>
        %dma_wait3A_181 = arith.constant 0 : i32
        %dma_wait3A_182 = arith.constant 0 : i32
        %dma_wait3A_183 = tpu.memref_slice %arg2[%dma_wait3A_181, %dma_wait3A_182] : memref<10000x64xf32, #tpu.memory_space<hbm>> -> memref<10000x64xf32, #tpu.memory_space<hbm>>
        tpu.wait_indirect_dma semaphore(%arg15 : memref<!tpu.dma_semaphore, #tpu.memory_space<semaphore_mem>>) src(%dma_wait3A_183 : memref<10000x64xf32, #tpu.memory_space<hbm>>) dst(%arg12 : memref<128x64xf32, #tpu.memory_space<vmem>>)
        %dma_start3A_184 = arith.constant 0 : i32
        %dma_start3A_185 = tpu.memref_slice %arg9[%add3A_162, %dma_start3A_184] : memref<97x128xi32, #tpu.memory_space<vmem>> -> memref<1x128xi32, #tpu.memory_space<vmem>>
        %dma_start3A_186 = tpu.memref_squeeze %dma_start3A_185 : memref<1x128xi32, #tpu.memory_space<vmem>> -> memref<128xi32, #tpu.memory_space<vmem>>
        %dma_start3A_187 = arith.constant 0 : i32
        %dma_start3A_188 = arith.constant 0 : i32
        %dma_start3A_189 = tpu.memref_slice %arg6[%dma_start3A_187, %dma_start3A_188] : memref<10112x64xf32, #tpu.memory_space<vmem_shared>> -> memref<10112x64xf32, #tpu.memory_space<vmem_shared>>
        tpu.enqueue_indirect_dma source(%arg12 : memref<128x64xf32, #tpu.memory_space<vmem>>) target(%dma_start3A_189 : memref<10112x64xf32, #tpu.memory_space<vmem_shared>>) offsets(%dma_start3A_186 : memref<128xi32, #tpu.memory_space<vmem>>) semaphore(%arg18 : memref<!tpu.dma_semaphore, #tpu.memory_space<semaphore_mem>>) {add = true}
      }
      %scan3A_71 = arith.constant 32 : i32
      %dma_wait3A = arith.constant 93 : i32
      %dma_wait3A_72 = arith.constant 0 : i32
      %dma_wait3A_73 = tpu.memref_slice %arg9[%dma_wait3A, %dma_wait3A_72] : memref<97x128xi32, #tpu.memory_space<vmem>> -> memref<1x128xi32, #tpu.memory_space<vmem>>
      %dma_wait3A_74 = tpu.memref_squeeze %dma_wait3A_73 : memref<1x128xi32, #tpu.memory_space<vmem>> -> memref<128xi32, #tpu.memory_space<vmem>>
      %dma_wait3A_75 = arith.constant 0 : i32
      %dma_wait3A_76 = arith.constant 0 : i32
      %dma_wait3A_77 = tpu.memref_slice %arg6[%dma_wait3A_75, %dma_wait3A_76] : memref<10112x64xf32, #tpu.memory_space<vmem_shared>> -> memref<10112x64xf32, #tpu.memory_space<vmem_shared>>
      tpu.wait_indirect_dma semaphore(%arg16 : memref<!tpu.dma_semaphore, #tpu.memory_space<semaphore_mem>>) src(%arg10 : memref<128x64xf32, #tpu.memory_space<vmem>>) dst(%dma_wait3A_77 : memref<10112x64xf32, #tpu.memory_space<vmem_shared>>)
      %dma_wait3A_78 = arith.constant 94 : i32
      %dma_wait3A_79 = arith.constant 0 : i32
      %dma_wait3A_80 = tpu.memref_slice %arg9[%dma_wait3A_78, %dma_wait3A_79] : memref<97x128xi32, #tpu.memory_space<vmem>> -> memref<1x128xi32, #tpu.memory_space<vmem>>
      %dma_wait3A_81 = tpu.memref_squeeze %dma_wait3A_80 : memref<1x128xi32, #tpu.memory_space<vmem>> -> memref<128xi32, #tpu.memory_space<vmem>>
      %dma_wait3A_82 = arith.constant 0 : i32
      %dma_wait3A_83 = arith.constant 0 : i32
      %dma_wait3A_84 = tpu.memref_slice %arg6[%dma_wait3A_82, %dma_wait3A_83] : memref<10112x64xf32, #tpu.memory_space<vmem_shared>> -> memref<10112x64xf32, #tpu.memory_space<vmem_shared>>
      tpu.wait_indirect_dma semaphore(%arg17 : memref<!tpu.dma_semaphore, #tpu.memory_space<semaphore_mem>>) src(%arg11 : memref<128x64xf32, #tpu.memory_space<vmem>>) dst(%dma_wait3A_84 : memref<10112x64xf32, #tpu.memory_space<vmem_shared>>)
      %dma_wait3A_85 = arith.constant 95 : i32
      %dma_wait3A_86 = arith.constant 0 : i32
      %dma_wait3A_87 = tpu.memref_slice %arg9[%dma_wait3A_85, %dma_wait3A_86] : memref<97x128xi32, #tpu.memory_space<vmem>> -> memref<1x128xi32, #tpu.memory_space<vmem>>
      %dma_wait3A_88 = tpu.memref_squeeze %dma_wait3A_87 : memref<1x128xi32, #tpu.memory_space<vmem>> -> memref<128xi32, #tpu.memory_space<vmem>>
      %dma_wait3A_89 = arith.constant 0 : i32
      %dma_wait3A_90 = arith.constant 0 : i32
      %dma_wait3A_91 = tpu.memref_slice %arg6[%dma_wait3A_89, %dma_wait3A_90] : memref<10112x64xf32, #tpu.memory_space<vmem_shared>> -> memref<10112x64xf32, #tpu.memory_space<vmem_shared>>
      tpu.wait_indirect_dma semaphore(%arg18 : memref<!tpu.dma_semaphore, #tpu.memory_space<semaphore_mem>>) src(%arg12 : memref<128x64xf32, #tpu.memory_space<vmem>>) dst(%dma_wait3A_91 : memref<10112x64xf32, #tpu.memory_space<vmem_shared>>)
      %lt3A_92 = arith.constant 4 : i32
      %lt3A_93 = arith.cmpi slt, %add3A, %lt3A_92 : i32
      %convert_element_type3A_94 = arith.extui %lt3A_93 : i1 to i32
      %cond3A_95 = arith.constant 0 : i32
      %cond3A_96 = arith.cmpi ne, %convert_element_type3A_94, %cond3A_95 : i32
      scf.if %cond3A_96 {
        %dma_start3A_97 = arith.constant 96 : i32
        %dma_start3A_98 = arith.constant 0 : i32
        %dma_start3A_99 = tpu.memref_slice %arg8[%dma_start3A_97, %dma_start3A_98] : memref<97x128xi32, #tpu.memory_space<vmem>> -> memref<1x128xi32, #tpu.memory_space<vmem>>
        %dma_start3A_100 = tpu.memref_squeeze %dma_start3A_99 : memref<1x128xi32, #tpu.memory_space<vmem>> -> memref<128xi32, #tpu.memory_space<vmem>>
        %dma_start3A_101 = arith.constant 0 : i32
        %dma_start3A_102 = arith.constant 0 : i32
        %dma_start3A_103 = tpu.memref_slice %arg2[%dma_start3A_101, %dma_start3A_102] : memref<10000x64xf32, #tpu.memory_space<hbm>> -> memref<10000x64xf32, #tpu.memory_space<hbm>>
        tpu.enqueue_indirect_dma source(%dma_start3A_103 : memref<10000x64xf32, #tpu.memory_space<hbm>>) target(%arg10 : memref<128x64xf32, #tpu.memory_space<vmem>>) offsets(%dma_start3A_100 : memref<128xi32, #tpu.memory_space<vmem>>) semaphore(%arg13 : memref<!tpu.dma_semaphore, #tpu.memory_space<semaphore_mem>>)
        %dma_wait3A_104 = arith.constant 96 : i32
        %dma_wait3A_105 = arith.constant 0 : i32
        %dma_wait3A_106 = tpu.memref_slice %arg8[%dma_wait3A_104, %dma_wait3A_105] : memref<97x128xi32, #tpu.memory_space<vmem>> -> memref<1x128xi32, #tpu.memory_space<vmem>>
        %dma_wait3A_107 = tpu.memref_squeeze %dma_wait3A_106 : memref<1x128xi32, #tpu.memory_space<vmem>> -> memref<128xi32, #tpu.memory_space<vmem>>
        %dma_wait3A_108 = arith.constant 0 : i32
        %dma_wait3A_109 = arith.constant 0 : i32
        %dma_wait3A_110 = tpu.memref_slice %arg2[%dma_wait3A_108, %dma_wait3A_109] : memref<10000x64xf32, #tpu.memory_space<hbm>> -> memref<10000x64xf32, #tpu.memory_space<hbm>>
        tpu.wait_indirect_dma semaphore(%arg13 : memref<!tpu.dma_semaphore, #tpu.memory_space<semaphore_mem>>) src(%dma_wait3A_110 : memref<10000x64xf32, #tpu.memory_space<hbm>>) dst(%arg10 : memref<128x64xf32, #tpu.memory_space<vmem>>)
        %run_scoped3A = arith.constant 96 : i32
        "tpu.region"() ({
          %run_scoped3A_111 = tpu.sem_alloc : memref<!tpu.dma_semaphore, #tpu.memory_space<semaphore_mem>>
          %dma_start3A_112 = arith.constant 0 : i32
          %dma_start3A_113 = tpu.memref_slice %arg9[%run_scoped3A, %dma_start3A_112] : memref<97x128xi32, #tpu.memory_space<vmem>> -> memref<1x128xi32, #tpu.memory_space<vmem>>
          %dma_start3A_114 = tpu.memref_squeeze %dma_start3A_113 : memref<1x128xi32, #tpu.memory_space<vmem>> -> memref<128xi32, #tpu.memory_space<vmem>>
          %dma_start3A_115 = arith.constant 0 : i32
          %dma_start3A_116 = arith.constant 0 : i32
          %dma_start3A_117 = tpu.memref_slice %arg6[%dma_start3A_115, %dma_start3A_116] : memref<10112x64xf32, #tpu.memory_space<vmem_shared>> -> memref<10112x64xf32, #tpu.memory_space<vmem_shared>>
          tpu.enqueue_indirect_dma source(%arg10 : memref<128x64xf32, #tpu.memory_space<vmem>>) target(%dma_start3A_117 : memref<10112x64xf32, #tpu.memory_space<vmem_shared>>) offsets(%dma_start3A_114 : memref<128xi32, #tpu.memory_space<vmem>>) semaphore(%run_scoped3A_111 : memref<!tpu.dma_semaphore, #tpu.memory_space<semaphore_mem>>) {add = true}
          %dma_wait3A_118 = arith.constant 0 : i32
          %dma_wait3A_119 = tpu.memref_slice %arg9[%run_scoped3A, %dma_wait3A_118] : memref<97x128xi32, #tpu.memory_space<vmem>> -> memref<1x128xi32, #tpu.memory_space<vmem>>
          %dma_wait3A_120 = tpu.memref_squeeze %dma_wait3A_119 : memref<1x128xi32, #tpu.memory_space<vmem>> -> memref<128xi32, #tpu.memory_space<vmem>>
          %dma_wait3A_121 = arith.constant 0 : i32
          %dma_wait3A_122 = arith.constant 0 : i32
          %dma_wait3A_123 = tpu.memref_slice %arg6[%dma_wait3A_121, %dma_wait3A_122] : memref<10112x64xf32, #tpu.memory_space<vmem_shared>> -> memref<10112x64xf32, #tpu.memory_space<vmem_shared>>
          tpu.wait_indirect_dma semaphore(%run_scoped3A_111 : memref<!tpu.dma_semaphore, #tpu.memory_space<semaphore_mem>>) src(%arg10 : memref<128x64xf32, #tpu.memory_space<vmem>>) dst(%dma_wait3A_123 : memref<10112x64xf32, #tpu.memory_space<vmem_shared>>)
          tpu.yield
        }) : () -> ()
      } else {
      }
    } else {
    }
    %eq3A_42 = arith.constant 1 : i32
    %eq3A_43 = arith.cmpi eq, %arg0, %eq3A_42 : i32
    %convert_element_type3A_44 = arith.extui %eq3A_43 : i1 to i32
    %cond3A_45 = arith.constant 0 : i32
    %cond3A_46 = arith.cmpi ne, %convert_element_type3A_44, %cond3A_45 : i32
    scf.if %cond3A_46 {
      %dma_start3A = arith.constant 0 : i32
      %dma_start3A_54 = arith.constant 0 : i32
      %dma_start3A_55 = tpu.memref_slice %arg8[%dma_start3A, %dma_start3A_54] : memref<97x128xi32, #tpu.memory_space<vmem>> -> memref<1x128xi32, #tpu.memory_space<vmem>>
      %dma_start3A_56 = tpu.memref_squeeze %dma_start3A_55 : memref<1x128xi32, #tpu.memory_space<vmem>> -> memref<128xi32, #tpu.memory_space<vmem>>
      %dma_start3A_57 = arith.constant 0 : i32
      %dma_start3A_58 = arith.constant 0 : i32
      %dma_start3A_59 = tpu.memref_slice %arg7[%dma_start3A_57, %dma_start3A_58] : memref<10000x64xf32, #tpu.memory_space<vmem_shared>> -> memref<10000x64xf32, #tpu.memory_space<vmem_shared>>
      tpu.enqueue_indirect_dma source(%dma_start3A_59 : memref<10000x64xf32, #tpu.memory_space<vmem_shared>>) target(%arg10 : memref<128x64xf32, #tpu.memory_space<vmem>>) offsets(%dma_start3A_56 : memref<128xi32, #tpu.memory_space<vmem>>) semaphore(%arg13 : memref<!tpu.dma_semaphore, #tpu.memory_space<semaphore_mem>>)
      %dma_start3A_60 = arith.constant 1 : i32
      %dma_start3A_61 = arith.constant 0 : i32
      %dma_start3A_62 = tpu.memref_slice %arg8[%dma_start3A_60, %dma_start3A_61] : memref<97x128xi32, #tpu.memory_space<vmem>> -> memref<1x128xi32, #tpu.memory_space<vmem>>
      %dma_start3A_63 = tpu.memref_squeeze %dma_start3A_62 : memref<1x128xi32, #tpu.memory_space<vmem>> -> memref<128xi32, #tpu.memory_space<vmem>>
      %dma_start3A_64 = arith.constant 0 : i32
      %dma_start3A_65 = arith.constant 0 : i32
      %dma_start3A_66 = tpu.memref_slice %arg7[%dma_start3A_64, %dma_start3A_65] : memref<10000x64xf32, #tpu.memory_space<vmem_shared>> -> memref<10000x64xf32, #tpu.memory_space<vmem_shared>>
      tpu.enqueue_indirect_dma source(%dma_start3A_66 : memref<10000x64xf32, #tpu.memory_space<vmem_shared>>) target(%arg11 : memref<128x64xf32, #tpu.memory_space<vmem>>) offsets(%dma_start3A_63 : memref<128xi32, #tpu.memory_space<vmem>>) semaphore(%arg14 : memref<!tpu.dma_semaphore, #tpu.memory_space<semaphore_mem>>)
      %scan3A = arith.constant 0 : i32
      %scan3A_67 = arith.constant 0 : i32
      %scan3A_68 = arith.constant 20 : i32
      %scan3A_69 = arith.addi %scan3A_67, %scan3A_68 : i32
      %scan3A_70 = arith.constant 1 : i32
      scf.for %scan3A_97 = %scan3A_67 to %scan3A_69 step %scan3A_70  : i32 {
        %mul3A_98 = arith.constant 3 : i32
        %mul3A_99 = arith.muli %scan3A_97, %mul3A_98 : i32
        %add3A_100 = arith.constant 0 : i32
        %add3A_101 = arith.addi %mul3A_99, %add3A_100 : i32
        %add3A_102 = arith.constant 2 : i32
        %add3A_103 = arith.addi %add3A_101, %add3A_102 : i32
        %lt3A_104 = arith.constant 60 : i32
        %lt3A_105 = arith.cmpi slt, %add3A_103, %lt3A_104 : i32
        %ge3A = arith.constant 3 : i32
        %ge3A_106 = arith.cmpi sge, %add3A_103, %ge3A : i32
        %and3A_107 = arith.andi %lt3A_105, %ge3A_106 : i1
        %convert_element_type3A_108 = arith.extui %and3A_107 : i1 to i32
        %cond3A_109 = arith.constant 0 : i32
        %cond3A_110 = arith.cmpi ne, %convert_element_type3A_108, %cond3A_109 : i32
        scf.if %cond3A_110 {
          %sub3A = arith.constant 3 : i32
          %sub3A_190 = arith.subi %add3A_103, %sub3A : i32
          %dma_wait3A_191 = arith.constant 0 : i32
          %dma_wait3A_192 = tpu.memref_slice %arg9[%sub3A_190, %dma_wait3A_191] : memref<97x128xi32, #tpu.memory_space<vmem>> -> memref<1x128xi32, #tpu.memory_space<vmem>>
          %dma_wait3A_193 = tpu.memref_squeeze %dma_wait3A_192 : memref<1x128xi32, #tpu.memory_space<vmem>> -> memref<128xi32, #tpu.memory_space<vmem>>
          %dma_wait3A_194 = arith.constant 0 : i32
          %dma_wait3A_195 = arith.constant 0 : i32
          %dma_wait3A_196 = tpu.memref_slice %arg6[%dma_wait3A_194, %dma_wait3A_195] : memref<10112x64xf32, #tpu.memory_space<vmem_shared>> -> memref<10112x64xf32, #tpu.memory_space<vmem_shared>>
          tpu.wait_indirect_dma semaphore(%arg18 : memref<!tpu.dma_semaphore, #tpu.memory_space<semaphore_mem>>) src(%arg12 : memref<128x64xf32, #tpu.memory_space<vmem>>) dst(%dma_wait3A_196 : memref<10112x64xf32, #tpu.memory_space<vmem_shared>>)
        } else {
        }
        %lt3A_111 = arith.constant 60 : i32
        %lt3A_112 = arith.cmpi slt, %add3A_103, %lt3A_111 : i32
        %convert_element_type3A_113 = arith.extui %lt3A_112 : i1 to i32
        %cond3A_114 = arith.constant 0 : i32
        %cond3A_115 = arith.cmpi ne, %convert_element_type3A_113, %cond3A_114 : i32
        scf.if %cond3A_115 {
          %dma_start3A_190 = arith.constant 0 : i32
          %dma_start3A_191 = tpu.memref_slice %arg8[%add3A_103, %dma_start3A_190] : memref<97x128xi32, #tpu.memory_space<vmem>> -> memref<1x128xi32, #tpu.memory_space<vmem>>
          %dma_start3A_192 = tpu.memref_squeeze %dma_start3A_191 : memref<1x128xi32, #tpu.memory_space<vmem>> -> memref<128xi32, #tpu.memory_space<vmem>>
          %dma_start3A_193 = arith.constant 0 : i32
          %dma_start3A_194 = arith.constant 0 : i32
          %dma_start3A_195 = tpu.memref_slice %arg7[%dma_start3A_193, %dma_start3A_194] : memref<10000x64xf32, #tpu.memory_space<vmem_shared>> -> memref<10000x64xf32, #tpu.memory_space<vmem_shared>>
          tpu.enqueue_indirect_dma source(%dma_start3A_195 : memref<10000x64xf32, #tpu.memory_space<vmem_shared>>) target(%arg12 : memref<128x64xf32, #tpu.memory_space<vmem>>) offsets(%dma_start3A_192 : memref<128xi32, #tpu.memory_space<vmem>>) semaphore(%arg15 : memref<!tpu.dma_semaphore, #tpu.memory_space<semaphore_mem>>)
        } else {
        }
        %dma_wait3A_116 = arith.constant 0 : i32
        %dma_wait3A_117 = tpu.memref_slice %arg8[%add3A_101, %dma_wait3A_116] : memref<97x128xi32, #tpu.memory_space<vmem>> -> memref<1x128xi32, #tpu.memory_space<vmem>>
        %dma_wait3A_118 = tpu.memref_squeeze %dma_wait3A_117 : memref<1x128xi32, #tpu.memory_space<vmem>> -> memref<128xi32, #tpu.memory_space<vmem>>
        %dma_wait3A_119 = arith.constant 0 : i32
        %dma_wait3A_120 = arith.constant 0 : i32
        %dma_wait3A_121 = tpu.memref_slice %arg7[%dma_wait3A_119, %dma_wait3A_120] : memref<10000x64xf32, #tpu.memory_space<vmem_shared>> -> memref<10000x64xf32, #tpu.memory_space<vmem_shared>>
        tpu.wait_indirect_dma semaphore(%arg13 : memref<!tpu.dma_semaphore, #tpu.memory_space<semaphore_mem>>) src(%dma_wait3A_121 : memref<10000x64xf32, #tpu.memory_space<vmem_shared>>) dst(%arg10 : memref<128x64xf32, #tpu.memory_space<vmem>>)
        %dma_start3A_122 = arith.constant 0 : i32
        %dma_start3A_123 = tpu.memref_slice %arg9[%add3A_101, %dma_start3A_122] : memref<97x128xi32, #tpu.memory_space<vmem>> -> memref<1x128xi32, #tpu.memory_space<vmem>>
        %dma_start3A_124 = tpu.memref_squeeze %dma_start3A_123 : memref<1x128xi32, #tpu.memory_space<vmem>> -> memref<128xi32, #tpu.memory_space<vmem>>
        %dma_start3A_125 = arith.constant 0 : i32
        %dma_start3A_126 = arith.constant 0 : i32
        %dma_start3A_127 = tpu.memref_slice %arg6[%dma_start3A_125, %dma_start3A_126] : memref<10112x64xf32, #tpu.memory_space<vmem_shared>> -> memref<10112x64xf32, #tpu.memory_space<vmem_shared>>
        tpu.enqueue_indirect_dma source(%arg10 : memref<128x64xf32, #tpu.memory_space<vmem>>) target(%dma_start3A_127 : memref<10112x64xf32, #tpu.memory_space<vmem_shared>>) offsets(%dma_start3A_124 : memref<128xi32, #tpu.memory_space<vmem>>) semaphore(%arg16 : memref<!tpu.dma_semaphore, #tpu.memory_space<semaphore_mem>>) {add = true}
        %mul3A_128 = arith.constant 3 : i32
        %mul3A_129 = arith.muli %scan3A_97, %mul3A_128 : i32
        %add3A_130 = arith.constant 1 : i32
        %add3A_131 = arith.addi %mul3A_129, %add3A_130 : i32
        %add3A_132 = arith.constant 2 : i32
        %add3A_133 = arith.addi %add3A_131, %add3A_132 : i32
        %lt3A_134 = arith.constant 60 : i32
        %lt3A_135 = arith.cmpi slt, %add3A_133, %lt3A_134 : i32
        %ge3A_136 = arith.constant 3 : i32
        %ge3A_137 = arith.cmpi sge, %add3A_133, %ge3A_136 : i32
        %and3A_138 = arith.andi %lt3A_135, %ge3A_137 : i1
        %convert_element_type3A_139 = arith.extui %and3A_138 : i1 to i32
        %cond3A_140 = arith.constant 0 : i32
        %cond3A_141 = arith.cmpi ne, %convert_element_type3A_139, %cond3A_140 : i32
        scf.if %cond3A_141 {
          %sub3A = arith.constant 3 : i32
          %sub3A_190 = arith.subi %add3A_133, %sub3A : i32
          %dma_wait3A_191 = arith.constant 0 : i32
          %dma_wait3A_192 = tpu.memref_slice %arg9[%sub3A_190, %dma_wait3A_191] : memref<97x128xi32, #tpu.memory_space<vmem>> -> memref<1x128xi32, #tpu.memory_space<vmem>>
          %dma_wait3A_193 = tpu.memref_squeeze %dma_wait3A_192 : memref<1x128xi32, #tpu.memory_space<vmem>> -> memref<128xi32, #tpu.memory_space<vmem>>
          %dma_wait3A_194 = arith.constant 0 : i32
          %dma_wait3A_195 = arith.constant 0 : i32
          %dma_wait3A_196 = tpu.memref_slice %arg6[%dma_wait3A_194, %dma_wait3A_195] : memref<10112x64xf32, #tpu.memory_space<vmem_shared>> -> memref<10112x64xf32, #tpu.memory_space<vmem_shared>>
          tpu.wait_indirect_dma semaphore(%arg16 : memref<!tpu.dma_semaphore, #tpu.memory_space<semaphore_mem>>) src(%arg10 : memref<128x64xf32, #tpu.memory_space<vmem>>) dst(%dma_wait3A_196 : memref<10112x64xf32, #tpu.memory_space<vmem_shared>>)
        } else {
        }
        %lt3A_142 = arith.constant 60 : i32
        %lt3A_143 = arith.cmpi slt, %add3A_133, %lt3A_142 : i32
        %convert_element_type3A_144 = arith.extui %lt3A_143 : i1 to i32
        %cond3A_145 = arith.constant 0 : i32
        %cond3A_146 = arith.cmpi ne, %convert_element_type3A_144, %cond3A_145 : i32
        scf.if %cond3A_146 {
          %dma_start3A_190 = arith.constant 0 : i32
          %dma_start3A_191 = tpu.memref_slice %arg8[%add3A_133, %dma_start3A_190] : memref<97x128xi32, #tpu.memory_space<vmem>> -> memref<1x128xi32, #tpu.memory_space<vmem>>
          %dma_start3A_192 = tpu.memref_squeeze %dma_start3A_191 : memref<1x128xi32, #tpu.memory_space<vmem>> -> memref<128xi32, #tpu.memory_space<vmem>>
          %dma_start3A_193 = arith.constant 0 : i32
          %dma_start3A_194 = arith.constant 0 : i32
          %dma_start3A_195 = tpu.memref_slice %arg7[%dma_start3A_193, %dma_start3A_194] : memref<10000x64xf32, #tpu.memory_space<vmem_shared>> -> memref<10000x64xf32, #tpu.memory_space<vmem_shared>>
          tpu.enqueue_indirect_dma source(%dma_start3A_195 : memref<10000x64xf32, #tpu.memory_space<vmem_shared>>) target(%arg10 : memref<128x64xf32, #tpu.memory_space<vmem>>) offsets(%dma_start3A_192 : memref<128xi32, #tpu.memory_space<vmem>>) semaphore(%arg13 : memref<!tpu.dma_semaphore, #tpu.memory_space<semaphore_mem>>)
        } else {
        }
        %dma_wait3A_147 = arith.constant 0 : i32
        %dma_wait3A_148 = tpu.memref_slice %arg8[%add3A_131, %dma_wait3A_147] : memref<97x128xi32, #tpu.memory_space<vmem>> -> memref<1x128xi32, #tpu.memory_space<vmem>>
        %dma_wait3A_149 = tpu.memref_squeeze %dma_wait3A_148 : memref<1x128xi32, #tpu.memory_space<vmem>> -> memref<128xi32, #tpu.memory_space<vmem>>
        %dma_wait3A_150 = arith.constant 0 : i32
        %dma_wait3A_151 = arith.constant 0 : i32
        %dma_wait3A_152 = tpu.memref_slice %arg7[%dma_wait3A_150, %dma_wait3A_151] : memref<10000x64xf32, #tpu.memory_space<vmem_shared>> -> memref<10000x64xf32, #tpu.memory_space<vmem_shared>>
        tpu.wait_indirect_dma semaphore(%arg14 : memref<!tpu.dma_semaphore, #tpu.memory_space<semaphore_mem>>) src(%dma_wait3A_152 : memref<10000x64xf32, #tpu.memory_space<vmem_shared>>) dst(%arg11 : memref<128x64xf32, #tpu.memory_space<vmem>>)
        %dma_start3A_153 = arith.constant 0 : i32
        %dma_start3A_154 = tpu.memref_slice %arg9[%add3A_131, %dma_start3A_153] : memref<97x128xi32, #tpu.memory_space<vmem>> -> memref<1x128xi32, #tpu.memory_space<vmem>>
        %dma_start3A_155 = tpu.memref_squeeze %dma_start3A_154 : memref<1x128xi32, #tpu.memory_space<vmem>> -> memref<128xi32, #tpu.memory_space<vmem>>
        %dma_start3A_156 = arith.constant 0 : i32
        %dma_start3A_157 = arith.constant 0 : i32
        %dma_start3A_158 = tpu.memref_slice %arg6[%dma_start3A_156, %dma_start3A_157] : memref<10112x64xf32, #tpu.memory_space<vmem_shared>> -> memref<10112x64xf32, #tpu.memory_space<vmem_shared>>
        tpu.enqueue_indirect_dma source(%arg11 : memref<128x64xf32, #tpu.memory_space<vmem>>) target(%dma_start3A_158 : memref<10112x64xf32, #tpu.memory_space<vmem_shared>>) offsets(%dma_start3A_155 : memref<128xi32, #tpu.memory_space<vmem>>) semaphore(%arg17 : memref<!tpu.dma_semaphore, #tpu.memory_space<semaphore_mem>>) {add = true}
        %mul3A_159 = arith.constant 3 : i32
        %mul3A_160 = arith.muli %scan3A_97, %mul3A_159 : i32
        %add3A_161 = arith.constant 2 : i32
        %add3A_162 = arith.addi %mul3A_160, %add3A_161 : i32
        %add3A_163 = arith.constant 2 : i32
        %add3A_164 = arith.addi %add3A_162, %add3A_163 : i32
        %lt3A_165 = arith.constant 60 : i32
        %lt3A_166 = arith.cmpi slt, %add3A_164, %lt3A_165 : i32
        %ge3A_167 = arith.constant 3 : i32
        %ge3A_168 = arith.cmpi sge, %add3A_164, %ge3A_167 : i32
        %and3A_169 = arith.andi %lt3A_166, %ge3A_168 : i1
        %convert_element_type3A_170 = arith.extui %and3A_169 : i1 to i32
        %cond3A_171 = arith.constant 0 : i32
        %cond3A_172 = arith.cmpi ne, %convert_element_type3A_170, %cond3A_171 : i32
        scf.if %cond3A_172 {
          %sub3A = arith.constant 3 : i32
          %sub3A_190 = arith.subi %add3A_164, %sub3A : i32
          %dma_wait3A_191 = arith.constant 0 : i32
          %dma_wait3A_192 = tpu.memref_slice %arg9[%sub3A_190, %dma_wait3A_191] : memref<97x128xi32, #tpu.memory_space<vmem>> -> memref<1x128xi32, #tpu.memory_space<vmem>>
          %dma_wait3A_193 = tpu.memref_squeeze %dma_wait3A_192 : memref<1x128xi32, #tpu.memory_space<vmem>> -> memref<128xi32, #tpu.memory_space<vmem>>
          %dma_wait3A_194 = arith.constant 0 : i32
          %dma_wait3A_195 = arith.constant 0 : i32
          %dma_wait3A_196 = tpu.memref_slice %arg6[%dma_wait3A_194, %dma_wait3A_195] : memref<10112x64xf32, #tpu.memory_space<vmem_shared>> -> memref<10112x64xf32, #tpu.memory_space<vmem_shared>>
          tpu.wait_indirect_dma semaphore(%arg17 : memref<!tpu.dma_semaphore, #tpu.memory_space<semaphore_mem>>) src(%arg11 : memref<128x64xf32, #tpu.memory_space<vmem>>) dst(%dma_wait3A_196 : memref<10112x64xf32, #tpu.memory_space<vmem_shared>>)
        } else {
        }
        %lt3A_173 = arith.constant 60 : i32
        %lt3A_174 = arith.cmpi slt, %add3A_164, %lt3A_173 : i32
        %convert_element_type3A_175 = arith.extui %lt3A_174 : i1 to i32
        %cond3A_176 = arith.constant 0 : i32
        %cond3A_177 = arith.cmpi ne, %convert_element_type3A_175, %cond3A_176 : i32
        scf.if %cond3A_177 {
          %dma_start3A_190 = arith.constant 0 : i32
          %dma_start3A_191 = tpu.memref_slice %arg8[%add3A_164, %dma_start3A_190] : memref<97x128xi32, #tpu.memory_space<vmem>> -> memref<1x128xi32, #tpu.memory_space<vmem>>
          %dma_start3A_192 = tpu.memref_squeeze %dma_start3A_191 : memref<1x128xi32, #tpu.memory_space<vmem>> -> memref<128xi32, #tpu.memory_space<vmem>>
          %dma_start3A_193 = arith.constant 0 : i32
          %dma_start3A_194 = arith.constant 0 : i32
          %dma_start3A_195 = tpu.memref_slice %arg7[%dma_start3A_193, %dma_start3A_194] : memref<10000x64xf32, #tpu.memory_space<vmem_shared>> -> memref<10000x64xf32, #tpu.memory_space<vmem_shared>>
          tpu.enqueue_indirect_dma source(%dma_start3A_195 : memref<10000x64xf32, #tpu.memory_space<vmem_shared>>) target(%arg11 : memref<128x64xf32, #tpu.memory_space<vmem>>) offsets(%dma_start3A_192 : memref<128xi32, #tpu.memory_space<vmem>>) semaphore(%arg14 : memref<!tpu.dma_semaphore, #tpu.memory_space<semaphore_mem>>)
        } else {
        }
        %dma_wait3A_178 = arith.constant 0 : i32
        %dma_wait3A_179 = tpu.memref_slice %arg8[%add3A_162, %dma_wait3A_178] : memref<97x128xi32, #tpu.memory_space<vmem>> -> memref<1x128xi32, #tpu.memory_space<vmem>>
        %dma_wait3A_180 = tpu.memref_squeeze %dma_wait3A_179 : memref<1x128xi32, #tpu.memory_space<vmem>> -> memref<128xi32, #tpu.memory_space<vmem>>
        %dma_wait3A_181 = arith.constant 0 : i32
        %dma_wait3A_182 = arith.constant 0 : i32
        %dma_wait3A_183 = tpu.memref_slice %arg7[%dma_wait3A_181, %dma_wait3A_182] : memref<10000x64xf32, #tpu.memory_space<vmem_shared>> -> memref<10000x64xf32, #tpu.memory_space<vmem_shared>>
        tpu.wait_indirect_dma semaphore(%arg15 : memref<!tpu.dma_semaphore, #tpu.memory_space<semaphore_mem>>) src(%dma_wait3A_183 : memref<10000x64xf32, #tpu.memory_space<vmem_shared>>) dst(%arg12 : memref<128x64xf32, #tpu.memory_space<vmem>>)
        %dma_start3A_184 = arith.constant 0 : i32
        %dma_start3A_185 = tpu.memref_slice %arg9[%add3A_162, %dma_start3A_184] : memref<97x128xi32, #tpu.memory_space<vmem>> -> memref<1x128xi32, #tpu.memory_space<vmem>>
        %dma_start3A_186 = tpu.memref_squeeze %dma_start3A_185 : memref<1x128xi32, #tpu.memory_space<vmem>> -> memref<128xi32, #tpu.memory_space<vmem>>
        %dma_start3A_187 = arith.constant 0 : i32
        %dma_start3A_188 = arith.constant 0 : i32
        %dma_start3A_189 = tpu.memref_slice %arg6[%dma_start3A_187, %dma_start3A_188] : memref<10112x64xf32, #tpu.memory_space<vmem_shared>> -> memref<10112x64xf32, #tpu.memory_space<vmem_shared>>
        tpu.enqueue_indirect_dma source(%arg12 : memref<128x64xf32, #tpu.memory_space<vmem>>) target(%dma_start3A_189 : memref<10112x64xf32, #tpu.memory_space<vmem_shared>>) offsets(%dma_start3A_186 : memref<128xi32, #tpu.memory_space<vmem>>) semaphore(%arg18 : memref<!tpu.dma_semaphore, #tpu.memory_space<semaphore_mem>>) {add = true}
      }
      %scan3A_71 = arith.constant 20 : i32
      %dma_wait3A = arith.constant 57 : i32
      %dma_wait3A_72 = arith.constant 0 : i32
      %dma_wait3A_73 = tpu.memref_slice %arg9[%dma_wait3A, %dma_wait3A_72] : memref<97x128xi32, #tpu.memory_space<vmem>> -> memref<1x128xi32, #tpu.memory_space<vmem>>
      %dma_wait3A_74 = tpu.memref_squeeze %dma_wait3A_73 : memref<1x128xi32, #tpu.memory_space<vmem>> -> memref<128xi32, #tpu.memory_space<vmem>>
      %dma_wait3A_75 = arith.constant 0 : i32
      %dma_wait3A_76 = arith.constant 0 : i32
      %dma_wait3A_77 = tpu.memref_slice %arg6[%dma_wait3A_75, %dma_wait3A_76] : memref<10112x64xf32, #tpu.memory_space<vmem_shared>> -> memref<10112x64xf32, #tpu.memory_space<vmem_shared>>
      tpu.wait_indirect_dma semaphore(%arg16 : memref<!tpu.dma_semaphore, #tpu.memory_space<semaphore_mem>>) src(%arg10 : memref<128x64xf32, #tpu.memory_space<vmem>>) dst(%dma_wait3A_77 : memref<10112x64xf32, #tpu.memory_space<vmem_shared>>)
      %dma_wait3A_78 = arith.constant 58 : i32
      %dma_wait3A_79 = arith.constant 0 : i32
      %dma_wait3A_80 = tpu.memref_slice %arg9[%dma_wait3A_78, %dma_wait3A_79] : memref<97x128xi32, #tpu.memory_space<vmem>> -> memref<1x128xi32, #tpu.memory_space<vmem>>
      %dma_wait3A_81 = tpu.memref_squeeze %dma_wait3A_80 : memref<1x128xi32, #tpu.memory_space<vmem>> -> memref<128xi32, #tpu.memory_space<vmem>>
      %dma_wait3A_82 = arith.constant 0 : i32
      %dma_wait3A_83 = arith.constant 0 : i32
      %dma_wait3A_84 = tpu.memref_slice %arg6[%dma_wait3A_82, %dma_wait3A_83] : memref<10112x64xf32, #tpu.memory_space<vmem_shared>> -> memref<10112x64xf32, #tpu.memory_space<vmem_shared>>
      tpu.wait_indirect_dma semaphore(%arg17 : memref<!tpu.dma_semaphore, #tpu.memory_space<semaphore_mem>>) src(%arg11 : memref<128x64xf32, #tpu.memory_space<vmem>>) dst(%dma_wait3A_84 : memref<10112x64xf32, #tpu.memory_space<vmem_shared>>)
      %dma_wait3A_85 = arith.constant 59 : i32
      %dma_wait3A_86 = arith.constant 0 : i32
      %dma_wait3A_87 = tpu.memref_slice %arg9[%dma_wait3A_85, %dma_wait3A_86] : memref<97x128xi32, #tpu.memory_space<vmem>> -> memref<1x128xi32, #tpu.memory_space<vmem>>
      %dma_wait3A_88 = tpu.memref_squeeze %dma_wait3A_87 : memref<1x128xi32, #tpu.memory_space<vmem>> -> memref<128xi32, #tpu.memory_space<vmem>>
      %dma_wait3A_89 = arith.constant 0 : i32
      %dma_wait3A_90 = arith.constant 0 : i32
      %dma_wait3A_91 = tpu.memref_slice %arg6[%dma_wait3A_89, %dma_wait3A_90] : memref<10112x64xf32, #tpu.memory_space<vmem_shared>> -> memref<10112x64xf32, #tpu.memory_space<vmem_shared>>
      tpu.wait_indirect_dma semaphore(%arg18 : memref<!tpu.dma_semaphore, #tpu.memory_space<semaphore_mem>>) src(%arg12 : memref<128x64xf32, #tpu.memory_space<vmem>>) dst(%dma_wait3A_91 : memref<10112x64xf32, #tpu.memory_space<vmem_shared>>)
      %lt3A_92 = arith.constant 4 : i32
      %lt3A_93 = arith.cmpi slt, %add3A, %lt3A_92 : i32
      %convert_element_type3A_94 = arith.extui %lt3A_93 : i1 to i32
      %cond3A_95 = arith.constant 0 : i32
      %cond3A_96 = arith.cmpi ne, %convert_element_type3A_94, %cond3A_95 : i32
      scf.if %cond3A_96 {
        %dma_start3A_97 = arith.constant 96 : i32
        %dma_start3A_98 = arith.constant 0 : i32
        %dma_start3A_99 = tpu.memref_slice %arg8[%dma_start3A_97, %dma_start3A_98] : memref<97x128xi32, #tpu.memory_space<vmem>> -> memref<1x128xi32, #tpu.memory_space<vmem>>
        %dma_start3A_100 = tpu.memref_squeeze %dma_start3A_99 : memref<1x128xi32, #tpu.memory_space<vmem>> -> memref<128xi32, #tpu.memory_space<vmem>>
        %dma_start3A_101 = arith.constant 0 : i32
        %dma_start3A_102 = arith.constant 0 : i32
        %dma_start3A_103 = tpu.memref_slice %arg7[%dma_start3A_101, %dma_start3A_102] : memref<10000x64xf32, #tpu.memory_space<vmem_shared>> -> memref<10000x64xf32, #tpu.memory_space<vmem_shared>>
        tpu.enqueue_indirect_dma source(%dma_start3A_103 : memref<10000x64xf32, #tpu.memory_space<vmem_shared>>) target(%arg10 : memref<128x64xf32, #tpu.memory_space<vmem>>) offsets(%dma_start3A_100 : memref<128xi32, #tpu.memory_space<vmem>>) semaphore(%arg13 : memref<!tpu.dma_semaphore, #tpu.memory_space<semaphore_mem>>)
        %dma_wait3A_104 = arith.constant 96 : i32
        %dma_wait3A_105 = arith.constant 0 : i32
        %dma_wait3A_106 = tpu.memref_slice %arg8[%dma_wait3A_104, %dma_wait3A_105] : memref<97x128xi32, #tpu.memory_space<vmem>> -> memref<1x128xi32, #tpu.memory_space<vmem>>
        %dma_wait3A_107 = tpu.memref_squeeze %dma_wait3A_106 : memref<1x128xi32, #tpu.memory_space<vmem>> -> memref<128xi32, #tpu.memory_space<vmem>>
        %dma_wait3A_108 = arith.constant 0 : i32
        %dma_wait3A_109 = arith.constant 0 : i32
        %dma_wait3A_110 = tpu.memref_slice %arg7[%dma_wait3A_108, %dma_wait3A_109] : memref<10000x64xf32, #tpu.memory_space<vmem_shared>> -> memref<10000x64xf32, #tpu.memory_space<vmem_shared>>
        tpu.wait_indirect_dma semaphore(%arg13 : memref<!tpu.dma_semaphore, #tpu.memory_space<semaphore_mem>>) src(%dma_wait3A_110 : memref<10000x64xf32, #tpu.memory_space<vmem_shared>>) dst(%arg10 : memref<128x64xf32, #tpu.memory_space<vmem>>)
        %run_scoped3A = arith.constant 96 : i32
        "tpu.region"() ({
          %run_scoped3A_111 = tpu.sem_alloc : memref<!tpu.dma_semaphore, #tpu.memory_space<semaphore_mem>>
          %dma_start3A_112 = arith.constant 0 : i32
          %dma_start3A_113 = tpu.memref_slice %arg9[%run_scoped3A, %dma_start3A_112] : memref<97x128xi32, #tpu.memory_space<vmem>> -> memref<1x128xi32, #tpu.memory_space<vmem>>
          %dma_start3A_114 = tpu.memref_squeeze %dma_start3A_113 : memref<1x128xi32, #tpu.memory_space<vmem>> -> memref<128xi32, #tpu.memory_space<vmem>>
          %dma_start3A_115 = arith.constant 0 : i32
          %dma_start3A_116 = arith.constant 0 : i32
          %dma_start3A_117 = tpu.memref_slice %arg6[%dma_start3A_115, %dma_start3A_116] : memref<10112x64xf32, #tpu.memory_space<vmem_shared>> -> memref<10112x64xf32, #tpu.memory_space<vmem_shared>>
          tpu.enqueue_indirect_dma source(%arg10 : memref<128x64xf32, #tpu.memory_space<vmem>>) target(%dma_start3A_117 : memref<10112x64xf32, #tpu.memory_space<vmem_shared>>) offsets(%dma_start3A_114 : memref<128xi32, #tpu.memory_space<vmem>>) semaphore(%run_scoped3A_111 : memref<!tpu.dma_semaphore, #tpu.memory_space<semaphore_mem>>) {add = true}
          %dma_wait3A_118 = arith.constant 0 : i32
          %dma_wait3A_119 = tpu.memref_slice %arg9[%run_scoped3A, %dma_wait3A_118] : memref<97x128xi32, #tpu.memory_space<vmem>> -> memref<1x128xi32, #tpu.memory_space<vmem>>
          %dma_wait3A_120 = tpu.memref_squeeze %dma_wait3A_119 : memref<1x128xi32, #tpu.memory_space<vmem>> -> memref<128xi32, #tpu.memory_space<vmem>>
          %dma_wait3A_121 = arith.constant 0 : i32
          %dma_wait3A_122 = arith.constant 0 : i32
          %dma_wait3A_123 = tpu.memref_slice %arg6[%dma_wait3A_121, %dma_wait3A_122] : memref<10112x64xf32, #tpu.memory_space<vmem_shared>> -> memref<10112x64xf32, #tpu.memory_space<vmem_shared>>
          tpu.wait_indirect_dma semaphore(%run_scoped3A_111 : memref<!tpu.dma_semaphore, #tpu.memory_space<semaphore_mem>>) src(%arg10 : memref<128x64xf32, #tpu.memory_space<vmem>>) dst(%dma_wait3A_123 : memref<10112x64xf32, #tpu.memory_space<vmem_shared>>)
          tpu.yield
        }) : () -> ()
      } else {
      }
    } else {
    }
    %barrier3A_47 = arith.constant 0 : index
    tpu.barrier barrier_id(%barrier3A_47)
    %mul3A_48 = arith.constant 632 : i32
    %mul3A_49 = arith.muli %arg1, %mul3A_48 : i32
    %mul3A_50 = arith.constant 632 : i32
    %mul3A_51 = arith.muli %arg1, %mul3A_50 : i32
    %mul3A_52 = arith.constant 64 : i32
    %mul3A_53 = arith.muli %arg0, %mul3A_52 : i32
    "tpu.region"() ({
      %run_scoped3A = tpu.sem_alloc : memref<!tpu.dma_semaphore, #tpu.memory_space<semaphore_mem>>
      %dma_start3A = tpu.memref_slice %arg5[%mul3A_51, %mul3A_53] : memref<10112x128xf32, #tpu.memory_space<hbm>> -> memref<632x64xf32, #tpu.memory_space<hbm>>
      %dma_start3A_54 = arith.constant 0 : i32
      %dma_start3A_55 = tpu.memref_slice %arg6[%mul3A_49, %dma_start3A_54] : memref<10112x64xf32, #tpu.memory_space<vmem_shared>> -> memref<632x64xf32, #tpu.memory_space<vmem_shared>>
      tpu.enqueue_dma source(%dma_start3A_55 : memref<632x64xf32, #tpu.memory_space<vmem_shared>>) target(%dma_start3A : memref<632x64xf32, #tpu.memory_space<hbm>>) target_semaphore(%run_scoped3A : memref<!tpu.dma_semaphore, #tpu.memory_space<semaphore_mem>>)
      %dma_wait3A = tpu.memref_slice %arg5[%mul3A_51, %mul3A_53] : memref<10112x128xf32, #tpu.memory_space<hbm>> -> memref<632x64xf32, #tpu.memory_space<hbm>>
      %dma_wait3A_56 = arith.constant 0 : i32
      %dma_wait3A_57 = tpu.memref_slice %arg6[%mul3A_49, %dma_wait3A_56] : memref<10112x64xf32, #tpu.memory_space<vmem_shared>> -> memref<632x64xf32, #tpu.memory_space<vmem_shared>>
      tpu.wait_dma2 semaphore(%run_scoped3A : memref<!tpu.dma_semaphore, #tpu.memory_space<semaphore_mem>>) src(%dma_wait3A_57 : memref<632x64xf32, #tpu.memory_space<vmem_shared>>) dst(%dma_wait3A : memref<632x64xf32, #tpu.memory_space<hbm>>)
      tpu.yield
    }) : () -> ()
    return
  }
}

#map = affine_map<(d0, d1) -> (0, 0)>
#map1 = affine_map<(d0, d1) -> (0, 0, 0)>
module attributes {stable_mosaic.version = 14 : i64} {
  func.func @_agg_body(%arg0: i32, %arg1: i32, %arg2: memref<10000x64xf32, #tpu.memory_space<hbm>>, %arg3: memref<2x2500x128xi32, #tpu.memory_space<hbm>>, %arg4: memref<10112x64xf32, #tpu.memory_space<hbm>>, %arg5: memref<10112x128xf32, #tpu.memory_space<hbm>>, %arg6: memref<10112x64xf32, #tpu.memory_space<vmem_shared>>, %arg7: memref<10000x64xf32, #tpu.memory_space<vmem_shared>>, %arg8: memref<97x128xi32, #tpu.memory_space<vmem>>, %arg9: memref<97x128xi32, #tpu.memory_space<vmem>>, %arg10: memref<128x64xf32, #tpu.memory_space<vmem>>, %arg11: memref<128x64xf32, #tpu.memory_space<vmem>>, %arg12: memref<128x64xf32, #tpu.memory_space<vmem>>, %arg13: memref<!tpu.dma_semaphore, #tpu.memory_space<semaphore_mem>>, %arg14: memref<!tpu.dma_semaphore, #tpu.memory_space<semaphore_mem>>, %arg15: memref<!tpu.dma_semaphore, #tpu.memory_space<semaphore_mem>>, %arg16: memref<!tpu.dma_semaphore, #tpu.memory_space<semaphore_mem>>, %arg17: memref<!tpu.dma_semaphore, #tpu.memory_space<semaphore_mem>>, %arg18: memref<!tpu.dma_semaphore, #tpu.memory_space<semaphore_mem>>) attributes {dimension_semantics = [#tpu.dimension_semantics<core_parallel>, #tpu.dimension_semantics<subcore_parallel>], iteration_bounds = array<i64: 2, 16>, scalar_prefetch = 0 : i64, scratch_operands = 13 : i64, tpu.core_type = #tpu.core_type<sc_vector_subcore>, window_params = [{transform_indices = #map}, {transform_indices = #map1}, {transform_indices = #map}, {transform_indices = #map}]} {
    %mul3A = arith.constant 2 : i32
    %mul3A_0 = arith.muli %arg1, %mul3A : i32
    %add3A = arith.addi %mul3A_0, %arg0 : i32
    %eq3A = arith.constant 0 : i32
    %eq3A_1 = arith.cmpi eq, %arg0, %eq3A : i32
    %mul3A_2 = arith.constant 96 : i32
    %mul3A_3 = arith.muli %arg1, %mul3A_2 : i32
    %mul3A_4 = arith.constant 60 : i32
    %mul3A_5 = arith.muli %arg1, %mul3A_4 : i32
    %add3A_6 = arith.constant 1536 : i32
    %add3A_7 = arith.addi %add3A_6, %mul3A_5 : i32
    %select_n3A = arith.select %eq3A_1, %mul3A_3, %add3A_7 : i32
    %eq3A_8 = arith.constant 0 : i32
    %eq3A_9 = arith.cmpi eq, %arg0, %eq3A_8 : i32
    %convert_element_type3A = arith.extui %eq3A_9 : i1 to i32
    %cond3A = arith.constant 0 : i32
    %cond3A_10 = arith.cmpi ne, %convert_element_type3A, %cond3A : i32
    scf.if %cond3A_10 {
      %run_scoped3A = arith.constant 0 : i32
      "tpu.region"() ({
        %run_scoped3A_55 = tpu.sem_alloc : memref<!tpu.dma_semaphore, #tpu.memory_space<semaphore_mem>>
        %dma_start3A = arith.constant 0 : i32
        %dma_start3A_56 = arith.constant 0 : i32
        %dma_start3A_57 = tpu.memref_slice %arg8[%dma_start3A, %dma_start3A_56] : memref<97x128xi32, #tpu.memory_space<vmem>> -> memref<96x128xi32, #tpu.memory_space<vmem>>
        %dma_start3A_58 = arith.constant 0 : i32
        %dma_start3A_59 = tpu.memref_slice %arg3[%run_scoped3A, %select_n3A, %dma_start3A_58] : memref<2x2500x128xi32, #tpu.memory_space<hbm>> -> memref<1x96x128xi32, #tpu.memory_space<hbm>>
        %dma_start3A_60 = tpu.memref_squeeze %dma_start3A_59 : memref<1x96x128xi32, #tpu.memory_space<hbm>> -> memref<96x128xi32, #tpu.memory_space<hbm>>
        %dma_start3A_61 = arith.constant 0 : i32
        %dma_start3A_62 = arith.constant 0 : i32
        %dma_start3A_63 = tpu.memref_slice %arg8[%dma_start3A_61, %dma_start3A_62] : memref<97x128xi32, #tpu.memory_space<vmem>> -> memref<96x128xi32, #tpu.memory_space<vmem>>
        %dma_start3A_64 = arith.constant 0 : i32
        %dma_start3A_65 = tpu.memref_slice %arg3[%run_scoped3A, %select_n3A, %dma_start3A_64] : memref<2x2500x128xi32, #tpu.memory_space<hbm>> -> memref<1x96x128xi32, #tpu.memory_space<hbm>>
        %dma_start3A_66 = tpu.memref_squeeze %dma_start3A_65 : memref<1x96x128xi32, #tpu.memory_space<hbm>> -> memref<96x128xi32, #tpu.memory_space<hbm>>
        tpu.enqueue_dma source(%dma_start3A_66 : memref<96x128xi32, #tpu.memory_space<hbm>>) target(%dma_start3A_63 : memref<96x128xi32, #tpu.memory_space<vmem>>) target_semaphore(%run_scoped3A_55 : memref<!tpu.dma_semaphore, #tpu.memory_space<semaphore_mem>>)
        %dma_wait3A = arith.constant 0 : i32
        %dma_wait3A_67 = arith.constant 0 : i32
        %dma_wait3A_68 = tpu.memref_slice %arg8[%dma_wait3A, %dma_wait3A_67] : memref<97x128xi32, #tpu.memory_space<vmem>> -> memref<96x128xi32, #tpu.memory_space<vmem>>
        %dma_wait3A_69 = arith.constant 0 : i32
        %dma_wait3A_70 = tpu.memref_slice %arg3[%run_scoped3A, %select_n3A, %dma_wait3A_69] : memref<2x2500x128xi32, #tpu.memory_space<hbm>> -> memref<1x96x128xi32, #tpu.memory_space<hbm>>
        %dma_wait3A_71 = tpu.memref_squeeze %dma_wait3A_70 : memref<1x96x128xi32, #tpu.memory_space<hbm>> -> memref<96x128xi32, #tpu.memory_space<hbm>>
        %dma_wait3A_72 = arith.constant 0 : i32
        %dma_wait3A_73 = arith.constant 0 : i32
        %dma_wait3A_74 = tpu.memref_slice %arg8[%dma_wait3A_72, %dma_wait3A_73] : memref<97x128xi32, #tpu.memory_space<vmem>> -> memref<96x128xi32, #tpu.memory_space<vmem>>
        %dma_wait3A_75 = arith.constant 0 : i32
        %dma_wait3A_76 = tpu.memref_slice %arg3[%run_scoped3A, %select_n3A, %dma_wait3A_75] : memref<2x2500x128xi32, #tpu.memory_space<hbm>> -> memref<1x96x128xi32, #tpu.memory_space<hbm>>
        %dma_wait3A_77 = tpu.memref_squeeze %dma_wait3A_76 : memref<1x96x128xi32, #tpu.memory_space<hbm>> -> memref<96x128xi32, #tpu.memory_space<hbm>>
        tpu.wait_dma2 semaphore(%run_scoped3A_55 : memref<!tpu.dma_semaphore, #tpu.memory_space<semaphore_mem>>) src(%dma_wait3A_77 : memref<96x128xi32, #tpu.memory_space<hbm>>) dst(%dma_wait3A_74 : memref<96x128xi32, #tpu.memory_space<vmem>>)
        tpu.yield
      }) : () -> ()
      %run_scoped3A_54 = arith.constant 1 : i32
      "tpu.region"() ({
        %run_scoped3A_55 = tpu.sem_alloc : memref<!tpu.dma_semaphore, #tpu.memory_space<semaphore_mem>>
        %dma_start3A = arith.constant 0 : i32
        %dma_start3A_56 = arith.constant 0 : i32
        %dma_start3A_57 = tpu.memref_slice %arg9[%dma_start3A, %dma_start3A_56] : memref<97x128xi32, #tpu.memory_space<vmem>> -> memref<96x128xi32, #tpu.memory_space<vmem>>
        %dma_start3A_58 = arith.constant 0 : i32
        %dma_start3A_59 = tpu.memref_slice %arg3[%run_scoped3A_54, %select_n3A, %dma_start3A_58] : memref<2x2500x128xi32, #tpu.memory_space<hbm>> -> memref<1x96x128xi32, #tpu.memory_space<hbm>>
        %dma_start3A_60 = tpu.memref_squeeze %dma_start3A_59 : memref<1x96x128xi32, #tpu.memory_space<hbm>> -> memref<96x128xi32, #tpu.memory_space<hbm>>
        %dma_start3A_61 = arith.constant 0 : i32
        %dma_start3A_62 = arith.constant 0 : i32
        %dma_start3A_63 = tpu.memref_slice %arg9[%dma_start3A_61, %dma_start3A_62] : memref<97x128xi32, #tpu.memory_space<vmem>> -> memref<96x128xi32, #tpu.memory_space<vmem>>
        %dma_start3A_64 = arith.constant 0 : i32
        %dma_start3A_65 = tpu.memref_slice %arg3[%run_scoped3A_54, %select_n3A, %dma_start3A_64] : memref<2x2500x128xi32, #tpu.memory_space<hbm>> -> memref<1x96x128xi32, #tpu.memory_space<hbm>>
        %dma_start3A_66 = tpu.memref_squeeze %dma_start3A_65 : memref<1x96x128xi32, #tpu.memory_space<hbm>> -> memref<96x128xi32, #tpu.memory_space<hbm>>
        tpu.enqueue_dma source(%dma_start3A_66 : memref<96x128xi32, #tpu.memory_space<hbm>>) target(%dma_start3A_63 : memref<96x128xi32, #tpu.memory_space<vmem>>) target_semaphore(%run_scoped3A_55 : memref<!tpu.dma_semaphore, #tpu.memory_space<semaphore_mem>>)
        %dma_wait3A = arith.constant 0 : i32
        %dma_wait3A_67 = arith.constant 0 : i32
        %dma_wait3A_68 = tpu.memref_slice %arg9[%dma_wait3A, %dma_wait3A_67] : memref<97x128xi32, #tpu.memory_space<vmem>> -> memref<96x128xi32, #tpu.memory_space<vmem>>
        %dma_wait3A_69 = arith.constant 0 : i32
        %dma_wait3A_70 = tpu.memref_slice %arg3[%run_scoped3A_54, %select_n3A, %dma_wait3A_69] : memref<2x2500x128xi32, #tpu.memory_space<hbm>> -> memref<1x96x128xi32, #tpu.memory_space<hbm>>
        %dma_wait3A_71 = tpu.memref_squeeze %dma_wait3A_70 : memref<1x96x128xi32, #tpu.memory_space<hbm>> -> memref<96x128xi32, #tpu.memory_space<hbm>>
        %dma_wait3A_72 = arith.constant 0 : i32
        %dma_wait3A_73 = arith.constant 0 : i32
        %dma_wait3A_74 = tpu.memref_slice %arg9[%dma_wait3A_72, %dma_wait3A_73] : memref<97x128xi32, #tpu.memory_space<vmem>> -> memref<96x128xi32, #tpu.memory_space<vmem>>
        %dma_wait3A_75 = arith.constant 0 : i32
        %dma_wait3A_76 = tpu.memref_slice %arg3[%run_scoped3A_54, %select_n3A, %dma_wait3A_75] : memref<2x2500x128xi32, #tpu.memory_space<hbm>> -> memref<1x96x128xi32, #tpu.memory_space<hbm>>
        %dma_wait3A_77 = tpu.memref_squeeze %dma_wait3A_76 : memref<1x96x128xi32, #tpu.memory_space<hbm>> -> memref<96x128xi32, #tpu.memory_space<hbm>>
        tpu.wait_dma2 semaphore(%run_scoped3A_55 : memref<!tpu.dma_semaphore, #tpu.memory_space<semaphore_mem>>) src(%dma_wait3A_77 : memref<96x128xi32, #tpu.memory_space<hbm>>) dst(%dma_wait3A_74 : memref<96x128xi32, #tpu.memory_space<vmem>>)
        tpu.yield
      }) : () -> ()
    } else {
    }
    %eq3A_11 = arith.constant 1 : i32
    %eq3A_12 = arith.cmpi eq, %arg0, %eq3A_11 : i32
    %convert_element_type3A_13 = arith.extui %eq3A_12 : i1 to i32
    %cond3A_14 = arith.constant 0 : i32
    %cond3A_15 = arith.cmpi ne, %convert_element_type3A_13, %cond3A_14 : i32
    scf.if %cond3A_15 {
      %run_scoped3A = arith.constant 0 : i32
      "tpu.region"() ({
        %run_scoped3A_55 = tpu.sem_alloc : memref<!tpu.dma_semaphore, #tpu.memory_space<semaphore_mem>>
        %dma_start3A = arith.constant 0 : i32
        %dma_start3A_56 = arith.constant 0 : i32
        %dma_start3A_57 = tpu.memref_slice %arg8[%dma_start3A, %dma_start3A_56] : memref<97x128xi32, #tpu.memory_space<vmem>> -> memref<60x128xi32, #tpu.memory_space<vmem>>
        %dma_start3A_58 = arith.constant 0 : i32
        %dma_start3A_59 = tpu.memref_slice %arg3[%run_scoped3A, %select_n3A, %dma_start3A_58] : memref<2x2500x128xi32, #tpu.memory_space<hbm>> -> memref<1x60x128xi32, #tpu.memory_space<hbm>>
        %dma_start3A_60 = tpu.memref_squeeze %dma_start3A_59 : memref<1x60x128xi32, #tpu.memory_space<hbm>> -> memref<60x128xi32, #tpu.memory_space<hbm>>
        %dma_start3A_61 = arith.constant 0 : i32
        %dma_start3A_62 = arith.constant 0 : i32
        %dma_start3A_63 = tpu.memref_slice %arg8[%dma_start3A_61, %dma_start3A_62] : memref<97x128xi32, #tpu.memory_space<vmem>> -> memref<60x128xi32, #tpu.memory_space<vmem>>
        %dma_start3A_64 = arith.constant 0 : i32
        %dma_start3A_65 = tpu.memref_slice %arg3[%run_scoped3A, %select_n3A, %dma_start3A_64] : memref<2x2500x128xi32, #tpu.memory_space<hbm>> -> memref<1x60x128xi32, #tpu.memory_space<hbm>>
        %dma_start3A_66 = tpu.memref_squeeze %dma_start3A_65 : memref<1x60x128xi32, #tpu.memory_space<hbm>> -> memref<60x128xi32, #tpu.memory_space<hbm>>
        tpu.enqueue_dma source(%dma_start3A_66 : memref<60x128xi32, #tpu.memory_space<hbm>>) target(%dma_start3A_63 : memref<60x128xi32, #tpu.memory_space<vmem>>) target_semaphore(%run_scoped3A_55 : memref<!tpu.dma_semaphore, #tpu.memory_space<semaphore_mem>>)
        %dma_wait3A = arith.constant 0 : i32
        %dma_wait3A_67 = arith.constant 0 : i32
        %dma_wait3A_68 = tpu.memref_slice %arg8[%dma_wait3A, %dma_wait3A_67] : memref<97x128xi32, #tpu.memory_space<vmem>> -> memref<60x128xi32, #tpu.memory_space<vmem>>
        %dma_wait3A_69 = arith.constant 0 : i32
        %dma_wait3A_70 = tpu.memref_slice %arg3[%run_scoped3A, %select_n3A, %dma_wait3A_69] : memref<2x2500x128xi32, #tpu.memory_space<hbm>> -> memref<1x60x128xi32, #tpu.memory_space<hbm>>
        %dma_wait3A_71 = tpu.memref_squeeze %dma_wait3A_70 : memref<1x60x128xi32, #tpu.memory_space<hbm>> -> memref<60x128xi32, #tpu.memory_space<hbm>>
        %dma_wait3A_72 = arith.constant 0 : i32
        %dma_wait3A_73 = arith.constant 0 : i32
        %dma_wait3A_74 = tpu.memref_slice %arg8[%dma_wait3A_72, %dma_wait3A_73] : memref<97x128xi32, #tpu.memory_space<vmem>> -> memref<60x128xi32, #tpu.memory_space<vmem>>
        %dma_wait3A_75 = arith.constant 0 : i32
        %dma_wait3A_76 = tpu.memref_slice %arg3[%run_scoped3A, %select_n3A, %dma_wait3A_75] : memref<2x2500x128xi32, #tpu.memory_space<hbm>> -> memref<1x60x128xi32, #tpu.memory_space<hbm>>
        %dma_wait3A_77 = tpu.memref_squeeze %dma_wait3A_76 : memref<1x60x128xi32, #tpu.memory_space<hbm>> -> memref<60x128xi32, #tpu.memory_space<hbm>>
        tpu.wait_dma2 semaphore(%run_scoped3A_55 : memref<!tpu.dma_semaphore, #tpu.memory_space<semaphore_mem>>) src(%dma_wait3A_77 : memref<60x128xi32, #tpu.memory_space<hbm>>) dst(%dma_wait3A_74 : memref<60x128xi32, #tpu.memory_space<vmem>>)
        tpu.yield
      }) : () -> ()
      %run_scoped3A_54 = arith.constant 1 : i32
      "tpu.region"() ({
        %run_scoped3A_55 = tpu.sem_alloc : memref<!tpu.dma_semaphore, #tpu.memory_space<semaphore_mem>>
        %dma_start3A = arith.constant 0 : i32
        %dma_start3A_56 = arith.constant 0 : i32
        %dma_start3A_57 = tpu.memref_slice %arg9[%dma_start3A, %dma_start3A_56] : memref<97x128xi32, #tpu.memory_space<vmem>> -> memref<60x128xi32, #tpu.memory_space<vmem>>
        %dma_start3A_58 = arith.constant 0 : i32
        %dma_start3A_59 = tpu.memref_slice %arg3[%run_scoped3A_54, %select_n3A, %dma_start3A_58] : memref<2x2500x128xi32, #tpu.memory_space<hbm>> -> memref<1x60x128xi32, #tpu.memory_space<hbm>>
        %dma_start3A_60 = tpu.memref_squeeze %dma_start3A_59 : memref<1x60x128xi32, #tpu.memory_space<hbm>> -> memref<60x128xi32, #tpu.memory_space<hbm>>
        %dma_start3A_61 = arith.constant 0 : i32
        %dma_start3A_62 = arith.constant 0 : i32
        %dma_start3A_63 = tpu.memref_slice %arg9[%dma_start3A_61, %dma_start3A_62] : memref<97x128xi32, #tpu.memory_space<vmem>> -> memref<60x128xi32, #tpu.memory_space<vmem>>
        %dma_start3A_64 = arith.constant 0 : i32
        %dma_start3A_65 = tpu.memref_slice %arg3[%run_scoped3A_54, %select_n3A, %dma_start3A_64] : memref<2x2500x128xi32, #tpu.memory_space<hbm>> -> memref<1x60x128xi32, #tpu.memory_space<hbm>>
        %dma_start3A_66 = tpu.memref_squeeze %dma_start3A_65 : memref<1x60x128xi32, #tpu.memory_space<hbm>> -> memref<60x128xi32, #tpu.memory_space<hbm>>
        tpu.enqueue_dma source(%dma_start3A_66 : memref<60x128xi32, #tpu.memory_space<hbm>>) target(%dma_start3A_63 : memref<60x128xi32, #tpu.memory_space<vmem>>) target_semaphore(%run_scoped3A_55 : memref<!tpu.dma_semaphore, #tpu.memory_space<semaphore_mem>>)
        %dma_wait3A = arith.constant 0 : i32
        %dma_wait3A_67 = arith.constant 0 : i32
        %dma_wait3A_68 = tpu.memref_slice %arg9[%dma_wait3A, %dma_wait3A_67] : memref<97x128xi32, #tpu.memory_space<vmem>> -> memref<60x128xi32, #tpu.memory_space<vmem>>
        %dma_wait3A_69 = arith.constant 0 : i32
        %dma_wait3A_70 = tpu.memref_slice %arg3[%run_scoped3A_54, %select_n3A, %dma_wait3A_69] : memref<2x2500x128xi32, #tpu.memory_space<hbm>> -> memref<1x60x128xi32, #tpu.memory_space<hbm>>
        %dma_wait3A_71 = tpu.memref_squeeze %dma_wait3A_70 : memref<1x60x128xi32, #tpu.memory_space<hbm>> -> memref<60x128xi32, #tpu.memory_space<hbm>>
        %dma_wait3A_72 = arith.constant 0 : i32
        %dma_wait3A_73 = arith.constant 0 : i32
        %dma_wait3A_74 = tpu.memref_slice %arg9[%dma_wait3A_72, %dma_wait3A_73] : memref<97x128xi32, #tpu.memory_space<vmem>> -> memref<60x128xi32, #tpu.memory_space<vmem>>
        %dma_wait3A_75 = arith.constant 0 : i32
        %dma_wait3A_76 = tpu.memref_slice %arg3[%run_scoped3A_54, %select_n3A, %dma_wait3A_75] : memref<2x2500x128xi32, #tpu.memory_space<hbm>> -> memref<1x60x128xi32, #tpu.memory_space<hbm>>
        %dma_wait3A_77 = tpu.memref_squeeze %dma_wait3A_76 : memref<1x60x128xi32, #tpu.memory_space<hbm>> -> memref<60x128xi32, #tpu.memory_space<hbm>>
        tpu.wait_dma2 semaphore(%run_scoped3A_55 : memref<!tpu.dma_semaphore, #tpu.memory_space<semaphore_mem>>) src(%dma_wait3A_77 : memref<60x128xi32, #tpu.memory_space<hbm>>) dst(%dma_wait3A_74 : memref<60x128xi32, #tpu.memory_space<vmem>>)
        tpu.yield
      }) : () -> ()
    } else {
    }
    %lt3A = arith.constant 4 : i32
    %lt3A_16 = arith.cmpi slt, %add3A, %lt3A : i32
    %convert_element_type3A_17 = arith.extui %lt3A_16 : i1 to i32
    %cond3A_18 = arith.constant 0 : i32
    %cond3A_19 = arith.cmpi ne, %convert_element_type3A_17, %cond3A_18 : i32
    scf.if %cond3A_19 {
      %add3A_54 = arith.constant 2496 : i32
      %add3A_55 = arith.addi %add3A_54, %add3A : i32
      %run_scoped3A = arith.constant 0 : i32
      "tpu.region"() ({
        %run_scoped3A_59 = tpu.sem_alloc : memref<!tpu.dma_semaphore, #tpu.memory_space<semaphore_mem>>
        %dma_start3A = arith.constant 96 : i32
        %dma_start3A_60 = arith.constant 0 : i32
        %dma_start3A_61 = tpu.memref_slice %arg8[%dma_start3A, %dma_start3A_60] : memref<97x128xi32, #tpu.memory_space<vmem>> -> memref<1x128xi32, #tpu.memory_space<vmem>>
        %dma_start3A_62 = arith.constant 0 : i32
        %dma_start3A_63 = tpu.memref_slice %arg3[%run_scoped3A, %add3A_55, %dma_start3A_62] : memref<2x2500x128xi32, #tpu.memory_space<hbm>> -> memref<1x1x128xi32, #tpu.memory_space<hbm>>
        %dma_start3A_64 = tpu.memref_squeeze %dma_start3A_63 : memref<1x1x128xi32, #tpu.memory_space<hbm>> -> memref<1x128xi32, #tpu.memory_space<hbm>>
        %dma_start3A_65 = arith.constant 96 : i32
        %dma_start3A_66 = arith.constant 0 : i32
        %dma_start3A_67 = tpu.memref_slice %arg8[%dma_start3A_65, %dma_start3A_66] : memref<97x128xi32, #tpu.memory_space<vmem>> -> memref<1x128xi32, #tpu.memory_space<vmem>>
        %dma_start3A_68 = arith.constant 0 : i32
        %dma_start3A_69 = tpu.memref_slice %arg3[%run_scoped3A, %add3A_55, %dma_start3A_68] : memref<2x2500x128xi32, #tpu.memory_space<hbm>> -> memref<1x1x128xi32, #tpu.memory_space<hbm>>
        %dma_start3A_70 = tpu.memref_squeeze %dma_start3A_69 : memref<1x1x128xi32, #tpu.memory_space<hbm>> -> memref<1x128xi32, #tpu.memory_space<hbm>>
        tpu.enqueue_dma source(%dma_start3A_70 : memref<1x128xi32, #tpu.memory_space<hbm>>) target(%dma_start3A_67 : memref<1x128xi32, #tpu.memory_space<vmem>>) target_semaphore(%run_scoped3A_59 : memref<!tpu.dma_semaphore, #tpu.memory_space<semaphore_mem>>)
        %dma_wait3A = arith.constant 96 : i32
        %dma_wait3A_71 = arith.constant 0 : i32
        %dma_wait3A_72 = tpu.memref_slice %arg8[%dma_wait3A, %dma_wait3A_71] : memref<97x128xi32, #tpu.memory_space<vmem>> -> memref<1x128xi32, #tpu.memory_space<vmem>>
        %dma_wait3A_73 = arith.constant 0 : i32
        %dma_wait3A_74 = tpu.memref_slice %arg3[%run_scoped3A, %add3A_55, %dma_wait3A_73] : memref<2x2500x128xi32, #tpu.memory_space<hbm>> -> memref<1x1x128xi32, #tpu.memory_space<hbm>>
        %dma_wait3A_75 = tpu.memref_squeeze %dma_wait3A_74 : memref<1x1x128xi32, #tpu.memory_space<hbm>> -> memref<1x128xi32, #tpu.memory_space<hbm>>
        %dma_wait3A_76 = arith.constant 96 : i32
        %dma_wait3A_77 = arith.constant 0 : i32
        %dma_wait3A_78 = tpu.memref_slice %arg8[%dma_wait3A_76, %dma_wait3A_77] : memref<97x128xi32, #tpu.memory_space<vmem>> -> memref<1x128xi32, #tpu.memory_space<vmem>>
        %dma_wait3A_79 = arith.constant 0 : i32
        %dma_wait3A_80 = tpu.memref_slice %arg3[%run_scoped3A, %add3A_55, %dma_wait3A_79] : memref<2x2500x128xi32, #tpu.memory_space<hbm>> -> memref<1x1x128xi32, #tpu.memory_space<hbm>>
        %dma_wait3A_81 = tpu.memref_squeeze %dma_wait3A_80 : memref<1x1x128xi32, #tpu.memory_space<hbm>> -> memref<1x128xi32, #tpu.memory_space<hbm>>
        tpu.wait_dma2 semaphore(%run_scoped3A_59 : memref<!tpu.dma_semaphore, #tpu.memory_space<semaphore_mem>>) src(%dma_wait3A_81 : memref<1x128xi32, #tpu.memory_space<hbm>>) dst(%dma_wait3A_78 : memref<1x128xi32, #tpu.memory_space<vmem>>)
        tpu.yield
      }) : () -> ()
      %add3A_56 = arith.constant 2496 : i32
      %add3A_57 = arith.addi %add3A_56, %add3A : i32
      %run_scoped3A_58 = arith.constant 1 : i32
      "tpu.region"() ({
        %run_scoped3A_59 = tpu.sem_alloc : memref<!tpu.dma_semaphore, #tpu.memory_space<semaphore_mem>>
        %dma_start3A = arith.constant 96 : i32
        %dma_start3A_60 = arith.constant 0 : i32
        %dma_start3A_61 = tpu.memref_slice %arg9[%dma_start3A, %dma_start3A_60] : memref<97x128xi32, #tpu.memory_space<vmem>> -> memref<1x128xi32, #tpu.memory_space<vmem>>
        %dma_start3A_62 = arith.constant 0 : i32
        %dma_start3A_63 = tpu.memref_slice %arg3[%run_scoped3A_58, %add3A_57, %dma_start3A_62] : memref<2x2500x128xi32, #tpu.memory_space<hbm>> -> memref<1x1x128xi32, #tpu.memory_space<hbm>>
        %dma_start3A_64 = tpu.memref_squeeze %dma_start3A_63 : memref<1x1x128xi32, #tpu.memory_space<hbm>> -> memref<1x128xi32, #tpu.memory_space<hbm>>
        %dma_start3A_65 = arith.constant 96 : i32
        %dma_start3A_66 = arith.constant 0 : i32
        %dma_start3A_67 = tpu.memref_slice %arg9[%dma_start3A_65, %dma_start3A_66] : memref<97x128xi32, #tpu.memory_space<vmem>> -> memref<1x128xi32, #tpu.memory_space<vmem>>
        %dma_start3A_68 = arith.constant 0 : i32
        %dma_start3A_69 = tpu.memref_slice %arg3[%run_scoped3A_58, %add3A_57, %dma_start3A_68] : memref<2x2500x128xi32, #tpu.memory_space<hbm>> -> memref<1x1x128xi32, #tpu.memory_space<hbm>>
        %dma_start3A_70 = tpu.memref_squeeze %dma_start3A_69 : memref<1x1x128xi32, #tpu.memory_space<hbm>> -> memref<1x128xi32, #tpu.memory_space<hbm>>
        tpu.enqueue_dma source(%dma_start3A_70 : memref<1x128xi32, #tpu.memory_space<hbm>>) target(%dma_start3A_67 : memref<1x128xi32, #tpu.memory_space<vmem>>) target_semaphore(%run_scoped3A_59 : memref<!tpu.dma_semaphore, #tpu.memory_space<semaphore_mem>>)
        %dma_wait3A = arith.constant 96 : i32
        %dma_wait3A_71 = arith.constant 0 : i32
        %dma_wait3A_72 = tpu.memref_slice %arg9[%dma_wait3A, %dma_wait3A_71] : memref<97x128xi32, #tpu.memory_space<vmem>> -> memref<1x128xi32, #tpu.memory_space<vmem>>
        %dma_wait3A_73 = arith.constant 0 : i32
        %dma_wait3A_74 = tpu.memref_slice %arg3[%run_scoped3A_58, %add3A_57, %dma_wait3A_73] : memref<2x2500x128xi32, #tpu.memory_space<hbm>> -> memref<1x1x128xi32, #tpu.memory_space<hbm>>
        %dma_wait3A_75 = tpu.memref_squeeze %dma_wait3A_74 : memref<1x1x128xi32, #tpu.memory_space<hbm>> -> memref<1x128xi32, #tpu.memory_space<hbm>>
        %dma_wait3A_76 = arith.constant 96 : i32
        %dma_wait3A_77 = arith.constant 0 : i32
        %dma_wait3A_78 = tpu.memref_slice %arg9[%dma_wait3A_76, %dma_wait3A_77] : memref<97x128xi32, #tpu.memory_space<vmem>> -> memref<1x128xi32, #tpu.memory_space<vmem>>
        %dma_wait3A_79 = arith.constant 0 : i32
        %dma_wait3A_80 = tpu.memref_slice %arg3[%run_scoped3A_58, %add3A_57, %dma_wait3A_79] : memref<2x2500x128xi32, #tpu.memory_space<hbm>> -> memref<1x1x128xi32, #tpu.memory_space<hbm>>
        %dma_wait3A_81 = tpu.memref_squeeze %dma_wait3A_80 : memref<1x1x128xi32, #tpu.memory_space<hbm>> -> memref<1x128xi32, #tpu.memory_space<hbm>>
        tpu.wait_dma2 semaphore(%run_scoped3A_59 : memref<!tpu.dma_semaphore, #tpu.memory_space<semaphore_mem>>) src(%dma_wait3A_81 : memref<1x128xi32, #tpu.memory_space<hbm>>) dst(%dma_wait3A_78 : memref<1x128xi32, #tpu.memory_space<vmem>>)
        tpu.yield
      }) : () -> ()
    } else {
    }
    %mul3A_20 = arith.constant 632 : i32
    %mul3A_21 = arith.muli %arg1, %mul3A_20 : i32
    %mul3A_22 = arith.constant 632 : i32
    %mul3A_23 = arith.muli %arg1, %mul3A_22 : i32
    "tpu.region"() ({
      %run_scoped3A = tpu.sem_alloc : memref<!tpu.dma_semaphore, #tpu.memory_space<semaphore_mem>>
      %dma_start3A = arith.constant 0 : i32
      %dma_start3A_54 = tpu.memref_slice %arg6[%mul3A_23, %dma_start3A] : memref<10112x64xf32, #tpu.memory_space<vmem_shared>> -> memref<632x64xf32, #tpu.memory_space<vmem_shared>>
      %dma_start3A_55 = arith.constant 0 : i32
      %dma_start3A_56 = tpu.memref_slice %arg4[%mul3A_21, %dma_start3A_55] : memref<10112x64xf32, #tpu.memory_space<hbm>> -> memref<632x64xf32, #tpu.memory_space<hbm>>
      tpu.enqueue_dma source(%dma_start3A_56 : memref<632x64xf32, #tpu.memory_space<hbm>>) target(%dma_start3A_54 : memref<632x64xf32, #tpu.memory_space<vmem_shared>>) target_semaphore(%run_scoped3A : memref<!tpu.dma_semaphore, #tpu.memory_space<semaphore_mem>>)
      %dma_wait3A = arith.constant 0 : i32
      %dma_wait3A_57 = tpu.memref_slice %arg6[%mul3A_23, %dma_wait3A] : memref<10112x64xf32, #tpu.memory_space<vmem_shared>> -> memref<632x64xf32, #tpu.memory_space<vmem_shared>>
      %dma_wait3A_58 = arith.constant 0 : i32
      %dma_wait3A_59 = tpu.memref_slice %arg4[%mul3A_21, %dma_wait3A_58] : memref<10112x64xf32, #tpu.memory_space<hbm>> -> memref<632x64xf32, #tpu.memory_space<hbm>>
      tpu.wait_dma2 semaphore(%run_scoped3A : memref<!tpu.dma_semaphore, #tpu.memory_space<semaphore_mem>>) src(%dma_wait3A_59 : memref<632x64xf32, #tpu.memory_space<hbm>>) dst(%dma_wait3A_57 : memref<632x64xf32, #tpu.memory_space<vmem_shared>>)
      tpu.yield
    }) : () -> ()
    %eq3A_24 = arith.constant 1 : i32
    %eq3A_25 = arith.cmpi eq, %arg0, %eq3A_24 : i32
    %lt3A_26 = arith.constant 15 : i32
    %lt3A_27 = arith.cmpi slt, %arg1, %lt3A_26 : i32
    %and3A = arith.andi %eq3A_25, %lt3A_27 : i1
    %convert_element_type3A_28 = arith.extui %and3A : i1 to i32
    %cond3A_29 = arith.constant 0 : i32
    %cond3A_30 = arith.cmpi ne, %convert_element_type3A_28, %cond3A_29 : i32
    scf.if %cond3A_30 {
      %mul3A_54 = arith.constant 632 : i32
      %mul3A_55 = arith.muli %arg1, %mul3A_54 : i32
      %mul3A_56 = arith.constant 632 : i32
      %mul3A_57 = arith.muli %arg1, %mul3A_56 : i32
      "tpu.region"() ({
        %run_scoped3A = tpu.sem_alloc : memref<!tpu.dma_semaphore, #tpu.memory_space<semaphore_mem>>
        %dma_start3A = arith.constant 0 : i32
        %dma_start3A_58 = tpu.memref_slice %arg7[%mul3A_57, %dma_start3A] : memref<10000x64xf32, #tpu.memory_space<vmem_shared>> -> memref<632x64xf32, #tpu.memory_space<vmem_shared>>
        %dma_start3A_59 = arith.constant 0 : i32
        %dma_start3A_60 = tpu.memref_slice %arg2[%mul3A_55, %dma_start3A_59] : memref<10000x64xf32, #tpu.memory_space<hbm>> -> memref<632x64xf32, #tpu.memory_space<hbm>>
        tpu.enqueue_dma source(%dma_start3A_60 : memref<632x64xf32, #tpu.memory_space<hbm>>) target(%dma_start3A_58 : memref<632x64xf32, #tpu.memory_space<vmem_shared>>) target_semaphore(%run_scoped3A : memref<!tpu.dma_semaphore, #tpu.memory_space<semaphore_mem>>)
        %dma_wait3A = arith.constant 0 : i32
        %dma_wait3A_61 = tpu.memref_slice %arg7[%mul3A_57, %dma_wait3A] : memref<10000x64xf32, #tpu.memory_space<vmem_shared>> -> memref<632x64xf32, #tpu.memory_space<vmem_shared>>
        %dma_wait3A_62 = arith.constant 0 : i32
        %dma_wait3A_63 = tpu.memref_slice %arg2[%mul3A_55, %dma_wait3A_62] : memref<10000x64xf32, #tpu.memory_space<hbm>> -> memref<632x64xf32, #tpu.memory_space<hbm>>
        tpu.wait_dma2 semaphore(%run_scoped3A : memref<!tpu.dma_semaphore, #tpu.memory_space<semaphore_mem>>) src(%dma_wait3A_63 : memref<632x64xf32, #tpu.memory_space<hbm>>) dst(%dma_wait3A_61 : memref<632x64xf32, #tpu.memory_space<vmem_shared>>)
        tpu.yield
      }) : () -> ()
    } else {
    }
    %eq3A_31 = arith.constant 15 : i32
    %eq3A_32 = arith.cmpi eq, %arg1, %eq3A_31 : i32
    %and3A_33 = arith.andi %eq3A_25, %eq3A_32 : i1
    %convert_element_type3A_34 = arith.extui %and3A_33 : i1 to i32
    %cond3A_35 = arith.constant 0 : i32
    %cond3A_36 = arith.cmpi ne, %convert_element_type3A_34, %cond3A_35 : i32
    scf.if %cond3A_36 {
      "tpu.region"() ({
        %run_scoped3A = tpu.sem_alloc : memref<!tpu.dma_semaphore, #tpu.memory_space<semaphore_mem>>
        %dma_start3A = arith.constant 9480 : i32
        %dma_start3A_54 = arith.constant 0 : i32
        %dma_start3A_55 = tpu.memref_slice %arg7[%dma_start3A, %dma_start3A_54] : memref<10000x64xf32, #tpu.memory_space<vmem_shared>> -> memref<520x64xf32, #tpu.memory_space<vmem_shared>>
        %dma_start3A_56 = arith.constant 9480 : i32
        %dma_start3A_57 = arith.constant 0 : i32
        %dma_start3A_58 = tpu.memref_slice %arg2[%dma_start3A_56, %dma_start3A_57] : memref<10000x64xf32, #tpu.memory_space<hbm>> -> memref<520x64xf32, #tpu.memory_space<hbm>>
        tpu.enqueue_dma source(%dma_start3A_58 : memref<520x64xf32, #tpu.memory_space<hbm>>) target(%dma_start3A_55 : memref<520x64xf32, #tpu.memory_space<vmem_shared>>) target_semaphore(%run_scoped3A : memref<!tpu.dma_semaphore, #tpu.memory_space<semaphore_mem>>)
        %dma_wait3A = arith.constant 9480 : i32
        %dma_wait3A_59 = arith.constant 0 : i32
        %dma_wait3A_60 = tpu.memref_slice %arg7[%dma_wait3A, %dma_wait3A_59] : memref<10000x64xf32, #tpu.memory_space<vmem_shared>> -> memref<520x64xf32, #tpu.memory_space<vmem_shared>>
        %dma_wait3A_61 = arith.constant 9480 : i32
        %dma_wait3A_62 = arith.constant 0 : i32
        %dma_wait3A_63 = tpu.memref_slice %arg2[%dma_wait3A_61, %dma_wait3A_62] : memref<10000x64xf32, #tpu.memory_space<hbm>> -> memref<520x64xf32, #tpu.memory_space<hbm>>
        tpu.wait_dma2 semaphore(%run_scoped3A : memref<!tpu.dma_semaphore, #tpu.memory_space<semaphore_mem>>) src(%dma_wait3A_63 : memref<520x64xf32, #tpu.memory_space<hbm>>) dst(%dma_wait3A_60 : memref<520x64xf32, #tpu.memory_space<vmem_shared>>)
        tpu.yield
      }) : () -> ()
    } else {
    }
    %barrier3A = arith.constant 0 : index
    tpu.barrier barrier_id(%barrier3A)
    %eq3A_37 = arith.constant 0 : i32
    %eq3A_38 = arith.cmpi eq, %arg0, %eq3A_37 : i32
    %convert_element_type3A_39 = arith.extui %eq3A_38 : i1 to i32
    %cond3A_40 = arith.constant 0 : i32
    %cond3A_41 = arith.cmpi ne, %convert_element_type3A_39, %cond3A_40 : i32
    scf.if %cond3A_41 {
      %dma_start3A = arith.constant 0 : i32
      %dma_start3A_54 = arith.constant 0 : i32
      %dma_start3A_55 = tpu.memref_slice %arg8[%dma_start3A, %dma_start3A_54] : memref<97x128xi32, #tpu.memory_space<vmem>> -> memref<1x128xi32, #tpu.memory_space<vmem>>
      %dma_start3A_56 = tpu.memref_squeeze %dma_start3A_55 : memref<1x128xi32, #tpu.memory_space<vmem>> -> memref<128xi32, #tpu.memory_space<vmem>>
      %dma_start3A_57 = arith.constant 0 : i32
      %dma_start3A_58 = arith.constant 0 : i32
      %dma_start3A_59 = tpu.memref_slice %arg2[%dma_start3A_57, %dma_start3A_58] : memref<10000x64xf32, #tpu.memory_space<hbm>> -> memref<10000x64xf32, #tpu.memory_space<hbm>>
      tpu.enqueue_indirect_dma source(%dma_start3A_59 : memref<10000x64xf32, #tpu.memory_space<hbm>>) target(%arg10 : memref<128x64xf32, #tpu.memory_space<vmem>>) offsets(%dma_start3A_56 : memref<128xi32, #tpu.memory_space<vmem>>) semaphore(%arg13 : memref<!tpu.dma_semaphore, #tpu.memory_space<semaphore_mem>>)
      %dma_start3A_60 = arith.constant 1 : i32
      %dma_start3A_61 = arith.constant 0 : i32
      %dma_start3A_62 = tpu.memref_slice %arg8[%dma_start3A_60, %dma_start3A_61] : memref<97x128xi32, #tpu.memory_space<vmem>> -> memref<1x128xi32, #tpu.memory_space<vmem>>
      %dma_start3A_63 = tpu.memref_squeeze %dma_start3A_62 : memref<1x128xi32, #tpu.memory_space<vmem>> -> memref<128xi32, #tpu.memory_space<vmem>>
      %dma_start3A_64 = arith.constant 0 : i32
      %dma_start3A_65 = arith.constant 0 : i32
      %dma_start3A_66 = tpu.memref_slice %arg2[%dma_start3A_64, %dma_start3A_65] : memref<10000x64xf32, #tpu.memory_space<hbm>> -> memref<10000x64xf32, #tpu.memory_space<hbm>>
      tpu.enqueue_indirect_dma source(%dma_start3A_66 : memref<10000x64xf32, #tpu.memory_space<hbm>>) target(%arg11 : memref<128x64xf32, #tpu.memory_space<vmem>>) offsets(%dma_start3A_63 : memref<128xi32, #tpu.memory_space<vmem>>) semaphore(%arg14 : memref<!tpu.dma_semaphore, #tpu.memory_space<semaphore_mem>>)
      %scan3A = arith.constant 0 : i32
      %scan3A_67 = arith.constant 0 : i32
      %scan3A_68 = arith.constant 32 : i32
      %scan3A_69 = arith.addi %scan3A_67, %scan3A_68 : i32
      %scan3A_70 = arith.constant 1 : i32
      scf.for %scan3A_97 = %scan3A_67 to %scan3A_69 step %scan3A_70  : i32 {
        %mul3A_98 = arith.constant 3 : i32
        %mul3A_99 = arith.muli %scan3A_97, %mul3A_98 : i32
        %add3A_100 = arith.constant 0 : i32
        %add3A_101 = arith.addi %mul3A_99, %add3A_100 : i32
        %add3A_102 = arith.constant 2 : i32
        %add3A_103 = arith.addi %add3A_101, %add3A_102 : i32
        %lt3A_104 = arith.constant 96 : i32
        %lt3A_105 = arith.cmpi slt, %add3A_103, %lt3A_104 : i32
        %ge3A = arith.constant 3 : i32
        %ge3A_106 = arith.cmpi sge, %add3A_103, %ge3A : i32
        %and3A_107 = arith.andi %lt3A_105, %ge3A_106 : i1
        %convert_element_type3A_108 = arith.extui %and3A_107 : i1 to i32
        %cond3A_109 = arith.constant 0 : i32
        %cond3A_110 = arith.cmpi ne, %convert_element_type3A_108, %cond3A_109 : i32
        scf.if %cond3A_110 {
          %sub3A = arith.constant 3 : i32
          %sub3A_190 = arith.subi %add3A_103, %sub3A : i32
          %dma_wait3A_191 = arith.constant 0 : i32
          %dma_wait3A_192 = tpu.memref_slice %arg9[%sub3A_190, %dma_wait3A_191] : memref<97x128xi32, #tpu.memory_space<vmem>> -> memref<1x128xi32, #tpu.memory_space<vmem>>
          %dma_wait3A_193 = tpu.memref_squeeze %dma_wait3A_192 : memref<1x128xi32, #tpu.memory_space<vmem>> -> memref<128xi32, #tpu.memory_space<vmem>>
          %dma_wait3A_194 = arith.constant 0 : i32
          %dma_wait3A_195 = arith.constant 0 : i32
          %dma_wait3A_196 = tpu.memref_slice %arg6[%dma_wait3A_194, %dma_wait3A_195] : memref<10112x64xf32, #tpu.memory_space<vmem_shared>> -> memref<10112x64xf32, #tpu.memory_space<vmem_shared>>
          tpu.wait_indirect_dma semaphore(%arg18 : memref<!tpu.dma_semaphore, #tpu.memory_space<semaphore_mem>>) src(%arg12 : memref<128x64xf32, #tpu.memory_space<vmem>>) dst(%dma_wait3A_196 : memref<10112x64xf32, #tpu.memory_space<vmem_shared>>)
        } else {
        }
        %lt3A_111 = arith.constant 96 : i32
        %lt3A_112 = arith.cmpi slt, %add3A_103, %lt3A_111 : i32
        %convert_element_type3A_113 = arith.extui %lt3A_112 : i1 to i32
        %cond3A_114 = arith.constant 0 : i32
        %cond3A_115 = arith.cmpi ne, %convert_element_type3A_113, %cond3A_114 : i32
        scf.if %cond3A_115 {
          %dma_start3A_190 = arith.constant 0 : i32
          %dma_start3A_191 = tpu.memref_slice %arg8[%add3A_103, %dma_start3A_190] : memref<97x128xi32, #tpu.memory_space<vmem>> -> memref<1x128xi32, #tpu.memory_space<vmem>>
          %dma_start3A_192 = tpu.memref_squeeze %dma_start3A_191 : memref<1x128xi32, #tpu.memory_space<vmem>> -> memref<128xi32, #tpu.memory_space<vmem>>
          %dma_start3A_193 = arith.constant 0 : i32
          %dma_start3A_194 = arith.constant 0 : i32
          %dma_start3A_195 = tpu.memref_slice %arg2[%dma_start3A_193, %dma_start3A_194] : memref<10000x64xf32, #tpu.memory_space<hbm>> -> memref<10000x64xf32, #tpu.memory_space<hbm>>
          tpu.enqueue_indirect_dma source(%dma_start3A_195 : memref<10000x64xf32, #tpu.memory_space<hbm>>) target(%arg12 : memref<128x64xf32, #tpu.memory_space<vmem>>) offsets(%dma_start3A_192 : memref<128xi32, #tpu.memory_space<vmem>>) semaphore(%arg15 : memref<!tpu.dma_semaphore, #tpu.memory_space<semaphore_mem>>)
        } else {
        }
        %dma_wait3A_116 = arith.constant 0 : i32
        %dma_wait3A_117 = tpu.memref_slice %arg8[%add3A_101, %dma_wait3A_116] : memref<97x128xi32, #tpu.memory_space<vmem>> -> memref<1x128xi32, #tpu.memory_space<vmem>>
        %dma_wait3A_118 = tpu.memref_squeeze %dma_wait3A_117 : memref<1x128xi32, #tpu.memory_space<vmem>> -> memref<128xi32, #tpu.memory_space<vmem>>
        %dma_wait3A_119 = arith.constant 0 : i32
        %dma_wait3A_120 = arith.constant 0 : i32
        %dma_wait3A_121 = tpu.memref_slice %arg2[%dma_wait3A_119, %dma_wait3A_120] : memref<10000x64xf32, #tpu.memory_space<hbm>> -> memref<10000x64xf32, #tpu.memory_space<hbm>>
        tpu.wait_indirect_dma semaphore(%arg13 : memref<!tpu.dma_semaphore, #tpu.memory_space<semaphore_mem>>) src(%dma_wait3A_121 : memref<10000x64xf32, #tpu.memory_space<hbm>>) dst(%arg10 : memref<128x64xf32, #tpu.memory_space<vmem>>)
        %dma_start3A_122 = arith.constant 0 : i32
        %dma_start3A_123 = tpu.memref_slice %arg9[%add3A_101, %dma_start3A_122] : memref<97x128xi32, #tpu.memory_space<vmem>> -> memref<1x128xi32, #tpu.memory_space<vmem>>
        %dma_start3A_124 = tpu.memref_squeeze %dma_start3A_123 : memref<1x128xi32, #tpu.memory_space<vmem>> -> memref<128xi32, #tpu.memory_space<vmem>>
        %dma_start3A_125 = arith.constant 0 : i32
        %dma_start3A_126 = arith.constant 0 : i32
        %dma_start3A_127 = tpu.memref_slice %arg6[%dma_start3A_125, %dma_start3A_126] : memref<10112x64xf32, #tpu.memory_space<vmem_shared>> -> memref<10112x64xf32, #tpu.memory_space<vmem_shared>>
        tpu.enqueue_indirect_dma source(%arg10 : memref<128x64xf32, #tpu.memory_space<vmem>>) target(%dma_start3A_127 : memref<10112x64xf32, #tpu.memory_space<vmem_shared>>) offsets(%dma_start3A_124 : memref<128xi32, #tpu.memory_space<vmem>>) semaphore(%arg16 : memref<!tpu.dma_semaphore, #tpu.memory_space<semaphore_mem>>) {add = true}
        %mul3A_128 = arith.constant 3 : i32
        %mul3A_129 = arith.muli %scan3A_97, %mul3A_128 : i32
        %add3A_130 = arith.constant 1 : i32
        %add3A_131 = arith.addi %mul3A_129, %add3A_130 : i32
        %add3A_132 = arith.constant 2 : i32
        %add3A_133 = arith.addi %add3A_131, %add3A_132 : i32
        %lt3A_134 = arith.constant 96 : i32
        %lt3A_135 = arith.cmpi slt, %add3A_133, %lt3A_134 : i32
        %ge3A_136 = arith.constant 3 : i32
        %ge3A_137 = arith.cmpi sge, %add3A_133, %ge3A_136 : i32
        %and3A_138 = arith.andi %lt3A_135, %ge3A_137 : i1
        %convert_element_type3A_139 = arith.extui %and3A_138 : i1 to i32
        %cond3A_140 = arith.constant 0 : i32
        %cond3A_141 = arith.cmpi ne, %convert_element_type3A_139, %cond3A_140 : i32
        scf.if %cond3A_141 {
          %sub3A = arith.constant 3 : i32
          %sub3A_190 = arith.subi %add3A_133, %sub3A : i32
          %dma_wait3A_191 = arith.constant 0 : i32
          %dma_wait3A_192 = tpu.memref_slice %arg9[%sub3A_190, %dma_wait3A_191] : memref<97x128xi32, #tpu.memory_space<vmem>> -> memref<1x128xi32, #tpu.memory_space<vmem>>
          %dma_wait3A_193 = tpu.memref_squeeze %dma_wait3A_192 : memref<1x128xi32, #tpu.memory_space<vmem>> -> memref<128xi32, #tpu.memory_space<vmem>>
          %dma_wait3A_194 = arith.constant 0 : i32
          %dma_wait3A_195 = arith.constant 0 : i32
          %dma_wait3A_196 = tpu.memref_slice %arg6[%dma_wait3A_194, %dma_wait3A_195] : memref<10112x64xf32, #tpu.memory_space<vmem_shared>> -> memref<10112x64xf32, #tpu.memory_space<vmem_shared>>
          tpu.wait_indirect_dma semaphore(%arg16 : memref<!tpu.dma_semaphore, #tpu.memory_space<semaphore_mem>>) src(%arg10 : memref<128x64xf32, #tpu.memory_space<vmem>>) dst(%dma_wait3A_196 : memref<10112x64xf32, #tpu.memory_space<vmem_shared>>)
        } else {
        }
        %lt3A_142 = arith.constant 96 : i32
        %lt3A_143 = arith.cmpi slt, %add3A_133, %lt3A_142 : i32
        %convert_element_type3A_144 = arith.extui %lt3A_143 : i1 to i32
        %cond3A_145 = arith.constant 0 : i32
        %cond3A_146 = arith.cmpi ne, %convert_element_type3A_144, %cond3A_145 : i32
        scf.if %cond3A_146 {
          %dma_start3A_190 = arith.constant 0 : i32
          %dma_start3A_191 = tpu.memref_slice %arg8[%add3A_133, %dma_start3A_190] : memref<97x128xi32, #tpu.memory_space<vmem>> -> memref<1x128xi32, #tpu.memory_space<vmem>>
          %dma_start3A_192 = tpu.memref_squeeze %dma_start3A_191 : memref<1x128xi32, #tpu.memory_space<vmem>> -> memref<128xi32, #tpu.memory_space<vmem>>
          %dma_start3A_193 = arith.constant 0 : i32
          %dma_start3A_194 = arith.constant 0 : i32
          %dma_start3A_195 = tpu.memref_slice %arg2[%dma_start3A_193, %dma_start3A_194] : memref<10000x64xf32, #tpu.memory_space<hbm>> -> memref<10000x64xf32, #tpu.memory_space<hbm>>
          tpu.enqueue_indirect_dma source(%dma_start3A_195 : memref<10000x64xf32, #tpu.memory_space<hbm>>) target(%arg10 : memref<128x64xf32, #tpu.memory_space<vmem>>) offsets(%dma_start3A_192 : memref<128xi32, #tpu.memory_space<vmem>>) semaphore(%arg13 : memref<!tpu.dma_semaphore, #tpu.memory_space<semaphore_mem>>)
        } else {
        }
        %dma_wait3A_147 = arith.constant 0 : i32
        %dma_wait3A_148 = tpu.memref_slice %arg8[%add3A_131, %dma_wait3A_147] : memref<97x128xi32, #tpu.memory_space<vmem>> -> memref<1x128xi32, #tpu.memory_space<vmem>>
        %dma_wait3A_149 = tpu.memref_squeeze %dma_wait3A_148 : memref<1x128xi32, #tpu.memory_space<vmem>> -> memref<128xi32, #tpu.memory_space<vmem>>
        %dma_wait3A_150 = arith.constant 0 : i32
        %dma_wait3A_151 = arith.constant 0 : i32
        %dma_wait3A_152 = tpu.memref_slice %arg2[%dma_wait3A_150, %dma_wait3A_151] : memref<10000x64xf32, #tpu.memory_space<hbm>> -> memref<10000x64xf32, #tpu.memory_space<hbm>>
        tpu.wait_indirect_dma semaphore(%arg14 : memref<!tpu.dma_semaphore, #tpu.memory_space<semaphore_mem>>) src(%dma_wait3A_152 : memref<10000x64xf32, #tpu.memory_space<hbm>>) dst(%arg11 : memref<128x64xf32, #tpu.memory_space<vmem>>)
        %dma_start3A_153 = arith.constant 0 : i32
        %dma_start3A_154 = tpu.memref_slice %arg9[%add3A_131, %dma_start3A_153] : memref<97x128xi32, #tpu.memory_space<vmem>> -> memref<1x128xi32, #tpu.memory_space<vmem>>
        %dma_start3A_155 = tpu.memref_squeeze %dma_start3A_154 : memref<1x128xi32, #tpu.memory_space<vmem>> -> memref<128xi32, #tpu.memory_space<vmem>>
        %dma_start3A_156 = arith.constant 0 : i32
        %dma_start3A_157 = arith.constant 0 : i32
        %dma_start3A_158 = tpu.memref_slice %arg6[%dma_start3A_156, %dma_start3A_157] : memref<10112x64xf32, #tpu.memory_space<vmem_shared>> -> memref<10112x64xf32, #tpu.memory_space<vmem_shared>>
        tpu.enqueue_indirect_dma source(%arg11 : memref<128x64xf32, #tpu.memory_space<vmem>>) target(%dma_start3A_158 : memref<10112x64xf32, #tpu.memory_space<vmem_shared>>) offsets(%dma_start3A_155 : memref<128xi32, #tpu.memory_space<vmem>>) semaphore(%arg17 : memref<!tpu.dma_semaphore, #tpu.memory_space<semaphore_mem>>) {add = true}
        %mul3A_159 = arith.constant 3 : i32
        %mul3A_160 = arith.muli %scan3A_97, %mul3A_159 : i32
        %add3A_161 = arith.constant 2 : i32
        %add3A_162 = arith.addi %mul3A_160, %add3A_161 : i32
        %add3A_163 = arith.constant 2 : i32
        %add3A_164 = arith.addi %add3A_162, %add3A_163 : i32
        %lt3A_165 = arith.constant 96 : i32
        %lt3A_166 = arith.cmpi slt, %add3A_164, %lt3A_165 : i32
        %ge3A_167 = arith.constant 3 : i32
        %ge3A_168 = arith.cmpi sge, %add3A_164, %ge3A_167 : i32
        %and3A_169 = arith.andi %lt3A_166, %ge3A_168 : i1
        %convert_element_type3A_170 = arith.extui %and3A_169 : i1 to i32
        %cond3A_171 = arith.constant 0 : i32
        %cond3A_172 = arith.cmpi ne, %convert_element_type3A_170, %cond3A_171 : i32
        scf.if %cond3A_172 {
          %sub3A = arith.constant 3 : i32
          %sub3A_190 = arith.subi %add3A_164, %sub3A : i32
          %dma_wait3A_191 = arith.constant 0 : i32
          %dma_wait3A_192 = tpu.memref_slice %arg9[%sub3A_190, %dma_wait3A_191] : memref<97x128xi32, #tpu.memory_space<vmem>> -> memref<1x128xi32, #tpu.memory_space<vmem>>
          %dma_wait3A_193 = tpu.memref_squeeze %dma_wait3A_192 : memref<1x128xi32, #tpu.memory_space<vmem>> -> memref<128xi32, #tpu.memory_space<vmem>>
          %dma_wait3A_194 = arith.constant 0 : i32
          %dma_wait3A_195 = arith.constant 0 : i32
          %dma_wait3A_196 = tpu.memref_slice %arg6[%dma_wait3A_194, %dma_wait3A_195] : memref<10112x64xf32, #tpu.memory_space<vmem_shared>> -> memref<10112x64xf32, #tpu.memory_space<vmem_shared>>
          tpu.wait_indirect_dma semaphore(%arg17 : memref<!tpu.dma_semaphore, #tpu.memory_space<semaphore_mem>>) src(%arg11 : memref<128x64xf32, #tpu.memory_space<vmem>>) dst(%dma_wait3A_196 : memref<10112x64xf32, #tpu.memory_space<vmem_shared>>)
        } else {
        }
        %lt3A_173 = arith.constant 96 : i32
        %lt3A_174 = arith.cmpi slt, %add3A_164, %lt3A_173 : i32
        %convert_element_type3A_175 = arith.extui %lt3A_174 : i1 to i32
        %cond3A_176 = arith.constant 0 : i32
        %cond3A_177 = arith.cmpi ne, %convert_element_type3A_175, %cond3A_176 : i32
        scf.if %cond3A_177 {
          %dma_start3A_190 = arith.constant 0 : i32
          %dma_start3A_191 = tpu.memref_slice %arg8[%add3A_164, %dma_start3A_190] : memref<97x128xi32, #tpu.memory_space<vmem>> -> memref<1x128xi32, #tpu.memory_space<vmem>>
          %dma_start3A_192 = tpu.memref_squeeze %dma_start3A_191 : memref<1x128xi32, #tpu.memory_space<vmem>> -> memref<128xi32, #tpu.memory_space<vmem>>
          %dma_start3A_193 = arith.constant 0 : i32
          %dma_start3A_194 = arith.constant 0 : i32
          %dma_start3A_195 = tpu.memref_slice %arg2[%dma_start3A_193, %dma_start3A_194] : memref<10000x64xf32, #tpu.memory_space<hbm>> -> memref<10000x64xf32, #tpu.memory_space<hbm>>
          tpu.enqueue_indirect_dma source(%dma_start3A_195 : memref<10000x64xf32, #tpu.memory_space<hbm>>) target(%arg11 : memref<128x64xf32, #tpu.memory_space<vmem>>) offsets(%dma_start3A_192 : memref<128xi32, #tpu.memory_space<vmem>>) semaphore(%arg14 : memref<!tpu.dma_semaphore, #tpu.memory_space<semaphore_mem>>)
        } else {
        }
        %dma_wait3A_178 = arith.constant 0 : i32
        %dma_wait3A_179 = tpu.memref_slice %arg8[%add3A_162, %dma_wait3A_178] : memref<97x128xi32, #tpu.memory_space<vmem>> -> memref<1x128xi32, #tpu.memory_space<vmem>>
        %dma_wait3A_180 = tpu.memref_squeeze %dma_wait3A_179 : memref<1x128xi32, #tpu.memory_space<vmem>> -> memref<128xi32, #tpu.memory_space<vmem>>
        %dma_wait3A_181 = arith.constant 0 : i32
        %dma_wait3A_182 = arith.constant 0 : i32
        %dma_wait3A_183 = tpu.memref_slice %arg2[%dma_wait3A_181, %dma_wait3A_182] : memref<10000x64xf32, #tpu.memory_space<hbm>> -> memref<10000x64xf32, #tpu.memory_space<hbm>>
        tpu.wait_indirect_dma semaphore(%arg15 : memref<!tpu.dma_semaphore, #tpu.memory_space<semaphore_mem>>) src(%dma_wait3A_183 : memref<10000x64xf32, #tpu.memory_space<hbm>>) dst(%arg12 : memref<128x64xf32, #tpu.memory_space<vmem>>)
        %dma_start3A_184 = arith.constant 0 : i32
        %dma_start3A_185 = tpu.memref_slice %arg9[%add3A_162, %dma_start3A_184] : memref<97x128xi32, #tpu.memory_space<vmem>> -> memref<1x128xi32, #tpu.memory_space<vmem>>
        %dma_start3A_186 = tpu.memref_squeeze %dma_start3A_185 : memref<1x128xi32, #tpu.memory_space<vmem>> -> memref<128xi32, #tpu.memory_space<vmem>>
        %dma_start3A_187 = arith.constant 0 : i32
        %dma_start3A_188 = arith.constant 0 : i32
        %dma_start3A_189 = tpu.memref_slice %arg6[%dma_start3A_187, %dma_start3A_188] : memref<10112x64xf32, #tpu.memory_space<vmem_shared>> -> memref<10112x64xf32, #tpu.memory_space<vmem_shared>>
        tpu.enqueue_indirect_dma source(%arg12 : memref<128x64xf32, #tpu.memory_space<vmem>>) target(%dma_start3A_189 : memref<10112x64xf32, #tpu.memory_space<vmem_shared>>) offsets(%dma_start3A_186 : memref<128xi32, #tpu.memory_space<vmem>>) semaphore(%arg18 : memref<!tpu.dma_semaphore, #tpu.memory_space<semaphore_mem>>) {add = true}
      }
      %scan3A_71 = arith.constant 32 : i32
      %dma_wait3A = arith.constant 93 : i32
      %dma_wait3A_72 = arith.constant 0 : i32
      %dma_wait3A_73 = tpu.memref_slice %arg9[%dma_wait3A, %dma_wait3A_72] : memref<97x128xi32, #tpu.memory_space<vmem>> -> memref<1x128xi32, #tpu.memory_space<vmem>>
      %dma_wait3A_74 = tpu.memref_squeeze %dma_wait3A_73 : memref<1x128xi32, #tpu.memory_space<vmem>> -> memref<128xi32, #tpu.memory_space<vmem>>
      %dma_wait3A_75 = arith.constant 0 : i32
      %dma_wait3A_76 = arith.constant 0 : i32
      %dma_wait3A_77 = tpu.memref_slice %arg6[%dma_wait3A_75, %dma_wait3A_76] : memref<10112x64xf32, #tpu.memory_space<vmem_shared>> -> memref<10112x64xf32, #tpu.memory_space<vmem_shared>>
      tpu.wait_indirect_dma semaphore(%arg16 : memref<!tpu.dma_semaphore, #tpu.memory_space<semaphore_mem>>) src(%arg10 : memref<128x64xf32, #tpu.memory_space<vmem>>) dst(%dma_wait3A_77 : memref<10112x64xf32, #tpu.memory_space<vmem_shared>>)
      %dma_wait3A_78 = arith.constant 94 : i32
      %dma_wait3A_79 = arith.constant 0 : i32
      %dma_wait3A_80 = tpu.memref_slice %arg9[%dma_wait3A_78, %dma_wait3A_79] : memref<97x128xi32, #tpu.memory_space<vmem>> -> memref<1x128xi32, #tpu.memory_space<vmem>>
      %dma_wait3A_81 = tpu.memref_squeeze %dma_wait3A_80 : memref<1x128xi32, #tpu.memory_space<vmem>> -> memref<128xi32, #tpu.memory_space<vmem>>
      %dma_wait3A_82 = arith.constant 0 : i32
      %dma_wait3A_83 = arith.constant 0 : i32
      %dma_wait3A_84 = tpu.memref_slice %arg6[%dma_wait3A_82, %dma_wait3A_83] : memref<10112x64xf32, #tpu.memory_space<vmem_shared>> -> memref<10112x64xf32, #tpu.memory_space<vmem_shared>>
      tpu.wait_indirect_dma semaphore(%arg17 : memref<!tpu.dma_semaphore, #tpu.memory_space<semaphore_mem>>) src(%arg11 : memref<128x64xf32, #tpu.memory_space<vmem>>) dst(%dma_wait3A_84 : memref<10112x64xf32, #tpu.memory_space<vmem_shared>>)
      %dma_wait3A_85 = arith.constant 95 : i32
      %dma_wait3A_86 = arith.constant 0 : i32
      %dma_wait3A_87 = tpu.memref_slice %arg9[%dma_wait3A_85, %dma_wait3A_86] : memref<97x128xi32, #tpu.memory_space<vmem>> -> memref<1x128xi32, #tpu.memory_space<vmem>>
      %dma_wait3A_88 = tpu.memref_squeeze %dma_wait3A_87 : memref<1x128xi32, #tpu.memory_space<vmem>> -> memref<128xi32, #tpu.memory_space<vmem>>
      %dma_wait3A_89 = arith.constant 0 : i32
      %dma_wait3A_90 = arith.constant 0 : i32
      %dma_wait3A_91 = tpu.memref_slice %arg6[%dma_wait3A_89, %dma_wait3A_90] : memref<10112x64xf32, #tpu.memory_space<vmem_shared>> -> memref<10112x64xf32, #tpu.memory_space<vmem_shared>>
      tpu.wait_indirect_dma semaphore(%arg18 : memref<!tpu.dma_semaphore, #tpu.memory_space<semaphore_mem>>) src(%arg12 : memref<128x64xf32, #tpu.memory_space<vmem>>) dst(%dma_wait3A_91 : memref<10112x64xf32, #tpu.memory_space<vmem_shared>>)
      %lt3A_92 = arith.constant 4 : i32
      %lt3A_93 = arith.cmpi slt, %add3A, %lt3A_92 : i32
      %convert_element_type3A_94 = arith.extui %lt3A_93 : i1 to i32
      %cond3A_95 = arith.constant 0 : i32
      %cond3A_96 = arith.cmpi ne, %convert_element_type3A_94, %cond3A_95 : i32
      scf.if %cond3A_96 {
        %dma_start3A_97 = arith.constant 96 : i32
        %dma_start3A_98 = arith.constant 0 : i32
        %dma_start3A_99 = tpu.memref_slice %arg8[%dma_start3A_97, %dma_start3A_98] : memref<97x128xi32, #tpu.memory_space<vmem>> -> memref<1x128xi32, #tpu.memory_space<vmem>>
        %dma_start3A_100 = tpu.memref_squeeze %dma_start3A_99 : memref<1x128xi32, #tpu.memory_space<vmem>> -> memref<128xi32, #tpu.memory_space<vmem>>
        %dma_start3A_101 = arith.constant 0 : i32
        %dma_start3A_102 = arith.constant 0 : i32
        %dma_start3A_103 = tpu.memref_slice %arg2[%dma_start3A_101, %dma_start3A_102] : memref<10000x64xf32, #tpu.memory_space<hbm>> -> memref<10000x64xf32, #tpu.memory_space<hbm>>
        tpu.enqueue_indirect_dma source(%dma_start3A_103 : memref<10000x64xf32, #tpu.memory_space<hbm>>) target(%arg10 : memref<128x64xf32, #tpu.memory_space<vmem>>) offsets(%dma_start3A_100 : memref<128xi32, #tpu.memory_space<vmem>>) semaphore(%arg13 : memref<!tpu.dma_semaphore, #tpu.memory_space<semaphore_mem>>)
        %dma_wait3A_104 = arith.constant 96 : i32
        %dma_wait3A_105 = arith.constant 0 : i32
        %dma_wait3A_106 = tpu.memref_slice %arg8[%dma_wait3A_104, %dma_wait3A_105] : memref<97x128xi32, #tpu.memory_space<vmem>> -> memref<1x128xi32, #tpu.memory_space<vmem>>
        %dma_wait3A_107 = tpu.memref_squeeze %dma_wait3A_106 : memref<1x128xi32, #tpu.memory_space<vmem>> -> memref<128xi32, #tpu.memory_space<vmem>>
        %dma_wait3A_108 = arith.constant 0 : i32
        %dma_wait3A_109 = arith.constant 0 : i32
        %dma_wait3A_110 = tpu.memref_slice %arg2[%dma_wait3A_108, %dma_wait3A_109] : memref<10000x64xf32, #tpu.memory_space<hbm>> -> memref<10000x64xf32, #tpu.memory_space<hbm>>
        tpu.wait_indirect_dma semaphore(%arg13 : memref<!tpu.dma_semaphore, #tpu.memory_space<semaphore_mem>>) src(%dma_wait3A_110 : memref<10000x64xf32, #tpu.memory_space<hbm>>) dst(%arg10 : memref<128x64xf32, #tpu.memory_space<vmem>>)
        %run_scoped3A = arith.constant 96 : i32
        "tpu.region"() ({
          %run_scoped3A_111 = tpu.sem_alloc : memref<!tpu.dma_semaphore, #tpu.memory_space<semaphore_mem>>
          %dma_start3A_112 = arith.constant 0 : i32
          %dma_start3A_113 = tpu.memref_slice %arg9[%run_scoped3A, %dma_start3A_112] : memref<97x128xi32, #tpu.memory_space<vmem>> -> memref<1x128xi32, #tpu.memory_space<vmem>>
          %dma_start3A_114 = tpu.memref_squeeze %dma_start3A_113 : memref<1x128xi32, #tpu.memory_space<vmem>> -> memref<128xi32, #tpu.memory_space<vmem>>
          %dma_start3A_115 = arith.constant 0 : i32
          %dma_start3A_116 = arith.constant 0 : i32
          %dma_start3A_117 = tpu.memref_slice %arg6[%dma_start3A_115, %dma_start3A_116] : memref<10112x64xf32, #tpu.memory_space<vmem_shared>> -> memref<10112x64xf32, #tpu.memory_space<vmem_shared>>
          tpu.enqueue_indirect_dma source(%arg10 : memref<128x64xf32, #tpu.memory_space<vmem>>) target(%dma_start3A_117 : memref<10112x64xf32, #tpu.memory_space<vmem_shared>>) offsets(%dma_start3A_114 : memref<128xi32, #tpu.memory_space<vmem>>) semaphore(%run_scoped3A_111 : memref<!tpu.dma_semaphore, #tpu.memory_space<semaphore_mem>>) {add = true}
          %dma_wait3A_118 = arith.constant 0 : i32
          %dma_wait3A_119 = tpu.memref_slice %arg9[%run_scoped3A, %dma_wait3A_118] : memref<97x128xi32, #tpu.memory_space<vmem>> -> memref<1x128xi32, #tpu.memory_space<vmem>>
          %dma_wait3A_120 = tpu.memref_squeeze %dma_wait3A_119 : memref<1x128xi32, #tpu.memory_space<vmem>> -> memref<128xi32, #tpu.memory_space<vmem>>
          %dma_wait3A_121 = arith.constant 0 : i32
          %dma_wait3A_122 = arith.constant 0 : i32
          %dma_wait3A_123 = tpu.memref_slice %arg6[%dma_wait3A_121, %dma_wait3A_122] : memref<10112x64xf32, #tpu.memory_space<vmem_shared>> -> memref<10112x64xf32, #tpu.memory_space<vmem_shared>>
          tpu.wait_indirect_dma semaphore(%run_scoped3A_111 : memref<!tpu.dma_semaphore, #tpu.memory_space<semaphore_mem>>) src(%arg10 : memref<128x64xf32, #tpu.memory_space<vmem>>) dst(%dma_wait3A_123 : memref<10112x64xf32, #tpu.memory_space<vmem_shared>>)
          tpu.yield
        }) : () -> ()
      } else {
      }
    } else {
    }
    %eq3A_42 = arith.constant 1 : i32
    %eq3A_43 = arith.cmpi eq, %arg0, %eq3A_42 : i32
    %convert_element_type3A_44 = arith.extui %eq3A_43 : i1 to i32
    %cond3A_45 = arith.constant 0 : i32
    %cond3A_46 = arith.cmpi ne, %convert_element_type3A_44, %cond3A_45 : i32
    scf.if %cond3A_46 {
      %dma_start3A = arith.constant 0 : i32
      %dma_start3A_54 = arith.constant 0 : i32
      %dma_start3A_55 = tpu.memref_slice %arg8[%dma_start3A, %dma_start3A_54] : memref<97x128xi32, #tpu.memory_space<vmem>> -> memref<1x128xi32, #tpu.memory_space<vmem>>
      %dma_start3A_56 = tpu.memref_squeeze %dma_start3A_55 : memref<1x128xi32, #tpu.memory_space<vmem>> -> memref<128xi32, #tpu.memory_space<vmem>>
      %dma_start3A_57 = arith.constant 0 : i32
      %dma_start3A_58 = arith.constant 0 : i32
      %dma_start3A_59 = tpu.memref_slice %arg7[%dma_start3A_57, %dma_start3A_58] : memref<10000x64xf32, #tpu.memory_space<vmem_shared>> -> memref<10000x64xf32, #tpu.memory_space<vmem_shared>>
      tpu.enqueue_indirect_dma source(%dma_start3A_59 : memref<10000x64xf32, #tpu.memory_space<vmem_shared>>) target(%arg10 : memref<128x64xf32, #tpu.memory_space<vmem>>) offsets(%dma_start3A_56 : memref<128xi32, #tpu.memory_space<vmem>>) semaphore(%arg13 : memref<!tpu.dma_semaphore, #tpu.memory_space<semaphore_mem>>)
      %dma_start3A_60 = arith.constant 1 : i32
      %dma_start3A_61 = arith.constant 0 : i32
      %dma_start3A_62 = tpu.memref_slice %arg8[%dma_start3A_60, %dma_start3A_61] : memref<97x128xi32, #tpu.memory_space<vmem>> -> memref<1x128xi32, #tpu.memory_space<vmem>>
      %dma_start3A_63 = tpu.memref_squeeze %dma_start3A_62 : memref<1x128xi32, #tpu.memory_space<vmem>> -> memref<128xi32, #tpu.memory_space<vmem>>
      %dma_start3A_64 = arith.constant 0 : i32
      %dma_start3A_65 = arith.constant 0 : i32
      %dma_start3A_66 = tpu.memref_slice %arg7[%dma_start3A_64, %dma_start3A_65] : memref<10000x64xf32, #tpu.memory_space<vmem_shared>> -> memref<10000x64xf32, #tpu.memory_space<vmem_shared>>
      tpu.enqueue_indirect_dma source(%dma_start3A_66 : memref<10000x64xf32, #tpu.memory_space<vmem_shared>>) target(%arg11 : memref<128x64xf32, #tpu.memory_space<vmem>>) offsets(%dma_start3A_63 : memref<128xi32, #tpu.memory_space<vmem>>) semaphore(%arg14 : memref<!tpu.dma_semaphore, #tpu.memory_space<semaphore_mem>>)
      %scan3A = arith.constant 0 : i32
      %scan3A_67 = arith.constant 0 : i32
      %scan3A_68 = arith.constant 20 : i32
      %scan3A_69 = arith.addi %scan3A_67, %scan3A_68 : i32
      %scan3A_70 = arith.constant 1 : i32
      scf.for %scan3A_97 = %scan3A_67 to %scan3A_69 step %scan3A_70  : i32 {
        %mul3A_98 = arith.constant 3 : i32
        %mul3A_99 = arith.muli %scan3A_97, %mul3A_98 : i32
        %add3A_100 = arith.constant 0 : i32
        %add3A_101 = arith.addi %mul3A_99, %add3A_100 : i32
        %add3A_102 = arith.constant 2 : i32
        %add3A_103 = arith.addi %add3A_101, %add3A_102 : i32
        %lt3A_104 = arith.constant 60 : i32
        %lt3A_105 = arith.cmpi slt, %add3A_103, %lt3A_104 : i32
        %ge3A = arith.constant 3 : i32
        %ge3A_106 = arith.cmpi sge, %add3A_103, %ge3A : i32
        %and3A_107 = arith.andi %lt3A_105, %ge3A_106 : i1
        %convert_element_type3A_108 = arith.extui %and3A_107 : i1 to i32
        %cond3A_109 = arith.constant 0 : i32
        %cond3A_110 = arith.cmpi ne, %convert_element_type3A_108, %cond3A_109 : i32
        scf.if %cond3A_110 {
          %sub3A = arith.constant 3 : i32
          %sub3A_190 = arith.subi %add3A_103, %sub3A : i32
          %dma_wait3A_191 = arith.constant 0 : i32
          %dma_wait3A_192 = tpu.memref_slice %arg9[%sub3A_190, %dma_wait3A_191] : memref<97x128xi32, #tpu.memory_space<vmem>> -> memref<1x128xi32, #tpu.memory_space<vmem>>
          %dma_wait3A_193 = tpu.memref_squeeze %dma_wait3A_192 : memref<1x128xi32, #tpu.memory_space<vmem>> -> memref<128xi32, #tpu.memory_space<vmem>>
          %dma_wait3A_194 = arith.constant 0 : i32
          %dma_wait3A_195 = arith.constant 0 : i32
          %dma_wait3A_196 = tpu.memref_slice %arg6[%dma_wait3A_194, %dma_wait3A_195] : memref<10112x64xf32, #tpu.memory_space<vmem_shared>> -> memref<10112x64xf32, #tpu.memory_space<vmem_shared>>
          tpu.wait_indirect_dma semaphore(%arg18 : memref<!tpu.dma_semaphore, #tpu.memory_space<semaphore_mem>>) src(%arg12 : memref<128x64xf32, #tpu.memory_space<vmem>>) dst(%dma_wait3A_196 : memref<10112x64xf32, #tpu.memory_space<vmem_shared>>)
        } else {
        }
        %lt3A_111 = arith.constant 60 : i32
        %lt3A_112 = arith.cmpi slt, %add3A_103, %lt3A_111 : i32
        %convert_element_type3A_113 = arith.extui %lt3A_112 : i1 to i32
        %cond3A_114 = arith.constant 0 : i32
        %cond3A_115 = arith.cmpi ne, %convert_element_type3A_113, %cond3A_114 : i32
        scf.if %cond3A_115 {
          %dma_start3A_190 = arith.constant 0 : i32
          %dma_start3A_191 = tpu.memref_slice %arg8[%add3A_103, %dma_start3A_190] : memref<97x128xi32, #tpu.memory_space<vmem>> -> memref<1x128xi32, #tpu.memory_space<vmem>>
          %dma_start3A_192 = tpu.memref_squeeze %dma_start3A_191 : memref<1x128xi32, #tpu.memory_space<vmem>> -> memref<128xi32, #tpu.memory_space<vmem>>
          %dma_start3A_193 = arith.constant 0 : i32
          %dma_start3A_194 = arith.constant 0 : i32
          %dma_start3A_195 = tpu.memref_slice %arg7[%dma_start3A_193, %dma_start3A_194] : memref<10000x64xf32, #tpu.memory_space<vmem_shared>> -> memref<10000x64xf32, #tpu.memory_space<vmem_shared>>
          tpu.enqueue_indirect_dma source(%dma_start3A_195 : memref<10000x64xf32, #tpu.memory_space<vmem_shared>>) target(%arg12 : memref<128x64xf32, #tpu.memory_space<vmem>>) offsets(%dma_start3A_192 : memref<128xi32, #tpu.memory_space<vmem>>) semaphore(%arg15 : memref<!tpu.dma_semaphore, #tpu.memory_space<semaphore_mem>>)
        } else {
        }
        %dma_wait3A_116 = arith.constant 0 : i32
        %dma_wait3A_117 = tpu.memref_slice %arg8[%add3A_101, %dma_wait3A_116] : memref<97x128xi32, #tpu.memory_space<vmem>> -> memref<1x128xi32, #tpu.memory_space<vmem>>
        %dma_wait3A_118 = tpu.memref_squeeze %dma_wait3A_117 : memref<1x128xi32, #tpu.memory_space<vmem>> -> memref<128xi32, #tpu.memory_space<vmem>>
        %dma_wait3A_119 = arith.constant 0 : i32
        %dma_wait3A_120 = arith.constant 0 : i32
        %dma_wait3A_121 = tpu.memref_slice %arg7[%dma_wait3A_119, %dma_wait3A_120] : memref<10000x64xf32, #tpu.memory_space<vmem_shared>> -> memref<10000x64xf32, #tpu.memory_space<vmem_shared>>
        tpu.wait_indirect_dma semaphore(%arg13 : memref<!tpu.dma_semaphore, #tpu.memory_space<semaphore_mem>>) src(%dma_wait3A_121 : memref<10000x64xf32, #tpu.memory_space<vmem_shared>>) dst(%arg10 : memref<128x64xf32, #tpu.memory_space<vmem>>)
        %dma_start3A_122 = arith.constant 0 : i32
        %dma_start3A_123 = tpu.memref_slice %arg9[%add3A_101, %dma_start3A_122] : memref<97x128xi32, #tpu.memory_space<vmem>> -> memref<1x128xi32, #tpu.memory_space<vmem>>
        %dma_start3A_124 = tpu.memref_squeeze %dma_start3A_123 : memref<1x128xi32, #tpu.memory_space<vmem>> -> memref<128xi32, #tpu.memory_space<vmem>>
        %dma_start3A_125 = arith.constant 0 : i32
        %dma_start3A_126 = arith.constant 0 : i32
        %dma_start3A_127 = tpu.memref_slice %arg6[%dma_start3A_125, %dma_start3A_126] : memref<10112x64xf32, #tpu.memory_space<vmem_shared>> -> memref<10112x64xf32, #tpu.memory_space<vmem_shared>>
        tpu.enqueue_indirect_dma source(%arg10 : memref<128x64xf32, #tpu.memory_space<vmem>>) target(%dma_start3A_127 : memref<10112x64xf32, #tpu.memory_space<vmem_shared>>) offsets(%dma_start3A_124 : memref<128xi32, #tpu.memory_space<vmem>>) semaphore(%arg16 : memref<!tpu.dma_semaphore, #tpu.memory_space<semaphore_mem>>) {add = true}
        %mul3A_128 = arith.constant 3 : i32
        %mul3A_129 = arith.muli %scan3A_97, %mul3A_128 : i32
        %add3A_130 = arith.constant 1 : i32
        %add3A_131 = arith.addi %mul3A_129, %add3A_130 : i32
        %add3A_132 = arith.constant 2 : i32
        %add3A_133 = arith.addi %add3A_131, %add3A_132 : i32
        %lt3A_134 = arith.constant 60 : i32
        %lt3A_135 = arith.cmpi slt, %add3A_133, %lt3A_134 : i32
        %ge3A_136 = arith.constant 3 : i32
        %ge3A_137 = arith.cmpi sge, %add3A_133, %ge3A_136 : i32
        %and3A_138 = arith.andi %lt3A_135, %ge3A_137 : i1
        %convert_element_type3A_139 = arith.extui %and3A_138 : i1 to i32
        %cond3A_140 = arith.constant 0 : i32
        %cond3A_141 = arith.cmpi ne, %convert_element_type3A_139, %cond3A_140 : i32
        scf.if %cond3A_141 {
          %sub3A = arith.constant 3 : i32
          %sub3A_190 = arith.subi %add3A_133, %sub3A : i32
          %dma_wait3A_191 = arith.constant 0 : i32
          %dma_wait3A_192 = tpu.memref_slice %arg9[%sub3A_190, %dma_wait3A_191] : memref<97x128xi32, #tpu.memory_space<vmem>> -> memref<1x128xi32, #tpu.memory_space<vmem>>
          %dma_wait3A_193 = tpu.memref_squeeze %dma_wait3A_192 : memref<1x128xi32, #tpu.memory_space<vmem>> -> memref<128xi32, #tpu.memory_space<vmem>>
          %dma_wait3A_194 = arith.constant 0 : i32
          %dma_wait3A_195 = arith.constant 0 : i32
          %dma_wait3A_196 = tpu.memref_slice %arg6[%dma_wait3A_194, %dma_wait3A_195] : memref<10112x64xf32, #tpu.memory_space<vmem_shared>> -> memref<10112x64xf32, #tpu.memory_space<vmem_shared>>
          tpu.wait_indirect_dma semaphore(%arg16 : memref<!tpu.dma_semaphore, #tpu.memory_space<semaphore_mem>>) src(%arg10 : memref<128x64xf32, #tpu.memory_space<vmem>>) dst(%dma_wait3A_196 : memref<10112x64xf32, #tpu.memory_space<vmem_shared>>)
        } else {
        }
        %lt3A_142 = arith.constant 60 : i32
        %lt3A_143 = arith.cmpi slt, %add3A_133, %lt3A_142 : i32
        %convert_element_type3A_144 = arith.extui %lt3A_143 : i1 to i32
        %cond3A_145 = arith.constant 0 : i32
        %cond3A_146 = arith.cmpi ne, %convert_element_type3A_144, %cond3A_145 : i32
        scf.if %cond3A_146 {
          %dma_start3A_190 = arith.constant 0 : i32
          %dma_start3A_191 = tpu.memref_slice %arg8[%add3A_133, %dma_start3A_190] : memref<97x128xi32, #tpu.memory_space<vmem>> -> memref<1x128xi32, #tpu.memory_space<vmem>>
          %dma_start3A_192 = tpu.memref_squeeze %dma_start3A_191 : memref<1x128xi32, #tpu.memory_space<vmem>> -> memref<128xi32, #tpu.memory_space<vmem>>
          %dma_start3A_193 = arith.constant 0 : i32
          %dma_start3A_194 = arith.constant 0 : i32
          %dma_start3A_195 = tpu.memref_slice %arg7[%dma_start3A_193, %dma_start3A_194] : memref<10000x64xf32, #tpu.memory_space<vmem_shared>> -> memref<10000x64xf32, #tpu.memory_space<vmem_shared>>
          tpu.enqueue_indirect_dma source(%dma_start3A_195 : memref<10000x64xf32, #tpu.memory_space<vmem_shared>>) target(%arg10 : memref<128x64xf32, #tpu.memory_space<vmem>>) offsets(%dma_start3A_192 : memref<128xi32, #tpu.memory_space<vmem>>) semaphore(%arg13 : memref<!tpu.dma_semaphore, #tpu.memory_space<semaphore_mem>>)
        } else {
        }
        %dma_wait3A_147 = arith.constant 0 : i32
        %dma_wait3A_148 = tpu.memref_slice %arg8[%add3A_131, %dma_wait3A_147] : memref<97x128xi32, #tpu.memory_space<vmem>> -> memref<1x128xi32, #tpu.memory_space<vmem>>
        %dma_wait3A_149 = tpu.memref_squeeze %dma_wait3A_148 : memref<1x128xi32, #tpu.memory_space<vmem>> -> memref<128xi32, #tpu.memory_space<vmem>>
        %dma_wait3A_150 = arith.constant 0 : i32
        %dma_wait3A_151 = arith.constant 0 : i32
        %dma_wait3A_152 = tpu.memref_slice %arg7[%dma_wait3A_150, %dma_wait3A_151] : memref<10000x64xf32, #tpu.memory_space<vmem_shared>> -> memref<10000x64xf32, #tpu.memory_space<vmem_shared>>
        tpu.wait_indirect_dma semaphore(%arg14 : memref<!tpu.dma_semaphore, #tpu.memory_space<semaphore_mem>>) src(%dma_wait3A_152 : memref<10000x64xf32, #tpu.memory_space<vmem_shared>>) dst(%arg11 : memref<128x64xf32, #tpu.memory_space<vmem>>)
        %dma_start3A_153 = arith.constant 0 : i32
        %dma_start3A_154 = tpu.memref_slice %arg9[%add3A_131, %dma_start3A_153] : memref<97x128xi32, #tpu.memory_space<vmem>> -> memref<1x128xi32, #tpu.memory_space<vmem>>
        %dma_start3A_155 = tpu.memref_squeeze %dma_start3A_154 : memref<1x128xi32, #tpu.memory_space<vmem>> -> memref<128xi32, #tpu.memory_space<vmem>>
        %dma_start3A_156 = arith.constant 0 : i32
        %dma_start3A_157 = arith.constant 0 : i32
        %dma_start3A_158 = tpu.memref_slice %arg6[%dma_start3A_156, %dma_start3A_157] : memref<10112x64xf32, #tpu.memory_space<vmem_shared>> -> memref<10112x64xf32, #tpu.memory_space<vmem_shared>>
        tpu.enqueue_indirect_dma source(%arg11 : memref<128x64xf32, #tpu.memory_space<vmem>>) target(%dma_start3A_158 : memref<10112x64xf32, #tpu.memory_space<vmem_shared>>) offsets(%dma_start3A_155 : memref<128xi32, #tpu.memory_space<vmem>>) semaphore(%arg17 : memref<!tpu.dma_semaphore, #tpu.memory_space<semaphore_mem>>) {add = true}
        %mul3A_159 = arith.constant 3 : i32
        %mul3A_160 = arith.muli %scan3A_97, %mul3A_159 : i32
        %add3A_161 = arith.constant 2 : i32
        %add3A_162 = arith.addi %mul3A_160, %add3A_161 : i32
        %add3A_163 = arith.constant 2 : i32
        %add3A_164 = arith.addi %add3A_162, %add3A_163 : i32
        %lt3A_165 = arith.constant 60 : i32
        %lt3A_166 = arith.cmpi slt, %add3A_164, %lt3A_165 : i32
        %ge3A_167 = arith.constant 3 : i32
        %ge3A_168 = arith.cmpi sge, %add3A_164, %ge3A_167 : i32
        %and3A_169 = arith.andi %lt3A_166, %ge3A_168 : i1
        %convert_element_type3A_170 = arith.extui %and3A_169 : i1 to i32
        %cond3A_171 = arith.constant 0 : i32
        %cond3A_172 = arith.cmpi ne, %convert_element_type3A_170, %cond3A_171 : i32
        scf.if %cond3A_172 {
          %sub3A = arith.constant 3 : i32
          %sub3A_190 = arith.subi %add3A_164, %sub3A : i32
          %dma_wait3A_191 = arith.constant 0 : i32
          %dma_wait3A_192 = tpu.memref_slice %arg9[%sub3A_190, %dma_wait3A_191] : memref<97x128xi32, #tpu.memory_space<vmem>> -> memref<1x128xi32, #tpu.memory_space<vmem>>
          %dma_wait3A_193 = tpu.memref_squeeze %dma_wait3A_192 : memref<1x128xi32, #tpu.memory_space<vmem>> -> memref<128xi32, #tpu.memory_space<vmem>>
          %dma_wait3A_194 = arith.constant 0 : i32
          %dma_wait3A_195 = arith.constant 0 : i32
          %dma_wait3A_196 = tpu.memref_slice %arg6[%dma_wait3A_194, %dma_wait3A_195] : memref<10112x64xf32, #tpu.memory_space<vmem_shared>> -> memref<10112x64xf32, #tpu.memory_space<vmem_shared>>
          tpu.wait_indirect_dma semaphore(%arg17 : memref<!tpu.dma_semaphore, #tpu.memory_space<semaphore_mem>>) src(%arg11 : memref<128x64xf32, #tpu.memory_space<vmem>>) dst(%dma_wait3A_196 : memref<10112x64xf32, #tpu.memory_space<vmem_shared>>)
        } else {
        }
        %lt3A_173 = arith.constant 60 : i32
        %lt3A_174 = arith.cmpi slt, %add3A_164, %lt3A_173 : i32
        %convert_element_type3A_175 = arith.extui %lt3A_174 : i1 to i32
        %cond3A_176 = arith.constant 0 : i32
        %cond3A_177 = arith.cmpi ne, %convert_element_type3A_175, %cond3A_176 : i32
        scf.if %cond3A_177 {
          %dma_start3A_190 = arith.constant 0 : i32
          %dma_start3A_191 = tpu.memref_slice %arg8[%add3A_164, %dma_start3A_190] : memref<97x128xi32, #tpu.memory_space<vmem>> -> memref<1x128xi32, #tpu.memory_space<vmem>>
          %dma_start3A_192 = tpu.memref_squeeze %dma_start3A_191 : memref<1x128xi32, #tpu.memory_space<vmem>> -> memref<128xi32, #tpu.memory_space<vmem>>
          %dma_start3A_193 = arith.constant 0 : i32
          %dma_start3A_194 = arith.constant 0 : i32
          %dma_start3A_195 = tpu.memref_slice %arg7[%dma_start3A_193, %dma_start3A_194] : memref<10000x64xf32, #tpu.memory_space<vmem_shared>> -> memref<10000x64xf32, #tpu.memory_space<vmem_shared>>
          tpu.enqueue_indirect_dma source(%dma_start3A_195 : memref<10000x64xf32, #tpu.memory_space<vmem_shared>>) target(%arg11 : memref<128x64xf32, #tpu.memory_space<vmem>>) offsets(%dma_start3A_192 : memref<128xi32, #tpu.memory_space<vmem>>) semaphore(%arg14 : memref<!tpu.dma_semaphore, #tpu.memory_space<semaphore_mem>>)
        } else {
        }
        %dma_wait3A_178 = arith.constant 0 : i32
        %dma_wait3A_179 = tpu.memref_slice %arg8[%add3A_162, %dma_wait3A_178] : memref<97x128xi32, #tpu.memory_space<vmem>> -> memref<1x128xi32, #tpu.memory_space<vmem>>
        %dma_wait3A_180 = tpu.memref_squeeze %dma_wait3A_179 : memref<1x128xi32, #tpu.memory_space<vmem>> -> memref<128xi32, #tpu.memory_space<vmem>>
        %dma_wait3A_181 = arith.constant 0 : i32
        %dma_wait3A_182 = arith.constant 0 : i32
        %dma_wait3A_183 = tpu.memref_slice %arg7[%dma_wait3A_181, %dma_wait3A_182] : memref<10000x64xf32, #tpu.memory_space<vmem_shared>> -> memref<10000x64xf32, #tpu.memory_space<vmem_shared>>
        tpu.wait_indirect_dma semaphore(%arg15 : memref<!tpu.dma_semaphore, #tpu.memory_space<semaphore_mem>>) src(%dma_wait3A_183 : memref<10000x64xf32, #tpu.memory_space<vmem_shared>>) dst(%arg12 : memref<128x64xf32, #tpu.memory_space<vmem>>)
        %dma_start3A_184 = arith.constant 0 : i32
        %dma_start3A_185 = tpu.memref_slice %arg9[%add3A_162, %dma_start3A_184] : memref<97x128xi32, #tpu.memory_space<vmem>> -> memref<1x128xi32, #tpu.memory_space<vmem>>
        %dma_start3A_186 = tpu.memref_squeeze %dma_start3A_185 : memref<1x128xi32, #tpu.memory_space<vmem>> -> memref<128xi32, #tpu.memory_space<vmem>>
        %dma_start3A_187 = arith.constant 0 : i32
        %dma_start3A_188 = arith.constant 0 : i32
        %dma_start3A_189 = tpu.memref_slice %arg6[%dma_start3A_187, %dma_start3A_188] : memref<10112x64xf32, #tpu.memory_space<vmem_shared>> -> memref<10112x64xf32, #tpu.memory_space<vmem_shared>>
        tpu.enqueue_indirect_dma source(%arg12 : memref<128x64xf32, #tpu.memory_space<vmem>>) target(%dma_start3A_189 : memref<10112x64xf32, #tpu.memory_space<vmem_shared>>) offsets(%dma_start3A_186 : memref<128xi32, #tpu.memory_space<vmem>>) semaphore(%arg18 : memref<!tpu.dma_semaphore, #tpu.memory_space<semaphore_mem>>) {add = true}
      }
      %scan3A_71 = arith.constant 20 : i32
      %dma_wait3A = arith.constant 57 : i32
      %dma_wait3A_72 = arith.constant 0 : i32
      %dma_wait3A_73 = tpu.memref_slice %arg9[%dma_wait3A, %dma_wait3A_72] : memref<97x128xi32, #tpu.memory_space<vmem>> -> memref<1x128xi32, #tpu.memory_space<vmem>>
      %dma_wait3A_74 = tpu.memref_squeeze %dma_wait3A_73 : memref<1x128xi32, #tpu.memory_space<vmem>> -> memref<128xi32, #tpu.memory_space<vmem>>
      %dma_wait3A_75 = arith.constant 0 : i32
      %dma_wait3A_76 = arith.constant 0 : i32
      %dma_wait3A_77 = tpu.memref_slice %arg6[%dma_wait3A_75, %dma_wait3A_76] : memref<10112x64xf32, #tpu.memory_space<vmem_shared>> -> memref<10112x64xf32, #tpu.memory_space<vmem_shared>>
      tpu.wait_indirect_dma semaphore(%arg16 : memref<!tpu.dma_semaphore, #tpu.memory_space<semaphore_mem>>) src(%arg10 : memref<128x64xf32, #tpu.memory_space<vmem>>) dst(%dma_wait3A_77 : memref<10112x64xf32, #tpu.memory_space<vmem_shared>>)
      %dma_wait3A_78 = arith.constant 58 : i32
      %dma_wait3A_79 = arith.constant 0 : i32
      %dma_wait3A_80 = tpu.memref_slice %arg9[%dma_wait3A_78, %dma_wait3A_79] : memref<97x128xi32, #tpu.memory_space<vmem>> -> memref<1x128xi32, #tpu.memory_space<vmem>>
      %dma_wait3A_81 = tpu.memref_squeeze %dma_wait3A_80 : memref<1x128xi32, #tpu.memory_space<vmem>> -> memref<128xi32, #tpu.memory_space<vmem>>
      %dma_wait3A_82 = arith.constant 0 : i32
      %dma_wait3A_83 = arith.constant 0 : i32
      %dma_wait3A_84 = tpu.memref_slice %arg6[%dma_wait3A_82, %dma_wait3A_83] : memref<10112x64xf32, #tpu.memory_space<vmem_shared>> -> memref<10112x64xf32, #tpu.memory_space<vmem_shared>>
      tpu.wait_indirect_dma semaphore(%arg17 : memref<!tpu.dma_semaphore, #tpu.memory_space<semaphore_mem>>) src(%arg11 : memref<128x64xf32, #tpu.memory_space<vmem>>) dst(%dma_wait3A_84 : memref<10112x64xf32, #tpu.memory_space<vmem_shared>>)
      %dma_wait3A_85 = arith.constant 59 : i32
      %dma_wait3A_86 = arith.constant 0 : i32
      %dma_wait3A_87 = tpu.memref_slice %arg9[%dma_wait3A_85, %dma_wait3A_86] : memref<97x128xi32, #tpu.memory_space<vmem>> -> memref<1x128xi32, #tpu.memory_space<vmem>>
      %dma_wait3A_88 = tpu.memref_squeeze %dma_wait3A_87 : memref<1x128xi32, #tpu.memory_space<vmem>> -> memref<128xi32, #tpu.memory_space<vmem>>
      %dma_wait3A_89 = arith.constant 0 : i32
      %dma_wait3A_90 = arith.constant 0 : i32
      %dma_wait3A_91 = tpu.memref_slice %arg6[%dma_wait3A_89, %dma_wait3A_90] : memref<10112x64xf32, #tpu.memory_space<vmem_shared>> -> memref<10112x64xf32, #tpu.memory_space<vmem_shared>>
      tpu.wait_indirect_dma semaphore(%arg18 : memref<!tpu.dma_semaphore, #tpu.memory_space<semaphore_mem>>) src(%arg12 : memref<128x64xf32, #tpu.memory_space<vmem>>) dst(%dma_wait3A_91 : memref<10112x64xf32, #tpu.memory_space<vmem_shared>>)
      %lt3A_92 = arith.constant 4 : i32
      %lt3A_93 = arith.cmpi slt, %add3A, %lt3A_92 : i32
      %convert_element_type3A_94 = arith.extui %lt3A_93 : i1 to i32
      %cond3A_95 = arith.constant 0 : i32
      %cond3A_96 = arith.cmpi ne, %convert_element_type3A_94, %cond3A_95 : i32
      scf.if %cond3A_96 {
        %dma_start3A_97 = arith.constant 96 : i32
        %dma_start3A_98 = arith.constant 0 : i32
        %dma_start3A_99 = tpu.memref_slice %arg8[%dma_start3A_97, %dma_start3A_98] : memref<97x128xi32, #tpu.memory_space<vmem>> -> memref<1x128xi32, #tpu.memory_space<vmem>>
        %dma_start3A_100 = tpu.memref_squeeze %dma_start3A_99 : memref<1x128xi32, #tpu.memory_space<vmem>> -> memref<128xi32, #tpu.memory_space<vmem>>
        %dma_start3A_101 = arith.constant 0 : i32
        %dma_start3A_102 = arith.constant 0 : i32
        %dma_start3A_103 = tpu.memref_slice %arg7[%dma_start3A_101, %dma_start3A_102] : memref<10000x64xf32, #tpu.memory_space<vmem_shared>> -> memref<10000x64xf32, #tpu.memory_space<vmem_shared>>
        tpu.enqueue_indirect_dma source(%dma_start3A_103 : memref<10000x64xf32, #tpu.memory_space<vmem_shared>>) target(%arg10 : memref<128x64xf32, #tpu.memory_space<vmem>>) offsets(%dma_start3A_100 : memref<128xi32, #tpu.memory_space<vmem>>) semaphore(%arg13 : memref<!tpu.dma_semaphore, #tpu.memory_space<semaphore_mem>>)
        %dma_wait3A_104 = arith.constant 96 : i32
        %dma_wait3A_105 = arith.constant 0 : i32
        %dma_wait3A_106 = tpu.memref_slice %arg8[%dma_wait3A_104, %dma_wait3A_105] : memref<97x128xi32, #tpu.memory_space<vmem>> -> memref<1x128xi32, #tpu.memory_space<vmem>>
        %dma_wait3A_107 = tpu.memref_squeeze %dma_wait3A_106 : memref<1x128xi32, #tpu.memory_space<vmem>> -> memref<128xi32, #tpu.memory_space<vmem>>
        %dma_wait3A_108 = arith.constant 0 : i32
        %dma_wait3A_109 = arith.constant 0 : i32
        %dma_wait3A_110 = tpu.memref_slice %arg7[%dma_wait3A_108, %dma_wait3A_109] : memref<10000x64xf32, #tpu.memory_space<vmem_shared>> -> memref<10000x64xf32, #tpu.memory_space<vmem_shared>>
        tpu.wait_indirect_dma semaphore(%arg13 : memref<!tpu.dma_semaphore, #tpu.memory_space<semaphore_mem>>) src(%dma_wait3A_110 : memref<10000x64xf32, #tpu.memory_space<vmem_shared>>) dst(%arg10 : memref<128x64xf32, #tpu.memory_space<vmem>>)
        %run_scoped3A = arith.constant 96 : i32
        "tpu.region"() ({
          %run_scoped3A_111 = tpu.sem_alloc : memref<!tpu.dma_semaphore, #tpu.memory_space<semaphore_mem>>
          %dma_start3A_112 = arith.constant 0 : i32
          %dma_start3A_113 = tpu.memref_slice %arg9[%run_scoped3A, %dma_start3A_112] : memref<97x128xi32, #tpu.memory_space<vmem>> -> memref<1x128xi32, #tpu.memory_space<vmem>>
          %dma_start3A_114 = tpu.memref_squeeze %dma_start3A_113 : memref<1x128xi32, #tpu.memory_space<vmem>> -> memref<128xi32, #tpu.memory_space<vmem>>
          %dma_start3A_115 = arith.constant 0 : i32
          %dma_start3A_116 = arith.constant 0 : i32
          %dma_start3A_117 = tpu.memref_slice %arg6[%dma_start3A_115, %dma_start3A_116] : memref<10112x64xf32, #tpu.memory_space<vmem_shared>> -> memref<10112x64xf32, #tpu.memory_space<vmem_shared>>
          tpu.enqueue_indirect_dma source(%arg10 : memref<128x64xf32, #tpu.memory_space<vmem>>) target(%dma_start3A_117 : memref<10112x64xf32, #tpu.memory_space<vmem_shared>>) offsets(%dma_start3A_114 : memref<128xi32, #tpu.memory_space<vmem>>) semaphore(%run_scoped3A_111 : memref<!tpu.dma_semaphore, #tpu.memory_space<semaphore_mem>>) {add = true}
          %dma_wait3A_118 = arith.constant 0 : i32
          %dma_wait3A_119 = tpu.memref_slice %arg9[%run_scoped3A, %dma_wait3A_118] : memref<97x128xi32, #tpu.memory_space<vmem>> -> memref<1x128xi32, #tpu.memory_space<vmem>>
          %dma_wait3A_120 = tpu.memref_squeeze %dma_wait3A_119 : memref<1x128xi32, #tpu.memory_space<vmem>> -> memref<128xi32, #tpu.memory_space<vmem>>
          %dma_wait3A_121 = arith.constant 0 : i32
          %dma_wait3A_122 = arith.constant 0 : i32
          %dma_wait3A_123 = tpu.memref_slice %arg6[%dma_wait3A_121, %dma_wait3A_122] : memref<10112x64xf32, #tpu.memory_space<vmem_shared>> -> memref<10112x64xf32, #tpu.memory_space<vmem_shared>>
          tpu.wait_indirect_dma semaphore(%run_scoped3A_111 : memref<!tpu.dma_semaphore, #tpu.memory_space<semaphore_mem>>) src(%arg10 : memref<128x64xf32, #tpu.memory_space<vmem>>) dst(%dma_wait3A_123 : memref<10112x64xf32, #tpu.memory_space<vmem_shared>>)
          tpu.yield
        }) : () -> ()
      } else {
      }
    } else {
    }
    %barrier3A_47 = arith.constant 0 : index
    tpu.barrier barrier_id(%barrier3A_47)
    %mul3A_48 = arith.constant 632 : i32
    %mul3A_49 = arith.muli %arg1, %mul3A_48 : i32
    %mul3A_50 = arith.constant 632 : i32
    %mul3A_51 = arith.muli %arg1, %mul3A_50 : i32
    %mul3A_52 = arith.constant 64 : i32
    %mul3A_53 = arith.muli %arg0, %mul3A_52 : i32
    "tpu.region"() ({
      %run_scoped3A = tpu.sem_alloc : memref<!tpu.dma_semaphore, #tpu.memory_space<semaphore_mem>>
      %dma_start3A = tpu.memref_slice %arg5[%mul3A_51, %mul3A_53] : memref<10112x128xf32, #tpu.memory_space<hbm>> -> memref<632x64xf32, #tpu.memory_space<hbm>>
      %dma_start3A_54 = arith.constant 0 : i32
      %dma_start3A_55 = tpu.memref_slice %arg6[%mul3A_49, %dma_start3A_54] : memref<10112x64xf32, #tpu.memory_space<vmem_shared>> -> memref<632x64xf32, #tpu.memory_space<vmem_shared>>
      tpu.enqueue_dma source(%dma_start3A_55 : memref<632x64xf32, #tpu.memory_space<vmem_shared>>) target(%dma_start3A : memref<632x64xf32, #tpu.memory_space<hbm>>) target_semaphore(%run_scoped3A : memref<!tpu.dma_semaphore, #tpu.memory_space<semaphore_mem>>)
      %dma_wait3A = tpu.memref_slice %arg5[%mul3A_51, %mul3A_53] : memref<10112x128xf32, #tpu.memory_space<hbm>> -> memref<632x64xf32, #tpu.memory_space<hbm>>
      %dma_wait3A_56 = arith.constant 0 : i32
      %dma_wait3A_57 = tpu.memref_slice %arg6[%mul3A_49, %dma_wait3A_56] : memref<10112x64xf32, #tpu.memory_space<vmem_shared>> -> memref<632x64xf32, #tpu.memory_space<vmem_shared>>
      tpu.wait_dma2 semaphore(%run_scoped3A : memref<!tpu.dma_semaphore, #tpu.memory_space<semaphore_mem>>) src(%dma_wait3A_57 : memref<632x64xf32, #tpu.memory_space<vmem_shared>>) dst(%dma_wait3A : memref<632x64xf32, #tpu.memory_space<hbm>>)
      tpu.yield
    }) : () -> ()
    return
  }
}

#map = affine_map<(d0, d1) -> (0, 0)>
#map1 = affine_map<(d0, d1) -> (0, 0, 0)>
module attributes {stable_mosaic.version = 14 : i64} {
  func.func @_agg_body(%arg0: i32, %arg1: i32, %arg2: memref<10000x8xf32, #tpu.memory_space<hbm>>, %arg3: memref<2x1250x256xi32, #tpu.memory_space<hbm>>, %arg4: memref<10112x8xf32, #tpu.memory_space<hbm>>, %arg5: memref<10112x128xf32, #tpu.memory_space<hbm>>, %arg6: memref<10112x8xf32, #tpu.memory_space<vmem_shared>>, %arg7: memref<10000x8xf32, #tpu.memory_space<vmem_shared>>, %arg8: memref<40x256xi32, #tpu.memory_space<vmem>>, %arg9: memref<40x256xi32, #tpu.memory_space<vmem>>, %arg10: memref<256x8xf32, #tpu.memory_space<vmem>>, %arg11: memref<256x8xf32, #tpu.memory_space<vmem>>, %arg12: memref<256x8xf32, #tpu.memory_space<vmem>>, %arg13: memref<!tpu.dma_semaphore, #tpu.memory_space<semaphore_mem>>, %arg14: memref<!tpu.dma_semaphore, #tpu.memory_space<semaphore_mem>>, %arg15: memref<!tpu.dma_semaphore, #tpu.memory_space<semaphore_mem>>, %arg16: memref<!tpu.dma_semaphore, #tpu.memory_space<semaphore_mem>>, %arg17: memref<!tpu.dma_semaphore, #tpu.memory_space<semaphore_mem>>, %arg18: memref<!tpu.dma_semaphore, #tpu.memory_space<semaphore_mem>>) attributes {dimension_semantics = [#tpu.dimension_semantics<core_parallel>, #tpu.dimension_semantics<subcore_parallel>], iteration_bounds = array<i64: 2, 16>, scalar_prefetch = 0 : i64, scratch_operands = 13 : i64, tpu.core_type = #tpu.core_type<sc_vector_subcore>, window_params = [{transform_indices = #map}, {transform_indices = #map1}, {transform_indices = #map}, {transform_indices = #map}]} {
    %mul3A = arith.constant 2 : i32
    %mul3A_0 = arith.muli %arg1, %mul3A : i32
    %add3A = arith.addi %mul3A_0, %arg0 : i32
    %eq3A = arith.constant 0 : i32
    %eq3A_1 = arith.cmpi eq, %arg0, %eq3A : i32
    %mul3A_2 = arith.constant 39 : i32
    %mul3A_3 = arith.muli %arg1, %mul3A_2 : i32
    %mul3A_4 = arith.constant 39 : i32
    %mul3A_5 = arith.muli %arg1, %mul3A_4 : i32
    %add3A_6 = arith.constant 624 : i32
    %add3A_7 = arith.addi %add3A_6, %mul3A_5 : i32
    %select_n3A = arith.select %eq3A_1, %mul3A_3, %add3A_7 : i32
    %eq3A_8 = arith.constant 0 : i32
    %eq3A_9 = arith.cmpi eq, %arg0, %eq3A_8 : i32
    %convert_element_type3A = arith.extui %eq3A_9 : i1 to i32
    %cond3A = arith.constant 0 : i32
    %cond3A_10 = arith.cmpi ne, %convert_element_type3A, %cond3A : i32
    scf.if %cond3A_10 {
      %run_scoped3A = arith.constant 0 : i32
      "tpu.region"() ({
        %run_scoped3A_87 = tpu.sem_alloc : memref<!tpu.dma_semaphore, #tpu.memory_space<semaphore_mem>>
        %dma_start3A_88 = arith.constant 0 : i32
        %dma_start3A_89 = arith.constant 0 : i32
        %dma_start3A_90 = tpu.memref_slice %arg8[%dma_start3A_88, %dma_start3A_89] : memref<40x256xi32, #tpu.memory_space<vmem>> -> memref<39x256xi32, #tpu.memory_space<vmem>>
        %dma_start3A_91 = arith.constant 0 : i32
        %dma_start3A_92 = tpu.memref_slice %arg3[%run_scoped3A, %select_n3A, %dma_start3A_91] : memref<2x1250x256xi32, #tpu.memory_space<hbm>> -> memref<1x39x256xi32, #tpu.memory_space<hbm>>
        %dma_start3A_93 = tpu.memref_squeeze %dma_start3A_92 : memref<1x39x256xi32, #tpu.memory_space<hbm>> -> memref<39x256xi32, #tpu.memory_space<hbm>>
        %dma_start3A_94 = arith.constant 0 : i32
        %dma_start3A_95 = arith.constant 0 : i32
        %dma_start3A_96 = tpu.memref_slice %arg8[%dma_start3A_94, %dma_start3A_95] : memref<40x256xi32, #tpu.memory_space<vmem>> -> memref<39x256xi32, #tpu.memory_space<vmem>>
        %dma_start3A_97 = arith.constant 0 : i32
        %dma_start3A_98 = tpu.memref_slice %arg3[%run_scoped3A, %select_n3A, %dma_start3A_97] : memref<2x1250x256xi32, #tpu.memory_space<hbm>> -> memref<1x39x256xi32, #tpu.memory_space<hbm>>
        %dma_start3A_99 = tpu.memref_squeeze %dma_start3A_98 : memref<1x39x256xi32, #tpu.memory_space<hbm>> -> memref<39x256xi32, #tpu.memory_space<hbm>>
        tpu.enqueue_dma source(%dma_start3A_99 : memref<39x256xi32, #tpu.memory_space<hbm>>) target(%dma_start3A_96 : memref<39x256xi32, #tpu.memory_space<vmem>>) target_semaphore(%run_scoped3A_87 : memref<!tpu.dma_semaphore, #tpu.memory_space<semaphore_mem>>)
        %dma_wait3A_100 = arith.constant 0 : i32
        %dma_wait3A_101 = arith.constant 0 : i32
        %dma_wait3A_102 = tpu.memref_slice %arg8[%dma_wait3A_100, %dma_wait3A_101] : memref<40x256xi32, #tpu.memory_space<vmem>> -> memref<39x256xi32, #tpu.memory_space<vmem>>
        %dma_wait3A_103 = arith.constant 0 : i32
        %dma_wait3A_104 = tpu.memref_slice %arg3[%run_scoped3A, %select_n3A, %dma_wait3A_103] : memref<2x1250x256xi32, #tpu.memory_space<hbm>> -> memref<1x39x256xi32, #tpu.memory_space<hbm>>
        %dma_wait3A_105 = tpu.memref_squeeze %dma_wait3A_104 : memref<1x39x256xi32, #tpu.memory_space<hbm>> -> memref<39x256xi32, #tpu.memory_space<hbm>>
        %dma_wait3A_106 = arith.constant 0 : i32
        %dma_wait3A_107 = arith.constant 0 : i32
        %dma_wait3A_108 = tpu.memref_slice %arg8[%dma_wait3A_106, %dma_wait3A_107] : memref<40x256xi32, #tpu.memory_space<vmem>> -> memref<39x256xi32, #tpu.memory_space<vmem>>
        %dma_wait3A_109 = arith.constant 0 : i32
        %dma_wait3A_110 = tpu.memref_slice %arg3[%run_scoped3A, %select_n3A, %dma_wait3A_109] : memref<2x1250x256xi32, #tpu.memory_space<hbm>> -> memref<1x39x256xi32, #tpu.memory_space<hbm>>
        %dma_wait3A_111 = tpu.memref_squeeze %dma_wait3A_110 : memref<1x39x256xi32, #tpu.memory_space<hbm>> -> memref<39x256xi32, #tpu.memory_space<hbm>>
        tpu.wait_dma2 semaphore(%run_scoped3A_87 : memref<!tpu.dma_semaphore, #tpu.memory_space<semaphore_mem>>) src(%dma_wait3A_111 : memref<39x256xi32, #tpu.memory_space<hbm>>) dst(%dma_wait3A_108 : memref<39x256xi32, #tpu.memory_space<vmem>>)
        tpu.yield
      }) : () -> ()
      %run_scoped3A_86 = arith.constant 1 : i32
      "tpu.region"() ({
        %run_scoped3A_87 = tpu.sem_alloc : memref<!tpu.dma_semaphore, #tpu.memory_space<semaphore_mem>>
        %dma_start3A_88 = arith.constant 0 : i32
        %dma_start3A_89 = arith.constant 0 : i32
        %dma_start3A_90 = tpu.memref_slice %arg9[%dma_start3A_88, %dma_start3A_89] : memref<40x256xi32, #tpu.memory_space<vmem>> -> memref<39x256xi32, #tpu.memory_space<vmem>>
        %dma_start3A_91 = arith.constant 0 : i32
        %dma_start3A_92 = tpu.memref_slice %arg3[%run_scoped3A_86, %select_n3A, %dma_start3A_91] : memref<2x1250x256xi32, #tpu.memory_space<hbm>> -> memref<1x39x256xi32, #tpu.memory_space<hbm>>
        %dma_start3A_93 = tpu.memref_squeeze %dma_start3A_92 : memref<1x39x256xi32, #tpu.memory_space<hbm>> -> memref<39x256xi32, #tpu.memory_space<hbm>>
        %dma_start3A_94 = arith.constant 0 : i32
        %dma_start3A_95 = arith.constant 0 : i32
        %dma_start3A_96 = tpu.memref_slice %arg9[%dma_start3A_94, %dma_start3A_95] : memref<40x256xi32, #tpu.memory_space<vmem>> -> memref<39x256xi32, #tpu.memory_space<vmem>>
        %dma_start3A_97 = arith.constant 0 : i32
        %dma_start3A_98 = tpu.memref_slice %arg3[%run_scoped3A_86, %select_n3A, %dma_start3A_97] : memref<2x1250x256xi32, #tpu.memory_space<hbm>> -> memref<1x39x256xi32, #tpu.memory_space<hbm>>
        %dma_start3A_99 = tpu.memref_squeeze %dma_start3A_98 : memref<1x39x256xi32, #tpu.memory_space<hbm>> -> memref<39x256xi32, #tpu.memory_space<hbm>>
        tpu.enqueue_dma source(%dma_start3A_99 : memref<39x256xi32, #tpu.memory_space<hbm>>) target(%dma_start3A_96 : memref<39x256xi32, #tpu.memory_space<vmem>>) target_semaphore(%run_scoped3A_87 : memref<!tpu.dma_semaphore, #tpu.memory_space<semaphore_mem>>)
        %dma_wait3A_100 = arith.constant 0 : i32
        %dma_wait3A_101 = arith.constant 0 : i32
        %dma_wait3A_102 = tpu.memref_slice %arg9[%dma_wait3A_100, %dma_wait3A_101] : memref<40x256xi32, #tpu.memory_space<vmem>> -> memref<39x256xi32, #tpu.memory_space<vmem>>
        %dma_wait3A_103 = arith.constant 0 : i32
        %dma_wait3A_104 = tpu.memref_slice %arg3[%run_scoped3A_86, %select_n3A, %dma_wait3A_103] : memref<2x1250x256xi32, #tpu.memory_space<hbm>> -> memref<1x39x256xi32, #tpu.memory_space<hbm>>
        %dma_wait3A_105 = tpu.memref_squeeze %dma_wait3A_104 : memref<1x39x256xi32, #tpu.memory_space<hbm>> -> memref<39x256xi32, #tpu.memory_space<hbm>>
        %dma_wait3A_106 = arith.constant 0 : i32
        %dma_wait3A_107 = arith.constant 0 : i32
        %dma_wait3A_108 = tpu.memref_slice %arg9[%dma_wait3A_106, %dma_wait3A_107] : memref<40x256xi32, #tpu.memory_space<vmem>> -> memref<39x256xi32, #tpu.memory_space<vmem>>
        %dma_wait3A_109 = arith.constant 0 : i32
        %dma_wait3A_110 = tpu.memref_slice %arg3[%run_scoped3A_86, %select_n3A, %dma_wait3A_109] : memref<2x1250x256xi32, #tpu.memory_space<hbm>> -> memref<1x39x256xi32, #tpu.memory_space<hbm>>
        %dma_wait3A_111 = tpu.memref_squeeze %dma_wait3A_110 : memref<1x39x256xi32, #tpu.memory_space<hbm>> -> memref<39x256xi32, #tpu.memory_space<hbm>>
        tpu.wait_dma2 semaphore(%run_scoped3A_87 : memref<!tpu.dma_semaphore, #tpu.memory_space<semaphore_mem>>) src(%dma_wait3A_111 : memref<39x256xi32, #tpu.memory_space<hbm>>) dst(%dma_wait3A_108 : memref<39x256xi32, #tpu.memory_space<vmem>>)
        tpu.yield
      }) : () -> ()
    } else {
    }
    %eq3A_11 = arith.constant 1 : i32
    %eq3A_12 = arith.cmpi eq, %arg0, %eq3A_11 : i32
    %convert_element_type3A_13 = arith.extui %eq3A_12 : i1 to i32
    %cond3A_14 = arith.constant 0 : i32
    %cond3A_15 = arith.cmpi ne, %convert_element_type3A_13, %cond3A_14 : i32
    scf.if %cond3A_15 {
      %run_scoped3A = arith.constant 0 : i32
      "tpu.region"() ({
        %run_scoped3A_87 = tpu.sem_alloc : memref<!tpu.dma_semaphore, #tpu.memory_space<semaphore_mem>>
        %dma_start3A_88 = arith.constant 0 : i32
        %dma_start3A_89 = arith.constant 0 : i32
        %dma_start3A_90 = tpu.memref_slice %arg8[%dma_start3A_88, %dma_start3A_89] : memref<40x256xi32, #tpu.memory_space<vmem>> -> memref<39x256xi32, #tpu.memory_space<vmem>>
        %dma_start3A_91 = arith.constant 0 : i32
        %dma_start3A_92 = tpu.memref_slice %arg3[%run_scoped3A, %select_n3A, %dma_start3A_91] : memref<2x1250x256xi32, #tpu.memory_space<hbm>> -> memref<1x39x256xi32, #tpu.memory_space<hbm>>
        %dma_start3A_93 = tpu.memref_squeeze %dma_start3A_92 : memref<1x39x256xi32, #tpu.memory_space<hbm>> -> memref<39x256xi32, #tpu.memory_space<hbm>>
        %dma_start3A_94 = arith.constant 0 : i32
        %dma_start3A_95 = arith.constant 0 : i32
        %dma_start3A_96 = tpu.memref_slice %arg8[%dma_start3A_94, %dma_start3A_95] : memref<40x256xi32, #tpu.memory_space<vmem>> -> memref<39x256xi32, #tpu.memory_space<vmem>>
        %dma_start3A_97 = arith.constant 0 : i32
        %dma_start3A_98 = tpu.memref_slice %arg3[%run_scoped3A, %select_n3A, %dma_start3A_97] : memref<2x1250x256xi32, #tpu.memory_space<hbm>> -> memref<1x39x256xi32, #tpu.memory_space<hbm>>
        %dma_start3A_99 = tpu.memref_squeeze %dma_start3A_98 : memref<1x39x256xi32, #tpu.memory_space<hbm>> -> memref<39x256xi32, #tpu.memory_space<hbm>>
        tpu.enqueue_dma source(%dma_start3A_99 : memref<39x256xi32, #tpu.memory_space<hbm>>) target(%dma_start3A_96 : memref<39x256xi32, #tpu.memory_space<vmem>>) target_semaphore(%run_scoped3A_87 : memref<!tpu.dma_semaphore, #tpu.memory_space<semaphore_mem>>)
        %dma_wait3A_100 = arith.constant 0 : i32
        %dma_wait3A_101 = arith.constant 0 : i32
        %dma_wait3A_102 = tpu.memref_slice %arg8[%dma_wait3A_100, %dma_wait3A_101] : memref<40x256xi32, #tpu.memory_space<vmem>> -> memref<39x256xi32, #tpu.memory_space<vmem>>
        %dma_wait3A_103 = arith.constant 0 : i32
        %dma_wait3A_104 = tpu.memref_slice %arg3[%run_scoped3A, %select_n3A, %dma_wait3A_103] : memref<2x1250x256xi32, #tpu.memory_space<hbm>> -> memref<1x39x256xi32, #tpu.memory_space<hbm>>
        %dma_wait3A_105 = tpu.memref_squeeze %dma_wait3A_104 : memref<1x39x256xi32, #tpu.memory_space<hbm>> -> memref<39x256xi32, #tpu.memory_space<hbm>>
        %dma_wait3A_106 = arith.constant 0 : i32
        %dma_wait3A_107 = arith.constant 0 : i32
        %dma_wait3A_108 = tpu.memref_slice %arg8[%dma_wait3A_106, %dma_wait3A_107] : memref<40x256xi32, #tpu.memory_space<vmem>> -> memref<39x256xi32, #tpu.memory_space<vmem>>
        %dma_wait3A_109 = arith.constant 0 : i32
        %dma_wait3A_110 = tpu.memref_slice %arg3[%run_scoped3A, %select_n3A, %dma_wait3A_109] : memref<2x1250x256xi32, #tpu.memory_space<hbm>> -> memref<1x39x256xi32, #tpu.memory_space<hbm>>
        %dma_wait3A_111 = tpu.memref_squeeze %dma_wait3A_110 : memref<1x39x256xi32, #tpu.memory_space<hbm>> -> memref<39x256xi32, #tpu.memory_space<hbm>>
        tpu.wait_dma2 semaphore(%run_scoped3A_87 : memref<!tpu.dma_semaphore, #tpu.memory_space<semaphore_mem>>) src(%dma_wait3A_111 : memref<39x256xi32, #tpu.memory_space<hbm>>) dst(%dma_wait3A_108 : memref<39x256xi32, #tpu.memory_space<vmem>>)
        tpu.yield
      }) : () -> ()
      %run_scoped3A_86 = arith.constant 1 : i32
      "tpu.region"() ({
        %run_scoped3A_87 = tpu.sem_alloc : memref<!tpu.dma_semaphore, #tpu.memory_space<semaphore_mem>>
        %dma_start3A_88 = arith.constant 0 : i32
        %dma_start3A_89 = arith.constant 0 : i32
        %dma_start3A_90 = tpu.memref_slice %arg9[%dma_start3A_88, %dma_start3A_89] : memref<40x256xi32, #tpu.memory_space<vmem>> -> memref<39x256xi32, #tpu.memory_space<vmem>>
        %dma_start3A_91 = arith.constant 0 : i32
        %dma_start3A_92 = tpu.memref_slice %arg3[%run_scoped3A_86, %select_n3A, %dma_start3A_91] : memref<2x1250x256xi32, #tpu.memory_space<hbm>> -> memref<1x39x256xi32, #tpu.memory_space<hbm>>
        %dma_start3A_93 = tpu.memref_squeeze %dma_start3A_92 : memref<1x39x256xi32, #tpu.memory_space<hbm>> -> memref<39x256xi32, #tpu.memory_space<hbm>>
        %dma_start3A_94 = arith.constant 0 : i32
        %dma_start3A_95 = arith.constant 0 : i32
        %dma_start3A_96 = tpu.memref_slice %arg9[%dma_start3A_94, %dma_start3A_95] : memref<40x256xi32, #tpu.memory_space<vmem>> -> memref<39x256xi32, #tpu.memory_space<vmem>>
        %dma_start3A_97 = arith.constant 0 : i32
        %dma_start3A_98 = tpu.memref_slice %arg3[%run_scoped3A_86, %select_n3A, %dma_start3A_97] : memref<2x1250x256xi32, #tpu.memory_space<hbm>> -> memref<1x39x256xi32, #tpu.memory_space<hbm>>
        %dma_start3A_99 = tpu.memref_squeeze %dma_start3A_98 : memref<1x39x256xi32, #tpu.memory_space<hbm>> -> memref<39x256xi32, #tpu.memory_space<hbm>>
        tpu.enqueue_dma source(%dma_start3A_99 : memref<39x256xi32, #tpu.memory_space<hbm>>) target(%dma_start3A_96 : memref<39x256xi32, #tpu.memory_space<vmem>>) target_semaphore(%run_scoped3A_87 : memref<!tpu.dma_semaphore, #tpu.memory_space<semaphore_mem>>)
        %dma_wait3A_100 = arith.constant 0 : i32
        %dma_wait3A_101 = arith.constant 0 : i32
        %dma_wait3A_102 = tpu.memref_slice %arg9[%dma_wait3A_100, %dma_wait3A_101] : memref<40x256xi32, #tpu.memory_space<vmem>> -> memref<39x256xi32, #tpu.memory_space<vmem>>
        %dma_wait3A_103 = arith.constant 0 : i32
        %dma_wait3A_104 = tpu.memref_slice %arg3[%run_scoped3A_86, %select_n3A, %dma_wait3A_103] : memref<2x1250x256xi32, #tpu.memory_space<hbm>> -> memref<1x39x256xi32, #tpu.memory_space<hbm>>
        %dma_wait3A_105 = tpu.memref_squeeze %dma_wait3A_104 : memref<1x39x256xi32, #tpu.memory_space<hbm>> -> memref<39x256xi32, #tpu.memory_space<hbm>>
        %dma_wait3A_106 = arith.constant 0 : i32
        %dma_wait3A_107 = arith.constant 0 : i32
        %dma_wait3A_108 = tpu.memref_slice %arg9[%dma_wait3A_106, %dma_wait3A_107] : memref<40x256xi32, #tpu.memory_space<vmem>> -> memref<39x256xi32, #tpu.memory_space<vmem>>
        %dma_wait3A_109 = arith.constant 0 : i32
        %dma_wait3A_110 = tpu.memref_slice %arg3[%run_scoped3A_86, %select_n3A, %dma_wait3A_109] : memref<2x1250x256xi32, #tpu.memory_space<hbm>> -> memref<1x39x256xi32, #tpu.memory_space<hbm>>
        %dma_wait3A_111 = tpu.memref_squeeze %dma_wait3A_110 : memref<1x39x256xi32, #tpu.memory_space<hbm>> -> memref<39x256xi32, #tpu.memory_space<hbm>>
        tpu.wait_dma2 semaphore(%run_scoped3A_87 : memref<!tpu.dma_semaphore, #tpu.memory_space<semaphore_mem>>) src(%dma_wait3A_111 : memref<39x256xi32, #tpu.memory_space<hbm>>) dst(%dma_wait3A_108 : memref<39x256xi32, #tpu.memory_space<vmem>>)
        tpu.yield
      }) : () -> ()
    } else {
    }
    %lt3A = arith.constant 2 : i32
    %lt3A_16 = arith.cmpi slt, %add3A, %lt3A : i32
    %convert_element_type3A_17 = arith.extui %lt3A_16 : i1 to i32
    %cond3A_18 = arith.constant 0 : i32
    %cond3A_19 = arith.cmpi ne, %convert_element_type3A_17, %cond3A_18 : i32
    scf.if %cond3A_19 {
      %add3A_86 = arith.constant 1248 : i32
      %add3A_87 = arith.addi %add3A_86, %add3A : i32
      %run_scoped3A = arith.constant 0 : i32
      "tpu.region"() ({
        %run_scoped3A_91 = tpu.sem_alloc : memref<!tpu.dma_semaphore, #tpu.memory_space<semaphore_mem>>
        %dma_start3A_92 = arith.constant 39 : i32
        %dma_start3A_93 = arith.constant 0 : i32
        %dma_start3A_94 = tpu.memref_slice %arg8[%dma_start3A_92, %dma_start3A_93] : memref<40x256xi32, #tpu.memory_space<vmem>> -> memref<1x256xi32, #tpu.memory_space<vmem>>
        %dma_start3A_95 = arith.constant 0 : i32
        %dma_start3A_96 = tpu.memref_slice %arg3[%run_scoped3A, %add3A_87, %dma_start3A_95] : memref<2x1250x256xi32, #tpu.memory_space<hbm>> -> memref<1x1x256xi32, #tpu.memory_space<hbm>>
        %dma_start3A_97 = tpu.memref_squeeze %dma_start3A_96 : memref<1x1x256xi32, #tpu.memory_space<hbm>> -> memref<1x256xi32, #tpu.memory_space<hbm>>
        %dma_start3A_98 = arith.constant 39 : i32
        %dma_start3A_99 = arith.constant 0 : i32
        %dma_start3A_100 = tpu.memref_slice %arg8[%dma_start3A_98, %dma_start3A_99] : memref<40x256xi32, #tpu.memory_space<vmem>> -> memref<1x256xi32, #tpu.memory_space<vmem>>
        %dma_start3A_101 = arith.constant 0 : i32
        %dma_start3A_102 = tpu.memref_slice %arg3[%run_scoped3A, %add3A_87, %dma_start3A_101] : memref<2x1250x256xi32, #tpu.memory_space<hbm>> -> memref<1x1x256xi32, #tpu.memory_space<hbm>>
        %dma_start3A_103 = tpu.memref_squeeze %dma_start3A_102 : memref<1x1x256xi32, #tpu.memory_space<hbm>> -> memref<1x256xi32, #tpu.memory_space<hbm>>
        tpu.enqueue_dma source(%dma_start3A_103 : memref<1x256xi32, #tpu.memory_space<hbm>>) target(%dma_start3A_100 : memref<1x256xi32, #tpu.memory_space<vmem>>) target_semaphore(%run_scoped3A_91 : memref<!tpu.dma_semaphore, #tpu.memory_space<semaphore_mem>>)
        %dma_wait3A_104 = arith.constant 39 : i32
        %dma_wait3A_105 = arith.constant 0 : i32
        %dma_wait3A_106 = tpu.memref_slice %arg8[%dma_wait3A_104, %dma_wait3A_105] : memref<40x256xi32, #tpu.memory_space<vmem>> -> memref<1x256xi32, #tpu.memory_space<vmem>>
        %dma_wait3A_107 = arith.constant 0 : i32
        %dma_wait3A_108 = tpu.memref_slice %arg3[%run_scoped3A, %add3A_87, %dma_wait3A_107] : memref<2x1250x256xi32, #tpu.memory_space<hbm>> -> memref<1x1x256xi32, #tpu.memory_space<hbm>>
        %dma_wait3A_109 = tpu.memref_squeeze %dma_wait3A_108 : memref<1x1x256xi32, #tpu.memory_space<hbm>> -> memref<1x256xi32, #tpu.memory_space<hbm>>
        %dma_wait3A_110 = arith.constant 39 : i32
        %dma_wait3A_111 = arith.constant 0 : i32
        %dma_wait3A_112 = tpu.memref_slice %arg8[%dma_wait3A_110, %dma_wait3A_111] : memref<40x256xi32, #tpu.memory_space<vmem>> -> memref<1x256xi32, #tpu.memory_space<vmem>>
        %dma_wait3A_113 = arith.constant 0 : i32
        %dma_wait3A_114 = tpu.memref_slice %arg3[%run_scoped3A, %add3A_87, %dma_wait3A_113] : memref<2x1250x256xi32, #tpu.memory_space<hbm>> -> memref<1x1x256xi32, #tpu.memory_space<hbm>>
        %dma_wait3A_115 = tpu.memref_squeeze %dma_wait3A_114 : memref<1x1x256xi32, #tpu.memory_space<hbm>> -> memref<1x256xi32, #tpu.memory_space<hbm>>
        tpu.wait_dma2 semaphore(%run_scoped3A_91 : memref<!tpu.dma_semaphore, #tpu.memory_space<semaphore_mem>>) src(%dma_wait3A_115 : memref<1x256xi32, #tpu.memory_space<hbm>>) dst(%dma_wait3A_112 : memref<1x256xi32, #tpu.memory_space<vmem>>)
        tpu.yield
      }) : () -> ()
      %add3A_88 = arith.constant 1248 : i32
      %add3A_89 = arith.addi %add3A_88, %add3A : i32
      %run_scoped3A_90 = arith.constant 1 : i32
      "tpu.region"() ({
        %run_scoped3A_91 = tpu.sem_alloc : memref<!tpu.dma_semaphore, #tpu.memory_space<semaphore_mem>>
        %dma_start3A_92 = arith.constant 39 : i32
        %dma_start3A_93 = arith.constant 0 : i32
        %dma_start3A_94 = tpu.memref_slice %arg9[%dma_start3A_92, %dma_start3A_93] : memref<40x256xi32, #tpu.memory_space<vmem>> -> memref<1x256xi32, #tpu.memory_space<vmem>>
        %dma_start3A_95 = arith.constant 0 : i32
        %dma_start3A_96 = tpu.memref_slice %arg3[%run_scoped3A_90, %add3A_89, %dma_start3A_95] : memref<2x1250x256xi32, #tpu.memory_space<hbm>> -> memref<1x1x256xi32, #tpu.memory_space<hbm>>
        %dma_start3A_97 = tpu.memref_squeeze %dma_start3A_96 : memref<1x1x256xi32, #tpu.memory_space<hbm>> -> memref<1x256xi32, #tpu.memory_space<hbm>>
        %dma_start3A_98 = arith.constant 39 : i32
        %dma_start3A_99 = arith.constant 0 : i32
        %dma_start3A_100 = tpu.memref_slice %arg9[%dma_start3A_98, %dma_start3A_99] : memref<40x256xi32, #tpu.memory_space<vmem>> -> memref<1x256xi32, #tpu.memory_space<vmem>>
        %dma_start3A_101 = arith.constant 0 : i32
        %dma_start3A_102 = tpu.memref_slice %arg3[%run_scoped3A_90, %add3A_89, %dma_start3A_101] : memref<2x1250x256xi32, #tpu.memory_space<hbm>> -> memref<1x1x256xi32, #tpu.memory_space<hbm>>
        %dma_start3A_103 = tpu.memref_squeeze %dma_start3A_102 : memref<1x1x256xi32, #tpu.memory_space<hbm>> -> memref<1x256xi32, #tpu.memory_space<hbm>>
        tpu.enqueue_dma source(%dma_start3A_103 : memref<1x256xi32, #tpu.memory_space<hbm>>) target(%dma_start3A_100 : memref<1x256xi32, #tpu.memory_space<vmem>>) target_semaphore(%run_scoped3A_91 : memref<!tpu.dma_semaphore, #tpu.memory_space<semaphore_mem>>)
        %dma_wait3A_104 = arith.constant 39 : i32
        %dma_wait3A_105 = arith.constant 0 : i32
        %dma_wait3A_106 = tpu.memref_slice %arg9[%dma_wait3A_104, %dma_wait3A_105] : memref<40x256xi32, #tpu.memory_space<vmem>> -> memref<1x256xi32, #tpu.memory_space<vmem>>
        %dma_wait3A_107 = arith.constant 0 : i32
        %dma_wait3A_108 = tpu.memref_slice %arg3[%run_scoped3A_90, %add3A_89, %dma_wait3A_107] : memref<2x1250x256xi32, #tpu.memory_space<hbm>> -> memref<1x1x256xi32, #tpu.memory_space<hbm>>
        %dma_wait3A_109 = tpu.memref_squeeze %dma_wait3A_108 : memref<1x1x256xi32, #tpu.memory_space<hbm>> -> memref<1x256xi32, #tpu.memory_space<hbm>>
        %dma_wait3A_110 = arith.constant 39 : i32
        %dma_wait3A_111 = arith.constant 0 : i32
        %dma_wait3A_112 = tpu.memref_slice %arg9[%dma_wait3A_110, %dma_wait3A_111] : memref<40x256xi32, #tpu.memory_space<vmem>> -> memref<1x256xi32, #tpu.memory_space<vmem>>
        %dma_wait3A_113 = arith.constant 0 : i32
        %dma_wait3A_114 = tpu.memref_slice %arg3[%run_scoped3A_90, %add3A_89, %dma_wait3A_113] : memref<2x1250x256xi32, #tpu.memory_space<hbm>> -> memref<1x1x256xi32, #tpu.memory_space<hbm>>
        %dma_wait3A_115 = tpu.memref_squeeze %dma_wait3A_114 : memref<1x1x256xi32, #tpu.memory_space<hbm>> -> memref<1x256xi32, #tpu.memory_space<hbm>>
        tpu.wait_dma2 semaphore(%run_scoped3A_91 : memref<!tpu.dma_semaphore, #tpu.memory_space<semaphore_mem>>) src(%dma_wait3A_115 : memref<1x256xi32, #tpu.memory_space<hbm>>) dst(%dma_wait3A_112 : memref<1x256xi32, #tpu.memory_space<vmem>>)
        tpu.yield
      }) : () -> ()
    } else {
    }
    %mul3A_20 = arith.constant 632 : i32
    %mul3A_21 = arith.muli %arg1, %mul3A_20 : i32
    %mul3A_22 = arith.constant 632 : i32
    %mul3A_23 = arith.muli %arg1, %mul3A_22 : i32
    "tpu.region"() ({
      %run_scoped3A = tpu.sem_alloc : memref<!tpu.dma_semaphore, #tpu.memory_space<semaphore_mem>>
      %dma_start3A_86 = arith.constant 0 : i32
      %dma_start3A_87 = tpu.memref_slice %arg6[%mul3A_23, %dma_start3A_86] : memref<10112x8xf32, #tpu.memory_space<vmem_shared>> -> memref<632x8xf32, #tpu.memory_space<vmem_shared>>
      %dma_start3A_88 = arith.constant 0 : i32
      %dma_start3A_89 = tpu.memref_slice %arg4[%mul3A_21, %dma_start3A_88] : memref<10112x8xf32, #tpu.memory_space<hbm>> -> memref<632x8xf32, #tpu.memory_space<hbm>>
      tpu.enqueue_dma source(%dma_start3A_89 : memref<632x8xf32, #tpu.memory_space<hbm>>) target(%dma_start3A_87 : memref<632x8xf32, #tpu.memory_space<vmem_shared>>) target_semaphore(%run_scoped3A : memref<!tpu.dma_semaphore, #tpu.memory_space<semaphore_mem>>)
      %dma_wait3A_90 = arith.constant 0 : i32
      %dma_wait3A_91 = tpu.memref_slice %arg6[%mul3A_23, %dma_wait3A_90] : memref<10112x8xf32, #tpu.memory_space<vmem_shared>> -> memref<632x8xf32, #tpu.memory_space<vmem_shared>>
      %dma_wait3A_92 = arith.constant 0 : i32
      %dma_wait3A_93 = tpu.memref_slice %arg4[%mul3A_21, %dma_wait3A_92] : memref<10112x8xf32, #tpu.memory_space<hbm>> -> memref<632x8xf32, #tpu.memory_space<hbm>>
      tpu.wait_dma2 semaphore(%run_scoped3A : memref<!tpu.dma_semaphore, #tpu.memory_space<semaphore_mem>>) src(%dma_wait3A_93 : memref<632x8xf32, #tpu.memory_space<hbm>>) dst(%dma_wait3A_91 : memref<632x8xf32, #tpu.memory_space<vmem_shared>>)
      tpu.yield
    }) : () -> ()
    %ge3A = arith.constant 0 : i32
    %ge3A_24 = arith.cmpi sge, %arg0, %ge3A : i32
    %lt3A_25 = arith.constant 15 : i32
    %lt3A_26 = arith.cmpi slt, %arg1, %lt3A_25 : i32
    %and3A = arith.andi %ge3A_24, %lt3A_26 : i1
    %convert_element_type3A_27 = arith.extui %and3A : i1 to i32
    %cond3A_28 = arith.constant 0 : i32
    %cond3A_29 = arith.cmpi ne, %convert_element_type3A_27, %cond3A_28 : i32
    scf.if %cond3A_29 {
      %mul3A_86 = arith.constant 632 : i32
      %mul3A_87 = arith.muli %arg1, %mul3A_86 : i32
      %mul3A_88 = arith.constant 632 : i32
      %mul3A_89 = arith.muli %arg1, %mul3A_88 : i32
      "tpu.region"() ({
        %run_scoped3A = tpu.sem_alloc : memref<!tpu.dma_semaphore, #tpu.memory_space<semaphore_mem>>
        %dma_start3A_90 = arith.constant 0 : i32
        %dma_start3A_91 = tpu.memref_slice %arg7[%mul3A_89, %dma_start3A_90] : memref<10000x8xf32, #tpu.memory_space<vmem_shared>> -> memref<632x8xf32, #tpu.memory_space<vmem_shared>>
        %dma_start3A_92 = arith.constant 0 : i32
        %dma_start3A_93 = tpu.memref_slice %arg2[%mul3A_87, %dma_start3A_92] : memref<10000x8xf32, #tpu.memory_space<hbm>> -> memref<632x8xf32, #tpu.memory_space<hbm>>
        tpu.enqueue_dma source(%dma_start3A_93 : memref<632x8xf32, #tpu.memory_space<hbm>>) target(%dma_start3A_91 : memref<632x8xf32, #tpu.memory_space<vmem_shared>>) target_semaphore(%run_scoped3A : memref<!tpu.dma_semaphore, #tpu.memory_space<semaphore_mem>>)
        %dma_wait3A_94 = arith.constant 0 : i32
        %dma_wait3A_95 = tpu.memref_slice %arg7[%mul3A_89, %dma_wait3A_94] : memref<10000x8xf32, #tpu.memory_space<vmem_shared>> -> memref<632x8xf32, #tpu.memory_space<vmem_shared>>
        %dma_wait3A_96 = arith.constant 0 : i32
        %dma_wait3A_97 = tpu.memref_slice %arg2[%mul3A_87, %dma_wait3A_96] : memref<10000x8xf32, #tpu.memory_space<hbm>> -> memref<632x8xf32, #tpu.memory_space<hbm>>
        tpu.wait_dma2 semaphore(%run_scoped3A : memref<!tpu.dma_semaphore, #tpu.memory_space<semaphore_mem>>) src(%dma_wait3A_97 : memref<632x8xf32, #tpu.memory_space<hbm>>) dst(%dma_wait3A_95 : memref<632x8xf32, #tpu.memory_space<vmem_shared>>)
        tpu.yield
      }) : () -> ()
    } else {
    }
    %eq3A_30 = arith.constant 15 : i32
    %eq3A_31 = arith.cmpi eq, %arg1, %eq3A_30 : i32
    %and3A_32 = arith.andi %ge3A_24, %eq3A_31 : i1
    %convert_element_type3A_33 = arith.extui %and3A_32 : i1 to i32
    %cond3A_34 = arith.constant 0 : i32
    %cond3A_35 = arith.cmpi ne, %convert_element_type3A_33, %cond3A_34 : i32
    scf.if %cond3A_35 {
      "tpu.region"() ({
        %run_scoped3A = tpu.sem_alloc : memref<!tpu.dma_semaphore, #tpu.memory_space<semaphore_mem>>
        %dma_start3A_86 = arith.constant 9480 : i32
        %dma_start3A_87 = arith.constant 0 : i32
        %dma_start3A_88 = tpu.memref_slice %arg7[%dma_start3A_86, %dma_start3A_87] : memref<10000x8xf32, #tpu.memory_space<vmem_shared>> -> memref<520x8xf32, #tpu.memory_space<vmem_shared>>
        %dma_start3A_89 = arith.constant 9480 : i32
        %dma_start3A_90 = arith.constant 0 : i32
        %dma_start3A_91 = tpu.memref_slice %arg2[%dma_start3A_89, %dma_start3A_90] : memref<10000x8xf32, #tpu.memory_space<hbm>> -> memref<520x8xf32, #tpu.memory_space<hbm>>
        tpu.enqueue_dma source(%dma_start3A_91 : memref<520x8xf32, #tpu.memory_space<hbm>>) target(%dma_start3A_88 : memref<520x8xf32, #tpu.memory_space<vmem_shared>>) target_semaphore(%run_scoped3A : memref<!tpu.dma_semaphore, #tpu.memory_space<semaphore_mem>>)
        %dma_wait3A_92 = arith.constant 9480 : i32
        %dma_wait3A_93 = arith.constant 0 : i32
        %dma_wait3A_94 = tpu.memref_slice %arg7[%dma_wait3A_92, %dma_wait3A_93] : memref<10000x8xf32, #tpu.memory_space<vmem_shared>> -> memref<520x8xf32, #tpu.memory_space<vmem_shared>>
        %dma_wait3A_95 = arith.constant 9480 : i32
        %dma_wait3A_96 = arith.constant 0 : i32
        %dma_wait3A_97 = tpu.memref_slice %arg2[%dma_wait3A_95, %dma_wait3A_96] : memref<10000x8xf32, #tpu.memory_space<hbm>> -> memref<520x8xf32, #tpu.memory_space<hbm>>
        tpu.wait_dma2 semaphore(%run_scoped3A : memref<!tpu.dma_semaphore, #tpu.memory_space<semaphore_mem>>) src(%dma_wait3A_97 : memref<520x8xf32, #tpu.memory_space<hbm>>) dst(%dma_wait3A_94 : memref<520x8xf32, #tpu.memory_space<vmem_shared>>)
        tpu.yield
      }) : () -> ()
    } else {
    }
    %barrier3A = arith.constant 0 : index
    tpu.barrier barrier_id(%barrier3A)
    %dma_start3A = arith.constant 0 : i32
    %dma_start3A_36 = arith.constant 0 : i32
    %dma_start3A_37 = tpu.memref_slice %arg8[%dma_start3A, %dma_start3A_36] : memref<40x256xi32, #tpu.memory_space<vmem>> -> memref<1x256xi32, #tpu.memory_space<vmem>>
    %dma_start3A_38 = tpu.memref_squeeze %dma_start3A_37 : memref<1x256xi32, #tpu.memory_space<vmem>> -> memref<256xi32, #tpu.memory_space<vmem>>
    %dma_start3A_39 = arith.constant 0 : i32
    %dma_start3A_40 = arith.constant 0 : i32
    %dma_start3A_41 = tpu.memref_slice %arg7[%dma_start3A_39, %dma_start3A_40] : memref<10000x8xf32, #tpu.memory_space<vmem_shared>> -> memref<10000x8xf32, #tpu.memory_space<vmem_shared>>
    tpu.enqueue_indirect_dma source(%dma_start3A_41 : memref<10000x8xf32, #tpu.memory_space<vmem_shared>>) target(%arg10 : memref<256x8xf32, #tpu.memory_space<vmem>>) offsets(%dma_start3A_38 : memref<256xi32, #tpu.memory_space<vmem>>) semaphore(%arg13 : memref<!tpu.dma_semaphore, #tpu.memory_space<semaphore_mem>>)
    %dma_start3A_42 = arith.constant 1 : i32
    %dma_start3A_43 = arith.constant 0 : i32
    %dma_start3A_44 = tpu.memref_slice %arg8[%dma_start3A_42, %dma_start3A_43] : memref<40x256xi32, #tpu.memory_space<vmem>> -> memref<1x256xi32, #tpu.memory_space<vmem>>
    %dma_start3A_45 = tpu.memref_squeeze %dma_start3A_44 : memref<1x256xi32, #tpu.memory_space<vmem>> -> memref<256xi32, #tpu.memory_space<vmem>>
    %dma_start3A_46 = arith.constant 0 : i32
    %dma_start3A_47 = arith.constant 0 : i32
    %dma_start3A_48 = tpu.memref_slice %arg7[%dma_start3A_46, %dma_start3A_47] : memref<10000x8xf32, #tpu.memory_space<vmem_shared>> -> memref<10000x8xf32, #tpu.memory_space<vmem_shared>>
    tpu.enqueue_indirect_dma source(%dma_start3A_48 : memref<10000x8xf32, #tpu.memory_space<vmem_shared>>) target(%arg11 : memref<256x8xf32, #tpu.memory_space<vmem>>) offsets(%dma_start3A_45 : memref<256xi32, #tpu.memory_space<vmem>>) semaphore(%arg14 : memref<!tpu.dma_semaphore, #tpu.memory_space<semaphore_mem>>)
    %scan3A = arith.constant 0 : i32
    %scan3A_49 = arith.constant 0 : i32
    %scan3A_50 = arith.constant 13 : i32
    %scan3A_51 = arith.addi %scan3A_49, %scan3A_50 : i32
    %scan3A_52 = arith.constant 1 : i32
    scf.for %scan3A_86 = %scan3A_49 to %scan3A_51 step %scan3A_52  : i32 {
      %mul3A_87 = arith.constant 3 : i32
      %mul3A_88 = arith.muli %scan3A_86, %mul3A_87 : i32
      %add3A_89 = arith.constant 0 : i32
      %add3A_90 = arith.addi %mul3A_88, %add3A_89 : i32
      %add3A_91 = arith.constant 2 : i32
      %add3A_92 = arith.addi %add3A_90, %add3A_91 : i32
      %lt3A_93 = arith.constant 39 : i32
      %lt3A_94 = arith.cmpi slt, %add3A_92, %lt3A_93 : i32
      %ge3A_95 = arith.constant 3 : i32
      %ge3A_96 = arith.cmpi sge, %add3A_92, %ge3A_95 : i32
      %and3A_97 = arith.andi %lt3A_94, %ge3A_96 : i1
      %convert_element_type3A_98 = arith.extui %and3A_97 : i1 to i32
      %cond3A_99 = arith.constant 0 : i32
      %cond3A_100 = arith.cmpi ne, %convert_element_type3A_98, %cond3A_99 : i32
      scf.if %cond3A_100 {
        %sub3A = arith.constant 3 : i32
        %sub3A_180 = arith.subi %add3A_92, %sub3A : i32
        %dma_wait3A_181 = arith.constant 0 : i32
        %dma_wait3A_182 = tpu.memref_slice %arg9[%sub3A_180, %dma_wait3A_181] : memref<40x256xi32, #tpu.memory_space<vmem>> -> memref<1x256xi32, #tpu.memory_space<vmem>>
        %dma_wait3A_183 = tpu.memref_squeeze %dma_wait3A_182 : memref<1x256xi32, #tpu.memory_space<vmem>> -> memref<256xi32, #tpu.memory_space<vmem>>
        %dma_wait3A_184 = arith.constant 0 : i32
        %dma_wait3A_185 = arith.constant 0 : i32
        %dma_wait3A_186 = tpu.memref_slice %arg6[%dma_wait3A_184, %dma_wait3A_185] : memref<10112x8xf32, #tpu.memory_space<vmem_shared>> -> memref<10112x8xf32, #tpu.memory_space<vmem_shared>>
        tpu.wait_indirect_dma semaphore(%arg18 : memref<!tpu.dma_semaphore, #tpu.memory_space<semaphore_mem>>) src(%arg12 : memref<256x8xf32, #tpu.memory_space<vmem>>) dst(%dma_wait3A_186 : memref<10112x8xf32, #tpu.memory_space<vmem_shared>>)
      } else {
      }
      %lt3A_101 = arith.constant 39 : i32
      %lt3A_102 = arith.cmpi slt, %add3A_92, %lt3A_101 : i32
      %convert_element_type3A_103 = arith.extui %lt3A_102 : i1 to i32
      %cond3A_104 = arith.constant 0 : i32
      %cond3A_105 = arith.cmpi ne, %convert_element_type3A_103, %cond3A_104 : i32
      scf.if %cond3A_105 {
        %dma_start3A_180 = arith.constant 0 : i32
        %dma_start3A_181 = tpu.memref_slice %arg8[%add3A_92, %dma_start3A_180] : memref<40x256xi32, #tpu.memory_space<vmem>> -> memref<1x256xi32, #tpu.memory_space<vmem>>
        %dma_start3A_182 = tpu.memref_squeeze %dma_start3A_181 : memref<1x256xi32, #tpu.memory_space<vmem>> -> memref<256xi32, #tpu.memory_space<vmem>>
        %dma_start3A_183 = arith.constant 0 : i32
        %dma_start3A_184 = arith.constant 0 : i32
        %dma_start3A_185 = tpu.memref_slice %arg7[%dma_start3A_183, %dma_start3A_184] : memref<10000x8xf32, #tpu.memory_space<vmem_shared>> -> memref<10000x8xf32, #tpu.memory_space<vmem_shared>>
        tpu.enqueue_indirect_dma source(%dma_start3A_185 : memref<10000x8xf32, #tpu.memory_space<vmem_shared>>) target(%arg12 : memref<256x8xf32, #tpu.memory_space<vmem>>) offsets(%dma_start3A_182 : memref<256xi32, #tpu.memory_space<vmem>>) semaphore(%arg15 : memref<!tpu.dma_semaphore, #tpu.memory_space<semaphore_mem>>)
      } else {
      }
      %dma_wait3A_106 = arith.constant 0 : i32
      %dma_wait3A_107 = tpu.memref_slice %arg8[%add3A_90, %dma_wait3A_106] : memref<40x256xi32, #tpu.memory_space<vmem>> -> memref<1x256xi32, #tpu.memory_space<vmem>>
      %dma_wait3A_108 = tpu.memref_squeeze %dma_wait3A_107 : memref<1x256xi32, #tpu.memory_space<vmem>> -> memref<256xi32, #tpu.memory_space<vmem>>
      %dma_wait3A_109 = arith.constant 0 : i32
      %dma_wait3A_110 = arith.constant 0 : i32
      %dma_wait3A_111 = tpu.memref_slice %arg7[%dma_wait3A_109, %dma_wait3A_110] : memref<10000x8xf32, #tpu.memory_space<vmem_shared>> -> memref<10000x8xf32, #tpu.memory_space<vmem_shared>>
      tpu.wait_indirect_dma semaphore(%arg13 : memref<!tpu.dma_semaphore, #tpu.memory_space<semaphore_mem>>) src(%dma_wait3A_111 : memref<10000x8xf32, #tpu.memory_space<vmem_shared>>) dst(%arg10 : memref<256x8xf32, #tpu.memory_space<vmem>>)
      %dma_start3A_112 = arith.constant 0 : i32
      %dma_start3A_113 = tpu.memref_slice %arg9[%add3A_90, %dma_start3A_112] : memref<40x256xi32, #tpu.memory_space<vmem>> -> memref<1x256xi32, #tpu.memory_space<vmem>>
      %dma_start3A_114 = tpu.memref_squeeze %dma_start3A_113 : memref<1x256xi32, #tpu.memory_space<vmem>> -> memref<256xi32, #tpu.memory_space<vmem>>
      %dma_start3A_115 = arith.constant 0 : i32
      %dma_start3A_116 = arith.constant 0 : i32
      %dma_start3A_117 = tpu.memref_slice %arg6[%dma_start3A_115, %dma_start3A_116] : memref<10112x8xf32, #tpu.memory_space<vmem_shared>> -> memref<10112x8xf32, #tpu.memory_space<vmem_shared>>
      tpu.enqueue_indirect_dma source(%arg10 : memref<256x8xf32, #tpu.memory_space<vmem>>) target(%dma_start3A_117 : memref<10112x8xf32, #tpu.memory_space<vmem_shared>>) offsets(%dma_start3A_114 : memref<256xi32, #tpu.memory_space<vmem>>) semaphore(%arg16 : memref<!tpu.dma_semaphore, #tpu.memory_space<semaphore_mem>>) {add = true}
      %mul3A_118 = arith.constant 3 : i32
      %mul3A_119 = arith.muli %scan3A_86, %mul3A_118 : i32
      %add3A_120 = arith.constant 1 : i32
      %add3A_121 = arith.addi %mul3A_119, %add3A_120 : i32
      %add3A_122 = arith.constant 2 : i32
      %add3A_123 = arith.addi %add3A_121, %add3A_122 : i32
      %lt3A_124 = arith.constant 39 : i32
      %lt3A_125 = arith.cmpi slt, %add3A_123, %lt3A_124 : i32
      %ge3A_126 = arith.constant 3 : i32
      %ge3A_127 = arith.cmpi sge, %add3A_123, %ge3A_126 : i32
      %and3A_128 = arith.andi %lt3A_125, %ge3A_127 : i1
      %convert_element_type3A_129 = arith.extui %and3A_128 : i1 to i32
      %cond3A_130 = arith.constant 0 : i32
      %cond3A_131 = arith.cmpi ne, %convert_element_type3A_129, %cond3A_130 : i32
      scf.if %cond3A_131 {
        %sub3A = arith.constant 3 : i32
        %sub3A_180 = arith.subi %add3A_123, %sub3A : i32
        %dma_wait3A_181 = arith.constant 0 : i32
        %dma_wait3A_182 = tpu.memref_slice %arg9[%sub3A_180, %dma_wait3A_181] : memref<40x256xi32, #tpu.memory_space<vmem>> -> memref<1x256xi32, #tpu.memory_space<vmem>>
        %dma_wait3A_183 = tpu.memref_squeeze %dma_wait3A_182 : memref<1x256xi32, #tpu.memory_space<vmem>> -> memref<256xi32, #tpu.memory_space<vmem>>
        %dma_wait3A_184 = arith.constant 0 : i32
        %dma_wait3A_185 = arith.constant 0 : i32
        %dma_wait3A_186 = tpu.memref_slice %arg6[%dma_wait3A_184, %dma_wait3A_185] : memref<10112x8xf32, #tpu.memory_space<vmem_shared>> -> memref<10112x8xf32, #tpu.memory_space<vmem_shared>>
        tpu.wait_indirect_dma semaphore(%arg16 : memref<!tpu.dma_semaphore, #tpu.memory_space<semaphore_mem>>) src(%arg10 : memref<256x8xf32, #tpu.memory_space<vmem>>) dst(%dma_wait3A_186 : memref<10112x8xf32, #tpu.memory_space<vmem_shared>>)
      } else {
      }
      %lt3A_132 = arith.constant 39 : i32
      %lt3A_133 = arith.cmpi slt, %add3A_123, %lt3A_132 : i32
      %convert_element_type3A_134 = arith.extui %lt3A_133 : i1 to i32
      %cond3A_135 = arith.constant 0 : i32
      %cond3A_136 = arith.cmpi ne, %convert_element_type3A_134, %cond3A_135 : i32
      scf.if %cond3A_136 {
        %dma_start3A_180 = arith.constant 0 : i32
        %dma_start3A_181 = tpu.memref_slice %arg8[%add3A_123, %dma_start3A_180] : memref<40x256xi32, #tpu.memory_space<vmem>> -> memref<1x256xi32, #tpu.memory_space<vmem>>
        %dma_start3A_182 = tpu.memref_squeeze %dma_start3A_181 : memref<1x256xi32, #tpu.memory_space<vmem>> -> memref<256xi32, #tpu.memory_space<vmem>>
        %dma_start3A_183 = arith.constant 0 : i32
        %dma_start3A_184 = arith.constant 0 : i32
        %dma_start3A_185 = tpu.memref_slice %arg7[%dma_start3A_183, %dma_start3A_184] : memref<10000x8xf32, #tpu.memory_space<vmem_shared>> -> memref<10000x8xf32, #tpu.memory_space<vmem_shared>>
        tpu.enqueue_indirect_dma source(%dma_start3A_185 : memref<10000x8xf32, #tpu.memory_space<vmem_shared>>) target(%arg10 : memref<256x8xf32, #tpu.memory_space<vmem>>) offsets(%dma_start3A_182 : memref<256xi32, #tpu.memory_space<vmem>>) semaphore(%arg13 : memref<!tpu.dma_semaphore, #tpu.memory_space<semaphore_mem>>)
      } else {
      }
      %dma_wait3A_137 = arith.constant 0 : i32
      %dma_wait3A_138 = tpu.memref_slice %arg8[%add3A_121, %dma_wait3A_137] : memref<40x256xi32, #tpu.memory_space<vmem>> -> memref<1x256xi32, #tpu.memory_space<vmem>>
      %dma_wait3A_139 = tpu.memref_squeeze %dma_wait3A_138 : memref<1x256xi32, #tpu.memory_space<vmem>> -> memref<256xi32, #tpu.memory_space<vmem>>
      %dma_wait3A_140 = arith.constant 0 : i32
      %dma_wait3A_141 = arith.constant 0 : i32
      %dma_wait3A_142 = tpu.memref_slice %arg7[%dma_wait3A_140, %dma_wait3A_141] : memref<10000x8xf32, #tpu.memory_space<vmem_shared>> -> memref<10000x8xf32, #tpu.memory_space<vmem_shared>>
      tpu.wait_indirect_dma semaphore(%arg14 : memref<!tpu.dma_semaphore, #tpu.memory_space<semaphore_mem>>) src(%dma_wait3A_142 : memref<10000x8xf32, #tpu.memory_space<vmem_shared>>) dst(%arg11 : memref<256x8xf32, #tpu.memory_space<vmem>>)
      %dma_start3A_143 = arith.constant 0 : i32
      %dma_start3A_144 = tpu.memref_slice %arg9[%add3A_121, %dma_start3A_143] : memref<40x256xi32, #tpu.memory_space<vmem>> -> memref<1x256xi32, #tpu.memory_space<vmem>>
      %dma_start3A_145 = tpu.memref_squeeze %dma_start3A_144 : memref<1x256xi32, #tpu.memory_space<vmem>> -> memref<256xi32, #tpu.memory_space<vmem>>
      %dma_start3A_146 = arith.constant 0 : i32
      %dma_start3A_147 = arith.constant 0 : i32
      %dma_start3A_148 = tpu.memref_slice %arg6[%dma_start3A_146, %dma_start3A_147] : memref<10112x8xf32, #tpu.memory_space<vmem_shared>> -> memref<10112x8xf32, #tpu.memory_space<vmem_shared>>
      tpu.enqueue_indirect_dma source(%arg11 : memref<256x8xf32, #tpu.memory_space<vmem>>) target(%dma_start3A_148 : memref<10112x8xf32, #tpu.memory_space<vmem_shared>>) offsets(%dma_start3A_145 : memref<256xi32, #tpu.memory_space<vmem>>) semaphore(%arg17 : memref<!tpu.dma_semaphore, #tpu.memory_space<semaphore_mem>>) {add = true}
      %mul3A_149 = arith.constant 3 : i32
      %mul3A_150 = arith.muli %scan3A_86, %mul3A_149 : i32
      %add3A_151 = arith.constant 2 : i32
      %add3A_152 = arith.addi %mul3A_150, %add3A_151 : i32
      %add3A_153 = arith.constant 2 : i32
      %add3A_154 = arith.addi %add3A_152, %add3A_153 : i32
      %lt3A_155 = arith.constant 39 : i32
      %lt3A_156 = arith.cmpi slt, %add3A_154, %lt3A_155 : i32
      %ge3A_157 = arith.constant 3 : i32
      %ge3A_158 = arith.cmpi sge, %add3A_154, %ge3A_157 : i32
      %and3A_159 = arith.andi %lt3A_156, %ge3A_158 : i1
      %convert_element_type3A_160 = arith.extui %and3A_159 : i1 to i32
      %cond3A_161 = arith.constant 0 : i32
      %cond3A_162 = arith.cmpi ne, %convert_element_type3A_160, %cond3A_161 : i32
      scf.if %cond3A_162 {
        %sub3A = arith.constant 3 : i32
        %sub3A_180 = arith.subi %add3A_154, %sub3A : i32
        %dma_wait3A_181 = arith.constant 0 : i32
        %dma_wait3A_182 = tpu.memref_slice %arg9[%sub3A_180, %dma_wait3A_181] : memref<40x256xi32, #tpu.memory_space<vmem>> -> memref<1x256xi32, #tpu.memory_space<vmem>>
        %dma_wait3A_183 = tpu.memref_squeeze %dma_wait3A_182 : memref<1x256xi32, #tpu.memory_space<vmem>> -> memref<256xi32, #tpu.memory_space<vmem>>
        %dma_wait3A_184 = arith.constant 0 : i32
        %dma_wait3A_185 = arith.constant 0 : i32
        %dma_wait3A_186 = tpu.memref_slice %arg6[%dma_wait3A_184, %dma_wait3A_185] : memref<10112x8xf32, #tpu.memory_space<vmem_shared>> -> memref<10112x8xf32, #tpu.memory_space<vmem_shared>>
        tpu.wait_indirect_dma semaphore(%arg17 : memref<!tpu.dma_semaphore, #tpu.memory_space<semaphore_mem>>) src(%arg11 : memref<256x8xf32, #tpu.memory_space<vmem>>) dst(%dma_wait3A_186 : memref<10112x8xf32, #tpu.memory_space<vmem_shared>>)
      } else {
      }
      %lt3A_163 = arith.constant 39 : i32
      %lt3A_164 = arith.cmpi slt, %add3A_154, %lt3A_163 : i32
      %convert_element_type3A_165 = arith.extui %lt3A_164 : i1 to i32
      %cond3A_166 = arith.constant 0 : i32
      %cond3A_167 = arith.cmpi ne, %convert_element_type3A_165, %cond3A_166 : i32
      scf.if %cond3A_167 {
        %dma_start3A_180 = arith.constant 0 : i32
        %dma_start3A_181 = tpu.memref_slice %arg8[%add3A_154, %dma_start3A_180] : memref<40x256xi32, #tpu.memory_space<vmem>> -> memref<1x256xi32, #tpu.memory_space<vmem>>
        %dma_start3A_182 = tpu.memref_squeeze %dma_start3A_181 : memref<1x256xi32, #tpu.memory_space<vmem>> -> memref<256xi32, #tpu.memory_space<vmem>>
        %dma_start3A_183 = arith.constant 0 : i32
        %dma_start3A_184 = arith.constant 0 : i32
        %dma_start3A_185 = tpu.memref_slice %arg7[%dma_start3A_183, %dma_start3A_184] : memref<10000x8xf32, #tpu.memory_space<vmem_shared>> -> memref<10000x8xf32, #tpu.memory_space<vmem_shared>>
        tpu.enqueue_indirect_dma source(%dma_start3A_185 : memref<10000x8xf32, #tpu.memory_space<vmem_shared>>) target(%arg11 : memref<256x8xf32, #tpu.memory_space<vmem>>) offsets(%dma_start3A_182 : memref<256xi32, #tpu.memory_space<vmem>>) semaphore(%arg14 : memref<!tpu.dma_semaphore, #tpu.memory_space<semaphore_mem>>)
      } else {
      }
      %dma_wait3A_168 = arith.constant 0 : i32
      %dma_wait3A_169 = tpu.memref_slice %arg8[%add3A_152, %dma_wait3A_168] : memref<40x256xi32, #tpu.memory_space<vmem>> -> memref<1x256xi32, #tpu.memory_space<vmem>>
      %dma_wait3A_170 = tpu.memref_squeeze %dma_wait3A_169 : memref<1x256xi32, #tpu.memory_space<vmem>> -> memref<256xi32, #tpu.memory_space<vmem>>
      %dma_wait3A_171 = arith.constant 0 : i32
      %dma_wait3A_172 = arith.constant 0 : i32
      %dma_wait3A_173 = tpu.memref_slice %arg7[%dma_wait3A_171, %dma_wait3A_172] : memref<10000x8xf32, #tpu.memory_space<vmem_shared>> -> memref<10000x8xf32, #tpu.memory_space<vmem_shared>>
      tpu.wait_indirect_dma semaphore(%arg15 : memref<!tpu.dma_semaphore, #tpu.memory_space<semaphore_mem>>) src(%dma_wait3A_173 : memref<10000x8xf32, #tpu.memory_space<vmem_shared>>) dst(%arg12 : memref<256x8xf32, #tpu.memory_space<vmem>>)
      %dma_start3A_174 = arith.constant 0 : i32
      %dma_start3A_175 = tpu.memref_slice %arg9[%add3A_152, %dma_start3A_174] : memref<40x256xi32, #tpu.memory_space<vmem>> -> memref<1x256xi32, #tpu.memory_space<vmem>>
      %dma_start3A_176 = tpu.memref_squeeze %dma_start3A_175 : memref<1x256xi32, #tpu.memory_space<vmem>> -> memref<256xi32, #tpu.memory_space<vmem>>
      %dma_start3A_177 = arith.constant 0 : i32
      %dma_start3A_178 = arith.constant 0 : i32
      %dma_start3A_179 = tpu.memref_slice %arg6[%dma_start3A_177, %dma_start3A_178] : memref<10112x8xf32, #tpu.memory_space<vmem_shared>> -> memref<10112x8xf32, #tpu.memory_space<vmem_shared>>
      tpu.enqueue_indirect_dma source(%arg12 : memref<256x8xf32, #tpu.memory_space<vmem>>) target(%dma_start3A_179 : memref<10112x8xf32, #tpu.memory_space<vmem_shared>>) offsets(%dma_start3A_176 : memref<256xi32, #tpu.memory_space<vmem>>) semaphore(%arg18 : memref<!tpu.dma_semaphore, #tpu.memory_space<semaphore_mem>>) {add = true}
    }
    %scan3A_53 = arith.constant 13 : i32
    %dma_wait3A = arith.constant 36 : i32
    %dma_wait3A_54 = arith.constant 0 : i32
    %dma_wait3A_55 = tpu.memref_slice %arg9[%dma_wait3A, %dma_wait3A_54] : memref<40x256xi32, #tpu.memory_space<vmem>> -> memref<1x256xi32, #tpu.memory_space<vmem>>
    %dma_wait3A_56 = tpu.memref_squeeze %dma_wait3A_55 : memref<1x256xi32, #tpu.memory_space<vmem>> -> memref<256xi32, #tpu.memory_space<vmem>>
    %dma_wait3A_57 = arith.constant 0 : i32
    %dma_wait3A_58 = arith.constant 0 : i32
    %dma_wait3A_59 = tpu.memref_slice %arg6[%dma_wait3A_57, %dma_wait3A_58] : memref<10112x8xf32, #tpu.memory_space<vmem_shared>> -> memref<10112x8xf32, #tpu.memory_space<vmem_shared>>
    tpu.wait_indirect_dma semaphore(%arg16 : memref<!tpu.dma_semaphore, #tpu.memory_space<semaphore_mem>>) src(%arg10 : memref<256x8xf32, #tpu.memory_space<vmem>>) dst(%dma_wait3A_59 : memref<10112x8xf32, #tpu.memory_space<vmem_shared>>)
    %dma_wait3A_60 = arith.constant 37 : i32
    %dma_wait3A_61 = arith.constant 0 : i32
    %dma_wait3A_62 = tpu.memref_slice %arg9[%dma_wait3A_60, %dma_wait3A_61] : memref<40x256xi32, #tpu.memory_space<vmem>> -> memref<1x256xi32, #tpu.memory_space<vmem>>
    %dma_wait3A_63 = tpu.memref_squeeze %dma_wait3A_62 : memref<1x256xi32, #tpu.memory_space<vmem>> -> memref<256xi32, #tpu.memory_space<vmem>>
    %dma_wait3A_64 = arith.constant 0 : i32
    %dma_wait3A_65 = arith.constant 0 : i32
    %dma_wait3A_66 = tpu.memref_slice %arg6[%dma_wait3A_64, %dma_wait3A_65] : memref<10112x8xf32, #tpu.memory_space<vmem_shared>> -> memref<10112x8xf32, #tpu.memory_space<vmem_shared>>
    tpu.wait_indirect_dma semaphore(%arg17 : memref<!tpu.dma_semaphore, #tpu.memory_space<semaphore_mem>>) src(%arg11 : memref<256x8xf32, #tpu.memory_space<vmem>>) dst(%dma_wait3A_66 : memref<10112x8xf32, #tpu.memory_space<vmem_shared>>)
    %dma_wait3A_67 = arith.constant 38 : i32
    %dma_wait3A_68 = arith.constant 0 : i32
    %dma_wait3A_69 = tpu.memref_slice %arg9[%dma_wait3A_67, %dma_wait3A_68] : memref<40x256xi32, #tpu.memory_space<vmem>> -> memref<1x256xi32, #tpu.memory_space<vmem>>
    %dma_wait3A_70 = tpu.memref_squeeze %dma_wait3A_69 : memref<1x256xi32, #tpu.memory_space<vmem>> -> memref<256xi32, #tpu.memory_space<vmem>>
    %dma_wait3A_71 = arith.constant 0 : i32
    %dma_wait3A_72 = arith.constant 0 : i32
    %dma_wait3A_73 = tpu.memref_slice %arg6[%dma_wait3A_71, %dma_wait3A_72] : memref<10112x8xf32, #tpu.memory_space<vmem_shared>> -> memref<10112x8xf32, #tpu.memory_space<vmem_shared>>
    tpu.wait_indirect_dma semaphore(%arg18 : memref<!tpu.dma_semaphore, #tpu.memory_space<semaphore_mem>>) src(%arg12 : memref<256x8xf32, #tpu.memory_space<vmem>>) dst(%dma_wait3A_73 : memref<10112x8xf32, #tpu.memory_space<vmem_shared>>)
    %lt3A_74 = arith.constant 2 : i32
    %lt3A_75 = arith.cmpi slt, %add3A, %lt3A_74 : i32
    %convert_element_type3A_76 = arith.extui %lt3A_75 : i1 to i32
    %cond3A_77 = arith.constant 0 : i32
    %cond3A_78 = arith.cmpi ne, %convert_element_type3A_76, %cond3A_77 : i32
    scf.if %cond3A_78 {
      %dma_start3A_86 = arith.constant 39 : i32
      %dma_start3A_87 = arith.constant 0 : i32
      %dma_start3A_88 = tpu.memref_slice %arg8[%dma_start3A_86, %dma_start3A_87] : memref<40x256xi32, #tpu.memory_space<vmem>> -> memref<1x256xi32, #tpu.memory_space<vmem>>
      %dma_start3A_89 = tpu.memref_squeeze %dma_start3A_88 : memref<1x256xi32, #tpu.memory_space<vmem>> -> memref<256xi32, #tpu.memory_space<vmem>>
      %dma_start3A_90 = arith.constant 0 : i32
      %dma_start3A_91 = arith.constant 0 : i32
      %dma_start3A_92 = tpu.memref_slice %arg7[%dma_start3A_90, %dma_start3A_91] : memref<10000x8xf32, #tpu.memory_space<vmem_shared>> -> memref<10000x8xf32, #tpu.memory_space<vmem_shared>>
      tpu.enqueue_indirect_dma source(%dma_start3A_92 : memref<10000x8xf32, #tpu.memory_space<vmem_shared>>) target(%arg10 : memref<256x8xf32, #tpu.memory_space<vmem>>) offsets(%dma_start3A_89 : memref<256xi32, #tpu.memory_space<vmem>>) semaphore(%arg13 : memref<!tpu.dma_semaphore, #tpu.memory_space<semaphore_mem>>)
      %dma_wait3A_93 = arith.constant 39 : i32
      %dma_wait3A_94 = arith.constant 0 : i32
      %dma_wait3A_95 = tpu.memref_slice %arg8[%dma_wait3A_93, %dma_wait3A_94] : memref<40x256xi32, #tpu.memory_space<vmem>> -> memref<1x256xi32, #tpu.memory_space<vmem>>
      %dma_wait3A_96 = tpu.memref_squeeze %dma_wait3A_95 : memref<1x256xi32, #tpu.memory_space<vmem>> -> memref<256xi32, #tpu.memory_space<vmem>>
      %dma_wait3A_97 = arith.constant 0 : i32
      %dma_wait3A_98 = arith.constant 0 : i32
      %dma_wait3A_99 = tpu.memref_slice %arg7[%dma_wait3A_97, %dma_wait3A_98] : memref<10000x8xf32, #tpu.memory_space<vmem_shared>> -> memref<10000x8xf32, #tpu.memory_space<vmem_shared>>
      tpu.wait_indirect_dma semaphore(%arg13 : memref<!tpu.dma_semaphore, #tpu.memory_space<semaphore_mem>>) src(%dma_wait3A_99 : memref<10000x8xf32, #tpu.memory_space<vmem_shared>>) dst(%arg10 : memref<256x8xf32, #tpu.memory_space<vmem>>)
      %run_scoped3A = arith.constant 39 : i32
      "tpu.region"() ({
        %run_scoped3A_100 = tpu.sem_alloc : memref<!tpu.dma_semaphore, #tpu.memory_space<semaphore_mem>>
        %dma_start3A_101 = arith.constant 0 : i32
        %dma_start3A_102 = tpu.memref_slice %arg9[%run_scoped3A, %dma_start3A_101] : memref<40x256xi32, #tpu.memory_space<vmem>> -> memref<1x256xi32, #tpu.memory_space<vmem>>
        %dma_start3A_103 = tpu.memref_squeeze %dma_start3A_102 : memref<1x256xi32, #tpu.memory_space<vmem>> -> memref<256xi32, #tpu.memory_space<vmem>>
        %dma_start3A_104 = arith.constant 0 : i32
        %dma_start3A_105 = arith.constant 0 : i32
        %dma_start3A_106 = tpu.memref_slice %arg6[%dma_start3A_104, %dma_start3A_105] : memref<10112x8xf32, #tpu.memory_space<vmem_shared>> -> memref<10112x8xf32, #tpu.memory_space<vmem_shared>>
        tpu.enqueue_indirect_dma source(%arg10 : memref<256x8xf32, #tpu.memory_space<vmem>>) target(%dma_start3A_106 : memref<10112x8xf32, #tpu.memory_space<vmem_shared>>) offsets(%dma_start3A_103 : memref<256xi32, #tpu.memory_space<vmem>>) semaphore(%run_scoped3A_100 : memref<!tpu.dma_semaphore, #tpu.memory_space<semaphore_mem>>) {add = true}
        %dma_wait3A_107 = arith.constant 0 : i32
        %dma_wait3A_108 = tpu.memref_slice %arg9[%run_scoped3A, %dma_wait3A_107] : memref<40x256xi32, #tpu.memory_space<vmem>> -> memref<1x256xi32, #tpu.memory_space<vmem>>
        %dma_wait3A_109 = tpu.memref_squeeze %dma_wait3A_108 : memref<1x256xi32, #tpu.memory_space<vmem>> -> memref<256xi32, #tpu.memory_space<vmem>>
        %dma_wait3A_110 = arith.constant 0 : i32
        %dma_wait3A_111 = arith.constant 0 : i32
        %dma_wait3A_112 = tpu.memref_slice %arg6[%dma_wait3A_110, %dma_wait3A_111] : memref<10112x8xf32, #tpu.memory_space<vmem_shared>> -> memref<10112x8xf32, #tpu.memory_space<vmem_shared>>
        tpu.wait_indirect_dma semaphore(%run_scoped3A_100 : memref<!tpu.dma_semaphore, #tpu.memory_space<semaphore_mem>>) src(%arg10 : memref<256x8xf32, #tpu.memory_space<vmem>>) dst(%dma_wait3A_112 : memref<10112x8xf32, #tpu.memory_space<vmem_shared>>)
        tpu.yield
      }) : () -> ()
    } else {
    }
    %barrier3A_79 = arith.constant 0 : index
    tpu.barrier barrier_id(%barrier3A_79)
    %mul3A_80 = arith.constant 632 : i32
    %mul3A_81 = arith.muli %arg1, %mul3A_80 : i32
    %mul3A_82 = arith.constant 632 : i32
    %mul3A_83 = arith.muli %arg1, %mul3A_82 : i32
    %mul3A_84 = arith.constant 8 : i32
    %mul3A_85 = arith.muli %arg0, %mul3A_84 : i32
    "tpu.region"() ({
      %run_scoped3A = tpu.sem_alloc : memref<!tpu.dma_semaphore, #tpu.memory_space<semaphore_mem>>
      %dma_start3A_86 = tpu.memref_slice %arg5[%mul3A_83, %mul3A_85] : memref<10112x128xf32, #tpu.memory_space<hbm>> -> memref<632x8xf32, #tpu.memory_space<hbm>>
      %dma_start3A_87 = arith.constant 0 : i32
      %dma_start3A_88 = tpu.memref_slice %arg6[%mul3A_81, %dma_start3A_87] : memref<10112x8xf32, #tpu.memory_space<vmem_shared>> -> memref<632x8xf32, #tpu.memory_space<vmem_shared>>
      tpu.enqueue_dma source(%dma_start3A_88 : memref<632x8xf32, #tpu.memory_space<vmem_shared>>) target(%dma_start3A_86 : memref<632x8xf32, #tpu.memory_space<hbm>>) target_semaphore(%run_scoped3A : memref<!tpu.dma_semaphore, #tpu.memory_space<semaphore_mem>>)
      %dma_wait3A_89 = tpu.memref_slice %arg5[%mul3A_83, %mul3A_85] : memref<10112x128xf32, #tpu.memory_space<hbm>> -> memref<632x8xf32, #tpu.memory_space<hbm>>
      %dma_wait3A_90 = arith.constant 0 : i32
      %dma_wait3A_91 = tpu.memref_slice %arg6[%mul3A_81, %dma_wait3A_90] : memref<10112x8xf32, #tpu.memory_space<vmem_shared>> -> memref<632x8xf32, #tpu.memory_space<vmem_shared>>
      tpu.wait_dma2 semaphore(%run_scoped3A : memref<!tpu.dma_semaphore, #tpu.memory_space<semaphore_mem>>) src(%dma_wait3A_91 : memref<632x8xf32, #tpu.memory_space<vmem_shared>>) dst(%dma_wait3A_89 : memref<632x8xf32, #tpu.memory_space<hbm>>)
      tpu.yield
    }) : () -> ()
    return
  }
}

module attributes {stable_mosaic.version = 14 : i64} {
  func.func @_tc_mm(%arg0: i32, %arg1: memref<2000x128xf32, #tpu.memory_space<vmem>>, %arg2: memref<128x64xf32, #tpu.memory_space<vmem>>, %arg3: memref<2000x64xf32, #tpu.memory_space<vmem>>) attributes {dimension_semantics = [#tpu.dimension_semantics<arbitrary>], iteration_bounds = array<i64: 5>, scalar_prefetch = 0 : i64, scratch_operands = 0 : i64, tpu.core_type = #tpu.core_type<tc>, window_params = [{transform_indices = @transform_0, window_bounds = array<i64: 2000, 128>}, {pipeline_mode = #tpu.pipeline_mode<synchronous>, transform_indices = @transform_1, window_bounds = array<i64: 128, 64>}, {transform_indices = @transform_2, window_bounds = array<i64: 2000, 64>}]} {
    %get3A = arith.constant 0 : index
    %get3A_0 = arith.constant 0 : index
    %get3A_1 = vector.load %arg1[%get3A, %get3A_0] : memref<2000x128xf32, #tpu.memory_space<vmem>>, vector<2000x128xf32>
    %get3A_2 = arith.constant 0 : index
    %get3A_3 = arith.constant 0 : index
    %get3A_4 = vector.load %arg2[%get3A_2, %get3A_3] : memref<128x64xf32, #tpu.memory_space<vmem>>, vector<128x64xf32>
    %dot_general3A = arith.constant dense<0.000000e+00> : vector<2000x64xf32>
    %dot_general3A_5 = tpu.matmul %get3A_1, %get3A_4, %dot_general3A {dimension_numbers = #tpu.dot_dimension_numbers<[1], [0], [0], [1], [0, 0, 1, 1], [], []>, transpose_lhs_hint = false} : vector<2000x128xf32>, vector<128x64xf32>, vector<2000x64xf32> -> vector<2000x64xf32>
    %swap3A = arith.constant 0 : index
    %swap3A_6 = arith.constant 0 : index
    %swap3A_7 = vector.load %arg3[%swap3A, %swap3A_6] : memref<2000x64xf32, #tpu.memory_space<vmem>>, vector<2000x64xf32>
    tpu.vector_store %arg3[%swap3A, %swap3A_6], %dot_general3A_5 {strides = array<i32>} : memref<2000x64xf32, #tpu.memory_space<vmem>>, vector<2000x64xf32>,
    return
  }
  func.func @transform_0(%arg0: i32) -> (i32, i32) {
    %c0_i32 = arith.constant 0 : i32
    %c0_i32_0 = arith.constant 0 : i32
    return %arg0, %c0_i32 : i32, i32
  }
  func.func @transform_1(%arg0: i32) -> (i32, i32) {
    %c0_i32 = arith.constant 0 : i32
    %c0_i32_0 = arith.constant 0 : i32
    %c0_i32_1 = arith.constant 0 : i32
    return %c0_i32, %c0_i32_0 : i32, i32
  }
  func.func @transform_2(%arg0: i32) -> (i32, i32) {
    %c0_i32 = arith.constant 0 : i32
    %c0_i32_0 = arith.constant 0 : i32
    return %arg0, %c0_i32 : i32, i32
  }
}

module attributes {stable_mosaic.version = 14 : i64} {
  func.func @_tc_scale(%arg0: i32, %arg1: memref<2000x128xf32, #tpu.memory_space<vmem>>, %arg2: memref<2000x64xf32, #tpu.memory_space<vmem>>, %arg3: memref<2000x64xf32, #tpu.memory_space<vmem>>, %arg4: memref<2000x1xf32, #tpu.memory_space<vmem>>) attributes {dimension_semantics = [#tpu.dimension_semantics<arbitrary>], iteration_bounds = array<i64: 5>, scalar_prefetch = 0 : i64, scratch_operands = 0 : i64, tpu.core_type = #tpu.core_type<tc>, window_params = [{transform_indices = @transform_0, window_bounds = array<i64: 2000, 128>}, {transform_indices = @transform_1, window_bounds = array<i64: 2000, 64>}, {transform_indices = @transform_2, window_bounds = array<i64: 2000, 64>}, {transform_indices = @transform_3, window_bounds = array<i64: 2000, 1>}]} {
    %get3A = arith.constant 0 : index
    %get3A_0 = arith.constant 0 : index
    %get3A_1 = vector.load %arg1[%get3A, %get3A_0] : memref<2000x128xf32, #tpu.memory_space<vmem>>, vector<2000x1xf32>
    %get3A_2 = arith.constant 0 : index
    %get3A_3 = arith.constant 8 : index
    %get3A_4 = vector.load %arg1[%get3A_2, %get3A_3] : memref<2000x128xf32, #tpu.memory_space<vmem>>, vector<2000x1xf32>
    %add3A = arith.addf %get3A_1, %get3A_4 : vector<2000x1xf32>
    %add3A_5 = arith.constant 1.000000e+00 : f32
    %add3A_6 = vector.broadcast %add3A_5 : f32 to vector<2000x1xf32>
    %add3A_7 = arith.addf %add3A, %add3A_6 : vector<2000x1xf32>
    %max3A = arith.constant 1.000000e+00 : f32
    %max3A_8 = vector.broadcast %max3A : f32 to vector<2000x1xf32>
    %max3A_9 = arith.maximumf %add3A_7, %max3A_8 : vector<2000x1xf32>
    %rsqrt3A = math.rsqrt %max3A_9 : vector<2000x1xf32>
    %get3A_10 = arith.constant 0 : index
    %get3A_11 = arith.constant 0 : index
    %get3A_12 = vector.load %arg2[%get3A_10, %get3A_11] : memref<2000x64xf32, #tpu.memory_space<vmem>>, vector<2000x64xf32>
    %mul3A = vector.broadcast %rsqrt3A : vector<2000x1xf32> to vector<2000x64xf32>
    %mul3A_13 = arith.mulf %mul3A, %get3A_12 : vector<2000x64xf32>
    %swap3A = arith.constant 0 : index
    %swap3A_14 = arith.constant 0 : index
    %swap3A_15 = vector.load %arg3[%swap3A, %swap3A_14] : memref<2000x64xf32, #tpu.memory_space<vmem>>, vector<2000x64xf32>
    tpu.vector_store %arg3[%swap3A, %swap3A_14], %mul3A_13 {strides = array<i32>} : memref<2000x64xf32, #tpu.memory_space<vmem>>, vector<2000x64xf32>,
    %swap3A_16 = arith.constant 0 : index
    %swap3A_17 = arith.constant 0 : index
    %swap3A_18 = vector.load %arg4[%swap3A_16, %swap3A_17] : memref<2000x1xf32, #tpu.memory_space<vmem>>, vector<2000x1xf32>
    tpu.vector_store %arg4[%swap3A_16, %swap3A_17], %rsqrt3A {strides = array<i32>} : memref<2000x1xf32, #tpu.memory_space<vmem>>, vector<2000x1xf32>,
    return
  }
  func.func @transform_0(%arg0: i32) -> (i32, i32) {
    %c0_i32 = arith.constant 0 : i32
    %c0_i32_0 = arith.constant 0 : i32
    return %arg0, %c0_i32 : i32, i32
  }
  func.func @transform_1(%arg0: i32) -> (i32, i32) {
    %c0_i32 = arith.constant 0 : i32
    %c0_i32_0 = arith.constant 0 : i32
    return %arg0, %c0_i32 : i32, i32
  }
  func.func @transform_2(%arg0: i32) -> (i32, i32) {
    %c0_i32 = arith.constant 0 : i32
    %c0_i32_0 = arith.constant 0 : i32
    return %arg0, %c0_i32 : i32, i32
  }
  func.func @transform_3(%arg0: i32) -> (i32, i32) {
    %c0_i32 = arith.constant 0 : i32
    %c0_i32_0 = arith.constant 0 : i32
    return %arg0, %c0_i32 : i32, i32
  }
}

module attributes {stable_mosaic.version = 14 : i64} {
  func.func @_tc_mid(%arg0: i32, %arg1: memref<2000x128xf32, #tpu.memory_space<vmem>>, %arg2: memref<2000x64xf32, #tpu.memory_space<vmem>>, %arg3: memref<2000x1xf32, #tpu.memory_space<vmem>>, %arg4: memref<1x64xf32, #tpu.memory_space<vmem>>, %arg5: memref<64x64xf32, #tpu.memory_space<vmem>>, %arg6: memref<2000x64xf32, #tpu.memory_space<vmem>>) attributes {dimension_semantics = [#tpu.dimension_semantics<arbitrary>], iteration_bounds = array<i64: 5>, scalar_prefetch = 0 : i64, scratch_operands = 0 : i64, tpu.core_type = #tpu.core_type<tc>, window_params = [{transform_indices = @transform_0, window_bounds = array<i64: 2000, 128>}, {transform_indices = @transform_1, window_bounds = array<i64: 2000, 64>}, {transform_indices = @transform_2, window_bounds = array<i64: 2000, 1>}, {pipeline_mode = #tpu.pipeline_mode<synchronous>, transform_indices = @transform_3, window_bounds = array<i64: 1, 64>}, {pipeline_mode = #tpu.pipeline_mode<synchronous>, transform_indices = @transform_4, window_bounds = array<i64: 64, 64>}, {transform_indices = @transform_5, window_bounds = array<i64: 2000, 64>}]} {
    %get3A = arith.constant 0 : index
    %get3A_0 = arith.constant 0 : index
    %get3A_1 = vector.load %arg3[%get3A, %get3A_0] : memref<2000x1xf32, #tpu.memory_space<vmem>>, vector<2000x1xf32>
    %get3A_2 = arith.constant 0 : index
    %get3A_3 = arith.constant 0 : index
    %get3A_4 = vector.load %arg1[%get3A_2, %get3A_3] : memref<2000x128xf32, #tpu.memory_space<vmem>>, vector<2000x64xf32>
    %get3A_5 = arith.constant 0 : index
    %get3A_6 = arith.constant 64 : index
    %get3A_7 = vector.load %arg1[%get3A_5, %get3A_6] : memref<2000x128xf32, #tpu.memory_space<vmem>>, vector<2000x64xf32>
    %add3A = arith.addf %get3A_4, %get3A_7 : vector<2000x64xf32>
    %get3A_8 = arith.constant 0 : index
    %get3A_9 = arith.constant 0 : index
    %get3A_10 = vector.load %arg2[%get3A_8, %get3A_9] : memref<2000x64xf32, #tpu.memory_space<vmem>>, vector<2000x64xf32>
    %add3A_11 = arith.addf %add3A, %get3A_10 : vector<2000x64xf32>
    %mul3A = vector.broadcast %get3A_1 : vector<2000x1xf32> to vector<2000x64xf32>
    %mul3A_12 = arith.mulf %mul3A, %add3A_11 : vector<2000x64xf32>
    %get3A_13 = arith.constant 0 : index
    %get3A_14 = arith.constant 0 : index
    %get3A_15 = vector.load %arg4[%get3A_13, %get3A_14] : memref<1x64xf32, #tpu.memory_space<vmem>>, vector<1x64xf32>
    %add3A_16 = vector.broadcast %get3A_15 : vector<1x64xf32> to vector<2000x64xf32>
    %add3A_17 = arith.addf %mul3A_12, %add3A_16 : vector<2000x64xf32>
    %max3A = arith.constant 0.000000e+00 : f32
    %max3A_18 = vector.broadcast %max3A : f32 to vector<2000x64xf32>
    %max3A_19 = arith.maximumf %add3A_17, %max3A_18 : vector<2000x64xf32>
    %get3A_20 = arith.constant 0 : index
    %get3A_21 = arith.constant 0 : index
    %get3A_22 = vector.load %arg5[%get3A_20, %get3A_21] : memref<64x64xf32, #tpu.memory_space<vmem>>, vector<64x64xf32>
    %dot_general3A = arith.constant dense<0.000000e+00> : vector<2000x64xf32>
    %dot_general3A_23 = tpu.matmul %max3A_19, %get3A_22, %dot_general3A {dimension_numbers = #tpu.dot_dimension_numbers<[1], [0], [0], [1], [0, 0, 1, 1], [], []>, transpose_lhs_hint = false} : vector<2000x64xf32>, vector<64x64xf32>, vector<2000x64xf32> -> vector<2000x64xf32>
    %mul3A_24 = vector.broadcast %get3A_1 : vector<2000x1xf32> to vector<2000x64xf32>
    %mul3A_25 = arith.mulf %mul3A_24, %dot_general3A_23 : vector<2000x64xf32>
    %swap3A = arith.constant 0 : index
    %swap3A_26 = arith.constant 0 : index
    %swap3A_27 = vector.load %arg6[%swap3A, %swap3A_26] : memref<2000x64xf32, #tpu.memory_space<vmem>>, vector<2000x64xf32>
    tpu.vector_store %arg6[%swap3A, %swap3A_26], %mul3A_25 {strides = array<i32>} : memref<2000x64xf32, #tpu.memory_space<vmem>>, vector<2000x64xf32>,
    return
  }
  func.func @transform_0(%arg0: i32) -> (i32, i32) {
    %c0_i32 = arith.constant 0 : i32
    %c0_i32_0 = arith.constant 0 : i32
    return %arg0, %c0_i32 : i32, i32
  }
  func.func @transform_1(%arg0: i32) -> (i32, i32) {
    %c0_i32 = arith.constant 0 : i32
    %c0_i32_0 = arith.constant 0 : i32
    return %arg0, %c0_i32 : i32, i32
  }
  func.func @transform_2(%arg0: i32) -> (i32, i32) {
    %c0_i32 = arith.constant 0 : i32
    %c0_i32_0 = arith.constant 0 : i32
    return %arg0, %c0_i32 : i32, i32
  }
  func.func @transform_3(%arg0: i32) -> (i32, i32) {
    %c0_i32 = arith.constant 0 : i32
    %c0_i32_0 = arith.constant 0 : i32
    %c0_i32_1 = arith.constant 0 : i32
    return %c0_i32, %c0_i32_0 : i32, i32
  }
  func.func @transform_4(%arg0: i32) -> (i32, i32) {
    %c0_i32 = arith.constant 0 : i32
    %c0_i32_0 = arith.constant 0 : i32
    %c0_i32_1 = arith.constant 0 : i32
    return %c0_i32, %c0_i32_0 : i32, i32
  }
  func.func @transform_5(%arg0: i32) -> (i32, i32) {
    %c0_i32 = arith.constant 0 : i32
    %c0_i32_0 = arith.constant 0 : i32
    return %arg0, %c0_i32 : i32, i32
  }
}

module attributes {stable_mosaic.version = 14 : i64} {
  func.func @_tc_mid(%arg0: i32, %arg1: memref<2000x128xf32, #tpu.memory_space<vmem>>, %arg2: memref<2000x64xf32, #tpu.memory_space<vmem>>, %arg3: memref<2000x1xf32, #tpu.memory_space<vmem>>, %arg4: memref<1x64xf32, #tpu.memory_space<vmem>>, %arg5: memref<64x8xf32, #tpu.memory_space<vmem>>, %arg6: memref<2000x8xf32, #tpu.memory_space<vmem>>) attributes {dimension_semantics = [#tpu.dimension_semantics<arbitrary>], iteration_bounds = array<i64: 5>, scalar_prefetch = 0 : i64, scratch_operands = 0 : i64, tpu.core_type = #tpu.core_type<tc>, window_params = [{transform_indices = @transform_0, window_bounds = array<i64: 2000, 128>}, {transform_indices = @transform_1, window_bounds = array<i64: 2000, 64>}, {transform_indices = @transform_2, window_bounds = array<i64: 2000, 1>}, {pipeline_mode = #tpu.pipeline_mode<synchronous>, transform_indices = @transform_3, window_bounds = array<i64: 1, 64>}, {pipeline_mode = #tpu.pipeline_mode<synchronous>, transform_indices = @transform_4, window_bounds = array<i64: 64, 8>}, {transform_indices = @transform_5, window_bounds = array<i64: 2000, 8>}]} {
    %get3A = arith.constant 0 : index
    %get3A_0 = arith.constant 0 : index
    %get3A_1 = vector.load %arg3[%get3A, %get3A_0] : memref<2000x1xf32, #tpu.memory_space<vmem>>, vector<2000x1xf32>
    %get3A_2 = arith.constant 0 : index
    %get3A_3 = arith.constant 0 : index
    %get3A_4 = vector.load %arg1[%get3A_2, %get3A_3] : memref<2000x128xf32, #tpu.memory_space<vmem>>, vector<2000x64xf32>
    %get3A_5 = arith.constant 0 : index
    %get3A_6 = arith.constant 64 : index
    %get3A_7 = vector.load %arg1[%get3A_5, %get3A_6] : memref<2000x128xf32, #tpu.memory_space<vmem>>, vector<2000x64xf32>
    %add3A = arith.addf %get3A_4, %get3A_7 : vector<2000x64xf32>
    %get3A_8 = arith.constant 0 : index
    %get3A_9 = arith.constant 0 : index
    %get3A_10 = vector.load %arg2[%get3A_8, %get3A_9] : memref<2000x64xf32, #tpu.memory_space<vmem>>, vector<2000x64xf32>
    %add3A_11 = arith.addf %add3A, %get3A_10 : vector<2000x64xf32>
    %mul3A = vector.broadcast %get3A_1 : vector<2000x1xf32> to vector<2000x64xf32>
    %mul3A_12 = arith.mulf %mul3A, %add3A_11 : vector<2000x64xf32>
    %get3A_13 = arith.constant 0 : index
    %get3A_14 = arith.constant 0 : index
    %get3A_15 = vector.load %arg4[%get3A_13, %get3A_14] : memref<1x64xf32, #tpu.memory_space<vmem>>, vector<1x64xf32>
    %add3A_16 = vector.broadcast %get3A_15 : vector<1x64xf32> to vector<2000x64xf32>
    %add3A_17 = arith.addf %mul3A_12, %add3A_16 : vector<2000x64xf32>
    %max3A = arith.constant 0.000000e+00 : f32
    %max3A_18 = vector.broadcast %max3A : f32 to vector<2000x64xf32>
    %max3A_19 = arith.maximumf %add3A_17, %max3A_18 : vector<2000x64xf32>
    %get3A_20 = arith.constant 0 : index
    %get3A_21 = arith.constant 0 : index
    %get3A_22 = vector.load %arg5[%get3A_20, %get3A_21] : memref<64x8xf32, #tpu.memory_space<vmem>>, vector<64x8xf32>
    %dot_general3A = arith.constant dense<0.000000e+00> : vector<2000x8xf32>
    %dot_general3A_23 = tpu.matmul %max3A_19, %get3A_22, %dot_general3A {dimension_numbers = #tpu.dot_dimension_numbers<[1], [0], [0], [1], [0, 0, 1, 1], [], []>, transpose_lhs_hint = false} : vector<2000x64xf32>, vector<64x8xf32>, vector<2000x8xf32> -> vector<2000x8xf32>
    %mul3A_24 = vector.broadcast %get3A_1 : vector<2000x1xf32> to vector<2000x8xf32>
    %mul3A_25 = arith.mulf %mul3A_24, %dot_general3A_23 : vector<2000x8xf32>
    %swap3A = arith.constant 0 : index
    %swap3A_26 = arith.constant 0 : index
    %swap3A_27 = vector.load %arg6[%swap3A, %swap3A_26] : memref<2000x8xf32, #tpu.memory_space<vmem>>, vector<2000x8xf32>
    tpu.vector_store %arg6[%swap3A, %swap3A_26], %mul3A_25 {strides = array<i32>} : memref<2000x8xf32, #tpu.memory_space<vmem>>, vector<2000x8xf32>,
    return
  }
  func.func @transform_0(%arg0: i32) -> (i32, i32) {
    %c0_i32 = arith.constant 0 : i32
    %c0_i32_0 = arith.constant 0 : i32
    return %arg0, %c0_i32 : i32, i32
  }
  func.func @transform_1(%arg0: i32) -> (i32, i32) {
    %c0_i32 = arith.constant 0 : i32
    %c0_i32_0 = arith.constant 0 : i32
    return %arg0, %c0_i32 : i32, i32
  }
  func.func @transform_2(%arg0: i32) -> (i32, i32) {
    %c0_i32 = arith.constant 0 : i32
    %c0_i32_0 = arith.constant 0 : i32
    return %arg0, %c0_i32 : i32, i32
  }
  func.func @transform_3(%arg0: i32) -> (i32, i32) {
    %c0_i32 = arith.constant 0 : i32
    %c0_i32_0 = arith.constant 0 : i32
    %c0_i32_1 = arith.constant 0 : i32
    return %c0_i32, %c0_i32_0 : i32, i32
  }
  func.func @transform_4(%arg0: i32) -> (i32, i32) {
    %c0_i32 = arith.constant 0 : i32
    %c0_i32_0 = arith.constant 0 : i32
    %c0_i32_1 = arith.constant 0 : i32
    return %c0_i32, %c0_i32_0 : i32, i32
  }
  func.func @transform_5(%arg0: i32) -> (i32, i32) {
    %c0_i32 = arith.constant 0 : i32
    %c0_i32_0 = arith.constant 0 : i32
    return %arg0, %c0_i32 : i32, i32
  }
}

module attributes {stable_mosaic.version = 14 : i64} {
  func.func @_tc_tail(%arg0: i32, %arg1: memref<2000x128xf32, #tpu.memory_space<vmem>>, %arg2: memref<2000x8xf32, #tpu.memory_space<vmem>>, %arg3: memref<2000x1xf32, #tpu.memory_space<vmem>>, %arg4: memref<1x8xf32, #tpu.memory_space<vmem>>, %arg5: memref<2000x3xf32, #tpu.memory_space<vmem>>) attributes {dimension_semantics = [#tpu.dimension_semantics<arbitrary>], iteration_bounds = array<i64: 5>, scalar_prefetch = 0 : i64, scratch_operands = 0 : i64, tpu.core_type = #tpu.core_type<tc>, window_params = [{transform_indices = @transform_0, window_bounds = array<i64: 2000, 128>}, {transform_indices = @transform_1, window_bounds = array<i64: 2000, 8>}, {transform_indices = @transform_2, window_bounds = array<i64: 2000, 1>}, {pipeline_mode = #tpu.pipeline_mode<synchronous>, transform_indices = @transform_3, window_bounds = array<i64: 1, 8>}, {transform_indices = @transform_4, window_bounds = array<i64: 2000, 3>}]} {
    %get3A = arith.constant 0 : index
    %get3A_0 = arith.constant 0 : index
    %get3A_1 = vector.load %arg3[%get3A, %get3A_0] : memref<2000x1xf32, #tpu.memory_space<vmem>>, vector<2000x1xf32>
    %get3A_2 = arith.constant 0 : index
    %get3A_3 = arith.constant 0 : index
    %get3A_4 = vector.load %arg1[%get3A_2, %get3A_3] : memref<2000x128xf32, #tpu.memory_space<vmem>>, vector<2000x8xf32>
    %get3A_5 = arith.constant 0 : index
    %get3A_6 = arith.constant 8 : index
    %get3A_7 = vector.load %arg1[%get3A_5, %get3A_6] : memref<2000x128xf32, #tpu.memory_space<vmem>>, vector<2000x8xf32>
    %add3A = arith.addf %get3A_4, %get3A_7 : vector<2000x8xf32>
    %get3A_8 = arith.constant 0 : index
    %get3A_9 = arith.constant 0 : index
    %get3A_10 = vector.load %arg2[%get3A_8, %get3A_9] : memref<2000x8xf32, #tpu.memory_space<vmem>>, vector<2000x8xf32>
    %add3A_11 = arith.addf %add3A, %get3A_10 : vector<2000x8xf32>
    %mul3A = vector.broadcast %get3A_1 : vector<2000x1xf32> to vector<2000x8xf32>
    %mul3A_12 = arith.mulf %mul3A, %add3A_11 : vector<2000x8xf32>
    %get3A_13 = arith.constant 0 : index
    %get3A_14 = arith.constant 0 : index
    %get3A_15 = vector.load %arg4[%get3A_13, %get3A_14] : memref<1x8xf32, #tpu.memory_space<vmem>>, vector<1x8xf32>
    %add3A_16 = vector.broadcast %get3A_15 : vector<1x8xf32> to vector<2000x8xf32>
    %add3A_17 = arith.addf %mul3A_12, %add3A_16 : vector<2000x8xf32>
    %slice3A = vector.extract_strided_slice %add3A_17 {offsets = [0, 0], sizes = [2000, 3], strides = [1, 1]} : vector<2000x8xf32> to vector<2000x3xf32>
    %swap3A = arith.constant 0 : index
    %swap3A_18 = arith.constant 0 : index
    %swap3A_19 = vector.load %arg5[%swap3A, %swap3A_18] : memref<2000x3xf32, #tpu.memory_space<vmem>>, vector<2000x3xf32>
    tpu.vector_store %arg5[%swap3A, %swap3A_18], %slice3A {strides = array<i32>} : memref<2000x3xf32, #tpu.memory_space<vmem>>, vector<2000x3xf32>,
    return
  }
  func.func @transform_0(%arg0: i32) -> (i32, i32) {
    %c0_i32 = arith.constant 0 : i32
    %c0_i32_0 = arith.constant 0 : i32
    return %arg0, %c0_i32 : i32, i32
  }
  func.func @transform_1(%arg0: i32) -> (i32, i32) {
    %c0_i32 = arith.constant 0 : i32
    %c0_i32_0 = arith.constant 0 : i32
    return %arg0, %c0_i32 : i32, i32
  }
  func.func @transform_2(%arg0: i32) -> (i32, i32) {
    %c0_i32 = arith.constant 0 : i32
    %c0_i32_0 = arith.constant 0 : i32
    return %arg0, %c0_i32 : i32, i32
  }
  func.func @transform_3(%arg0: i32) -> (i32, i32) {
    %c0_i32 = arith.constant 0 : i32
    %c0_i32_0 = arith.constant 0 : i32
    %c0_i32_1 = arith.constant 0 : i32
    return %c0_i32, %c0_i32_0 : i32, i32
  }
  func.func @transform_4(%arg0: i32) -> (i32, i32) {
    %c0_i32 = arith.constant 0 : i32
    %c0_i32_0 = arith.constant 0 : i32
    return %arg0, %c0_i32 : i32, i32
  }
}

</mosaic_0001>

<sc_bundles>
// kernel: kernel.11.cloned.1.call-start
scs
__scs_entry_jumppad:
0x0: {  	(pc) =	sbr.rel $0x88, $3  }
0x1: {  	(tag) =	ssettag $0x0;
	lr =	simm.s32 $0x1  }
0x2: {  	[smem:$0x3F99] =	sst lr;
	_ =	strace $0xD0000000  }
0x3: {  	_ = 	snop  }
0x4: {  	_ = 	snop  }
0x5: {  	_ = 	snop  }
0x6: {  	_ = 	snop  }
0x7: {  	_ = 	snop  }
__scs_overlays_trampoline_lowered:
0x8: {  	[smem:$0x3FA8] =	sst s0  }
0x9: {  	[smem:$0x3FA9] =	sst s1  }
0xa: {  	[smem:$0x3FAA] =	sst s2  }
0xb: {  	[smem:$0x3FAB] =	sst s3  }
0xc: {  	[smem:$0x3FAC] =	sst s4  }
0xd: {  	[smem:$0x3FAD] =	sst s5  }
0xe: {  	[smem:$0x3FAE] =	sst s6  }
0xf: {  	[smem:$0x3FAF] =	sst s7  }
0x10: {  	[smem:$0x3FB0] =	sst s8  }
0x11: {  	[smem:$0x3FB1] =	sst s9;
	s0 =	simm.s32 @!p0 $0x0  }
0x12: {  	s1 =	sld [smem:$0x3F97];
	s0 =	simm.s32 @p0 $0x1  }
0x13: {  	[smem:$0x3FB2] =	sst s0;
	s0 =	simm.s32 @!p1 $0x0  }
0x14: {  	s2 =	sld [smem:$0x3F96];
	s0 =	simm.s32 @p1 $0x1  }
0x15: {  	[smem:$0x3FB3] =	sst s0;
	s0 =	simm.s32 @!p2 $0x0  }
0x16: {  	s3 =	sld [smem:$0x3FDB];
	s0 =	simm.s32 @p2 $0x1  }
0x17: {  	s4 =	simm.s32 $0x1BF5;
	[smem:$0x3FB5] =	sst s0  }
0x18: {  	s0 =	sld [smem:$0x3F98];
	_ =	swait.ge [sflag:s4], $0x0  }
0x19: {  	s7 =	sld [smem:$0x3F99]  }
0x1a: {  	s8 =	sadd.s32 $0xFFFFE003, lr  }
0x1b: {  	s9 =	sadd.s32 $0xFFFFFEF7, lr;
	s5 =	simm.s32 $0xFFFFFFFF;
	p2 =	slt.u32 s8, $0xFFFFF086  }
0x1c: {  	p1 =	slt.u32 s9, $0xF7A;
	s5 =	simm.s32 @!p2 $0x0  }
0x1d: {  	s5 =	simm.s32 @p1 $0x1;
	p0 =	seq.s32 s7, s2  }
0x1e: {  	s7 =	smul.u32 @!p0 $0xF7A, s2;
	p2 =	seq.s32 @!p0 s5, $0x0  }
0x1f: {  	s9 =	smul.u32 $0xF7A, s1;
	s8 =	simm.s32 @!p0 $0x1BF5;
	p2 =	por !p2, p0  }
0x20: {  	[sflag:s8] =	ssyncset.s32 @!p0 $0xFFFFF086;
	s6 =	sadd.s32 @!p0 s3, s7;
	s7 =	simm.s32 @!p0 $0x108  }
0x21: {  	s3 =	sadd.s32 s3, s9;
	s6 =	sadd.s32 @!p0 $0x88, s6;
	s7 =	simm.s32 @p2 $0x1082  }
0x22: {  	[simem:s7], [sflag:s8] =	dma.local @!p0 [hbm:s6], $0xF7A  }
0x23: {  	s9 =	sor.u32 $0xD0000000, s2;
	s6 =	simm.s32 $0x108;
	_ =	swait.ge @!p0 [sflag:s8], $0x0  }
0x24: {  	s3 =	sadd.s32 $0x88, s3;
	s6 =	simm.s32 @!p1 $0x1082;
	[sflag:s4] =	ssyncset.s32 $0xFFFFF086  }
0x25: {  	[simem:s6], [sflag:s4] =	dma.local [hbm:s3], $0xF7A  }
0x26: {  	[smem:$0x3F99] =	sst s1;
	(tag) =	ssettag s2;
	_ =	strace s9  }
0x27: {  	s1 =	sld [smem:$0x3FA9]  }
0x28: {  	s2 =	sld [smem:$0x3FAA]  }
0x29: {  	s4 =	sld [smem:$0x3FAC]  }
0x2a: {  	p0 =	seq.s32 s5, $0x0;
	s5 =	sld [smem:$0x3FAD]  }
0x2b: {  	s6 =	sld [smem:$0x3FAE]  }
0x2c: {  	s7 =	sld [smem:$0x3FAF]  }
0x2d: {  	s3 =	simm.s32 $0x108;
	s8 =	sld [smem:$0x3FB0]  }
0x2e: {  	s3 =	simm.s32 @!p0 $0x1082;
	s9 =	sld [smem:$0x3FB1]  }
0x2f: {  	lr =	sadd.s32 s0, s3;
	s0 =	sld [smem:$0x3FA8]  }
0x30: {  	s3 =	sld [smem:$0x3FAB]  }
0x31: {  	[smem:$0x3FB4] =	sst s10  }
0x32: {  	s10 =	sld [smem:$0x3FB2];
	_ =	sdelay $0x3  }
0x33: {  	p0 =	seq.s32 s10, $0x1;
	s10 =	sld [smem:$0x3FB4];
	_ =	sdelay $0x3  }
0x34: {  	[smem:$0x3FB4] =	sst s10  }
0x35: {  	s10 =	sld [smem:$0x3FB3];
	_ =	sdelay $0x3  }
0x36: {  	p1 =	seq.s32 s10, $0x1;
	s10 =	sld [smem:$0x3FB4];
	_ =	sdelay $0x3  }
0x37: {  	[smem:$0x3FB4] =	sst s10  }
0x38: {  	s10 =	sld [smem:$0x3FB5]  }
0x39: {  	_ = 	snop;
	(pc) =	sbr.ind lr, $3  }
0x3a: {  	_ = 	snop  }
0x3b: {  	_ = 	snop  }
0x3c: {  	p2 =	seq.s32 s10, $0x1;
	s10 =	sld [smem:$0x3FB4]  }
0x3d: {  	_ =	shalt  }
0x3e: {  	_ =	shalt  }
0x3f: {  	_ =	shalt  }
0x40: {  	_ =	shalt  }
0x41: {  	_ =	shalt  }
0x42: {  	_ =	shalt  }
0x43: {  	_ =	shalt  }
0x44: {  	_ =	shalt  }
0x45: {  	_ =	shalt  }
0x46: {  	_ =	shalt  }
0x47: {  	_ =	shalt  }
0x48: {  	_ =	shalt  }
0x49: {  	_ =	shalt  }
0x4a: {  	_ =	shalt  }
0x4b: {  	_ =	shalt  }
0x4c: {  	_ =	shalt  }
0x4d: {  	_ =	shalt  }
0x4e: {  	_ =	shalt  }
0x4f: {  	_ =	shalt  }
0x50: {  	_ =	shalt  }
0x51: {  	_ =	shalt  }
0x52: {  	_ =	shalt  }
0x53: {  	_ =	shalt  }
0x54: {  	_ =	shalt  }
0x55: {  	_ =	shalt  }
0x56: {  	_ =	shalt  }
0x57: {  	_ =	shalt  }
0x58: {  	_ =	shalt  }
0x59: {  	_ =	shalt  }
0x5a: {  	_ =	shalt  }
0x5b: {  	_ =	shalt  }
0x5c: {  	_ =	shalt  }
0x5d: {  	_ =	shalt  }
0x5e: {  	_ =	shalt  }
0x5f: {  	_ =	shalt  }
0x60: {  	_ =	shalt  }
0x61: {  	_ =	shalt  }
0x62: {  	_ =	shalt  }
0x63: {  	_ =	shalt  }
0x64: {  	_ =	shalt  }
0x65: {  	_ =	shalt  }
0x66: {  	_ =	shalt  }
0x67: {  	_ =	shalt  }
0x68: {  	_ =	shalt  }
0x69: {  	_ =	shalt  }
0x6a: {  	_ =	shalt  }
0x6b: {  	_ =	shalt  }
0x6c: {  	_ =	shalt  }
0x6d: {  	_ =	shalt  }
0x6e: {  	_ =	shalt  }
0x6f: {  	_ =	shalt  }
0x70: {  	_ =	shalt  }
0x71: {  	_ =	shalt  }
0x72: {  	_ =	shalt  }
0x73: {  	_ =	shalt  }
0x74: {  	_ =	shalt  }
0x75: {  	_ =	shalt  }
0x76: {  	_ =	shalt  }
0x77: {  	_ =	shalt  }
0x78: {  	_ =	shalt  }
0x79: {  	_ =	shalt  }
0x7a: {  	_ =	shalt  }
0x7b: {  	_ =	shalt  }
0x7c: {  	_ =	shalt  }
0x7d: {  	_ =	shalt  }
0x7e: {  	_ =	shalt  }
0x7f: {  	_ =	shalt  }
0x80: {  	_ =	shalt  }
0x81: {  	_ =	shalt  }
0x82: {  	_ =	shalt  }
0x83: {  	_ =	shalt  }
0x84: {  	_ =	shalt  }
0x85: {  	_ =	shalt  }
0x86: {  	_ =	shalt  }
0x87: {  	_ =	shalt  }
.Lfunc_end0:
.L_simem_size_0:
called_computation_lowered:
.L_overlay_start_0:
0x88: {  	s2 =	sld [smem:$0x3FD9]  }
0x89: {  	s3 =	sld [smem:$0x3FFE];
	_ =	sdelay $0x1  }
0x8a: {  	s1 =	srdreg.scid  }
0x8b: {  	s0 =	sand.u32 $0x1, s1  }
0x8c: {  	s17 =	sshll.u32 s0, $0xA;
	s2 =	sadd.s32 s3, s2  }
0x8d: {  	s2 =	sadd.s32 s2, s17  }
0x8e: {  	[smem:$0x3FC0] =	sst s2  }
0x8f: {  	_ = 	snop  }
0x90: {  	s2 =	sld [smem:$0x3FD0];
	(tm) =	ssettm $0x1  }
0x91: {  	s18 =	sld [smem:$0x3FFB];
	_ =	sdelay $0x3  }
0x92: {  	_ =	strace s18  }
0x93: {  	s3 =	sld [smem:$0x3FFC];
	_ =	sdelay $0x3  }
0x94: {  	_ =	strace s3  }
0x95: {  	s3 =	sld [smem:$0x3FFD];
	_ =	sdelay $0x3  }
0x96: {  	_ =	strace s3  }
0x97: {  	_ =	strace $0x8FFFFFFF  }
0x98: {  	s19 =	sld [smem:$0x3FDB];
	_ =	sdelay $0x1  }
0x99: {  	s4 =	simm.s32 $_scs_section_size  }
0x9a: {  	s5 =	simm.s32 $_size__tile_overlayer_lowered;
	s6 =	simm.s32 $_tile_overlayer_lowered  }
0x9b: {  	s22 =	simm.s32 $0x1BFF;
	s21 =	sshll.u32 s6, $0x1;
	s3 =	sadd.s32 s4, s19  }
0x9c: {  	s7 =	simm.s32 $0x0;
	s20 =	sshll.u32 s5, $0x1;
	s5 =	sadd.s32 s21, s3  }
0x9d: {  	[timem:s7], [sflag:s22] =	dma.local [hbm:s5], s20  }
0x9e: {  	_ =	swait.ge [sflag:s22], s20  }
0x9f: {  	s4 =	ssub.s32 $0x0, s20;
	[sflag:s22] =	ssyncset.done $0x0  }
0xa0: {  	[sflag:s22] =	ssyncadd.s32 s4;
	_ =	sdelay $0x1  }
0xa1: {  	s23 =	simm.s32 $0x1B8B  }
0xa2: {  	_ =	swait.ge [sflag:s23], $0x1  }
0xa3: {  	[sflag:s23] =	ssyncset.done $0x0  }
0xa4: {  	s25 =	simm.s32 $0x1B8E;
	s24 =	sld [smem:$0x3FFE];
	[sflag:s23] =	ssyncadd.s32 $0xFFFFFFFF  }
0xa5: {  	s26 =	simm.s32 $execute0_lowered;
	[smem:$0x3FD2] =	sst s25  }
0xa6: {  	s5 =	sshll.u32 s26, $0x1;
	_ =	strace $0x80000046;
	[dreg:$0x1] =	wrdreg $0xFFFFFFFF  }
0xa7: {  	s28 =	simm.s32 $_size_execute0_lowered;
	s3 =	sadd.s32 s3, s5;
	[dreg:$0x0] =	wrdreg $0x0  }
0xa8: {  	s5 =	sshll.u32 s28, $0x1;
	[dreg:$0x2] =	wrdreg s3  }
0xa9: {  	[dreg:$0x3] =	wrdreg s5  }
0xaa: {  	[dreg:$0x4] =	wrdreg $0xC0  }
0xab: {  	_ =	task [dreg:s7], $0x5FFFF  }
0xac: {  	[dreg:$0x1] =	wrdreg $0xFFFFFFFF  }
0xad: {  	[dreg:$0x0] =	wrdreg $0x60  }
0xae: {  	[dreg:$0x2] =	wrdreg s2  }
0xaf: {  	[dreg:$0x3] =	wrdreg s24  }
0xb0: {  	[dreg:$0x4] =	wrdreg $0x0  }
0xb1: {  	[dreg:$0x5] =	wrdreg $0x9  }
0xb2: {  	_ =	task.clear_ibuf [dreg:s7], $0x6FFFF;
	_ =	strace $0x90000046  }
0xb3: {  	s29 =	simm.s32 $0x9;
	_ =	strace $0x80000048  }
0xb4: {  	_ =	swait.ge [sflag:s29], $0x1  }
0xb5: {  	[sflag:s29] =	ssyncadd.s32 $0xFFFFFFFF  }
0xb6: {  	_ =	strace $0x90000048  }
0xb7: {  	_ =	sfence  }
0xb8: {  	s30 =	sld [smem:$0x0];
	_ =	sdelay $0x2  }
0xb9: {  	s31 =	sshll.u32 s1, $0xD;
	s1 =	sshrl.u32 s1, $0x2  }
0xba: {  	s3 =	sand.u32 $0x4000, s31;
	s1 =	sadd.s32 s1, s30  }
0xbb: {  	s0 =	sor.u32 s3, s0;
	s1 =	sshll.u32 s1, $0x11  }
0xbc: {  	s0 =	sor.u32 s1, s0  }
0xbd: {  	s0 =	sadd.s32 $0x8F2B, s0  }
0xbe: {  	[sflag:s0] =	ssyncadd.remote.s32 $0x1  }
0xbf: {  	_ =	sfence.sel $0xFFFF  }
0xc0: {  	[dreg:$0x0] =	wrdreg $0xFFFFFFFF;
	(pc) =	sbr.abs _section_cstart, $3  }
0xc1: {  	[dreg:$0x1] =	wrdreg $0xFFFFFFFF  }
0xc2: {  	_ =	task.clear_ibuf [dreg:s7], $0x2FFFF;
	_ =	strace $0x9FFFFFFF  }
0xc3: {  	(tm) =	ssettm $0x7FFFFFFF  }
tec
execute0_lowered:
.L_overlay_start_1:
0x0: {  	(tag) =	ssettag $0x1  }
0x1: {  	s1 =	rddreg [dreg:$0x0]  }
0x2: {  	s4 =	rddreg [dreg:$0x1]  }
0x3: {  	s2 =	rddreg [dreg:$0x2]  }
0x4: {  	s0 =	rddreg [dreg:$0x3]  }
0x5: {  	s3 =	simm.s32 $0x0;
	s13 =	stileid.u32;
	s5 =	srdreg.scid  }
0x6: {  	s18 =	simm.s32 $0x3CC0;
	s19 =	simm.s32 $0x3DC0;
	s20 =	simm.s32 $0x1  }
0x7: {  	s21 =	simm.s32 $0x2;
	s22 =	simm.s32 $0x3;
	s7 =	smul.u32 $0x13C0, s13  }
0x8: {  	s23 =	simm.s32 $0x10;
	s24 =	simm.s32 $0x0;
	s11 =	smul.u32 $0x4E0, s13  }
0x9: {  	[smem:$0x7FF] =	sst s3;
	s5 =	sand.u32 $0x1, s5;
	s15 =	smul.u32 $0x2700, s13  }
0xa: {  	s10 =	sadd.s32 $0x2E00, s4;
	s28 =	sadd.s32 $0xCA40, s4;
	s17 =	smul.u32 $0x2780, s13  }
0xb: {  	s31 =	sshll.u32 s13, $0x6;
	_ =	strace $0x80000047;
	s6 =	ssub.s32 $0x2, s5  }
0xc: {  	s12 =	sadd.s32 s5, s4;
	p0 =	seq.s32 s5, $0x0;
	s5 =	sshll.u32 s5, $0x5  }
0xd: {  	s8 =	sshrl.u32 s7, $0x3;
	s9 =	sshrl.u32 s6, $0x1;
	s14 =	sadd.s32 $0x4E00, s11  }
0xe: {  	s15 =	sshrl.u32 s15, $0x3;
	s16 =	sadd.s32 s5, s10;
	s29 =	sadd.s32 s7, s2  }
0xf: {  	s30 =	sadd.s32 s17, s12;
	s12 =	simm.s32 $0x4;
	s17 =	simm.s32 $0x100  }
0x10: {  	s8 =	sadd.s32 s8, s4;
	s9 =	ssub.s32 s6, s9;
	s4 =	sadd.s32 s14, s28  }
0x11: {  	s15 =	sadd.s32 s15, s28;
	s5 =	sadd.s32 $0x9C00, s16;
	s6 =	sadd.s32 $0x13840, s16  }
0x12: {  	s14 =	smov.u32 @p0 s11;
	s11 =	simm.s32 $0x13C0;
	s16 =	simm.s32 $0x63C0  }
0x13: {  	s7 =	sadd.s32 $0x16800, s8;
	s8 =	sadd.s32 $0x19000, s30;
	s9 =	smax.u32 s9, $0x1  }
0x14: {  	s10 =	sadd.s32 s10, s14;
	s4 =	smov.u32 @p0 s15;
	p0 =	sne.s32 s13, $0x0  }
0x15: {  	s13 =	simm.s32 $0x3BC0;
	s14 =	sor.u32 $0x1C04, s31;
	s15 =	sshrl.u32 s29, $0x3  }
.LBB2_1:
0x16: {  	[tilespmem:s11], [sflag:$0x4] =	stream.linear.gather [hbm4b:s10+s3], $0x2700, $0x38;
	[tilespmem:$0x6BC0] =	vst v63  }
0x17: {  	_ =	swait.ge [sflag:s12], $0x2700  }
0x18: {  	[sflag:s12] =	ssyncset.done $0x0  }
0x19: {  	[sflag:s12] =	ssyncadd.s32 $0xFFFFD900  }
0x1a: {  	[tilespmem:s13], [sflag:$0x4] =	stream.linear.gather [hbm4b:s4+s3], $0x2700, $0x38;
	[tilespmem:$0x6BC0] =	vst v63  }
0x1b: {  	_ =	swait.ge [sflag:s12], $0x2700  }
0x1c: {  	[sflag:s12] =	ssyncset.done $0x0  }
0x1d: {  	s25 =	simm.s32 @!p0 $0x0;
	s26 =	simm.s32 @!p0 $0x3AC0;
	[sflag:s12] =	ssyncadd.s32 $0xFFFFD900  }
0x1e: {  	[tilespmem:s26], [sflag:$0x4] =	stream.linear.gather @!p0 [hbm4b:s5+s25], $0x100, $0x38;
	[tilespmem:$0x6BC0] =	vst v63  }
0x1f: {  	s26 =	simm.s32 @!p0 $0x4  }
0x20: {  	_ =	swait.ge @!p0 [sflag:s26], $0x100  }
0x21: {  	[sflag:s26] =	ssyncset.done @!p0 $0x0  }
0x22: {  	s28 =	simm.s32 @!p0 $0x62C0;
	[sflag:s26] =	ssyncadd.s32 @!p0 $0xFFFFFF00  }
0x23: {  	[tilespmem:s28], [sflag:$0x4] =	stream.linear.gather @!p0 [hbm4b:s6+s25], $0x100, $0x38;
	[tilespmem:$0x6BC0] =	vst v63  }
0x24: {  	_ =	swait.ge @!p0 [sflag:s26], $0x100  }
0x25: {  	[sflag:s26] =	ssyncset.done @!p0 $0x0  }
0x26: {  	[sflag:s26] =	ssyncadd.s32 @!p0 $0xFFFFFF00  }
0x27: {  	[spmem:s15], [sflag:s14] =	dma.local [hbm:s7], $0x278  }
0x28: {  	_ =	swait.ge [sflag:s12], $0x278  }
0x29: {  	[sflag:s12] =	ssyncset.done $0x0  }
0x2a: {  	[sflag:s12] =	ssyncadd.s32 $0xFFFFFD88  }
0x2b: {  	[tilespmem:s16], [sflag:$0x4] =	stream.linear.gather [hbm4b:s1+s3], $0x800, $0x38;
	[tilespmem:$0x6BC0] =	vst v63  }
0x2c: {  	_ =	swait.ge [sflag:s12], $0x800  }
0x2d: {  	[sflag:s12] =	ssyncset.done $0x0  }
0x2e: {  	[sflag:s12] =	ssyncadd.s32 $0xFFFFF800  }
0x2f: {  	[bflag:$0x0] =	sbarrier.arrive $0xFFFF  }
0x30: {  	[spmem:s2] =	stream.indirect.scatter.add.f32 [tilespmem:s16], [sflag:$0x1], $0x8, s13, s17, $0xb8;
	[tilespmem:$0x6BC0] =	vst v63  }
0x31: {  	_ = 	snop  }
0x32: {  	[spmem:s2] =	stream.indirect.scatter.add.f32 [tilespmem:s16], [sflag:$0x2], $0x8, s18, s17, $0xb8;
	[tilespmem:$0x6BC0] =	vst v63  }
0x33: {  	_ = 	snop  }
0x34: {  	[spmem:s2] =	stream.indirect.scatter.add.f32 [tilespmem:s16], [sflag:$0x3], $0x8, s19, s17, $0xb8;
	[tilespmem:$0x6BC0] =	vst v63  }
0x35: {  	_ =	swait.ge [sflag:s20], $0x800  }
0x36: {  	[sflag:s20] =	ssyncset.done $0x0  }
0x37: {  	s30 =	simm.s32 $0x3EC0;
	[sflag:s20] =	ssyncadd.s32 $0xFFFFF800  }
0x38: {  	[spmem:s2] =	stream.indirect.scatter.add.f32 [tilespmem:s16], [sflag:$0x1], $0x8, s30, s17, $0xb8;
	[tilespmem:$0x6BC0] =	vst v63  }
0x39: {  	_ =	swait.ge [sflag:s21], $0x800  }
0x3a: {  	[sflag:s21] =	ssyncset.done $0x0  }
0x3b: {  	s31 =	simm.s32 $0x3FC0;
	[sflag:s21] =	ssyncadd.s32 $0xFFFFF800  }
0x3c: {  	[spmem:s2] =	stream.indirect.scatter.add.f32 [tilespmem:s16], [sflag:$0x2], $0x8, s31, s17, $0xb8;
	[tilespmem:$0x6BC0] =	vst v63  }
0x3d: {  	_ =	swait.ge [sflag:s22], $0x800  }
0x3e: {  	[sflag:s22] =	ssyncset.done $0x0  }
0x3f: {  	s25 =	simm.s32 $0xFFFF7C00;
	s26 =	simm.s32 $0x40C0;
	[sflag:s22] =	ssyncadd.s32 $0xFFFFF800  }
.LBB2_2:
0x40: {  	[spmem:s2] =	stream.indirect.scatter.add.f32 [tilespmem:s16], [sflag:$0x3], $0x8, s26, s17, $0xb8;
	[tilespmem:$0x6BC0] =	vst v63  }
0x41: {  	s26 =	smov.u32 s25  }
0x42: {  	p1 =	sne.s32 s25, $0xFFFFF400;
	s25 =	sadd.s32 $0xC00, s25;
	_ =	swait.ge [sflag:s20], $0x800  }
0x43: {  	s26 =	sshra.s32 s26, $0x2;
	[sflag:s20] =	ssyncset.done $0x0  }
0x44: {  	s28 =	sadd.s32 $0x62C0, s26;
	[sflag:s20] =	ssyncadd.s32 $0xFFFFF800  }
0x45: {  	[spmem:s2] =	stream.indirect.scatter.add.f32 [tilespmem:s16], [sflag:$0x1], $0x8, s28, s17, $0xb8;
	[tilespmem:$0x6BC0] =	vst v63  }
0x46: {  	_ =	swait.ge [sflag:s21], $0x800  }
0x47: {  	[sflag:s21] =	ssyncset.done $0x0  }
.Ltmp0:
0x48: {  	s28 =	sadd.s32 $0x63C0, s26;
	[sflag:s21] =	ssyncadd.s32 $0xFFFFF800;
	(pc) =	sbr.rel @p1 .LBB2_2-.Ltmp0, $4  }
0x49: {  	[spmem:s2] =	stream.indirect.scatter.add.f32 [tilespmem:s16], [sflag:$0x2], $0x8, s28, s17, $0xb8;
	[tilespmem:$0x6BC0] =	vst v63  }
0x4a: {  	_ =	swait.ge [sflag:s22], $0x800  }
0x4b: {  	[sflag:s22] =	ssyncset.done $0x0  }
0x4c: {  	s26 =	sadd.s32 $0x64C0, s26;
	[sflag:s22] =	ssyncadd.s32 $0xFFFFF800  }
0x4d: {  	[spmem:s2] =	stream.indirect.scatter.add.f32 [tilespmem:s16], [sflag:$0x3], $0x8, s26, s17, $0xb8;
	[tilespmem:$0x6BC0] =	vst v63  }
0x4e: {  	_ =	swait.ge [sflag:s20], $0x800  }
0x4f: {  	[sflag:s20] =	ssyncset.done $0x0  }
0x50: {  	[sflag:s20] =	ssyncadd.s32 $0xFFFFF800  }
0x51: {  	_ =	swait.ge [sflag:s21], $0x800  }
0x52: {  	[sflag:s21] =	ssyncset.done $0x0  }
0x53: {  	[sflag:s21] =	ssyncadd.s32 $0xFFFFF800  }
0x54: {  	_ =	swait.ge [sflag:s22], $0x800  }
0x55: {  	s25 =	simm.s32 @!p0 $0x100;
	[sflag:s22] =	ssyncset.done $0x0  }
0x56: {  	s26 =	simm.s32 @!p0 $0x62C0;
	s28 =	simm.s32 @!p0 $0x63C0;
	[sflag:s22] =	ssyncadd.s32 $0xFFFFF800  }
0x57: {  	[spmem:s2] =	stream.indirect.scatter.add.f32 @!p0 [tilespmem:s28], [sflag:$0x4], $0x8, s26, s25, $0xb8;
	[tilespmem:$0x6BC0] =	vst v63  }
0x58: {  	s25 =	simm.s32 @!p0 $0x4  }
0x59: {  	_ =	swait.ge @!p0 [sflag:s25], $0x800  }
0x5a: {  	s24 =	sadd.s32 $0x1, s24;
	[sflag:s25] =	ssyncset.done @!p0 $0x0  }
0x5b: {  	p1 =	sne.s32 s24, s9;
	[sflag:s25] =	ssyncadd.s32 @!p0 $0xFFFFF800  }
.Ltmp1:
0x5c: {  	[bflag:$0x0] =	sbarrier.arrive $0xFFFF;
	(pc) =	sbr.rel @p1 .LBB2_1-.Ltmp1, $4  }
0x5d: {  	[hbm:s8@s23], [sflag:s14] =	dma.strided [spmem:s15@s20], $0x278, s20, $0x1   }
0x5e: {  	_ =	swait.ge [sflag:s12], $0x278  }
0x5f: {  	[sflag:s12] =	ssyncset.done $0x0  }
0x60: {  	[sflag:s12] =	ssyncadd.s32 $0xFFFFFD88  }
0x61: {  	_ =	sfence.sel $0x180000  }
0x62: {  	[bflag:$0x0] =	sbarrier.arrive $0xFFFF  }
0x63: {  	_ =	strace $0x90000047  }
0x64: {  	s0 =	sadd.s32 @!p0 $0x100000, s0;
	[bflag:$0x2] =	sbarrier.arrive $0xFFFF  }
0x65: {  	[sflag:s0] =	ssyncadd.tile.s32 @!p0 $0x1;
	_ =	shalt  }
.Lfunc_end2:
_tile_overlayer_lowered:
.L_overlay_start_2:
0x66: {  	(tag) =	ssettag $0x2  }
0x67: {  	s0 =	rddreg [dreg:$0x0];
	s2 =	stileid.u32  }
0x68: {  	s1 =	rddreg [dreg:$0x1];
	p0 =	sne.s32 s2, $0x0  }
0x69: {  	s3 =	rddreg [dreg:$0x2];
	[bflag:$0x3] =	sbarrier.arrive $0xFFFF;
	s2 =	simm.s32 @!p0 $0x1C04  }
0x6a: {  	[timem:s3], [sflag:s2] =	dma.local @!p0 [hbm:s0], s1  }
0x6b: {  	s0 =	simm.s32 @!p0 $0x4  }
0x6c: {  	_ =	swait.ge @!p0 [sflag:s0], s1  }
0x6d: {  	s1 =	ssub.s32 @!p0 $0x0, s1;
	[sflag:s0] =	ssyncset.done @!p0 $0x0  }
0x6e: {  	[sflag:s0] =	ssyncadd.s32 @!p0 s1  }
0x6f: {  	[bflag:$0x3] =	sbarrier.arrive $0xFFFF  }
0x70: {  	_ =	shalt  }

// kernel: kernel.14.cloned.1.call-start
scs
__scs_entry_jumppad:
0x0: {  	(pc) =	sbr.rel $0x88, $3  }
0x1: {  	(tag) =	ssettag $0x0;
	lr =	simm.s32 $0x1  }
0x2: {  	[smem:$0x3F99] =	sst lr;
	_ =	strace $0xD0000000  }
0x3: {  	_ = 	snop  }
0x4: {  	_ = 	snop  }
0x5: {  	_ = 	snop  }
0x6: {  	_ = 	snop  }
0x7: {  	_ = 	snop  }
__scs_overlays_trampoline_lowered:
0x8: {  	[smem:$0x3FA8] =	sst s0  }
0x9: {  	[smem:$0x3FA9] =	sst s1  }
0xa: {  	[smem:$0x3FAA] =	sst s2  }
0xb: {  	[smem:$0x3FAB] =	sst s3  }
0xc: {  	[smem:$0x3FAC] =	sst s4  }
0xd: {  	[smem:$0x3FAD] =	sst s5  }
0xe: {  	[smem:$0x3FAE] =	sst s6  }
0xf: {  	[smem:$0x3FAF] =	sst s7  }
0x10: {  	[smem:$0x3FB0] =	sst s8  }
0x11: {  	[smem:$0x3FB1] =	sst s9;
	s0 =	simm.s32 @!p0 $0x0  }
0x12: {  	s1 =	sld [smem:$0x3F97];
	s0 =	simm.s32 @p0 $0x1  }
0x13: {  	[smem:$0x3FB2] =	sst s0;
	s0 =	simm.s32 @!p1 $0x0  }
0x14: {  	s2 =	sld [smem:$0x3F96];
	s0 =	simm.s32 @p1 $0x1  }
0x15: {  	[smem:$0x3FB3] =	sst s0;
	s0 =	simm.s32 @!p2 $0x0  }
0x16: {  	s3 =	sld [smem:$0x3FDB];
	s0 =	simm.s32 @p2 $0x1  }
0x17: {  	s4 =	simm.s32 $0x1BF5;
	[smem:$0x3FB5] =	sst s0  }
0x18: {  	s0 =	sld [smem:$0x3F98];
	_ =	swait.ge [sflag:s4], $0x0  }
0x19: {  	s7 =	sld [smem:$0x3F99]  }
0x1a: {  	s8 =	sadd.s32 $0xFFFFE003, lr  }
0x1b: {  	s9 =	sadd.s32 $0xFFFFFEF7, lr;
	s5 =	simm.s32 $0xFFFFFFFF;
	p2 =	slt.u32 s8, $0xFFFFF086  }
0x1c: {  	p1 =	slt.u32 s9, $0xF7A;
	s5 =	simm.s32 @!p2 $0x0  }
0x1d: {  	s5 =	simm.s32 @p1 $0x1;
	p0 =	seq.s32 s7, s2  }
0x1e: {  	s7 =	smul.u32 @!p0 $0xF7A, s2;
	p2 =	seq.s32 @!p0 s5, $0x0  }
0x1f: {  	s9 =	smul.u32 $0xF7A, s1;
	s8 =	simm.s32 @!p0 $0x1BF5;
	p2 =	por !p2, p0  }
0x20: {  	[sflag:s8] =	ssyncset.s32 @!p0 $0xFFFFF086;
	s6 =	sadd.s32 @!p0 s3, s7;
	s7 =	simm.s32 @!p0 $0x108  }
0x21: {  	s3 =	sadd.s32 s3, s9;
	s6 =	sadd.s32 @!p0 $0x88, s6;
	s7 =	simm.s32 @p2 $0x1082  }
0x22: {  	[simem:s7], [sflag:s8] =	dma.local @!p0 [hbm:s6], $0xF7A  }
0x23: {  	s9 =	sor.u32 $0xD0000000, s2;
	s6 =	simm.s32 $0x108;
	_ =	swait.ge @!p0 [sflag:s8], $0x0  }
0x24: {  	s3 =	sadd.s32 $0x88, s3;
	s6 =	simm.s32 @!p1 $0x1082;
	[sflag:s4] =	ssyncset.s32 $0xFFFFF086  }
0x25: {  	[simem:s6], [sflag:s4] =	dma.local [hbm:s3], $0xF7A  }
0x26: {  	[smem:$0x3F99] =	sst s1;
	(tag) =	ssettag s2;
	_ =	strace s9  }
0x27: {  	s1 =	sld [smem:$0x3FA9]  }
0x28: {  	s2 =	sld [smem:$0x3FAA]  }
0x29: {  	s4 =	sld [smem:$0x3FAC]  }
0x2a: {  	p0 =	seq.s32 s5, $0x0;
	s5 =	sld [smem:$0x3FAD]  }
0x2b: {  	s6 =	sld [smem:$0x3FAE]  }
0x2c: {  	s7 =	sld [smem:$0x3FAF]  }
0x2d: {  	s3 =	simm.s32 $0x108;
	s8 =	sld [smem:$0x3FB0]  }
0x2e: {  	s3 =	simm.s32 @!p0 $0x1082;
	s9 =	sld [smem:$0x3FB1]  }
0x2f: {  	lr =	sadd.s32 s0, s3;
	s0 =	sld [smem:$0x3FA8]  }
0x30: {  	s3 =	sld [smem:$0x3FAB]  }
0x31: {  	[smem:$0x3FB4] =	sst s10  }
0x32: {  	s10 =	sld [smem:$0x3FB2];
	_ =	sdelay $0x3  }
0x33: {  	p0 =	seq.s32 s10, $0x1;
	s10 =	sld [smem:$0x3FB4];
	_ =	sdelay $0x3  }
0x34: {  	[smem:$0x3FB4] =	sst s10  }
0x35: {  	s10 =	sld [smem:$0x3FB3];
	_ =	sdelay $0x3  }
0x36: {  	p1 =	seq.s32 s10, $0x1;
	s10 =	sld [smem:$0x3FB4];
	_ =	sdelay $0x3  }
0x37: {  	[smem:$0x3FB4] =	sst s10  }
0x38: {  	s10 =	sld [smem:$0x3FB5]  }
0x39: {  	_ = 	snop;
	(pc) =	sbr.ind lr, $3  }
0x3a: {  	_ = 	snop  }
0x3b: {  	_ = 	snop  }
0x3c: {  	p2 =	seq.s32 s10, $0x1;
	s10 =	sld [smem:$0x3FB4]  }
0x3d: {  	_ =	shalt  }
0x3e: {  	_ =	shalt  }
0x3f: {  	_ =	shalt  }
0x40: {  	_ =	shalt  }
0x41: {  	_ =	shalt  }
0x42: {  	_ =	shalt  }
0x43: {  	_ =	shalt  }
0x44: {  	_ =	shalt  }
0x45: {  	_ =	shalt  }
0x46: {  	_ =	shalt  }
0x47: {  	_ =	shalt  }
0x48: {  	_ =	shalt  }
0x49: {  	_ =	shalt  }
0x4a: {  	_ =	shalt  }
0x4b: {  	_ =	shalt  }
0x4c: {  	_ =	shalt  }
0x4d: {  	_ =	shalt  }
0x4e: {  	_ =	shalt  }
0x4f: {  	_ =	shalt  }
0x50: {  	_ =	shalt  }
0x51: {  	_ =	shalt  }
0x52: {  	_ =	shalt  }
0x53: {  	_ =	shalt  }
0x54: {  	_ =	shalt  }
0x55: {  	_ =	shalt  }
0x56: {  	_ =	shalt  }
0x57: {  	_ =	shalt  }
0x58: {  	_ =	shalt  }
0x59: {  	_ =	shalt  }
0x5a: {  	_ =	shalt  }
0x5b: {  	_ =	shalt  }
0x5c: {  	_ =	shalt  }
0x5d: {  	_ =	shalt  }
0x5e: {  	_ =	shalt  }
0x5f: {  	_ =	shalt  }
0x60: {  	_ =	shalt  }
0x61: {  	_ =	shalt  }
0x62: {  	_ =	shalt  }
0x63: {  	_ =	shalt  }
0x64: {  	_ =	shalt  }
0x65: {  	_ =	shalt  }
0x66: {  	_ =	shalt  }
0x67: {  	_ =	shalt  }
0x68: {  	_ =	shalt  }
0x69: {  	_ =	shalt  }
0x6a: {  	_ =	shalt  }
0x6b: {  	_ =	shalt  }
0x6c: {  	_ =	shalt  }
0x6d: {  	_ =	shalt  }
0x6e: {  	_ =	shalt  }
0x6f: {  	_ =	shalt  }
0x70: {  	_ =	shalt  }
0x71: {  	_ =	shalt  }
0x72: {  	_ =	shalt  }
0x73: {  	_ =	shalt  }
0x74: {  	_ =	shalt  }
0x75: {  	_ =	shalt  }
0x76: {  	_ =	shalt  }
0x77: {  	_ =	shalt  }
0x78: {  	_ =	shalt  }
0x79: {  	_ =	shalt  }
0x7a: {  	_ =	shalt  }
0x7b: {  	_ =	shalt  }
0x7c: {  	_ =	shalt  }
0x7d: {  	_ =	shalt  }
0x7e: {  	_ =	shalt  }
0x7f: {  	_ =	shalt  }
0x80: {  	_ =	shalt  }
0x81: {  	_ =	shalt  }
0x82: {  	_ =	shalt  }
0x83: {  	_ =	shalt  }
0x84: {  	_ =	shalt  }
0x85: {  	_ =	shalt  }
0x86: {  	_ =	shalt  }
0x87: {  	_ =	shalt  }
.Lfunc_end0:
.L_simem_size_0:
called_computation.1_lowered:
.L_overlay_start_0:
0x88: {  	s2 =	sld [smem:$0x3FD9]  }
0x89: {  	s3 =	sld [smem:$0x3FFE];
	_ =	sdelay $0x1  }
0x8a: {  	s1 =	srdreg.scid  }
0x8b: {  	s0 =	sand.u32 $0x1, s1  }
0x8c: {  	s16 =	sshll.u32 s0, $0xA;
	s2 =	sadd.s32 s3, s2  }
0x8d: {  	s2 =	sadd.s32 s2, s16  }
0x8e: {  	[smem:$0x3FC0] =	sst s2  }
0x8f: {  	_ = 	snop  }
0x90: {  	(tm) =	ssettm $0x1  }
0x91: {  	s17 =	sld [smem:$0x3FFB];
	_ =	sdelay $0x3  }
0x92: {  	_ =	strace s17  }
0x93: {  	s2 =	sld [smem:$0x3FFC];
	_ =	sdelay $0x3  }
0x94: {  	_ =	strace s2  }
0x95: {  	s2 =	sld [smem:$0x3FFD];
	_ =	sdelay $0x3  }
0x96: {  	_ =	strace s2  }
0x97: {  	_ =	strace $0x8FFFFFFF  }
0x98: {  	s18 =	sld [smem:$0x3FDB];
	_ =	sdelay $0x1  }
0x99: {  	s19 =	simm.s32 $_scs_section_size  }
0x9a: {  	s4 =	simm.s32 $_size__tile_overlayer_lowered;
	s5 =	simm.s32 $_tile_overlayer_lowered  }
0x9b: {  	s22 =	simm.s32 $0x1BFF;
	s21 =	sshll.u32 s5, $0x1;
	s2 =	sadd.s32 s19, s18  }
0x9c: {  	s6 =	simm.s32 $0x0;
	s20 =	sshll.u32 s4, $0x1;
	s4 =	sadd.s32 s21, s2  }
0x9d: {  	[timem:s6], [sflag:s22] =	dma.local [hbm:s4], s20  }
0x9e: {  	_ =	swait.ge [sflag:s22], s20  }
0x9f: {  	s3 =	ssub.s32 $0x0, s20;
	[sflag:s22] =	ssyncset.done $0x0  }
0xa0: {  	[sflag:s22] =	ssyncadd.s32 s3;
	_ =	sdelay $0x1  }
0xa1: {  	s23 =	simm.s32 $0x1B8B  }
0xa2: {  	_ =	swait.ge [sflag:s23], $0x1  }
0xa3: {  	[sflag:s23] =	ssyncset.done $0x0  }
0xa4: {  	s25 =	simm.s32 $0x1B8E;
	s24 =	sld [smem:$0x3FFE];
	[sflag:s23] =	ssyncadd.s32 $0xFFFFFFFF  }
0xa5: {  	s26 =	simm.s32 $execute0_lowered;
	[smem:$0x3FD2] =	sst s25  }
0xa6: {  	s4 =	sshll.u32 s26, $0x1;
	_ =	strace $0x80000049;
	[dreg:$0x1] =	wrdreg $0xFFFFFFFF  }
0xa7: {  	s28 =	simm.s32 $_size_execute0_lowered;
	s2 =	sadd.s32 s2, s4;
	[dreg:$0x0] =	wrdreg $0x0  }
0xa8: {  	s4 =	sshll.u32 s28, $0x1;
	[dreg:$0x2] =	wrdreg s2  }
0xa9: {  	[dreg:$0x3] =	wrdreg s4  }
0xaa: {  	[dreg:$0x4] =	wrdreg $0xC0  }
0xab: {  	_ =	task [dreg:s6], $0x5FFFF  }
0xac: {  	[dreg:$0x1] =	wrdreg $0xFFFFFFFF  }
0xad: {  	[dreg:$0x0] =	wrdreg $0x60  }
0xae: {  	[dreg:$0x2] =	wrdreg s24  }
0xaf: {  	[dreg:$0x3] =	wrdreg $0x0  }
0xb0: {  	[dreg:$0x4] =	wrdreg $0x9E000  }
0xb1: {  	[dreg:$0x5] =	wrdreg $0x9  }
0xb2: {  	_ =	task.clear_ibuf [dreg:s6], $0x6FFFF;
	_ =	strace $0x90000049  }
0xb3: {  	s29 =	simm.s32 $0x9;
	_ =	strace $0x8000004B  }
0xb4: {  	_ =	swait.ge [sflag:s29], $0x1  }
0xb5: {  	[sflag:s29] =	ssyncadd.s32 $0xFFFFFFFF  }
0xb6: {  	_ =	strace $0x9000004B  }
0xb7: {  	_ =	sfence  }
0xb8: {  	s30 =	sld [smem:$0x0];
	_ =	sdelay $0x2  }
0xb9: {  	s31 =	sshll.u32 s1, $0xD;
	s1 =	sshrl.u32 s1, $0x2  }
0xba: {  	s3 =	sand.u32 $0x4000, s31;
	s1 =	sadd.s32 s1, s30  }
0xbb: {  	s0 =	sor.u32 s3, s0;
	s1 =	sshll.u32 s1, $0x11  }
0xbc: {  	s0 =	sor.u32 s1, s0  }
0xbd: {  	s0 =	sadd.s32 $0x8F2B, s0  }
0xbe: {  	[sflag:s0] =	ssyncadd.remote.s32 $0x1  }
0xbf: {  	_ =	sfence.sel $0xFFFF  }
0xc0: {  	[dreg:$0x0] =	wrdreg $0xFFFFFFFF;
	(pc) =	sbr.abs _section_cstart, $3  }
0xc1: {  	[dreg:$0x1] =	wrdreg $0xFFFFFFFF  }
0xc2: {  	_ =	task.clear_ibuf [dreg:s6], $0x2FFFF;
	_ =	strace $0x9FFFFFFF  }
0xc3: {  	(tm) =	ssettm $0x7FFFFFFF  }
tec
execute0_lowered:
.L_overlay_start_1:
0x0: {  	(tag) =	ssettag $0x1  }
0x1: {  	s0 =	rddreg [dreg:$0x0]  }
0x2: {  	s1 =	rddreg [dreg:$0x1]  }
0x3: {  	s2 =	rddreg [dreg:$0x2];
	s18 =	stileid.u32  }
0x4: {  	s4 =	simm.s32 $0x0;
	s6 =	srdreg.scid;
	s3 =	smul.u32 $0x9E00, s18  }
0x5: {  	s28 =	simm.s32 $0x1DB40;
	s29 =	simm.s32 $0x1;
	s8 =	smul.u32 $0x13C00, s18  }
0x6: {  	s30 =	simm.s32 $0x4;
	s31 =	simm.s32 $0x2;
	s11 =	smul.u32 $0x60, s18  }
0x7: {  	[smem:$0x7FF] =	sst s4;
	s5 =	sadd.s32 $0x19000, s0;
	s25 =	smul.u32 $0x3C, s18  }
0x8: {  	s7 =	sadd.s32 $0x2E00, s0;
	s6 =	sand.u32 $0x1, s6;
	s14 =	smul.u32 $0x600, s18  }
0x9: {  	s16 =	smul.u32 $0x3000, s18;
	s20 =	sshll.u32 s18, $0x5;
	p1 =	sne.s32 s18, $0xF  }
0xa: {  	p2 =	seq.s32 s18, $0xF;
	p3 =	sgt.u32 s18, $0x1;
	_ =	strace $0x8000004A  }
0xb: {  	s10 =	sshll.u32 s6, $0x6;
	s13 =	ssub.s32 $0x2, s6;
	p0 =	seq.s32 s6, $0x0  }
0xc: {  	s21 =	sshll.u32 s6, $0x4;
	s9 =	sshrl.u32 s3, $0x3;
	s8 =	sor.u32 s10, s8  }
0xd: {  	s26 =	sshrl.u32 s13, $0x1;
	s14 =	sadd.s32 s7, s14;
	s19 =	sshrl.u32 s16, $0x3  }
0xe: {  	s22 =	sor.u32 s21, s20;
	s20 =	sadd.s32 $0x94200, s2;
	s12 =	sadd.s32 s9, s0  }
0xf: {  	s8 =	sshrl.u32 s8, $0x3;
	s17 =	ssub.s32 s13, s26;
	[dreg:$0x4] =	wrdreg s14  }
0x10: {  	s10 =	sadd.s32 s7, s19;
	s13 =	sadd.s32 $0x2B840, s0;
	s14 =	sadd.s32 s5, s9  }
0x11: {  	s26 =	sshll.u32 s18, $0x6;
	s19 =	simm.s32 $0x7;
	s15 =	sadd.s32 s8, s0  }
0x12: {  	s8 =	sadd.s32 $0x600, s25;
	s10 =	sadd.s32 $0x9C40, s10;
	s25 =	sadd.s32 s3, s1  }
0x13: {  	s12 =	sadd.s32 $0x2CA00, s12;
	s0 =	sadd.s32 s3, s2;
	s16 =	smax.u32 s17, $0x1  }
0x14: {  	s17 =	sor.u32 $0x1C07, s26;
	s26 =	simm.s32 $0x1BB40;
	s3 =	simm.s32 $0x3  }
0x15: {  	s8 =	smov.u32 @p0 s11;
	[dreg:$0x5] =	wrdreg s10;
	p0 =	seq.s32 s6, $0x1  }
0x16: {  	s15 =	sadd.s32 $0x40600, s15;
	s18 =	sshrl.u32 s25, $0x3;
	s8 =	sshll.u32 s8, $0x4  }
0x17: {  	p1 =	por !p1, !p0;
	p2 =	por !p2, !p0;
	s8 =	sadd.s32 s7, s8  }
0x18: {  	s7 =	sadd.s32 s22, s7;
	p1 =	por !p1, !p1;
	p4 =	por !p2, !p2  }
.Ltmp0:
0x19: {  	p2 =	sne.s32 s6, $0x0;
	s23 =	sadd.s32 $0x9C40, s8;
	(pc) =	sbr.rel .LBB2_1-.Ltmp0, $4  }
0x1a: {  	s22 =	simm.s32 $0x80;
	s24 =	sadd.s32 $0x9C00, s7;
	[dreg:$0x6] =	wrdreg s23  }
0x1b: {  	s7 =	sadd.s32 $0x13840, s7;
	p4 =	por !p4, p1;
	[dreg:$0x7] =	wrdreg s24  }
0x1c: {  	s21 =	sshrl.u32 @p1 s0, $0x3;
	s0 =	simm.s32 $0x5;
	[dreg:$0x8] =	wrdreg s7  }
0x1d: {  	s20 =	sshrl.u32 @!p4 s20, $0x3;
	s24 =	simm.s32 $0x19B40;
	s23 =	simm.s32 $0x6  }
.LBB2_8:
0x1e: {  	s6 =	simm.s32 @!p6 $0x6;
	[sflag:s3] =	ssyncadd.s32 $0xFFFFE000  }
0x1f: {  	[spmem:s1] =	stream.indirect.scatter.add.f32 [tilespmem:s28], [sflag:$0x6], $0x40, s9, s22, $0xb8;
	[tilespmem:$0x1FB40] =	vst v63  }
0x20: {  	_ =	swait.ge @!p6 [sflag:s6], $0x2000  }
0x21: {  	s7 =	sshra.s32 s25, $0x2;
	[sflag:s6] =	ssyncset.done @!p6 $0x0  }
0x22: {  	s25 =	sadd.s32 $0x13B40, s7;
	[sflag:s6] =	ssyncadd.s32 @!p6 $0xFFFFE000  }
0x23: {  	[tilespmem:s28], [sflag:$0x3] =	stream.indirect.gather [spmem:s2], $0x40, s25, s22, $0xb8;
	[tilespmem:$0x1FB40] =	vst v63  }
0x24: {  	_ =	swait.ge [sflag:s29], $0x2000  }
0x25: {  	[sflag:s29] =	ssyncset.done $0x0  }
0x26: {  	s9 =	sadd.s32 $0x16AC0, s7;
	[sflag:s29] =	ssyncadd.s32 $0xFFFFE000  }
0x27: {  	[spmem:s1] =	stream.indirect.scatter.add.f32 [tilespmem:s24], [sflag:$0x4], $0x40, s9, s22, $0xb8;
	[tilespmem:$0x1FB40] =	vst v63  }
0x28: {  	_ =	swait.ge [sflag:s30], $0x2000  }
0x29: {  	[sflag:s30] =	ssyncset.done $0x0  }
0x2a: {  	s10 =	sadd.s32 $0x13BC0, s7;
	[sflag:s30] =	ssyncadd.s32 $0xFFFFE000  }
0x2b: {  	[tilespmem:s24], [sflag:$0x1] =	stream.indirect.gather [spmem:s2], $0x40, s10, s22, $0xb8;
	[tilespmem:$0x1FB40] =	vst v63  }
0x2c: {  	_ =	swait.ge [sflag:s31], $0x2000  }
0x2d: {  	[sflag:s31] =	ssyncset.done $0x0  }
0x2e: {  	s11 =	sadd.s32 $0x16B40, s7;
	[sflag:s31] =	ssyncadd.s32 $0xFFFFE000  }
0x2f: {  	[spmem:s1] =	stream.indirect.scatter.add.f32 [tilespmem:s26], [sflag:$0x5], $0x40, s11, s22, $0xb8;
	[tilespmem:$0x1FB40] =	vst v63  }
0x30: {  	_ =	swait.ge [sflag:s0], $0x2000  }
0x31: {  	[sflag:s0] =	ssyncset.done $0x0  }
0x32: {  	s25 =	sadd.s32 $0x13C40, s7;
	[sflag:s0] =	ssyncadd.s32 $0xFFFFE000  }
0x33: {  	[tilespmem:s26], [sflag:$0x2] =	stream.indirect.gather [spmem:s2], $0x40, s25, s22, $0xb8;
	[tilespmem:$0x1FB40] =	vst v63  }
0x34: {  	_ =	swait.ge [sflag:s3], $0x2000  }
0x35: {  	[sflag:s3] =	ssyncset.done $0x0  }
0x36: {  	s7 =	sadd.s32 $0x16BC0, s7;
	[sflag:s3] =	ssyncadd.s32 $0xFFFFE000  }
0x37: {  	[spmem:s1] =	stream.indirect.scatter.add.f32 [tilespmem:s28], [sflag:$0x6], $0x40, s7, s22, $0xb8;
	[tilespmem:$0x1FB40] =	vst v63  }
0x38: {  	_ =	swait.ge [sflag:s23], $0x2000  }
0x39: {  	[sflag:s23] =	ssyncset.done $0x0  }
0x3a: {  	s9 =	simm.s32 $0x157C0;
	[sflag:s23] =	ssyncadd.s32 $0xFFFFE000  }
0x3b: {  	[tilespmem:s28], [sflag:$0x3] =	stream.indirect.gather [spmem:s2], $0x40, s9, s22, $0xb8;
	[tilespmem:$0x1FB40] =	vst v63  }
0x3c: {  	_ =	swait.ge [sflag:s29], $0x2000  }
0x3d: {  	[sflag:s29] =	ssyncset.done $0x0  }
0x3e: {  	s10 =	simm.s32 $0x18740;
	[sflag:s29] =	ssyncadd.s32 $0xFFFFE000  }
0x3f: {  	[spmem:s1] =	stream.indirect.scatter.add.f32 [tilespmem:s24], [sflag:$0x4], $0x40, s10, s22, $0xb8;
	[tilespmem:$0x1FB40] =	vst v63  }
0x40: {  	_ =	swait.ge [sflag:s31], $0x2000  }
0x41: {  	[sflag:s31] =	ssyncset.done $0x0  }
0x42: {  	s11 =	simm.s32 $0x187C0;
	[sflag:s31] =	ssyncadd.s32 $0xFFFFE000  }
0x43: {  	[spmem:s1] =	stream.indirect.scatter.add.f32 [tilespmem:s26], [sflag:$0x5], $0x40, s11, s22, $0xb8;
	[tilespmem:$0x1FB40] =	vst v63  }
0x44: {  	_ =	swait.ge [sflag:s3], $0x2000  }
0x45: {  	[sflag:s3] =	ssyncset.done $0x0  }
0x46: {  	s25 =	simm.s32 $0x18840;
	[sflag:s3] =	ssyncadd.s32 $0xFFFFE000  }
0x47: {  	[spmem:s1] =	stream.indirect.scatter.add.f32 [tilespmem:s28], [sflag:$0x6], $0x40, s25, s22, $0xb8;
	[tilespmem:$0x1FB40] =	vst v63  }
0x48: {  	_ =	swait.ge [sflag:s30], $0x2000  }
0x49: {  	[sflag:s30] =	ssyncset.done $0x0  }
0x4a: {  	[sflag:s30] =	ssyncadd.s32 $0xFFFFE000  }
0x4b: {  	_ =	swait.ge [sflag:s0], $0x2000  }
0x4c: {  	[sflag:s0] =	ssyncset.done $0x0  }
0x4d: {  	[sflag:s0] =	ssyncadd.s32 $0xFFFFE000  }
0x4e: {  	_ =	swait.ge [sflag:s23], $0x2000  }
0x4f: {  	s6 =	simm.s32 @!p3 $0x80;
	[sflag:s23] =	ssyncset.done $0x0  }
0x50: {  	s7 =	simm.s32 @!p3 $0x16A40;
	s9 =	simm.s32 @!p3 $0x19B40;
	[sflag:s23] =	ssyncadd.s32 $0xFFFFE000  }
0x51: {  	[tilespmem:s9], [sflag:$0x1] =	stream.indirect.gather @!p3 [spmem:s2], $0x40, s7, s6, $0xb8;
	[tilespmem:$0x1FB40] =	vst v63  }
0x52: {  	s7 =	simm.s32 @!p3 $0x1  }
0x53: {  	_ =	swait.ge @!p3 [sflag:s7], $0x2000  }
0x54: {  	[sflag:s7] =	ssyncset.done @!p3 $0x0  }
0x55: {  	[sflag:s7] =	ssyncadd.s32 @!p3 $0xFFFFE000;
	s7 =	simm.s32 @!p3 $0x19AC0  }
0x56: {  	[spmem:s1] =	stream.indirect.scatter.add.f32 @!p3 [tilespmem:s9], [sflag:$0x7], $0x40, s7, s6, $0xb8;
	[tilespmem:$0x1FB40] =	vst v63  }
0x57: {  	s6 =	simm.s32 @!p3 $0x7  }
0x58: {  	_ =	swait.ge @!p3 [sflag:s6], $0x2000  }
0x59: {  	[sflag:s6] =	ssyncset.done @!p3 $0x0  }
0x5a: {  	[sflag:s6] =	ssyncadd.s32 @!p3 $0xFFFFE000  }
.LBB2_9:
0x5b: {  	s4 =	sadd.s32 $0x1, s4  }
0x5c: {  	[bflag:$0x0] =	sbarrier.arrive $0xFFFF;
	p5 =	sne.s32 s4, s16  }
.Ltmp1:
0x5d: {  	s6 =	simm.s32 $0x10;
	s7 =	simm.s32 $0x8;
	(pc) =	sbr.rel @!p5 .LBB2_10-.Ltmp1, $4  }
0x5e: {  	[hbm:s15@s6], [sflag:s17] =	dma.strided [spmem:s18@s7], $0x13C0, s29, $0x8   }
0x5f: {  	_ =	swait.ge [sflag:s19], $0x13C0  }
0x60: {  	[sflag:s19] =	ssyncset.done $0x0  }
0x61: {  	[sflag:s19] =	ssyncadd.s32 $0xFFFFEC40  }
.LBB2_1:
0x62: {  	s6 =	simm.s32 @!p2 $0x0;
	s7 =	simm.s32 @!p2 $0x13A40;
	s9 =	rddreg [dreg:$0x4]  }
0x63: {  	[tilespmem:s7], [sflag:$0x7] =	stream.linear.gather @!p2 [hbm4b:s9+s6], $0x3000, $0x38;
	[tilespmem:$0x1FB40] =	vst v63  }
0x64: {  	s7 =	simm.s32 @!p2 $0x7  }
0x65: {  	_ =	swait.ge @!p2 [sflag:s7], $0x3000  }
0x66: {  	[sflag:s7] =	ssyncset.done @!p2 $0x0  }
0x67: {  	s9 =	simm.s32 @!p2 $0x16AC0;
	s10 =	rddreg [dreg:$0x5];
	[sflag:s7] =	ssyncadd.s32 @!p2 $0xFFFFD000  }
0x68: {  	[tilespmem:s9], [sflag:$0x7] =	stream.linear.gather @!p2 [hbm4b:s10+s6], $0x3000, $0x38;
	[tilespmem:$0x1FB40] =	vst v63  }
0x69: {  	_ =	swait.ge @!p2 [sflag:s7], $0x3000  }
0x6a: {  	[sflag:s7] =	ssyncset.done @!p2 $0x0  }
0x6b: {  	s6 =	simm.s32 @p0 $0x0;
	[sflag:s7] =	ssyncadd.s32 @!p2 $0xFFFFD000;
	s7 =	simm.s32 @p0 $0x13A40  }
0x6c: {  	[tilespmem:s7], [sflag:$0x7] =	stream.linear.gather @p0 [hbm4b:s8+s6], $0x1E00, $0x38;
	[tilespmem:$0x1FB40] =	vst v63  }
0x6d: {  	s7 =	simm.s32 @p0 $0x7  }
0x6e: {  	_ =	swait.ge @p0 [sflag:s7], $0x1E00  }
0x6f: {  	[sflag:s7] =	ssyncset.done @p0 $0x0  }
0x70: {  	s9 =	simm.s32 @p0 $0x16AC0;
	s10 =	rddreg [dreg:$0x6];
	[sflag:s7] =	ssyncadd.s32 @p0 $0xFFFFE200  }
0x71: {  	[tilespmem:s9], [sflag:$0x7] =	stream.linear.gather @p0 [hbm4b:s10+s6], $0x1E00, $0x38;
	[tilespmem:$0x1FB40] =	vst v63  }
0x72: {  	_ =	swait.ge @p0 [sflag:s7], $0x1E00  }
0x73: {  	s6 =	simm.s32 @!p3 $0x0;
	[sflag:s7] =	ssyncset.done @p0 $0x0  }
0x74: {  	s9 =	rddreg [dreg:$0x7];
	[sflag:s7] =	ssyncadd.s32 @p0 $0xFFFFE200;
	s7 =	simm.s32 @!p3 $0x16A40  }
0x75: {  	[tilespmem:s7], [sflag:$0x7] =	stream.linear.gather @!p3 [hbm4b:s9+s6], $0x80, $0x38;
	[tilespmem:$0x1FB40] =	vst v63  }
0x76: {  	s7 =	simm.s32 @!p3 $0x7  }
0x77: {  	_ =	swait.ge @!p3 [sflag:s7], $0x80  }
0x78: {  	[sflag:s7] =	ssyncset.done @!p3 $0x0  }
0x79: {  	s9 =	simm.s32 @!p3 $0x19AC0;
	s10 =	rddreg [dreg:$0x8];
	[sflag:s7] =	ssyncadd.s32 @!p3 $0xFFFFFF80  }
0x7a: {  	[tilespmem:s9], [sflag:$0x7] =	stream.linear.gather @!p3 [hbm4b:s10+s6], $0x80, $0x38;
	[tilespmem:$0x1FB40] =	vst v63  }
0x7b: {  	_ =	swait.ge @!p3 [sflag:s7], $0x80  }
0x7c: {  	[sflag:s7] =	ssyncset.done @!p3 $0x0  }
0x7d: {  	[sflag:s7] =	ssyncadd.s32 @!p3 $0xFFFFFF80  }
0x7e: {  	[spmem:s18], [sflag:s17] =	dma.local [hbm:s12], $0x13C0  }
0x7f: {  	_ =	swait.ge [sflag:s19], $0x13C0  }
0x80: {  	[sflag:s19] =	ssyncset.done $0x0  }
0x81: {  	s6 =	simm.s32 @!p4 $0x7;
	[sflag:s19] =	ssyncadd.s32 $0xFFFFEC40  }
0x82: {  	[spmem:s20], [sflag:s17] =	dma.local @!p4 [hbm:s13], $0x1040  }
0x83: {  	_ =	swait.ge @!p4 [sflag:s6], $0x1040  }
0x84: {  	[sflag:s6] =	ssyncset.done @!p4 $0x0  }
0x85: {  	[sflag:s6] =	ssyncadd.s32 @!p4 $0xFFFFEFC0;
	s6 =	simm.s32 @p1 $0x7  }
0x86: {  	[spmem:s21], [sflag:s17] =	dma.local @p1 [hbm:s14], $0x13C0  }
.Ltmp2:
0x87: {  	_ =	swait.ge @p1 [sflag:s6], $0x13C0;
	(pc) =	sbr.rel @p2 .LBB2_5-.Ltmp2, $3  }
0x88: {  	[sflag:s6] =	ssyncset.done @p1 $0x0  }
0x89: {  	[sflag:s6] =	ssyncadd.s32 @p1 $0xFFFFEC40  }
0x8a: {  	[bflag:$0x0] =	sbarrier.arrive $0xFFFF;
	_ =	sdelay $0x1  }
0x8b: {  	s6 =	simm.s32 $0x13A40;
	p5 =	por $0x1, $0x1  }
0x8c: {  	[tilespmem:s24], [sflag:$0x1] =	stream.indirect.gather [hbm4b:s5+s22], $0x40, s6, s22, $0xb8;
	[tilespmem:$0x1FB40] =	vst v63  }
0x8d: {  	s11 =	simm.s32 $0x13AC0;
	s6 =	simm.s32 @!p5 $0x6  }
0x8e: {  	[tilespmem:s26], [sflag:$0x2] =	stream.indirect.gather [hbm4b:s5+s22], $0x40, s11, s22, $0xb8;
	[tilespmem:$0x1FB40] =	vst v63  }
0x8f: {  	_ =	swait.ge @!p5 [sflag:s6], $0x2000  }
0x90: {  	[sflag:s6] =	ssyncset.done @!p5 $0x0  }
0x91: {  	s25 =	simm.s32 $0x13B40;
	[sflag:s6] =	ssyncadd.s32 @!p5 $0xFFFFE000  }
0x92: {  	[tilespmem:s28], [sflag:$0x3] =	stream.indirect.gather [hbm4b:s5+s22], $0x40, s25, s22, $0xb8;
	[tilespmem:$0x1FB40] =	vst v63  }
0x93: {  	_ =	swait.ge [sflag:s29], $0x2000  }
0x94: {  	[sflag:s29] =	ssyncset.done $0x0  }
0x95: {  	s7 =	simm.s32 $0x16AC0;
	[sflag:s29] =	ssyncadd.s32 $0xFFFFE000  }
0x96: {  	[spmem:s1] =	stream.indirect.scatter.add.f32 [tilespmem:s24], [sflag:$0x4], $0x40, s7, s22, $0xb8;
	[tilespmem:$0x1FB40] =	vst v63  }
0x97: {  	_ =	swait.ge [sflag:s30], $0x2000  }
0x98: {  	[sflag:s30] =	ssyncset.done $0x0  }
0x99: {  	s9 =	simm.s32 $0x13BC0;
	[sflag:s30] =	ssyncadd.s32 $0xFFFFE000  }
0x9a: {  	[tilespmem:s24], [sflag:$0x1] =	stream.indirect.gather [hbm4b:s5+s22], $0x40, s9, s22, $0xb8;
	[tilespmem:$0x1FB40] =	vst v63  }
0x9b: {  	_ =	swait.ge [sflag:s31], $0x2000  }
0x9c: {  	[sflag:s31] =	ssyncset.done $0x0  }
0x9d: {  	s10 =	simm.s32 $0x16B40;
	[sflag:s31] =	ssyncadd.s32 $0xFFFFE000  }
0x9e: {  	[spmem:s1] =	stream.indirect.scatter.add.f32 [tilespmem:s26], [sflag:$0x5], $0x40, s10, s22, $0xb8;
	[tilespmem:$0x1FB40] =	vst v63  }
0x9f: {  	_ =	swait.ge [sflag:s0], $0x2000  }
0xa0: {  	[sflag:s0] =	ssyncset.done $0x0  }
0xa1: {  	p6 =	por $0x0, $0x0;
	s11 =	simm.s32 $0x13C40;
	[sflag:s0] =	ssyncadd.s32 $0xFFFFE000  }
0xa2: {  	[tilespmem:s26], [sflag:$0x2] =	stream.indirect.gather [hbm4b:s5+s22], $0x40, s11, s22, $0xb8;
	[tilespmem:$0x1FB40] =	vst v63  }
0xa3: {  	s6 =	simm.s32 $0xC00;
	s25 =	simm.s32 $0x600;
	_ =	swait.ge [sflag:s3], $0x2000  }
0xa4: {  	s7 =	simm.s32 $0x2;
	s9 =	simm.s32 $0x16BC0;
	[sflag:s3] =	ssyncset.done $0x0  }
.LBB2_3:
0xa5: {  	s10 =	simm.s32 @!p6 $0x6  }
0xa6: {  	[sflag:s3] =	ssyncadd.s32 $0xFFFFE000;
	s11 =	smov.u32 s6;
	s6 =	sadd.s32 $0x600, s6  }
0xa7: {  	[spmem:s1] =	stream.indirect.scatter.add.f32 [tilespmem:s28], [sflag:$0x6], $0x40, s9, s22, $0xb8;
	[tilespmem:$0x1FB40] =	vst v63  }
0xa8: {  	p5 =	sne.s32 s6, $0xBA00;
	_ =	swait.ge @!p6 [sflag:s10], $0x2000  }
0xa9: {  	s9 =	sshra.s32 s25, $0x2;
	s25 =	smov.u32 s11;
	[sflag:s10] =	ssyncset.done @!p6 $0x0  }
0xaa: {  	[sflag:s10] =	ssyncadd.s32 @!p6 $0xFFFFE000;
	s10 =	sadd.s32 $0x13B40, s9  }
0xab: {  	[tilespmem:s28], [sflag:$0x3] =	stream.indirect.gather [hbm4b:s5+s22], $0x40, s10, s22, $0xb8;
	[tilespmem:$0x1FB40] =	vst v63  }
0xac: {  	_ =	swait.ge [sflag:s29], $0x2000  }
0xad: {  	[sflag:s29] =	ssyncset.done $0x0  }
0xae: {  	s10 =	sadd.s32 $0x16AC0, s9;
	[sflag:s29] =	ssyncadd.s32 $0xFFFFE000  }
0xaf: {  	[spmem:s1] =	stream.indirect.scatter.add.f32 [tilespmem:s24], [sflag:$0x4], $0x40, s10, s22, $0xb8;
	[tilespmem:$0x1FB40] =	vst v63  }
0xb0: {  	_ =	swait.ge [sflag:s30], $0x2000  }
0xb1: {  	[sflag:s30] =	ssyncset.done $0x0  }
0xb2: {  	s10 =	sadd.s32 $0x13BC0, s9;
	[sflag:s30] =	ssyncadd.s32 $0xFFFFE000  }
0xb3: {  	[tilespmem:s24], [sflag:$0x1] =	stream.indirect.gather [hbm4b:s5+s22], $0x40, s10, s22, $0xb8;
	[tilespmem:$0x1FB40] =	vst v63  }
0xb4: {  	_ =	swait.ge [sflag:s31], $0x2000  }
0xb5: {  	[sflag:s31] =	ssyncset.done $0x0  }
0xb6: {  	s10 =	sadd.s32 $0x16B40, s9;
	[sflag:s31] =	ssyncadd.s32 $0xFFFFE000  }
0xb7: {  	[spmem:s1] =	stream.indirect.scatter.add.f32 [tilespmem:s26], [sflag:$0x5], $0x40, s10, s22, $0xb8;
	[tilespmem:$0x1FB40] =	vst v63  }
0xb8: {  	_ =	swait.ge [sflag:s0], $0x2000  }
.Ltmp3:
0xb9: {  	[sflag:s0] =	ssyncset.done $0x0;
	(pc) =	sbr.rel @p5 .LBB2_3-.Ltmp3, $4  }
0xba: {  	s10 =	sadd.s32 $0x13C40, s9;
	[sflag:s0] =	ssyncadd.s32 $0xFFFFE000  }
0xbb: {  	[tilespmem:s26], [sflag:$0x2] =	stream.indirect.gather [hbm4b:s5+s22], $0x40, s10, s22, $0xb8;
	[tilespmem:$0x1FB40] =	vst v63  }
0xbc: {  	s7 =	sadd.s32 $0x3, s7;
	_ =	swait.ge [sflag:s3], $0x2000  }
0xbd: {  	p6 =	sgt.u32 s7, $0x5C;
	s9 =	sadd.s32 $0x16BC0, s9;
	[sflag:s3] =	ssyncset.done $0x0  }
0xbe: {  	s6 =	simm.s32 @!p6 $0x6;
	[sflag:s3] =	ssyncadd.s32 $0xFFFFE000  }
0xbf: {  	[spmem:s1] =	stream.indirect.scatter.add.f32 [tilespmem:s28], [sflag:$0x6], $0x40, s9, s22, $0xb8;
	[tilespmem:$0x1FB40] =	vst v63  }
0xc0: {  	_ =	swait.ge @!p6 [sflag:s6], $0x2000  }
0xc1: {  	s7 =	sshra.s32 s25, $0x2;
	[sflag:s6] =	ssyncset.done @!p6 $0x0  }
0xc2: {  	s25 =	sadd.s32 $0x13B40, s7;
	[sflag:s6] =	ssyncadd.s32 @!p6 $0xFFFFE000  }
0xc3: {  	[tilespmem:s28], [sflag:$0x3] =	stream.indirect.gather [hbm4b:s5+s22], $0x40, s25, s22, $0xb8;
	[tilespmem:$0x1FB40] =	vst v63  }
0xc4: {  	_ =	swait.ge [sflag:s29], $0x2000  }
0xc5: {  	[sflag:s29] =	ssyncset.done $0x0  }
0xc6: {  	s9 =	sadd.s32 $0x16AC0, s7;
	[sflag:s29] =	ssyncadd.s32 $0xFFFFE000  }
0xc7: {  	[spmem:s1] =	stream.indirect.scatter.add.f32 [tilespmem:s24], [sflag:$0x4], $0x40, s9, s22, $0xb8;
	[tilespmem:$0x1FB40] =	vst v63  }
0xc8: {  	_ =	swait.ge [sflag:s30], $0x2000  }
0xc9: {  	[sflag:s30] =	ssyncset.done $0x0  }
0xca: {  	s10 =	sadd.s32 $0x13BC0, s7;
	[sflag:s30] =	ssyncadd.s32 $0xFFFFE000  }
0xcb: {  	[tilespmem:s24], [sflag:$0x1] =	stream.indirect.gather [hbm4b:s5+s22], $0x40, s10, s22, $0xb8;
	[tilespmem:$0x1FB40] =	vst v63  }
0xcc: {  	_ =	swait.ge [sflag:s31], $0x2000  }
0xcd: {  	[sflag:s31] =	ssyncset.done $0x0  }
0xce: {  	s11 =	sadd.s32 $0x16B40, s7;
	[sflag:s31] =	ssyncadd.s32 $0xFFFFE000  }
0xcf: {  	[spmem:s1] =	stream.indirect.scatter.add.f32 [tilespmem:s26], [sflag:$0x5], $0x40, s11, s22, $0xb8;
	[tilespmem:$0x1FB40] =	vst v63  }
0xd0: {  	_ =	swait.ge [sflag:s0], $0x2000  }
0xd1: {  	[sflag:s0] =	ssyncset.done $0x0  }
0xd2: {  	s25 =	sadd.s32 $0x13C40, s7;
	[sflag:s0] =	ssyncadd.s32 $0xFFFFE000  }
0xd3: {  	[tilespmem:s26], [sflag:$0x2] =	stream.indirect.gather [hbm4b:s5+s22], $0x40, s25, s22, $0xb8;
	[tilespmem:$0x1FB40] =	vst v63  }
0xd4: {  	_ =	swait.ge [sflag:s3], $0x2000  }
0xd5: {  	[sflag:s3] =	ssyncset.done $0x0  }
0xd6: {  	s7 =	sadd.s32 $0x16BC0, s7;
	[sflag:s3] =	ssyncadd.s32 $0xFFFFE000  }
0xd7: {  	[spmem:s1] =	stream.indirect.scatter.add.f32 [tilespmem:s28], [sflag:$0x6], $0x40, s7, s22, $0xb8;
	[tilespmem:$0x1FB40] =	vst v63  }
0xd8: {  	_ =	swait.ge [sflag:s23], $0x2000  }
0xd9: {  	[sflag:s23] =	ssyncset.done $0x0  }
0xda: {  	s9 =	simm.s32 $0x169C0;
	[sflag:s23] =	ssyncadd.s32 $0xFFFFE000  }
0xdb: {  	[tilespmem:s28], [sflag:$0x3] =	stream.indirect.gather [hbm4b:s5+s22], $0x40, s9, s22, $0xb8;
	[tilespmem:$0x1FB40] =	vst v63  }
0xdc: {  	_ =	swait.ge [sflag:s29], $0x2000  }
0xdd: {  	[sflag:s29] =	ssyncset.done $0x0  }
0xde: {  	s10 =	simm.s32 $0x19940;
	[sflag:s29] =	ssyncadd.s32 $0xFFFFE000  }
0xdf: {  	[spmem:s1] =	stream.indirect.scatter.add.f32 [tilespmem:s24], [sflag:$0x4], $0x40, s10, s22, $0xb8;
	[tilespmem:$0x1FB40] =	vst v63  }
0xe0: {  	_ =	swait.ge [sflag:s31], $0x2000  }
0xe1: {  	[sflag:s31] =	ssyncset.done $0x0  }
0xe2: {  	s11 =	simm.s32 $0x199C0;
	[sflag:s31] =	ssyncadd.s32 $0xFFFFE000  }
0xe3: {  	[spmem:s1] =	stream.indirect.scatter.add.f32 [tilespmem:s26], [sflag:$0x5], $0x40, s11, s22, $0xb8;
	[tilespmem:$0x1FB40] =	vst v63  }
0xe4: {  	_ =	swait.ge [sflag:s3], $0x2000  }
0xe5: {  	[sflag:s3] =	ssyncset.done $0x0  }
0xe6: {  	s25 =	simm.s32 $0x19A40;
	[sflag:s3] =	ssyncadd.s32 $0xFFFFE000  }
0xe7: {  	[spmem:s1] =	stream.indirect.scatter.add.f32 [tilespmem:s28], [sflag:$0x6], $0x40, s25, s22, $0xb8;
	[tilespmem:$0x1FB40] =	vst v63  }
0xe8: {  	_ =	swait.ge [sflag:s30], $0x2000  }
0xe9: {  	[sflag:s30] =	ssyncset.done $0x0  }
0xea: {  	[sflag:s30] =	ssyncadd.s32 $0xFFFFE000  }
0xeb: {  	_ =	swait.ge [sflag:s0], $0x2000  }
0xec: {  	[sflag:s0] =	ssyncset.done $0x0  }
0xed: {  	[sflag:s0] =	ssyncadd.s32 $0xFFFFE000  }
0xee: {  	_ =	swait.ge [sflag:s23], $0x2000  }
0xef: {  	s6 =	simm.s32 @!p3 $0x80;
	[sflag:s23] =	ssyncset.done $0x0  }
0xf0: {  	s7 =	simm.s32 @!p3 $0x16A40;
	s9 =	simm.s32 @!p3 $0x19B40;
	[sflag:s23] =	ssyncadd.s32 $0xFFFFE000  }
0xf1: {  	[tilespmem:s9], [sflag:$0x1] =	stream.indirect.gather @!p3 [hbm4b:s5+s6], $0x40, s7, s6, $0xb8;
	[tilespmem:$0x1FB40] =	vst v63  }
0xf2: {  	s7 =	simm.s32 @!p3 $0x1  }
0xf3: {  	_ =	swait.ge @!p3 [sflag:s7], $0x2000  }
0xf4: {  	[sflag:s7] =	ssyncset.done @!p3 $0x0  }
0xf5: {  	[sflag:s7] =	ssyncadd.s32 @!p3 $0xFFFFE000;
	s7 =	simm.s32 @!p3 $0x19AC0  }
0xf6: {  	[spmem:s1] =	stream.indirect.scatter.add.f32 @!p3 [tilespmem:s9], [sflag:$0x7], $0x40, s7, s6, $0xb8;
	[tilespmem:$0x1FB40] =	vst v63  }
0xf7: {  	s6 =	simm.s32 @!p3 $0x7  }
0xf8: {  	_ =	swait.ge @!p3 [sflag:s6], $0x2000  }
0xf9: {  	[sflag:s6] =	ssyncset.done @!p3 $0x0  }
0xfa: {  	[sflag:s6] =	ssyncadd.s32 @!p3 $0xFFFFE000  }
.LBB2_5:
.Ltmp4:
0xfb: {  	(pc) =	sbr.rel @!p0 .LBB2_9-.Ltmp4, $1  }
0xfc: {  	_ =	sdelay $0x3  }
0xfd: {  	s6 =	simm.s32 $0x13A40;
	p5 =	por $0x1, $0x1  }
0xfe: {  	[tilespmem:s24], [sflag:$0x1] =	stream.indirect.gather [spmem:s2], $0x40, s6, s22, $0xb8;
	[tilespmem:$0x1FB40] =	vst v63  }
0xff: {  	s11 =	simm.s32 $0x13AC0;
	s6 =	simm.s32 @!p5 $0x6  }
0x100: {  	[tilespmem:s26], [sflag:$0x2] =	stream.indirect.gather [spmem:s2], $0x40, s11, s22, $0xb8;
	[tilespmem:$0x1FB40] =	vst v63  }
0x101: {  	_ =	swait.ge @!p5 [sflag:s6], $0x2000  }
0x102: {  	[sflag:s6] =	ssyncset.done @!p5 $0x0  }
0x103: {  	s25 =	simm.s32 $0x13B40;
	[sflag:s6] =	ssyncadd.s32 @!p5 $0xFFFFE000  }
0x104: {  	[tilespmem:s28], [sflag:$0x3] =	stream.indirect.gather [spmem:s2], $0x40, s25, s22, $0xb8;
	[tilespmem:$0x1FB40] =	vst v63  }
0x105: {  	_ =	swait.ge [sflag:s29], $0x2000  }
0x106: {  	[sflag:s29] =	ssyncset.done $0x0  }
0x107: {  	s7 =	simm.s32 $0x16AC0;
	[sflag:s29] =	ssyncadd.s32 $0xFFFFE000  }
0x108: {  	[spmem:s1] =	stream.indirect.scatter.add.f32 [tilespmem:s24], [sflag:$0x4], $0x40, s7, s22, $0xb8;
	[tilespmem:$0x1FB40] =	vst v63  }
0x109: {  	_ =	swait.ge [sflag:s30], $0x2000  }
0x10a: {  	[sflag:s30] =	ssyncset.done $0x0  }
0x10b: {  	s9 =	simm.s32 $0x13BC0;
	[sflag:s30] =	ssyncadd.s32 $0xFFFFE000  }
0x10c: {  	[tilespmem:s24], [sflag:$0x1] =	stream.indirect.gather [spmem:s2], $0x40, s9, s22, $0xb8;
	[tilespmem:$0x1FB40] =	vst v63  }
0x10d: {  	_ =	swait.ge [sflag:s31], $0x2000  }
0x10e: {  	[sflag:s31] =	ssyncset.done $0x0  }
0x10f: {  	s10 =	simm.s32 $0x16B40;
	[sflag:s31] =	ssyncadd.s32 $0xFFFFE000  }
0x110: {  	[spmem:s1] =	stream.indirect.scatter.add.f32 [tilespmem:s26], [sflag:$0x5], $0x40, s10, s22, $0xb8;
	[tilespmem:$0x1FB40] =	vst v63  }
0x111: {  	_ =	swait.ge [sflag:s0], $0x2000  }
0x112: {  	[sflag:s0] =	ssyncset.done $0x0  }
0x113: {  	p6 =	por $0x0, $0x0;
	s11 =	simm.s32 $0x13C40;
	[sflag:s0] =	ssyncadd.s32 $0xFFFFE000  }
0x114: {  	[tilespmem:s26], [sflag:$0x2] =	stream.indirect.gather [spmem:s2], $0x40, s11, s22, $0xb8;
	[tilespmem:$0x1FB40] =	vst v63  }
0x115: {  	s6 =	simm.s32 $0xC00;
	s25 =	simm.s32 $0x600;
	_ =	swait.ge [sflag:s3], $0x2000  }
0x116: {  	s7 =	simm.s32 $0x2;
	s9 =	simm.s32 $0x16BC0;
	[sflag:s3] =	ssyncset.done $0x0  }
.LBB2_7:
0x117: {  	s10 =	simm.s32 @!p6 $0x6  }
0x118: {  	[sflag:s3] =	ssyncadd.s32 $0xFFFFE000;
	s11 =	smov.u32 s6;
	s6 =	sadd.s32 $0x600, s6  }
0x119: {  	[spmem:s1] =	stream.indirect.scatter.add.f32 [tilespmem:s28], [sflag:$0x6], $0x40, s9, s22, $0xb8;
	[tilespmem:$0x1FB40] =	vst v63  }
0x11a: {  	p5 =	sne.s32 s6, $0x7200;
	_ =	swait.ge @!p6 [sflag:s10], $0x2000  }
0x11b: {  	s9 =	sshra.s32 s25, $0x2;
	s25 =	smov.u32 s11;
	[sflag:s10] =	ssyncset.done @!p6 $0x0  }
0x11c: {  	[sflag:s10] =	ssyncadd.s32 @!p6 $0xFFFFE000;
	s10 =	sadd.s32 $0x13B40, s9  }
0x11d: {  	[tilespmem:s28], [sflag:$0x3] =	stream.indirect.gather [spmem:s2], $0x40, s10, s22, $0xb8;
	[tilespmem:$0x1FB40] =	vst v63  }
0x11e: {  	_ =	swait.ge [sflag:s29], $0x2000  }
0x11f: {  	[sflag:s29] =	ssyncset.done $0x0  }
0x120: {  	s10 =	sadd.s32 $0x16AC0, s9;
	[sflag:s29] =	ssyncadd.s32 $0xFFFFE000  }
0x121: {  	[spmem:s1] =	stream.indirect.scatter.add.f32 [tilespmem:s24], [sflag:$0x4], $0x40, s10, s22, $0xb8;
	[tilespmem:$0x1FB40] =	vst v63  }
0x122: {  	_ =	swait.ge [sflag:s30], $0x2000  }
0x123: {  	[sflag:s30] =	ssyncset.done $0x0  }
0x124: {  	s10 =	sadd.s32 $0x13BC0, s9;
	[sflag:s30] =	ssyncadd.s32 $0xFFFFE000  }
0x125: {  	[tilespmem:s24], [sflag:$0x1] =	stream.indirect.gather [spmem:s2], $0x40, s10, s22, $0xb8;
	[tilespmem:$0x1FB40] =	vst v63  }
0x126: {  	_ =	swait.ge [sflag:s31], $0x2000  }
0x127: {  	[sflag:s31] =	ssyncset.done $0x0  }
0x128: {  	s10 =	sadd.s32 $0x16B40, s9;
	[sflag:s31] =	ssyncadd.s32 $0xFFFFE000  }
0x129: {  	[spmem:s1] =	stream.indirect.scatter.add.f32 [tilespmem:s26], [sflag:$0x5], $0x40, s10, s22, $0xb8;
	[tilespmem:$0x1FB40] =	vst v63  }
0x12a: {  	_ =	swait.ge [sflag:s0], $0x2000  }
.Ltmp5:
0x12b: {  	[sflag:s0] =	ssyncset.done $0x0;
	(pc) =	sbr.rel @p5 .LBB2_7-.Ltmp5, $4  }
0x12c: {  	s10 =	sadd.s32 $0x13C40, s9;
	[sflag:s0] =	ssyncadd.s32 $0xFFFFE000  }
0x12d: {  	[tilespmem:s26], [sflag:$0x2] =	stream.indirect.gather [spmem:s2], $0x40, s10, s22, $0xb8;
	[tilespmem:$0x1FB40] =	vst v63  }
0x12e: {  	s7 =	sadd.s32 $0x3, s7;
	_ =	swait.ge [sflag:s3], $0x2000  }
0x12f: {  	p6 =	sgt.u32 s7, $0x38;
	s9 =	sadd.s32 $0x16BC0, s9;
	[sflag:s3] =	ssyncset.done $0x0  }
.Ltmp6:
0x130: {  	_ = 	snop;
	(pc) =	sbr.rel .LBB2_8-.Ltmp6, $1  }
0x131: {  	_ =	sdelay $0x3  }
.LBB2_10:
0x132: {  	_ =	sfence.sel $0x180000  }
0x133: {  	[bflag:$0x0] =	sbarrier.arrive $0xFFFF  }
0x134: {  	_ =	strace $0x9000004A  }
0x135: {  	s0 =	stileid.u32;
	[bflag:$0x2] =	sbarrier.arrive $0xFFFF  }
0x136: {  	p0 =	sne.s32 s0, $0x0;
	s0 =	rddreg [dreg:$0x3]  }
0x137: {  	s0 =	sadd.s32 @!p0 $0x100000, s0  }
0x138: {  	[sflag:s0] =	ssyncadd.tile.s32 @!p0 $0x1;
	_ =	shalt  }
.Lfunc_end2:
_tile_overlayer_lowered:
.L_overlay_start_2:
0x139: {  	(tag) =	ssettag $0x2  }
0x13a: {  	s0 =	rddreg [dreg:$0x0];
	s2 =	stileid.u32  }
0x13b: {  	s1 =	rddreg [dreg:$0x1];
	p0 =	sne.s32 s2, $0x0  }
0x13c: {  	s3 =	rddreg [dreg:$0x2];
	[bflag:$0x3] =	sbarrier.arrive $0xFFFF;
	s2 =	simm.s32 @!p0 $0x1C07  }
0x13d: {  	[timem:s3], [sflag:s2] =	dma.local @!p0 [hbm:s0], s1  }
0x13e: {  	s0 =	simm.s32 @!p0 $0x7  }
0x13f: {  	_ =	swait.ge @!p0 [sflag:s0], s1  }
0x140: {  	s1 =	ssub.s32 @!p0 $0x0, s1;
	[sflag:s0] =	ssyncset.done @!p0 $0x0  }
0x141: {  	[sflag:s0] =	ssyncadd.s32 @!p0 s1  }
0x142: {  	[bflag:$0x3] =	sbarrier.arrive $0xFFFF  }
0x143: {  	_ =	shalt  }

// kernel: kernel.17.cloned.1.call-start
scs
__scs_entry_jumppad:
0x0: {  	(pc) =	sbr.rel $0x88, $3  }
0x1: {  	(tag) =	ssettag $0x0;
	lr =	simm.s32 $0x1  }
0x2: {  	[smem:$0x3F99] =	sst lr;
	_ =	strace $0xD0000000  }
0x3: {  	_ = 	snop  }
0x4: {  	_ = 	snop  }
0x5: {  	_ = 	snop  }
0x6: {  	_ = 	snop  }
0x7: {  	_ = 	snop  }
__scs_overlays_trampoline_lowered:
0x8: {  	[smem:$0x3FA8] =	sst s0  }
0x9: {  	[smem:$0x3FA9] =	sst s1  }
0xa: {  	[smem:$0x3FAA] =	sst s2  }
0xb: {  	[smem:$0x3FAB] =	sst s3  }
0xc: {  	[smem:$0x3FAC] =	sst s4  }
0xd: {  	[smem:$0x3FAD] =	sst s5  }
0xe: {  	[smem:$0x3FAE] =	sst s6  }
0xf: {  	[smem:$0x3FAF] =	sst s7  }
0x10: {  	[smem:$0x3FB0] =	sst s8  }
0x11: {  	[smem:$0x3FB1] =	sst s9;
	s0 =	simm.s32 @!p0 $0x0  }
0x12: {  	s1 =	sld [smem:$0x3F97];
	s0 =	simm.s32 @p0 $0x1  }
0x13: {  	[smem:$0x3FB2] =	sst s0;
	s0 =	simm.s32 @!p1 $0x0  }
0x14: {  	s2 =	sld [smem:$0x3F96];
	s0 =	simm.s32 @p1 $0x1  }
0x15: {  	[smem:$0x3FB3] =	sst s0;
	s0 =	simm.s32 @!p2 $0x0  }
0x16: {  	s3 =	sld [smem:$0x3FDB];
	s0 =	simm.s32 @p2 $0x1  }
0x17: {  	s4 =	simm.s32 $0x1BF5;
	[smem:$0x3FB5] =	sst s0  }
0x18: {  	s0 =	sld [smem:$0x3F98];
	_ =	swait.ge [sflag:s4], $0x0  }
0x19: {  	s7 =	sld [smem:$0x3F99]  }
0x1a: {  	s8 =	sadd.s32 $0xFFFFE003, lr  }
0x1b: {  	s9 =	sadd.s32 $0xFFFFFEF7, lr;
	s5 =	simm.s32 $0xFFFFFFFF;
	p2 =	slt.u32 s8, $0xFFFFF086  }
0x1c: {  	p1 =	slt.u32 s9, $0xF7A;
	s5 =	simm.s32 @!p2 $0x0  }
0x1d: {  	s5 =	simm.s32 @p1 $0x1;
	p0 =	seq.s32 s7, s2  }
0x1e: {  	s7 =	smul.u32 @!p0 $0xF7A, s2;
	p2 =	seq.s32 @!p0 s5, $0x0  }
0x1f: {  	s9 =	smul.u32 $0xF7A, s1;
	s8 =	simm.s32 @!p0 $0x1BF5;
	p2 =	por !p2, p0  }
0x20: {  	[sflag:s8] =	ssyncset.s32 @!p0 $0xFFFFF086;
	s6 =	sadd.s32 @!p0 s3, s7;
	s7 =	simm.s32 @!p0 $0x108  }
0x21: {  	s3 =	sadd.s32 s3, s9;
	s6 =	sadd.s32 @!p0 $0x88, s6;
	s7 =	simm.s32 @p2 $0x1082  }
0x22: {  	[simem:s7], [sflag:s8] =	dma.local @!p0 [hbm:s6], $0xF7A  }
0x23: {  	s9 =	sor.u32 $0xD0000000, s2;
	s6 =	simm.s32 $0x108;
	_ =	swait.ge @!p0 [sflag:s8], $0x0  }
0x24: {  	s3 =	sadd.s32 $0x88, s3;
	s6 =	simm.s32 @!p1 $0x1082;
	[sflag:s4] =	ssyncset.s32 $0xFFFFF086  }
0x25: {  	[simem:s6], [sflag:s4] =	dma.local [hbm:s3], $0xF7A  }
0x26: {  	[smem:$0x3F99] =	sst s1;
	(tag) =	ssettag s2;
	_ =	strace s9  }
0x27: {  	s1 =	sld [smem:$0x3FA9]  }
0x28: {  	s2 =	sld [smem:$0x3FAA]  }
0x29: {  	s4 =	sld [smem:$0x3FAC]  }
0x2a: {  	p0 =	seq.s32 s5, $0x0;
	s5 =	sld [smem:$0x3FAD]  }
0x2b: {  	s6 =	sld [smem:$0x3FAE]  }
0x2c: {  	s7 =	sld [smem:$0x3FAF]  }
0x2d: {  	s3 =	simm.s32 $0x108;
	s8 =	sld [smem:$0x3FB0]  }
0x2e: {  	s3 =	simm.s32 @!p0 $0x1082;
	s9 =	sld [smem:$0x3FB1]  }
0x2f: {  	lr =	sadd.s32 s0, s3;
	s0 =	sld [smem:$0x3FA8]  }
0x30: {  	s3 =	sld [smem:$0x3FAB]  }
0x31: {  	[smem:$0x3FB4] =	sst s10  }
0x32: {  	s10 =	sld [smem:$0x3FB2];
	_ =	sdelay $0x3  }
0x33: {  	p0 =	seq.s32 s10, $0x1;
	s10 =	sld [smem:$0x3FB4];
	_ =	sdelay $0x3  }
0x34: {  	[smem:$0x3FB4] =	sst s10  }
0x35: {  	s10 =	sld [smem:$0x3FB3];
	_ =	sdelay $0x3  }
0x36: {  	p1 =	seq.s32 s10, $0x1;
	s10 =	sld [smem:$0x3FB4];
	_ =	sdelay $0x3  }
0x37: {  	[smem:$0x3FB4] =	sst s10  }
0x38: {  	s10 =	sld [smem:$0x3FB5]  }
0x39: {  	_ = 	snop;
	(pc) =	sbr.ind lr, $3  }
0x3a: {  	_ = 	snop  }
0x3b: {  	_ = 	snop  }
0x3c: {  	p2 =	seq.s32 s10, $0x1;
	s10 =	sld [smem:$0x3FB4]  }
0x3d: {  	_ =	shalt  }
0x3e: {  	_ =	shalt  }
0x3f: {  	_ =	shalt  }
0x40: {  	_ =	shalt  }
0x41: {  	_ =	shalt  }
0x42: {  	_ =	shalt  }
0x43: {  	_ =	shalt  }
0x44: {  	_ =	shalt  }
0x45: {  	_ =	shalt  }
0x46: {  	_ =	shalt  }
0x47: {  	_ =	shalt  }
0x48: {  	_ =	shalt  }
0x49: {  	_ =	shalt  }
0x4a: {  	_ =	shalt  }
0x4b: {  	_ =	shalt  }
0x4c: {  	_ =	shalt  }
0x4d: {  	_ =	shalt  }
0x4e: {  	_ =	shalt  }
0x4f: {  	_ =	shalt  }
0x50: {  	_ =	shalt  }
0x51: {  	_ =	shalt  }
0x52: {  	_ =	shalt  }
0x53: {  	_ =	shalt  }
0x54: {  	_ =	shalt  }
0x55: {  	_ =	shalt  }
0x56: {  	_ =	shalt  }
0x57: {  	_ =	shalt  }
0x58: {  	_ =	shalt  }
0x59: {  	_ =	shalt  }
0x5a: {  	_ =	shalt  }
0x5b: {  	_ =	shalt  }
0x5c: {  	_ =	shalt  }
0x5d: {  	_ =	shalt  }
0x5e: {  	_ =	shalt  }
0x5f: {  	_ =	shalt  }
0x60: {  	_ =	shalt  }
0x61: {  	_ =	shalt  }
0x62: {  	_ =	shalt  }
0x63: {  	_ =	shalt  }
0x64: {  	_ =	shalt  }
0x65: {  	_ =	shalt  }
0x66: {  	_ =	shalt  }
0x67: {  	_ =	shalt  }
0x68: {  	_ =	shalt  }
0x69: {  	_ =	shalt  }
0x6a: {  	_ =	shalt  }
0x6b: {  	_ =	shalt  }
0x6c: {  	_ =	shalt  }
0x6d: {  	_ =	shalt  }
0x6e: {  	_ =	shalt  }
0x6f: {  	_ =	shalt  }
0x70: {  	_ =	shalt  }
0x71: {  	_ =	shalt  }
0x72: {  	_ =	shalt  }
0x73: {  	_ =	shalt  }
0x74: {  	_ =	shalt  }
0x75: {  	_ =	shalt  }
0x76: {  	_ =	shalt  }
0x77: {  	_ =	shalt  }
0x78: {  	_ =	shalt  }
0x79: {  	_ =	shalt  }
0x7a: {  	_ =	shalt  }
0x7b: {  	_ =	shalt  }
0x7c: {  	_ =	shalt  }
0x7d: {  	_ =	shalt  }
0x7e: {  	_ =	shalt  }
0x7f: {  	_ =	shalt  }
0x80: {  	_ =	shalt  }
0x81: {  	_ =	shalt  }
0x82: {  	_ =	shalt  }
0x83: {  	_ =	shalt  }
0x84: {  	_ =	shalt  }
0x85: {  	_ =	shalt  }
0x86: {  	_ =	shalt  }
0x87: {  	_ =	shalt  }
.Lfunc_end0:
.L_simem_size_0:
called_computation.2_lowered:
.L_overlay_start_0:
0x88: {  	s2 =	sld [smem:$0x3FD9]  }
0x89: {  	s3 =	sld [smem:$0x3FFE];
	_ =	sdelay $0x1  }
0x8a: {  	s1 =	srdreg.scid  }
0x8b: {  	s0 =	sand.u32 $0x1, s1  }
0x8c: {  	s16 =	sshll.u32 s0, $0xA;
	s2 =	sadd.s32 s3, s2  }
0x8d: {  	s2 =	sadd.s32 s2, s16  }
0x8e: {  	[smem:$0x3FC0] =	sst s2  }
0x8f: {  	_ = 	snop  }
0x90: {  	(tm) =	ssettm $0x1  }
0x91: {  	s17 =	sld [smem:$0x3FFB];
	_ =	sdelay $0x3  }
0x92: {  	_ =	strace s17  }
0x93: {  	s2 =	sld [smem:$0x3FFC];
	_ =	sdelay $0x3  }
0x94: {  	_ =	strace s2  }
0x95: {  	s2 =	sld [smem:$0x3FFD];
	_ =	sdelay $0x3  }
0x96: {  	_ =	strace s2  }
0x97: {  	_ =	strace $0x8FFFFFFF  }
0x98: {  	s18 =	sld [smem:$0x3FDB];
	_ =	sdelay $0x1  }
0x99: {  	s19 =	simm.s32 $_scs_section_size  }
0x9a: {  	s4 =	simm.s32 $_size__tile_overlayer_lowered;
	s5 =	simm.s32 $_tile_overlayer_lowered  }
0x9b: {  	s22 =	simm.s32 $0x1BFF;
	s21 =	sshll.u32 s5, $0x1;
	s2 =	sadd.s32 s19, s18  }
0x9c: {  	s6 =	simm.s32 $0x0;
	s20 =	sshll.u32 s4, $0x1;
	s4 =	sadd.s32 s21, s2  }
0x9d: {  	[timem:s6], [sflag:s22] =	dma.local [hbm:s4], s20  }
0x9e: {  	_ =	swait.ge [sflag:s22], s20  }
0x9f: {  	s3 =	ssub.s32 $0x0, s20;
	[sflag:s22] =	ssyncset.done $0x0  }
0xa0: {  	[sflag:s22] =	ssyncadd.s32 s3;
	_ =	sdelay $0x1  }
0xa1: {  	s23 =	simm.s32 $0x1B8B  }
0xa2: {  	_ =	swait.ge [sflag:s23], $0x1  }
0xa3: {  	[sflag:s23] =	ssyncset.done $0x0  }
0xa4: {  	s25 =	simm.s32 $0x1B8E;
	s24 =	sld [smem:$0x3FFE];
	[sflag:s23] =	ssyncadd.s32 $0xFFFFFFFF  }
0xa5: {  	s26 =	simm.s32 $execute0_lowered;
	[smem:$0x3FD2] =	sst s25  }
0xa6: {  	s4 =	sshll.u32 s26, $0x1;
	_ =	strace $0x8000004C;
	[dreg:$0x1] =	wrdreg $0xFFFFFFFF  }
0xa7: {  	s28 =	simm.s32 $_size_execute0_lowered;
	s2 =	sadd.s32 s2, s4;
	[dreg:$0x0] =	wrdreg $0x0  }
0xa8: {  	s4 =	sshll.u32 s28, $0x1;
	[dreg:$0x2] =	wrdreg s2  }
0xa9: {  	[dreg:$0x3] =	wrdreg s4  }
0xaa: {  	[dreg:$0x4] =	wrdreg $0xC0  }
0xab: {  	_ =	task [dreg:s6], $0x5FFFF  }
0xac: {  	[dreg:$0x1] =	wrdreg $0xFFFFFFFF  }
0xad: {  	[dreg:$0x0] =	wrdreg $0x60  }
0xae: {  	[dreg:$0x2] =	wrdreg s24  }
0xaf: {  	[dreg:$0x3] =	wrdreg $0x0  }
0xb0: {  	[dreg:$0x4] =	wrdreg $0x9E000  }
0xb1: {  	[dreg:$0x5] =	wrdreg $0x9  }
0xb2: {  	_ =	task.clear_ibuf [dreg:s6], $0x6FFFF;
	_ =	strace $0x9000004C  }
0xb3: {  	s29 =	simm.s32 $0x9;
	_ =	strace $0x8000004E  }
0xb4: {  	_ =	swait.ge [sflag:s29], $0x1  }
0xb5: {  	[sflag:s29] =	ssyncadd.s32 $0xFFFFFFFF  }
0xb6: {  	_ =	strace $0x9000004E  }
0xb7: {  	_ =	sfence  }
0xb8: {  	s30 =	sld [smem:$0x0];
	_ =	sdelay $0x2  }
0xb9: {  	s31 =	sshll.u32 s1, $0xD;
	s1 =	sshrl.u32 s1, $0x2  }
0xba: {  	s3 =	sand.u32 $0x4000, s31;
	s1 =	sadd.s32 s1, s30  }
0xbb: {  	s0 =	sor.u32 s3, s0;
	s1 =	sshll.u32 s1, $0x11  }
0xbc: {  	s0 =	sor.u32 s1, s0  }
0xbd: {  	s0 =	sadd.s32 $0x8F2B, s0  }
0xbe: {  	[sflag:s0] =	ssyncadd.remote.s32 $0x1  }
0xbf: {  	_ =	sfence.sel $0xFFFF  }
0xc0: {  	[dreg:$0x0] =	wrdreg $0xFFFFFFFF;
	(pc) =	sbr.abs _section_cstart, $3  }
0xc1: {  	[dreg:$0x1] =	wrdreg $0xFFFFFFFF  }
0xc2: {  	_ =	task.clear_ibuf [dreg:s6], $0x2FFFF;
	_ =	strace $0x9FFFFFFF  }
0xc3: {  	(tm) =	ssettm $0x7FFFFFFF  }
tec
execute0_lowered:
.L_overlay_start_1:
0x0: {  	(tag) =	ssettag $0x1  }
0x1: {  	s0 =	rddreg [dreg:$0x0]  }
0x2: {  	s1 =	rddreg [dreg:$0x1]  }
0x3: {  	s2 =	rddreg [dreg:$0x2];
	s18 =	stileid.u32  }
0x4: {  	s4 =	simm.s32 $0x0;
	s6 =	srdreg.scid;
	s3 =	smul.u32 $0x9E00, s18  }
0x5: {  	s28 =	simm.s32 $0x1DB40;
	s29 =	simm.s32 $0x1;
	s8 =	smul.u32 $0x13C00, s18  }
0x6: {  	s30 =	simm.s32 $0x4;
	s31 =	simm.s32 $0x2;
	s11 =	smul.u32 $0x60, s18  }
0x7: {  	[smem:$0x7FF] =	sst s4;
	s5 =	sadd.s32 $0x19000, s0;
	s25 =	smul.u32 $0x3C, s18  }
0x8: {  	s7 =	sadd.s32 $0x2E00, s0;
	s6 =	sand.u32 $0x1, s6;
	s14 =	smul.u32 $0x600, s18  }
0x9: {  	s16 =	smul.u32 $0x3000, s18;
	s20 =	sshll.u32 s18, $0x5;
	p1 =	sne.s32 s18, $0xF  }
0xa: {  	p2 =	seq.s32 s18, $0xF;
	p3 =	sgt.u32 s18, $0x1;
	_ =	strace $0x8000004D  }
0xb: {  	s10 =	sshll.u32 s6, $0x6;
	s13 =	ssub.s32 $0x2, s6;
	p0 =	seq.s32 s6, $0x0  }
0xc: {  	s21 =	sshll.u32 s6, $0x4;
	s9 =	sshrl.u32 s3, $0x3;
	s8 =	sor.u32 s10, s8  }
0xd: {  	s26 =	sshrl.u32 s13, $0x1;
	s14 =	sadd.s32 s7, s14;
	s19 =	sshrl.u32 s16, $0x3  }
0xe: {  	s22 =	sor.u32 s21, s20;
	s20 =	sadd.s32 $0x94200, s2;
	s12 =	sadd.s32 s9, s0  }
0xf: {  	s8 =	sshrl.u32 s8, $0x3;
	s17 =	ssub.s32 s13, s26;
	[dreg:$0x4] =	wrdreg s14  }
0x10: {  	s10 =	sadd.s32 s7, s19;
	s13 =	sadd.s32 $0x2B840, s0;
	s14 =	sadd.s32 s5, s9  }
0x11: {  	s26 =	sshll.u32 s18, $0x6;
	s19 =	simm.s32 $0x7;
	s15 =	sadd.s32 s8, s0  }
0x12: {  	s8 =	sadd.s32 $0x600, s25;
	s10 =	sadd.s32 $0x9C40, s10;
	s25 =	sadd.s32 s3, s1  }
0x13: {  	s12 =	sadd.s32 $0x2CA00, s12;
	s0 =	sadd.s32 s3, s2;
	s16 =	smax.u32 s17, $0x1  }
0x14: {  	s17 =	sor.u32 $0x1C07, s26;
	s26 =	simm.s32 $0x1BB40;
	s3 =	simm.s32 $0x3  }
0x15: {  	s8 =	smov.u32 @p0 s11;
	[dreg:$0x5] =	wrdreg s10;
	p0 =	seq.s32 s6, $0x1  }
0x16: {  	s15 =	sadd.s32 $0x40600, s15;
	s18 =	sshrl.u32 s25, $0x3;
	s8 =	sshll.u32 s8, $0x4  }
0x17: {  	p1 =	por !p1, !p0;
	p2 =	por !p2, !p0;
	s8 =	sadd.s32 s7, s8  }
0x18: {  	s7 =	sadd.s32 s22, s7;
	p1 =	por !p1, !p1;
	p4 =	por !p2, !p2  }
.Ltmp0:
0x19: {  	p2 =	sne.s32 s6, $0x0;
	s23 =	sadd.s32 $0x9C40, s8;
	(pc) =	sbr.rel .LBB2_1-.Ltmp0, $4  }
0x1a: {  	s22 =	simm.s32 $0x80;
	s24 =	sadd.s32 $0x9C00, s7;
	[dreg:$0x6] =	wrdreg s23  }
0x1b: {  	s7 =	sadd.s32 $0x13840, s7;
	p4 =	por !p4, p1;
	[dreg:$0x7] =	wrdreg s24  }
0x1c: {  	s21 =	sshrl.u32 @p1 s0, $0x3;
	s0 =	simm.s32 $0x5;
	[dreg:$0x8] =	wrdreg s7  }
0x1d: {  	s20 =	sshrl.u32 @!p4 s20, $0x3;
	s24 =	simm.s32 $0x19B40;
	s23 =	simm.s32 $0x6  }
.LBB2_8:
0x1e: {  	s6 =	simm.s32 @!p6 $0x6;
	[sflag:s3] =	ssyncadd.s32 $0xFFFFE000  }
0x1f: {  	[spmem:s1] =	stream.indirect.scatter.add.f32 [tilespmem:s28], [sflag:$0x6], $0x40, s9, s22, $0xb8;
	[tilespmem:$0x1FB40] =	vst v63  }
0x20: {  	_ =	swait.ge @!p6 [sflag:s6], $0x2000  }
0x21: {  	s7 =	sshra.s32 s25, $0x2;
	[sflag:s6] =	ssyncset.done @!p6 $0x0  }
0x22: {  	s25 =	sadd.s32 $0x13B40, s7;
	[sflag:s6] =	ssyncadd.s32 @!p6 $0xFFFFE000  }
0x23: {  	[tilespmem:s28], [sflag:$0x3] =	stream.indirect.gather [spmem:s2], $0x40, s25, s22, $0xb8;
	[tilespmem:$0x1FB40] =	vst v63  }
0x24: {  	_ =	swait.ge [sflag:s29], $0x2000  }
0x25: {  	[sflag:s29] =	ssyncset.done $0x0  }
0x26: {  	s9 =	sadd.s32 $0x16AC0, s7;
	[sflag:s29] =	ssyncadd.s32 $0xFFFFE000  }
0x27: {  	[spmem:s1] =	stream.indirect.scatter.add.f32 [tilespmem:s24], [sflag:$0x4], $0x40, s9, s22, $0xb8;
	[tilespmem:$0x1FB40] =	vst v63  }
0x28: {  	_ =	swait.ge [sflag:s30], $0x2000  }
0x29: {  	[sflag:s30] =	ssyncset.done $0x0  }
0x2a: {  	s10 =	sadd.s32 $0x13BC0, s7;
	[sflag:s30] =	ssyncadd.s32 $0xFFFFE000  }
0x2b: {  	[tilespmem:s24], [sflag:$0x1] =	stream.indirect.gather [spmem:s2], $0x40, s10, s22, $0xb8;
	[tilespmem:$0x1FB40] =	vst v63  }
0x2c: {  	_ =	swait.ge [sflag:s31], $0x2000  }
0x2d: {  	[sflag:s31] =	ssyncset.done $0x0  }
0x2e: {  	s11 =	sadd.s32 $0x16B40, s7;
	[sflag:s31] =	ssyncadd.s32 $0xFFFFE000  }
0x2f: {  	[spmem:s1] =	stream.indirect.scatter.add.f32 [tilespmem:s26], [sflag:$0x5], $0x40, s11, s22, $0xb8;
	[tilespmem:$0x1FB40] =	vst v63  }
0x30: {  	_ =	swait.ge [sflag:s0], $0x2000  }
0x31: {  	[sflag:s0] =	ssyncset.done $0x0  }
0x32: {  	s25 =	sadd.s32 $0x13C40, s7;
	[sflag:s0] =	ssyncadd.s32 $0xFFFFE000  }
0x33: {  	[tilespmem:s26], [sflag:$0x2] =	stream.indirect.gather [spmem:s2], $0x40, s25, s22, $0xb8;
	[tilespmem:$0x1FB40] =	vst v63  }
0x34: {  	_ =	swait.ge [sflag:s3], $0x2000  }
0x35: {  	[sflag:s3] =	ssyncset.done $0x0  }
0x36: {  	s7 =	sadd.s32 $0x16BC0, s7;
	[sflag:s3] =	ssyncadd.s32 $0xFFFFE000  }
0x37: {  	[spmem:s1] =	stream.indirect.scatter.add.f32 [tilespmem:s28], [sflag:$0x6], $0x40, s7, s22, $0xb8;
	[tilespmem:$0x1FB40] =	vst v63  }
0x38: {  	_ =	swait.ge [sflag:s23], $0x2000  }
0x39: {  	[sflag:s23] =	ssyncset.done $0x0  }
0x3a: {  	s9 =	simm.s32 $0x157C0;
	[sflag:s23] =	ssyncadd.s32 $0xFFFFE000  }
0x3b: {  	[tilespmem:s28], [sflag:$0x3] =	stream.indirect.gather [spmem:s2], $0x40, s9, s22, $0xb8;
	[tilespmem:$0x1FB40] =	vst v63  }
0x3c: {  	_ =	swait.ge [sflag:s29], $0x2000  }
0x3d: {  	[sflag:s29] =	ssyncset.done $0x0  }
0x3e: {  	s10 =	simm.s32 $0x18740;
	[sflag:s29] =	ssyncadd.s32 $0xFFFFE000  }
0x3f: {  	[spmem:s1] =	stream.indirect.scatter.add.f32 [tilespmem:s24], [sflag:$0x4], $0x40, s10, s22, $0xb8;
	[tilespmem:$0x1FB40] =	vst v63  }
0x40: {  	_ =	swait.ge [sflag:s31], $0x2000  }
0x41: {  	[sflag:s31] =	ssyncset.done $0x0  }
0x42: {  	s11 =	simm.s32 $0x187C0;
	[sflag:s31] =	ssyncadd.s32 $0xFFFFE000  }
0x43: {  	[spmem:s1] =	stream.indirect.scatter.add.f32 [tilespmem:s26], [sflag:$0x5], $0x40, s11, s22, $0xb8;
	[tilespmem:$0x1FB40] =	vst v63  }
0x44: {  	_ =	swait.ge [sflag:s3], $0x2000  }
0x45: {  	[sflag:s3] =	ssyncset.done $0x0  }
0x46: {  	s25 =	simm.s32 $0x18840;
	[sflag:s3] =	ssyncadd.s32 $0xFFFFE000  }
0x47: {  	[spmem:s1] =	stream.indirect.scatter.add.f32 [tilespmem:s28], [sflag:$0x6], $0x40, s25, s22, $0xb8;
	[tilespmem:$0x1FB40] =	vst v63  }
0x48: {  	_ =	swait.ge [sflag:s30], $0x2000  }
0x49: {  	[sflag:s30] =	ssyncset.done $0x0  }
0x4a: {  	[sflag:s30] =	ssyncadd.s32 $0xFFFFE000  }
0x4b: {  	_ =	swait.ge [sflag:s0], $0x2000  }
0x4c: {  	[sflag:s0] =	ssyncset.done $0x0  }
0x4d: {  	[sflag:s0] =	ssyncadd.s32 $0xFFFFE000  }
0x4e: {  	_ =	swait.ge [sflag:s23], $0x2000  }
0x4f: {  	s6 =	simm.s32 @!p3 $0x80;
	[sflag:s23] =	ssyncset.done $0x0  }
0x50: {  	s7 =	simm.s32 @!p3 $0x16A40;
	s9 =	simm.s32 @!p3 $0x19B40;
	[sflag:s23] =	ssyncadd.s32 $0xFFFFE000  }
0x51: {  	[tilespmem:s9], [sflag:$0x1] =	stream.indirect.gather @!p3 [spmem:s2], $0x40, s7, s6, $0xb8;
	[tilespmem:$0x1FB40] =	vst v63  }
0x52: {  	s7 =	simm.s32 @!p3 $0x1  }
0x53: {  	_ =	swait.ge @!p3 [sflag:s7], $0x2000  }
0x54: {  	[sflag:s7] =	ssyncset.done @!p3 $0x0  }
0x55: {  	[sflag:s7] =	ssyncadd.s32 @!p3 $0xFFFFE000;
	s7 =	simm.s32 @!p3 $0x19AC0  }
0x56: {  	[spmem:s1] =	stream.indirect.scatter.add.f32 @!p3 [tilespmem:s9], [sflag:$0x7], $0x40, s7, s6, $0xb8;
	[tilespmem:$0x1FB40] =	vst v63  }
0x57: {  	s6 =	simm.s32 @!p3 $0x7  }
0x58: {  	_ =	swait.ge @!p3 [sflag:s6], $0x2000  }
0x59: {  	[sflag:s6] =	ssyncset.done @!p3 $0x0  }
0x5a: {  	[sflag:s6] =	ssyncadd.s32 @!p3 $0xFFFFE000  }
.LBB2_9:
0x5b: {  	s4 =	sadd.s32 $0x1, s4  }
0x5c: {  	[bflag:$0x0] =	sbarrier.arrive $0xFFFF;
	p5 =	sne.s32 s4, s16  }
.Ltmp1:
0x5d: {  	s6 =	simm.s32 $0x10;
	s7 =	simm.s32 $0x8;
	(pc) =	sbr.rel @!p5 .LBB2_10-.Ltmp1, $4  }
0x5e: {  	[hbm:s15@s6], [sflag:s17] =	dma.strided [spmem:s18@s7], $0x13C0, s29, $0x8   }
0x5f: {  	_ =	swait.ge [sflag:s19], $0x13C0  }
0x60: {  	[sflag:s19] =	ssyncset.done $0x0  }
0x61: {  	[sflag:s19] =	ssyncadd.s32 $0xFFFFEC40  }
.LBB2_1:
0x62: {  	s6 =	simm.s32 @!p2 $0x0;
	s7 =	simm.s32 @!p2 $0x13A40;
	s9 =	rddreg [dreg:$0x4]  }
0x63: {  	[tilespmem:s7], [sflag:$0x7] =	stream.linear.gather @!p2 [hbm4b:s9+s6], $0x3000, $0x38;
	[tilespmem:$0x1FB40] =	vst v63  }
0x64: {  	s7 =	simm.s32 @!p2 $0x7  }
0x65: {  	_ =	swait.ge @!p2 [sflag:s7], $0x3000  }
0x66: {  	[sflag:s7] =	ssyncset.done @!p2 $0x0  }
0x67: {  	s9 =	simm.s32 @!p2 $0x16AC0;
	s10 =	rddreg [dreg:$0x5];
	[sflag:s7] =	ssyncadd.s32 @!p2 $0xFFFFD000  }
0x68: {  	[tilespmem:s9], [sflag:$0x7] =	stream.linear.gather @!p2 [hbm4b:s10+s6], $0x3000, $0x38;
	[tilespmem:$0x1FB40] =	vst v63  }
0x69: {  	_ =	swait.ge @!p2 [sflag:s7], $0x3000  }
0x6a: {  	[sflag:s7] =	ssyncset.done @!p2 $0x0  }
0x6b: {  	s6 =	simm.s32 @p0 $0x0;
	[sflag:s7] =	ssyncadd.s32 @!p2 $0xFFFFD000;
	s7 =	simm.s32 @p0 $0x13A40  }
0x6c: {  	[tilespmem:s7], [sflag:$0x7] =	stream.linear.gather @p0 [hbm4b:s8+s6], $0x1E00, $0x38;
	[tilespmem:$0x1FB40] =	vst v63  }
0x6d: {  	s7 =	simm.s32 @p0 $0x7  }
0x6e: {  	_ =	swait.ge @p0 [sflag:s7], $0x1E00  }
0x6f: {  	[sflag:s7] =	ssyncset.done @p0 $0x0  }
0x70: {  	s9 =	simm.s32 @p0 $0x16AC0;
	s10 =	rddreg [dreg:$0x6];
	[sflag:s7] =	ssyncadd.s32 @p0 $0xFFFFE200  }
0x71: {  	[tilespmem:s9], [sflag:$0x7] =	stream.linear.gather @p0 [hbm4b:s10+s6], $0x1E00, $0x38;
	[tilespmem:$0x1FB40] =	vst v63  }
0x72: {  	_ =	swait.ge @p0 [sflag:s7], $0x1E00  }
0x73: {  	s6 =	simm.s32 @!p3 $0x0;
	[sflag:s7] =	ssyncset.done @p0 $0x0  }
0x74: {  	s9 =	rddreg [dreg:$0x7];
	[sflag:s7] =	ssyncadd.s32 @p0 $0xFFFFE200;
	s7 =	simm.s32 @!p3 $0x16A40  }
0x75: {  	[tilespmem:s7], [sflag:$0x7] =	stream.linear.gather @!p3 [hbm4b:s9+s6], $0x80, $0x38;
	[tilespmem:$0x1FB40] =	vst v63  }
0x76: {  	s7 =	simm.s32 @!p3 $0x7  }
0x77: {  	_ =	swait.ge @!p3 [sflag:s7], $0x80  }
0x78: {  	[sflag:s7] =	ssyncset.done @!p3 $0x0  }
0x79: {  	s9 =	simm.s32 @!p3 $0x19AC0;
	s10 =	rddreg [dreg:$0x8];
	[sflag:s7] =	ssyncadd.s32 @!p3 $0xFFFFFF80  }
0x7a: {  	[tilespmem:s9], [sflag:$0x7] =	stream.linear.gather @!p3 [hbm4b:s10+s6], $0x80, $0x38;
	[tilespmem:$0x1FB40] =	vst v63  }
0x7b: {  	_ =	swait.ge @!p3 [sflag:s7], $0x80  }
0x7c: {  	[sflag:s7] =	ssyncset.done @!p3 $0x0  }
0x7d: {  	[sflag:s7] =	ssyncadd.s32 @!p3 $0xFFFFFF80  }
0x7e: {  	[spmem:s18], [sflag:s17] =	dma.local [hbm:s12], $0x13C0  }
0x7f: {  	_ =	swait.ge [sflag:s19], $0x13C0  }
0x80: {  	[sflag:s19] =	ssyncset.done $0x0  }
0x81: {  	s6 =	simm.s32 @!p4 $0x7;
	[sflag:s19] =	ssyncadd.s32 $0xFFFFEC40  }
0x82: {  	[spmem:s20], [sflag:s17] =	dma.local @!p4 [hbm:s13], $0x1040  }
0x83: {  	_ =	swait.ge @!p4 [sflag:s6], $0x1040  }
0x84: {  	[sflag:s6] =	ssyncset.done @!p4 $0x0  }
0x85: {  	[sflag:s6] =	ssyncadd.s32 @!p4 $0xFFFFEFC0;
	s6 =	simm.s32 @p1 $0x7  }
0x86: {  	[spmem:s21], [sflag:s17] =	dma.local @p1 [hbm:s14], $0x13C0  }
.Ltmp2:
0x87: {  	_ =	swait.ge @p1 [sflag:s6], $0x13C0;
	(pc) =	sbr.rel @p2 .LBB2_5-.Ltmp2, $3  }
0x88: {  	[sflag:s6] =	ssyncset.done @p1 $0x0  }
0x89: {  	[sflag:s6] =	ssyncadd.s32 @p1 $0xFFFFEC40  }
0x8a: {  	[bflag:$0x0] =	sbarrier.arrive $0xFFFF;
	_ =	sdelay $0x1  }
0x8b: {  	s6 =	simm.s32 $0x13A40;
	p5 =	por $0x1, $0x1  }
0x8c: {  	[tilespmem:s24], [sflag:$0x1] =	stream.indirect.gather [hbm4b:s5+s22], $0x40, s6, s22, $0xb8;
	[tilespmem:$0x1FB40] =	vst v63  }
0x8d: {  	s11 =	simm.s32 $0x13AC0;
	s6 =	simm.s32 @!p5 $0x6  }
0x8e: {  	[tilespmem:s26], [sflag:$0x2] =	stream.indirect.gather [hbm4b:s5+s22], $0x40, s11, s22, $0xb8;
	[tilespmem:$0x1FB40] =	vst v63  }
0x8f: {  	_ =	swait.ge @!p5 [sflag:s6], $0x2000  }
0x90: {  	[sflag:s6] =	ssyncset.done @!p5 $0x0  }
0x91: {  	s25 =	simm.s32 $0x13B40;
	[sflag:s6] =	ssyncadd.s32 @!p5 $0xFFFFE000  }
0x92: {  	[tilespmem:s28], [sflag:$0x3] =	stream.indirect.gather [hbm4b:s5+s22], $0x40, s25, s22, $0xb8;
	[tilespmem:$0x1FB40] =	vst v63  }
0x93: {  	_ =	swait.ge [sflag:s29], $0x2000  }
0x94: {  	[sflag:s29] =	ssyncset.done $0x0  }
0x95: {  	s7 =	simm.s32 $0x16AC0;
	[sflag:s29] =	ssyncadd.s32 $0xFFFFE000  }
0x96: {  	[spmem:s1] =	stream.indirect.scatter.add.f32 [tilespmem:s24], [sflag:$0x4], $0x40, s7, s22, $0xb8;
	[tilespmem:$0x1FB40] =	vst v63  }
0x97: {  	_ =	swait.ge [sflag:s30], $0x2000  }
0x98: {  	[sflag:s30] =	ssyncset.done $0x0  }
0x99: {  	s9 =	simm.s32 $0x13BC0;
	[sflag:s30] =	ssyncadd.s32 $0xFFFFE000  }
0x9a: {  	[tilespmem:s24], [sflag:$0x1] =	stream.indirect.gather [hbm4b:s5+s22], $0x40, s9, s22, $0xb8;
	[tilespmem:$0x1FB40] =	vst v63  }
0x9b: {  	_ =	swait.ge [sflag:s31], $0x2000  }
0x9c: {  	[sflag:s31] =	ssyncset.done $0x0  }
0x9d: {  	s10 =	simm.s32 $0x16B40;
	[sflag:s31] =	ssyncadd.s32 $0xFFFFE000  }
0x9e: {  	[spmem:s1] =	stream.indirect.scatter.add.f32 [tilespmem:s26], [sflag:$0x5], $0x40, s10, s22, $0xb8;
	[tilespmem:$0x1FB40] =	vst v63  }
0x9f: {  	_ =	swait.ge [sflag:s0], $0x2000  }
0xa0: {  	[sflag:s0] =	ssyncset.done $0x0  }
0xa1: {  	p6 =	por $0x0, $0x0;
	s11 =	simm.s32 $0x13C40;
	[sflag:s0] =	ssyncadd.s32 $0xFFFFE000  }
0xa2: {  	[tilespmem:s26], [sflag:$0x2] =	stream.indirect.gather [hbm4b:s5+s22], $0x40, s11, s22, $0xb8;
	[tilespmem:$0x1FB40] =	vst v63  }
0xa3: {  	s6 =	simm.s32 $0xC00;
	s25 =	simm.s32 $0x600;
	_ =	swait.ge [sflag:s3], $0x2000  }
0xa4: {  	s7 =	simm.s32 $0x2;
	s9 =	simm.s32 $0x16BC0;
	[sflag:s3] =	ssyncset.done $0x0  }
.LBB2_3:
0xa5: {  	s10 =	simm.s32 @!p6 $0x6  }
0xa6: {  	[sflag:s3] =	ssyncadd.s32 $0xFFFFE000;
	s11 =	smov.u32 s6;
	s6 =	sadd.s32 $0x600, s6  }
0xa7: {  	[spmem:s1] =	stream.indirect.scatter.add.f32 [tilespmem:s28], [sflag:$0x6], $0x40, s9, s22, $0xb8;
	[tilespmem:$0x1FB40] =	vst v63  }
0xa8: {  	p5 =	sne.s32 s6, $0xBA00;
	_ =	swait.ge @!p6 [sflag:s10], $0x2000  }
0xa9: {  	s9 =	sshra.s32 s25, $0x2;
	s25 =	smov.u32 s11;
	[sflag:s10] =	ssyncset.done @!p6 $0x0  }
0xaa: {  	[sflag:s10] =	ssyncadd.s32 @!p6 $0xFFFFE000;
	s10 =	sadd.s32 $0x13B40, s9  }
0xab: {  	[tilespmem:s28], [sflag:$0x3] =	stream.indirect.gather [hbm4b:s5+s22], $0x40, s10, s22, $0xb8;
	[tilespmem:$0x1FB40] =	vst v63  }
0xac: {  	_ =	swait.ge [sflag:s29], $0x2000  }
0xad: {  	[sflag:s29] =	ssyncset.done $0x0  }
0xae: {  	s10 =	sadd.s32 $0x16AC0, s9;
	[sflag:s29] =	ssyncadd.s32 $0xFFFFE000  }
0xaf: {  	[spmem:s1] =	stream.indirect.scatter.add.f32 [tilespmem:s24], [sflag:$0x4], $0x40, s10, s22, $0xb8;
	[tilespmem:$0x1FB40] =	vst v63  }
0xb0: {  	_ =	swait.ge [sflag:s30], $0x2000  }
0xb1: {  	[sflag:s30] =	ssyncset.done $0x0  }
0xb2: {  	s10 =	sadd.s32 $0x13BC0, s9;
	[sflag:s30] =	ssyncadd.s32 $0xFFFFE000  }
0xb3: {  	[tilespmem:s24], [sflag:$0x1] =	stream.indirect.gather [hbm4b:s5+s22], $0x40, s10, s22, $0xb8;
	[tilespmem:$0x1FB40] =	vst v63  }
0xb4: {  	_ =	swait.ge [sflag:s31], $0x2000  }
0xb5: {  	[sflag:s31] =	ssyncset.done $0x0  }
0xb6: {  	s10 =	sadd.s32 $0x16B40, s9;
	[sflag:s31] =	ssyncadd.s32 $0xFFFFE000  }
0xb7: {  	[spmem:s1] =	stream.indirect.scatter.add.f32 [tilespmem:s26], [sflag:$0x5], $0x40, s10, s22, $0xb8;
	[tilespmem:$0x1FB40] =	vst v63  }
0xb8: {  	_ =	swait.ge [sflag:s0], $0x2000  }
.Ltmp3:
0xb9: {  	[sflag:s0] =	ssyncset.done $0x0;
	(pc) =	sbr.rel @p5 .LBB2_3-.Ltmp3, $4  }
0xba: {  	s10 =	sadd.s32 $0x13C40, s9;
	[sflag:s0] =	ssyncadd.s32 $0xFFFFE000  }
0xbb: {  	[tilespmem:s26], [sflag:$0x2] =	stream.indirect.gather [hbm4b:s5+s22], $0x40, s10, s22, $0xb8;
	[tilespmem:$0x1FB40] =	vst v63  }
0xbc: {  	s7 =	sadd.s32 $0x3, s7;
	_ =	swait.ge [sflag:s3], $0x2000  }
0xbd: {  	p6 =	sgt.u32 s7, $0x5C;
	s9 =	sadd.s32 $0x16BC0, s9;
	[sflag:s3] =	ssyncset.done $0x0  }
0xbe: {  	s6 =	simm.s32 @!p6 $0x6;
	[sflag:s3] =	ssyncadd.s32 $0xFFFFE000  }
0xbf: {  	[spmem:s1] =	stream.indirect.scatter.add.f32 [tilespmem:s28], [sflag:$0x6], $0x40, s9, s22, $0xb8;
	[tilespmem:$0x1FB40] =	vst v63  }
0xc0: {  	_ =	swait.ge @!p6 [sflag:s6], $0x2000  }
0xc1: {  	s7 =	sshra.s32 s25, $0x2;
	[sflag:s6] =	ssyncset.done @!p6 $0x0  }
0xc2: {  	s25 =	sadd.s32 $0x13B40, s7;
	[sflag:s6] =	ssyncadd.s32 @!p6 $0xFFFFE000  }
0xc3: {  	[tilespmem:s28], [sflag:$0x3] =	stream.indirect.gather [hbm4b:s5+s22], $0x40, s25, s22, $0xb8;
	[tilespmem:$0x1FB40] =	vst v63  }
0xc4: {  	_ =	swait.ge [sflag:s29], $0x2000  }
0xc5: {  	[sflag:s29] =	ssyncset.done $0x0  }
0xc6: {  	s9 =	sadd.s32 $0x16AC0, s7;
	[sflag:s29] =	ssyncadd.s32 $0xFFFFE000  }
0xc7: {  	[spmem:s1] =	stream.indirect.scatter.add.f32 [tilespmem:s24], [sflag:$0x4], $0x40, s9, s22, $0xb8;
	[tilespmem:$0x1FB40] =	vst v63  }
0xc8: {  	_ =	swait.ge [sflag:s30], $0x2000  }
0xc9: {  	[sflag:s30] =	ssyncset.done $0x0  }
0xca: {  	s10 =	sadd.s32 $0x13BC0, s7;
	[sflag:s30] =	ssyncadd.s32 $0xFFFFE000  }
0xcb: {  	[tilespmem:s24], [sflag:$0x1] =	stream.indirect.gather [hbm4b:s5+s22], $0x40, s10, s22, $0xb8;
	[tilespmem:$0x1FB40] =	vst v63  }
0xcc: {  	_ =	swait.ge [sflag:s31], $0x2000  }
0xcd: {  	[sflag:s31] =	ssyncset.done $0x0  }
0xce: {  	s11 =	sadd.s32 $0x16B40, s7;
	[sflag:s31] =	ssyncadd.s32 $0xFFFFE000  }
0xcf: {  	[spmem:s1] =	stream.indirect.scatter.add.f32 [tilespmem:s26], [sflag:$0x5], $0x40, s11, s22, $0xb8;
	[tilespmem:$0x1FB40] =	vst v63  }
0xd0: {  	_ =	swait.ge [sflag:s0], $0x2000  }
0xd1: {  	[sflag:s0] =	ssyncset.done $0x0  }
0xd2: {  	s25 =	sadd.s32 $0x13C40, s7;
	[sflag:s0] =	ssyncadd.s32 $0xFFFFE000  }
0xd3: {  	[tilespmem:s26], [sflag:$0x2] =	stream.indirect.gather [hbm4b:s5+s22], $0x40, s25, s22, $0xb8;
	[tilespmem:$0x1FB40] =	vst v63  }
0xd4: {  	_ =	swait.ge [sflag:s3], $0x2000  }
0xd5: {  	[sflag:s3] =	ssyncset.done $0x0  }
0xd6: {  	s7 =	sadd.s32 $0x16BC0, s7;
	[sflag:s3] =	ssyncadd.s32 $0xFFFFE000  }
0xd7: {  	[spmem:s1] =	stream.indirect.scatter.add.f32 [tilespmem:s28], [sflag:$0x6], $0x40, s7, s22, $0xb8;
	[tilespmem:$0x1FB40] =	vst v63  }
0xd8: {  	_ =	swait.ge [sflag:s23], $0x2000  }
0xd9: {  	[sflag:s23] =	ssyncset.done $0x0  }
0xda: {  	s9 =	simm.s32 $0x169C0;
	[sflag:s23] =	ssyncadd.s32 $0xFFFFE000  }
0xdb: {  	[tilespmem:s28], [sflag:$0x3] =	stream.indirect.gather [hbm4b:s5+s22], $0x40, s9, s22, $0xb8;
	[tilespmem:$0x1FB40] =	vst v63  }
0xdc: {  	_ =	swait.ge [sflag:s29], $0x2000  }
0xdd: {  	[sflag:s29] =	ssyncset.done $0x0  }
0xde: {  	s10 =	simm.s32 $0x19940;
	[sflag:s29] =	ssyncadd.s32 $0xFFFFE000  }
0xdf: {  	[spmem:s1] =	stream.indirect.scatter.add.f32 [tilespmem:s24], [sflag:$0x4], $0x40, s10, s22, $0xb8;
	[tilespmem:$0x1FB40] =	vst v63  }
0xe0: {  	_ =	swait.ge [sflag:s31], $0x2000  }
0xe1: {  	[sflag:s31] =	ssyncset.done $0x0  }
0xe2: {  	s11 =	simm.s32 $0x199C0;
	[sflag:s31] =	ssyncadd.s32 $0xFFFFE000  }
0xe3: {  	[spmem:s1] =	stream.indirect.scatter.add.f32 [tilespmem:s26], [sflag:$0x5], $0x40, s11, s22, $0xb8;
	[tilespmem:$0x1FB40] =	vst v63  }
0xe4: {  	_ =	swait.ge [sflag:s3], $0x2000  }
0xe5: {  	[sflag:s3] =	ssyncset.done $0x0  }
0xe6: {  	s25 =	simm.s32 $0x19A40;
	[sflag:s3] =	ssyncadd.s32 $0xFFFFE000  }
0xe7: {  	[spmem:s1] =	stream.indirect.scatter.add.f32 [tilespmem:s28], [sflag:$0x6], $0x40, s25, s22, $0xb8;
	[tilespmem:$0x1FB40] =	vst v63  }
0xe8: {  	_ =	swait.ge [sflag:s30], $0x2000  }
0xe9: {  	[sflag:s30] =	ssyncset.done $0x0  }
0xea: {  	[sflag:s30] =	ssyncadd.s32 $0xFFFFE000  }
0xeb: {  	_ =	swait.ge [sflag:s0], $0x2000  }
0xec: {  	[sflag:s0] =	ssyncset.done $0x0  }
0xed: {  	[sflag:s0] =	ssyncadd.s32 $0xFFFFE000  }
0xee: {  	_ =	swait.ge [sflag:s23], $0x2000  }
0xef: {  	s6 =	simm.s32 @!p3 $0x80;
	[sflag:s23] =	ssyncset.done $0x0  }
0xf0: {  	s7 =	simm.s32 @!p3 $0x16A40;
	s9 =	simm.s32 @!p3 $0x19B40;
	[sflag:s23] =	ssyncadd.s32 $0xFFFFE000  }
0xf1: {  	[tilespmem:s9], [sflag:$0x1] =	stream.indirect.gather @!p3 [hbm4b:s5+s6], $0x40, s7, s6, $0xb8;
	[tilespmem:$0x1FB40] =	vst v63  }
0xf2: {  	s7 =	simm.s32 @!p3 $0x1  }
0xf3: {  	_ =	swait.ge @!p3 [sflag:s7], $0x2000  }
0xf4: {  	[sflag:s7] =	ssyncset.done @!p3 $0x0  }
0xf5: {  	[sflag:s7] =	ssyncadd.s32 @!p3 $0xFFFFE000;
	s7 =	simm.s32 @!p3 $0x19AC0  }
0xf6: {  	[spmem:s1] =	stream.indirect.scatter.add.f32 @!p3 [tilespmem:s9], [sflag:$0x7], $0x40, s7, s6, $0xb8;
	[tilespmem:$0x1FB40] =	vst v63  }
0xf7: {  	s6 =	simm.s32 @!p3 $0x7  }
0xf8: {  	_ =	swait.ge @!p3 [sflag:s6], $0x2000  }
0xf9: {  	[sflag:s6] =	ssyncset.done @!p3 $0x0  }
0xfa: {  	[sflag:s6] =	ssyncadd.s32 @!p3 $0xFFFFE000  }
.LBB2_5:
.Ltmp4:
0xfb: {  	(pc) =	sbr.rel @!p0 .LBB2_9-.Ltmp4, $1  }
0xfc: {  	_ =	sdelay $0x3  }
0xfd: {  	s6 =	simm.s32 $0x13A40;
	p5 =	por $0x1, $0x1  }
0xfe: {  	[tilespmem:s24], [sflag:$0x1] =	stream.indirect.gather [spmem:s2], $0x40, s6, s22, $0xb8;
	[tilespmem:$0x1FB40] =	vst v63  }
0xff: {  	s11 =	simm.s32 $0x13AC0;
	s6 =	simm.s32 @!p5 $0x6  }
0x100: {  	[tilespmem:s26], [sflag:$0x2] =	stream.indirect.gather [spmem:s2], $0x40, s11, s22, $0xb8;
	[tilespmem:$0x1FB40] =	vst v63  }
0x101: {  	_ =	swait.ge @!p5 [sflag:s6], $0x2000  }
0x102: {  	[sflag:s6] =	ssyncset.done @!p5 $0x0  }
0x103: {  	s25 =	simm.s32 $0x13B40;
	[sflag:s6] =	ssyncadd.s32 @!p5 $0xFFFFE000  }
0x104: {  	[tilespmem:s28], [sflag:$0x3] =	stream.indirect.gather [spmem:s2], $0x40, s25, s22, $0xb8;
	[tilespmem:$0x1FB40] =	vst v63  }
0x105: {  	_ =	swait.ge [sflag:s29], $0x2000  }
0x106: {  	[sflag:s29] =	ssyncset.done $0x0  }
0x107: {  	s7 =	simm.s32 $0x16AC0;
	[sflag:s29] =	ssyncadd.s32 $0xFFFFE000  }
0x108: {  	[spmem:s1] =	stream.indirect.scatter.add.f32 [tilespmem:s24], [sflag:$0x4], $0x40, s7, s22, $0xb8;
	[tilespmem:$0x1FB40] =	vst v63  }
0x109: {  	_ =	swait.ge [sflag:s30], $0x2000  }
0x10a: {  	[sflag:s30] =	ssyncset.done $0x0  }
0x10b: {  	s9 =	simm.s32 $0x13BC0;
	[sflag:s30] =	ssyncadd.s32 $0xFFFFE000  }
0x10c: {  	[tilespmem:s24], [sflag:$0x1] =	stream.indirect.gather [spmem:s2], $0x40, s9, s22, $0xb8;
	[tilespmem:$0x1FB40] =	vst v63  }
0x10d: {  	_ =	swait.ge [sflag:s31], $0x2000  }
0x10e: {  	[sflag:s31] =	ssyncset.done $0x0  }
0x10f: {  	s10 =	simm.s32 $0x16B40;
	[sflag:s31] =	ssyncadd.s32 $0xFFFFE000  }
0x110: {  	[spmem:s1] =	stream.indirect.scatter.add.f32 [tilespmem:s26], [sflag:$0x5], $0x40, s10, s22, $0xb8;
	[tilespmem:$0x1FB40] =	vst v63  }
0x111: {  	_ =	swait.ge [sflag:s0], $0x2000  }
0x112: {  	[sflag:s0] =	ssyncset.done $0x0  }
0x113: {  	p6 =	por $0x0, $0x0;
	s11 =	simm.s32 $0x13C40;
	[sflag:s0] =	ssyncadd.s32 $0xFFFFE000  }
0x114: {  	[tilespmem:s26], [sflag:$0x2] =	stream.indirect.gather [spmem:s2], $0x40, s11, s22, $0xb8;
	[tilespmem:$0x1FB40] =	vst v63  }
0x115: {  	s6 =	simm.s32 $0xC00;
	s25 =	simm.s32 $0x600;
	_ =	swait.ge [sflag:s3], $0x2000  }
0x116: {  	s7 =	simm.s32 $0x2;
	s9 =	simm.s32 $0x16BC0;
	[sflag:s3] =	ssyncset.done $0x0  }
.LBB2_7:
0x117: {  	s10 =	simm.s32 @!p6 $0x6  }
0x118: {  	[sflag:s3] =	ssyncadd.s32 $0xFFFFE000;
	s11 =	smov.u32 s6;
	s6 =	sadd.s32 $0x600, s6  }
0x119: {  	[spmem:s1] =	stream.indirect.scatter.add.f32 [tilespmem:s28], [sflag:$0x6], $0x40, s9, s22, $0xb8;
	[tilespmem:$0x1FB40] =	vst v63  }
0x11a: {  	p5 =	sne.s32 s6, $0x7200;
	_ =	swait.ge @!p6 [sflag:s10], $0x2000  }
0x11b: {  	s9 =	sshra.s32 s25, $0x2;
	s25 =	smov.u32 s11;
	[sflag:s10] =	ssyncset.done @!p6 $0x0  }
0x11c: {  	[sflag:s10] =	ssyncadd.s32 @!p6 $0xFFFFE000;
	s10 =	sadd.s32 $0x13B40, s9  }
0x11d: {  	[tilespmem:s28], [sflag:$0x3] =	stream.indirect.gather [spmem:s2], $0x40, s10, s22, $0xb8;
	[tilespmem:$0x1FB40] =	vst v63  }
0x11e: {  	_ =	swait.ge [sflag:s29], $0x2000  }
0x11f: {  	[sflag:s29] =	ssyncset.done $0x0  }
0x120: {  	s10 =	sadd.s32 $0x16AC0, s9;
	[sflag:s29] =	ssyncadd.s32 $0xFFFFE000  }
0x121: {  	[spmem:s1] =	stream.indirect.scatter.add.f32 [tilespmem:s24], [sflag:$0x4], $0x40, s10, s22, $0xb8;
	[tilespmem:$0x1FB40] =	vst v63  }
0x122: {  	_ =	swait.ge [sflag:s30], $0x2000  }
0x123: {  	[sflag:s30] =	ssyncset.done $0x0  }
0x124: {  	s10 =	sadd.s32 $0x13BC0, s9;
	[sflag:s30] =	ssyncadd.s32 $0xFFFFE000  }
0x125: {  	[tilespmem:s24], [sflag:$0x1] =	stream.indirect.gather [spmem:s2], $0x40, s10, s22, $0xb8;
	[tilespmem:$0x1FB40] =	vst v63  }
0x126: {  	_ =	swait.ge [sflag:s31], $0x2000  }
0x127: {  	[sflag:s31] =	ssyncset.done $0x0  }
0x128: {  	s10 =	sadd.s32 $0x16B40, s9;
	[sflag:s31] =	ssyncadd.s32 $0xFFFFE000  }
0x129: {  	[spmem:s1] =	stream.indirect.scatter.add.f32 [tilespmem:s26], [sflag:$0x5], $0x40, s10, s22, $0xb8;
	[tilespmem:$0x1FB40] =	vst v63  }
0x12a: {  	_ =	swait.ge [sflag:s0], $0x2000  }
.Ltmp5:
0x12b: {  	[sflag:s0] =	ssyncset.done $0x0;
	(pc) =	sbr.rel @p5 .LBB2_7-.Ltmp5, $4  }
0x12c: {  	s10 =	sadd.s32 $0x13C40, s9;
	[sflag:s0] =	ssyncadd.s32 $0xFFFFE000  }
0x12d: {  	[tilespmem:s26], [sflag:$0x2] =	stream.indirect.gather [spmem:s2], $0x40, s10, s22, $0xb8;
	[tilespmem:$0x1FB40] =	vst v63  }
0x12e: {  	s7 =	sadd.s32 $0x3, s7;
	_ =	swait.ge [sflag:s3], $0x2000  }
0x12f: {  	p6 =	sgt.u32 s7, $0x38;
	s9 =	sadd.s32 $0x16BC0, s9;
	[sflag:s3] =	ssyncset.done $0x0  }
.Ltmp6:
0x130: {  	_ = 	snop;
	(pc) =	sbr.rel .LBB2_8-.Ltmp6, $1  }
0x131: {  	_ =	sdelay $0x3  }
.LBB2_10:
0x132: {  	_ =	sfence.sel $0x180000  }
0x133: {  	[bflag:$0x0] =	sbarrier.arrive $0xFFFF  }
0x134: {  	_ =	strace $0x9000004D  }
0x135: {  	s0 =	stileid.u32;
	[bflag:$0x2] =	sbarrier.arrive $0xFFFF  }
0x136: {  	p0 =	sne.s32 s0, $0x0;
	s0 =	rddreg [dreg:$0x3]  }
0x137: {  	s0 =	sadd.s32 @!p0 $0x100000, s0  }
0x138: {  	[sflag:s0] =	ssyncadd.tile.s32 @!p0 $0x1;
	_ =	shalt  }
.Lfunc_end2:
_tile_overlayer_lowered:
.L_overlay_start_2:
0x139: {  	(tag) =	ssettag $0x2  }
0x13a: {  	s0 =	rddreg [dreg:$0x0];
	s2 =	stileid.u32  }
0x13b: {  	s1 =	rddreg [dreg:$0x1];
	p0 =	sne.s32 s2, $0x0  }
0x13c: {  	s3 =	rddreg [dreg:$0x2];
	[bflag:$0x3] =	sbarrier.arrive $0xFFFF;
	s2 =	simm.s32 @!p0 $0x1C07  }
0x13d: {  	[timem:s3], [sflag:s2] =	dma.local @!p0 [hbm:s0], s1  }
0x13e: {  	s0 =	simm.s32 @!p0 $0x7  }
0x13f: {  	_ =	swait.ge @!p0 [sflag:s0], s1  }
0x140: {  	s1 =	ssub.s32 @!p0 $0x0, s1;
	[sflag:s0] =	ssyncset.done @!p0 $0x0  }
0x141: {  	[sflag:s0] =	ssyncadd.s32 @!p0 s1  }
0x142: {  	[bflag:$0x3] =	sbarrier.arrive $0xFFFF  }
0x143: {  	_ =	shalt  }

// kernel: kernel.20.cloned.1.call-start
scs
__scs_entry_jumppad:
0x0: {  	(pc) =	sbr.rel $0x88, $3  }
0x1: {  	(tag) =	ssettag $0x0;
	lr =	simm.s32 $0x1  }
0x2: {  	[smem:$0x3F99] =	sst lr;
	_ =	strace $0xD0000000  }
0x3: {  	_ = 	snop  }
0x4: {  	_ = 	snop  }
0x5: {  	_ = 	snop  }
0x6: {  	_ = 	snop  }
0x7: {  	_ = 	snop  }
__scs_overlays_trampoline_lowered:
0x8: {  	[smem:$0x3FA8] =	sst s0  }
0x9: {  	[smem:$0x3FA9] =	sst s1  }
0xa: {  	[smem:$0x3FAA] =	sst s2  }
0xb: {  	[smem:$0x3FAB] =	sst s3  }
0xc: {  	[smem:$0x3FAC] =	sst s4  }
0xd: {  	[smem:$0x3FAD] =	sst s5  }
0xe: {  	[smem:$0x3FAE] =	sst s6  }
0xf: {  	[smem:$0x3FAF] =	sst s7  }
0x10: {  	[smem:$0x3FB0] =	sst s8  }
0x11: {  	[smem:$0x3FB1] =	sst s9;
	s0 =	simm.s32 @!p0 $0x0  }
0x12: {  	s1 =	sld [smem:$0x3F97];
	s0 =	simm.s32 @p0 $0x1  }
0x13: {  	[smem:$0x3FB2] =	sst s0;
	s0 =	simm.s32 @!p1 $0x0  }
0x14: {  	s2 =	sld [smem:$0x3F96];
	s0 =	simm.s32 @p1 $0x1  }
0x15: {  	[smem:$0x3FB3] =	sst s0;
	s0 =	simm.s32 @!p2 $0x0  }
0x16: {  	s3 =	sld [smem:$0x3FDB];
	s0 =	simm.s32 @p2 $0x1  }
0x17: {  	s4 =	simm.s32 $0x1BF5;
	[smem:$0x3FB5] =	sst s0  }
0x18: {  	s0 =	sld [smem:$0x3F98];
	_ =	swait.ge [sflag:s4], $0x0  }
0x19: {  	s7 =	sld [smem:$0x3F99]  }
0x1a: {  	s8 =	sadd.s32 $0xFFFFE003, lr  }
0x1b: {  	s9 =	sadd.s32 $0xFFFFFEF7, lr;
	s5 =	simm.s32 $0xFFFFFFFF;
	p2 =	slt.u32 s8, $0xFFFFF086  }
0x1c: {  	p1 =	slt.u32 s9, $0xF7A;
	s5 =	simm.s32 @!p2 $0x0  }
0x1d: {  	s5 =	simm.s32 @p1 $0x1;
	p0 =	seq.s32 s7, s2  }
0x1e: {  	s7 =	smul.u32 @!p0 $0xF7A, s2;
	p2 =	seq.s32 @!p0 s5, $0x0  }
0x1f: {  	s9 =	smul.u32 $0xF7A, s1;
	s8 =	simm.s32 @!p0 $0x1BF5;
	p2 =	por !p2, p0  }
0x20: {  	[sflag:s8] =	ssyncset.s32 @!p0 $0xFFFFF086;
	s6 =	sadd.s32 @!p0 s3, s7;
	s7 =	simm.s32 @!p0 $0x108  }
0x21: {  	s3 =	sadd.s32 s3, s9;
	s6 =	sadd.s32 @!p0 $0x88, s6;
	s7 =	simm.s32 @p2 $0x1082  }
0x22: {  	[simem:s7], [sflag:s8] =	dma.local @!p0 [hbm:s6], $0xF7A  }
0x23: {  	s9 =	sor.u32 $0xD0000000, s2;
	s6 =	simm.s32 $0x108;
	_ =	swait.ge @!p0 [sflag:s8], $0x0  }
0x24: {  	s3 =	sadd.s32 $0x88, s3;
	s6 =	simm.s32 @!p1 $0x1082;
	[sflag:s4] =	ssyncset.s32 $0xFFFFF086  }
0x25: {  	[simem:s6], [sflag:s4] =	dma.local [hbm:s3], $0xF7A  }
0x26: {  	[smem:$0x3F99] =	sst s1;
	(tag) =	ssettag s2;
	_ =	strace s9  }
0x27: {  	s1 =	sld [smem:$0x3FA9]  }
0x28: {  	s2 =	sld [smem:$0x3FAA]  }
0x29: {  	s4 =	sld [smem:$0x3FAC]  }
0x2a: {  	p0 =	seq.s32 s5, $0x0;
	s5 =	sld [smem:$0x3FAD]  }
0x2b: {  	s6 =	sld [smem:$0x3FAE]  }
0x2c: {  	s7 =	sld [smem:$0x3FAF]  }
0x2d: {  	s3 =	simm.s32 $0x108;
	s8 =	sld [smem:$0x3FB0]  }
0x2e: {  	s3 =	simm.s32 @!p0 $0x1082;
	s9 =	sld [smem:$0x3FB1]  }
0x2f: {  	lr =	sadd.s32 s0, s3;
	s0 =	sld [smem:$0x3FA8]  }
0x30: {  	s3 =	sld [smem:$0x3FAB]  }
0x31: {  	[smem:$0x3FB4] =	sst s10  }
0x32: {  	s10 =	sld [smem:$0x3FB2];
	_ =	sdelay $0x3  }
0x33: {  	p0 =	seq.s32 s10, $0x1;
	s10 =	sld [smem:$0x3FB4];
	_ =	sdelay $0x3  }
0x34: {  	[smem:$0x3FB4] =	sst s10  }
0x35: {  	s10 =	sld [smem:$0x3FB3];
	_ =	sdelay $0x3  }
0x36: {  	p1 =	seq.s32 s10, $0x1;
	s10 =	sld [smem:$0x3FB4];
	_ =	sdelay $0x3  }
0x37: {  	[smem:$0x3FB4] =	sst s10  }
0x38: {  	s10 =	sld [smem:$0x3FB5]  }
0x39: {  	_ = 	snop;
	(pc) =	sbr.ind lr, $3  }
0x3a: {  	_ = 	snop  }
0x3b: {  	_ = 	snop  }
0x3c: {  	p2 =	seq.s32 s10, $0x1;
	s10 =	sld [smem:$0x3FB4]  }
0x3d: {  	_ =	shalt  }
0x3e: {  	_ =	shalt  }
0x3f: {  	_ =	shalt  }
0x40: {  	_ =	shalt  }
0x41: {  	_ =	shalt  }
0x42: {  	_ =	shalt  }
0x43: {  	_ =	shalt  }
0x44: {  	_ =	shalt  }
0x45: {  	_ =	shalt  }
0x46: {  	_ =	shalt  }
0x47: {  	_ =	shalt  }
0x48: {  	_ =	shalt  }
0x49: {  	_ =	shalt  }
0x4a: {  	_ =	shalt  }
0x4b: {  	_ =	shalt  }
0x4c: {  	_ =	shalt  }
0x4d: {  	_ =	shalt  }
0x4e: {  	_ =	shalt  }
0x4f: {  	_ =	shalt  }
0x50: {  	_ =	shalt  }
0x51: {  	_ =	shalt  }
0x52: {  	_ =	shalt  }
0x53: {  	_ =	shalt  }
0x54: {  	_ =	shalt  }
0x55: {  	_ =	shalt  }
0x56: {  	_ =	shalt  }
0x57: {  	_ =	shalt  }
0x58: {  	_ =	shalt  }
0x59: {  	_ =	shalt  }
0x5a: {  	_ =	shalt  }
0x5b: {  	_ =	shalt  }
0x5c: {  	_ =	shalt  }
0x5d: {  	_ =	shalt  }
0x5e: {  	_ =	shalt  }
0x5f: {  	_ =	shalt  }
0x60: {  	_ =	shalt  }
0x61: {  	_ =	shalt  }
0x62: {  	_ =	shalt  }
0x63: {  	_ =	shalt  }
0x64: {  	_ =	shalt  }
0x65: {  	_ =	shalt  }
0x66: {  	_ =	shalt  }
0x67: {  	_ =	shalt  }
0x68: {  	_ =	shalt  }
0x69: {  	_ =	shalt  }
0x6a: {  	_ =	shalt  }
0x6b: {  	_ =	shalt  }
0x6c: {  	_ =	shalt  }
0x6d: {  	_ =	shalt  }
0x6e: {  	_ =	shalt  }
0x6f: {  	_ =	shalt  }
0x70: {  	_ =	shalt  }
0x71: {  	_ =	shalt  }
0x72: {  	_ =	shalt  }
0x73: {  	_ =	shalt  }
0x74: {  	_ =	shalt  }
0x75: {  	_ =	shalt  }
0x76: {  	_ =	shalt  }
0x77: {  	_ =	shalt  }
0x78: {  	_ =	shalt  }
0x79: {  	_ =	shalt  }
0x7a: {  	_ =	shalt  }
0x7b: {  	_ =	shalt  }
0x7c: {  	_ =	shalt  }
0x7d: {  	_ =	shalt  }
0x7e: {  	_ =	shalt  }
0x7f: {  	_ =	shalt  }
0x80: {  	_ =	shalt  }
0x81: {  	_ =	shalt  }
0x82: {  	_ =	shalt  }
0x83: {  	_ =	shalt  }
0x84: {  	_ =	shalt  }
0x85: {  	_ =	shalt  }
0x86: {  	_ =	shalt  }
0x87: {  	_ =	shalt  }
.Lfunc_end0:
.L_simem_size_0:
called_computation.3_lowered:
.L_overlay_start_0:
0x88: {  	s2 =	sld [smem:$0x3FD9]  }
0x89: {  	s3 =	sld [smem:$0x3FFE];
	_ =	sdelay $0x1  }
0x8a: {  	s1 =	srdreg.scid  }
0x8b: {  	s0 =	sand.u32 $0x1, s1  }
0x8c: {  	s16 =	sshll.u32 s0, $0xA;
	s2 =	sadd.s32 s3, s2  }
0x8d: {  	s2 =	sadd.s32 s2, s16  }
0x8e: {  	[smem:$0x3FC0] =	sst s2  }
0x8f: {  	_ = 	snop  }
0x90: {  	(tm) =	ssettm $0x1  }
0x91: {  	s17 =	sld [smem:$0x3FFB];
	_ =	sdelay $0x3  }
0x92: {  	_ =	strace s17  }
0x93: {  	s2 =	sld [smem:$0x3FFC];
	_ =	sdelay $0x3  }
0x94: {  	_ =	strace s2  }
0x95: {  	s2 =	sld [smem:$0x3FFD];
	_ =	sdelay $0x3  }
0x96: {  	_ =	strace s2  }
0x97: {  	_ =	strace $0x8FFFFFFF  }
0x98: {  	s18 =	sld [smem:$0x3FDB];
	_ =	sdelay $0x1  }
0x99: {  	s19 =	simm.s32 $_scs_section_size  }
0x9a: {  	s4 =	simm.s32 $_size__tile_overlayer_lowered;
	s5 =	simm.s32 $_tile_overlayer_lowered  }
0x9b: {  	s22 =	simm.s32 $0x1BFF;
	s21 =	sshll.u32 s5, $0x1;
	s2 =	sadd.s32 s19, s18  }
0x9c: {  	s6 =	simm.s32 $0x0;
	s20 =	sshll.u32 s4, $0x1;
	s4 =	sadd.s32 s21, s2  }
0x9d: {  	[timem:s6], [sflag:s22] =	dma.local [hbm:s4], s20  }
0x9e: {  	_ =	swait.ge [sflag:s22], s20  }
0x9f: {  	s3 =	ssub.s32 $0x0, s20;
	[sflag:s22] =	ssyncset.done $0x0  }
0xa0: {  	[sflag:s22] =	ssyncadd.s32 s3;
	_ =	sdelay $0x1  }
0xa1: {  	s23 =	simm.s32 $0x1B8B  }
0xa2: {  	_ =	swait.ge [sflag:s23], $0x1  }
0xa3: {  	[sflag:s23] =	ssyncset.done $0x0  }
0xa4: {  	s25 =	simm.s32 $0x1B8E;
	s24 =	sld [smem:$0x3FFE];
	[sflag:s23] =	ssyncadd.s32 $0xFFFFFFFF  }
0xa5: {  	s26 =	simm.s32 $execute0_lowered;
	[smem:$0x3FD2] =	sst s25  }
0xa6: {  	s4 =	sshll.u32 s26, $0x1;
	_ =	strace $0x8000004F;
	[dreg:$0x1] =	wrdreg $0xFFFFFFFF  }
0xa7: {  	s28 =	simm.s32 $_size_execute0_lowered;
	s2 =	sadd.s32 s2, s4;
	[dreg:$0x0] =	wrdreg $0x0  }
0xa8: {  	s4 =	sshll.u32 s28, $0x1;
	[dreg:$0x2] =	wrdreg s2  }
0xa9: {  	[dreg:$0x3] =	wrdreg s4  }
0xaa: {  	[dreg:$0x4] =	wrdreg $0xC0  }
0xab: {  	_ =	task [dreg:s6], $0x5FFFF  }
0xac: {  	[dreg:$0x1] =	wrdreg $0xFFFFFFFF  }
0xad: {  	[dreg:$0x0] =	wrdreg $0x60  }
0xae: {  	[dreg:$0x2] =	wrdreg s24  }
0xaf: {  	[dreg:$0x3] =	wrdreg $0x0  }
0xb0: {  	[dreg:$0x4] =	wrdreg $0x13C00  }
0xb1: {  	[dreg:$0x5] =	wrdreg $0x9  }
0xb2: {  	_ =	task.clear_ibuf [dreg:s6], $0x6FFFF;
	_ =	strace $0x9000004F  }
0xb3: {  	s29 =	simm.s32 $0x9;
	_ =	strace $0x80000051  }
0xb4: {  	_ =	swait.ge [sflag:s29], $0x1  }
0xb5: {  	[sflag:s29] =	ssyncadd.s32 $0xFFFFFFFF  }
0xb6: {  	_ =	strace $0x90000051  }
0xb7: {  	_ =	sfence  }
0xb8: {  	s30 =	sld [smem:$0x0];
	_ =	sdelay $0x2  }
0xb9: {  	s31 =	sshll.u32 s1, $0xD;
	s1 =	sshrl.u32 s1, $0x2  }
0xba: {  	s3 =	sand.u32 $0x4000, s31;
	s1 =	sadd.s32 s1, s30  }
0xbb: {  	s0 =	sor.u32 s3, s0;
	s1 =	sshll.u32 s1, $0x11  }
0xbc: {  	s0 =	sor.u32 s1, s0  }
0xbd: {  	s0 =	sadd.s32 $0x8F2B, s0  }
0xbe: {  	[sflag:s0] =	ssyncadd.remote.s32 $0x1  }
0xbf: {  	_ =	sfence.sel $0xFFFF  }
0xc0: {  	[dreg:$0x0] =	wrdreg $0xFFFFFFFF;
	(pc) =	sbr.abs _section_cstart, $3  }
0xc1: {  	[dreg:$0x1] =	wrdreg $0xFFFFFFFF  }
0xc2: {  	_ =	task.clear_ibuf [dreg:s6], $0x2FFFF;
	_ =	strace $0x9FFFFFFF  }
0xc3: {  	(tm) =	ssettm $0x7FFFFFFF  }
tec
execute0_lowered:
.L_overlay_start_1:
0x0: {  	(tag) =	ssettag $0x1  }
0x1: {  	s0 =	rddreg [dreg:$0x0]  }
0x2: {  	s1 =	rddreg [dreg:$0x1]  }
0x3: {  	s2 =	rddreg [dreg:$0x2];
	s3 =	stileid.u32;
	s4 =	simm.s32 $0x0  }
0x4: {  	s18 =	srdreg.scid;
	s28 =	simm.s32 $0x2;
	s29 =	simm.s32 $0x5  }
0x5: {  	s30 =	simm.s32 $0x3;
	s31 =	simm.s32 $0x6;
	s5 =	smul.u32 $0x13C0, s3  }
0x6: {  	[smem:$0x7FF] =	sst s4;
	s4 =	sand.u32 $0x1, s18;
	s12 =	smul.u32 $0x4E0, s3  }
0x7: {  	s13 =	sadd.s32 $0x2E00, s0;
	s19 =	smul.u32 $0x2700, s3;
	s20 =	sadd.s32 $0xCA40, s0  }
0x8: {  	s17 =	smul.u32 $0x2780, s3;
	s10 =	sadd.s32 $0x1B508, s0;
	p1 =	seq.s32 s3, $0xF  }
0x9: {  	s26 =	sshll.u32 s3, $0x6;
	_ =	strace $0x80000050;
	s7 =	ssub.s32 $0x2, s4  }
0xa: {  	s11 =	sadd.s32 s4, s0;
	p0 =	seq.s32 s4, $0x0;
	s9 =	sshll.u32 s4, $0x5  }
0xb: {  	s6 =	sshrl.u32 s5, $0x3;
	s8 =	sshrl.u32 s7, $0x1;
	s15 =	sadd.s32 $0x4E00, s12  }
0xc: {  	s9 =	sadd.s32 s9, s13;
	s23 =	sadd.s32 s5, s1;
	s5 =	sadd.s32 s5, s2  }
0xd: {  	s25 =	sadd.s32 s17, s11;
	s17 =	sor.u32 $0x1C07, s26;
	s26 =	simm.s32 $0x4  }
0xe: {  	s6 =	sadd.s32 s6, s0;
	s14 =	ssub.s32 s7, s8;
	s4 =	sadd.s32 s15, s20  }
0xf: {  	s7 =	sshrl.u32 s19, $0x3;
	s21 =	sadd.s32 $0x9C00, s9;
	s22 =	sadd.s32 $0x13840, s9  }
0x10: {  	[dreg:$0x6] =	wrdreg s23;
	s15 =	smov.u32 @p0 s12;
	s11 =	sadd.s32 $0x1B800, s25  }
0x11: {  	s19 =	sshrl.u32 @!p1 s5, $0x3;
	s23 =	simm.s32 $0x7F48;
	[dreg:$0x4] =	wrdreg s21  }
0x12: {  	s25 =	simm.s32 $0x1;
	s16 =	sadd.s32 s7, s20;
	[dreg:$0x5] =	wrdreg s22  }
0x13: {  	s24 =	sadd.s32 $0x16800, s6;
	s9 =	sadd.s32 $0x19000, s6;
	s6 =	sadd.s32 $0x12840, s2  }
0x14: {  	s12 =	smax.u32 s14, $0x1;
	s13 =	sadd.s32 s13, s15;
	s14 =	simm.s32 $0x2748  }
0x15: {  	s15 =	simm.s32 $0x7;
	s20 =	simm.s32 $0x100;
	s21 =	simm.s32 $0x7748  }
0x16: {  	s22 =	simm.s32 $0x0;
	[dreg:$0x7] =	wrdreg s24;
	s4 =	smov.u32 @p0 s16  }
0x17: {  	p0 =	sne.s32 s3, $0x0;
	s18 =	sshrl.u32 @p1 s6, $0x3;
	s24 =	simm.s32 $0x8748  }
.LBB2_1:
0x18: {  	s0 =	simm.s32 $0x0  }
0x19: {  	[tilespmem:s14], [sflag:$0x7] =	stream.linear.gather [hbm4b:s13+s0], $0x2700, $0x38;
	[tilespmem:$0x8F48] =	vst v63  }
0x1a: {  	_ =	swait.ge [sflag:s15], $0x2700  }
0x1b: {  	[sflag:s15] =	ssyncset.done $0x0  }
0x1c: {  	s3 =	simm.s32 $0x4F48;
	[sflag:s15] =	ssyncadd.s32 $0xFFFFD900  }
0x1d: {  	[tilespmem:s3], [sflag:$0x7] =	stream.linear.gather [hbm4b:s4+s0], $0x2700, $0x38;
	[tilespmem:$0x8F48] =	vst v63  }
0x1e: {  	_ =	swait.ge [sflag:s15], $0x2700  }
0x1f: {  	s0 =	simm.s32 @!p0 $0x0;
	[sflag:s15] =	ssyncset.done $0x0  }
0x20: {  	s3 =	simm.s32 @!p0 $0x4E48;
	s5 =	rddreg [dreg:$0x4];
	[sflag:s15] =	ssyncadd.s32 $0xFFFFD900  }
0x21: {  	[tilespmem:s3], [sflag:$0x7] =	stream.linear.gather @!p0 [hbm4b:s5+s0], $0x100, $0x38;
	[tilespmem:$0x8F48] =	vst v63  }
0x22: {  	s3 =	simm.s32 @!p0 $0x7  }
0x23: {  	_ =	swait.ge @!p0 [sflag:s3], $0x100  }
0x24: {  	[sflag:s3] =	ssyncset.done @!p0 $0x0  }
0x25: {  	s5 =	simm.s32 @!p0 $0x7648;
	s6 =	rddreg [dreg:$0x5];
	[sflag:s3] =	ssyncadd.s32 @!p0 $0xFFFFFF00  }
0x26: {  	[tilespmem:s5], [sflag:$0x7] =	stream.linear.gather @!p0 [hbm4b:s6+s0], $0x100, $0x38;
	[tilespmem:$0x8F48] =	vst v63  }
0x27: {  	_ =	swait.ge @!p0 [sflag:s3], $0x100  }
0x28: {  	[sflag:s3] =	ssyncset.done @!p0 $0x0;
	s6 =	rddreg [dreg:$0x6]  }
0x29: {  	s7 =	rddreg [dreg:$0x7];
	[sflag:s3] =	ssyncadd.s32 @!p0 $0xFFFFFF00;
	s0 =	sshrl.u32 s6, $0x3  }
0x2a: {  	[spmem:s0], [sflag:s17] =	dma.local [hbm:s7], $0x278  }
0x2b: {  	_ =	swait.ge [sflag:s15], $0x278  }
0x2c: {  	[sflag:s15] =	ssyncset.done $0x0  }
0x2d: {  	s3 =	simm.s32 @p1 $0x7;
	[sflag:s15] =	ssyncadd.s32 $0xFFFFFD88  }
0x2e: {  	[spmem:s18], [sflag:s17] =	dma.local @p1 [hbm:s10], $0x208  }
0x2f: {  	_ =	swait.ge @p1 [sflag:s3], $0x208  }
0x30: {  	[sflag:s3] =	ssyncset.done @p1 $0x0  }
0x31: {  	[sflag:s3] =	ssyncadd.s32 @p1 $0xFFFFFDF8;
	s3 =	simm.s32 @!p1 $0x7  }
0x32: {  	[spmem:s19], [sflag:s17] =	dma.local @!p1 [hbm:s9], $0x278  }
0x33: {  	_ =	swait.ge @!p1 [sflag:s3], $0x278  }
0x34: {  	[sflag:s3] =	ssyncset.done @!p1 $0x0  }
0x35: {  	[sflag:s3] =	ssyncadd.s32 @!p1 $0xFFFFFD88  }
0x36: {  	p2 =	por $0x1, $0x1;
	[bflag:$0x0] =	sbarrier.arrive $0xFFFF  }
0x37: {  	[tilespmem:s21], [sflag:$0x1] =	stream.indirect.gather [spmem:s2], $0x8, s14, s20, $0xb8;
	[tilespmem:$0x8F48] =	vst v63  }
0x38: {  	s8 =	simm.s32 $0x2848;
	s3 =	simm.s32 @!p2 $0x6  }
0x39: {  	[tilespmem:s23], [sflag:$0x2] =	stream.indirect.gather [spmem:s2], $0x8, s8, s20, $0xb8;
	[tilespmem:$0x8F48] =	vst v63  }
0x3a: {  	_ =	swait.ge @!p2 [sflag:s3], $0x800  }
0x3b: {  	[sflag:s3] =	ssyncset.done @!p2 $0x0  }
0x3c: {  	s16 =	simm.s32 $0x2948;
	[sflag:s3] =	ssyncadd.s32 @!p2 $0xFFFFF800  }
0x3d: {  	[tilespmem:s24], [sflag:$0x3] =	stream.indirect.gather [spmem:s2], $0x8, s16, s20, $0xb8;
	[tilespmem:$0x8F48] =	vst v63  }
0x3e: {  	_ =	swait.ge [sflag:s25], $0x800  }
0x3f: {  	[sflag:s25] =	ssyncset.done $0x0  }
0x40: {  	s5 =	simm.s32 $0x4F48;
	[sflag:s25] =	ssyncadd.s32 $0xFFFFF800  }
0x41: {  	[spmem:s1] =	stream.indirect.scatter.add.f32 [tilespmem:s21], [sflag:$0x4], $0x8, s5, s20, $0xb8;
	[tilespmem:$0x8F48] =	vst v63  }
0x42: {  	_ =	swait.ge [sflag:s26], $0x800  }
0x43: {  	[sflag:s26] =	ssyncset.done $0x0  }
0x44: {  	s6 =	simm.s32 $0x2A48;
	[sflag:s26] =	ssyncadd.s32 $0xFFFFF800  }
0x45: {  	[tilespmem:s21], [sflag:$0x1] =	stream.indirect.gather [spmem:s2], $0x8, s6, s20, $0xb8;
	[tilespmem:$0x8F48] =	vst v63  }
0x46: {  	_ =	swait.ge [sflag:s28], $0x800  }
0x47: {  	[sflag:s28] =	ssyncset.done $0x0  }
0x48: {  	s7 =	simm.s32 $0x5048;
	[sflag:s28] =	ssyncadd.s32 $0xFFFFF800  }
0x49: {  	[spmem:s1] =	stream.indirect.scatter.add.f32 [tilespmem:s23], [sflag:$0x5], $0x8, s7, s20, $0xb8;
	[tilespmem:$0x8F48] =	vst v63  }
0x4a: {  	_ =	swait.ge [sflag:s29], $0x800  }
0x4b: {  	[sflag:s29] =	ssyncset.done $0x0  }
0x4c: {  	p3 =	por $0x0, $0x0;
	s8 =	simm.s32 $0x2B48;
	[sflag:s29] =	ssyncadd.s32 $0xFFFFF800  }
0x4d: {  	[tilespmem:s23], [sflag:$0x2] =	stream.indirect.gather [spmem:s2], $0x8, s8, s20, $0xb8;
	[tilespmem:$0x8F48] =	vst v63  }
0x4e: {  	s3 =	simm.s32 $0x1800;
	s16 =	simm.s32 $0xC00;
	_ =	swait.ge [sflag:s30], $0x800  }
0x4f: {  	s5 =	simm.s32 $0x2;
	s6 =	simm.s32 $0x5148;
	[sflag:s30] =	ssyncset.done $0x0  }
.LBB2_2:
0x50: {  	s7 =	simm.s32 @!p3 $0x6  }
0x51: {  	[sflag:s30] =	ssyncadd.s32 $0xFFFFF800;
	s8 =	smov.u32 s3;
	s3 =	sadd.s32 $0xC00, s3  }
0x52: {  	[spmem:s1] =	stream.indirect.scatter.add.f32 [tilespmem:s24], [sflag:$0x6], $0x8, s6, s20, $0xb8;
	[tilespmem:$0x8F48] =	vst v63  }
0x53: {  	p2 =	sne.s32 s3, $0x9000;
	_ =	swait.ge @!p3 [sflag:s7], $0x800  }
0x54: {  	s6 =	sshra.s32 s16, $0x2;
	s16 =	smov.u32 s8;
	[sflag:s7] =	ssyncset.done @!p3 $0x0  }
0x55: {  	[sflag:s7] =	ssyncadd.s32 @!p3 $0xFFFFF800;
	s7 =	sadd.s32 $0x2948, s6  }
0x56: {  	[tilespmem:s24], [sflag:$0x3] =	stream.indirect.gather [spmem:s2], $0x8, s7, s20, $0xb8;
	[tilespmem:$0x8F48] =	vst v63  }
0x57: {  	_ =	swait.ge [sflag:s25], $0x800  }
0x58: {  	[sflag:s25] =	ssyncset.done $0x0  }
0x59: {  	s7 =	sadd.s32 $0x4F48, s6;
	[sflag:s25] =	ssyncadd.s32 $0xFFFFF800  }
0x5a: {  	[spmem:s1] =	stream.indirect.scatter.add.f32 [tilespmem:s21], [sflag:$0x4], $0x8, s7, s20, $0xb8;
	[tilespmem:$0x8F48] =	vst v63  }
0x5b: {  	_ =	swait.ge [sflag:s26], $0x800  }
0x5c: {  	[sflag:s26] =	ssyncset.done $0x0  }
0x5d: {  	s7 =	sadd.s32 $0x2A48, s6;
	[sflag:s26] =	ssyncadd.s32 $0xFFFFF800  }
0x5e: {  	[tilespmem:s21], [sflag:$0x1] =	stream.indirect.gather [spmem:s2], $0x8, s7, s20, $0xb8;
	[tilespmem:$0x8F48] =	vst v63  }
0x5f: {  	_ =	swait.ge [sflag:s28], $0x800  }
0x60: {  	[sflag:s28] =	ssyncset.done $0x0  }
0x61: {  	s7 =	sadd.s32 $0x5048, s6;
	[sflag:s28] =	ssyncadd.s32 $0xFFFFF800  }
0x62: {  	[spmem:s1] =	stream.indirect.scatter.add.f32 [tilespmem:s23], [sflag:$0x5], $0x8, s7, s20, $0xb8;
	[tilespmem:$0x8F48] =	vst v63  }
0x63: {  	_ =	swait.ge [sflag:s29], $0x800  }
.Ltmp0:
0x64: {  	[sflag:s29] =	ssyncset.done $0x0;
	(pc) =	sbr.rel @p2 .LBB2_2-.Ltmp0, $4  }
0x65: {  	s7 =	sadd.s32 $0x2B48, s6;
	[sflag:s29] =	ssyncadd.s32 $0xFFFFF800  }
0x66: {  	[tilespmem:s23], [sflag:$0x2] =	stream.indirect.gather [spmem:s2], $0x8, s7, s20, $0xb8;
	[tilespmem:$0x8F48] =	vst v63  }
0x67: {  	s5 =	sadd.s32 $0x3, s5;
	_ =	swait.ge [sflag:s30], $0x800  }
0x68: {  	p3 =	sgt.u32 s5, $0x23;
	s6 =	sadd.s32 $0x5148, s6;
	[sflag:s30] =	ssyncset.done $0x0  }
0x69: {  	s3 =	simm.s32 @!p3 $0x6;
	[sflag:s30] =	ssyncadd.s32 $0xFFFFF800  }
0x6a: {  	[spmem:s1] =	stream.indirect.scatter.add.f32 [tilespmem:s24], [sflag:$0x6], $0x8, s6, s20, $0xb8;
	[tilespmem:$0x8F48] =	vst v63  }
0x6b: {  	_ =	swait.ge @!p3 [sflag:s3], $0x800  }
0x6c: {  	s5 =	sshra.s32 s16, $0x2;
	[sflag:s3] =	ssyncset.done @!p3 $0x0  }
0x6d: {  	s8 =	sadd.s32 $0x2948, s5;
	[sflag:s3] =	ssyncadd.s32 @!p3 $0xFFFFF800  }
0x6e: {  	[tilespmem:s24], [sflag:$0x3] =	stream.indirect.gather [spmem:s2], $0x8, s8, s20, $0xb8;
	[tilespmem:$0x8F48] =	vst v63  }
0x6f: {  	_ =	swait.ge [sflag:s25], $0x800  }
0x70: {  	[sflag:s25] =	ssyncset.done $0x0  }
0x71: {  	s16 =	sadd.s32 $0x4F48, s5;
	[sflag:s25] =	ssyncadd.s32 $0xFFFFF800  }
0x72: {  	[spmem:s1] =	stream.indirect.scatter.add.f32 [tilespmem:s21], [sflag:$0x4], $0x8, s16, s20, $0xb8;
	[tilespmem:$0x8F48] =	vst v63  }
0x73: {  	_ =	swait.ge [sflag:s26], $0x800  }
0x74: {  	[sflag:s26] =	ssyncset.done $0x0  }
0x75: {  	s6 =	sadd.s32 $0x2A48, s5;
	[sflag:s26] =	ssyncadd.s32 $0xFFFFF800  }
0x76: {  	[tilespmem:s21], [sflag:$0x1] =	stream.indirect.gather [spmem:s2], $0x8, s6, s20, $0xb8;
	[tilespmem:$0x8F48] =	vst v63  }
0x77: {  	_ =	swait.ge [sflag:s28], $0x800  }
0x78: {  	[sflag:s28] =	ssyncset.done $0x0  }
0x79: {  	s7 =	sadd.s32 $0x5048, s5;
	[sflag:s28] =	ssyncadd.s32 $0xFFFFF800  }
0x7a: {  	[spmem:s1] =	stream.indirect.scatter.add.f32 [tilespmem:s23], [sflag:$0x5], $0x8, s7, s20, $0xb8;
	[tilespmem:$0x8F48] =	vst v63  }
0x7b: {  	_ =	swait.ge [sflag:s29], $0x800  }
0x7c: {  	[sflag:s29] =	ssyncset.done $0x0  }
0x7d: {  	s8 =	sadd.s32 $0x2B48, s5;
	[sflag:s29] =	ssyncadd.s32 $0xFFFFF800  }
0x7e: {  	[tilespmem:s23], [sflag:$0x2] =	stream.indirect.gather [spmem:s2], $0x8, s8, s20, $0xb8;
	[tilespmem:$0x8F48] =	vst v63  }
0x7f: {  	_ =	swait.ge [sflag:s30], $0x800  }
0x80: {  	[sflag:s30] =	ssyncset.done $0x0  }
0x81: {  	s16 =	sadd.s32 $0x5148, s5;
	[sflag:s30] =	ssyncadd.s32 $0xFFFFF800  }
0x82: {  	[spmem:s1] =	stream.indirect.scatter.add.f32 [tilespmem:s24], [sflag:$0x6], $0x8, s16, s20, $0xb8;
	[tilespmem:$0x8F48] =	vst v63  }
0x83: {  	_ =	swait.ge [sflag:s31], $0x800  }
0x84: {  	[sflag:s31] =	ssyncset.done $0x0  }
0x85: {  	s5 =	simm.s32 $0x4D48;
	[sflag:s31] =	ssyncadd.s32 $0xFFFFF800  }
0x86: {  	[tilespmem:s24], [sflag:$0x3] =	stream.indirect.gather [spmem:s2], $0x8, s5, s20, $0xb8;
	[tilespmem:$0x8F48] =	vst v63  }
0x87: {  	_ =	swait.ge [sflag:s25], $0x800  }
0x88: {  	[sflag:s25] =	ssyncset.done $0x0  }
0x89: {  	s6 =	simm.s32 $0x7348;
	[sflag:s25] =	ssyncadd.s32 $0xFFFFF800  }
0x8a: {  	[spmem:s1] =	stream.indirect.scatter.add.f32 [tilespmem:s21], [sflag:$0x4], $0x8, s6, s20, $0xb8;
	[tilespmem:$0x8F48] =	vst v63  }
0x8b: {  	_ =	swait.ge [sflag:s28], $0x800  }
0x8c: {  	[sflag:s28] =	ssyncset.done $0x0  }
0x8d: {  	s7 =	simm.s32 $0x7448;
	[sflag:s28] =	ssyncadd.s32 $0xFFFFF800  }
0x8e: {  	[spmem:s1] =	stream.indirect.scatter.add.f32 [tilespmem:s23], [sflag:$0x5], $0x8, s7, s20, $0xb8;
	[tilespmem:$0x8F48] =	vst v63  }
0x8f: {  	_ =	swait.ge [sflag:s30], $0x800  }
0x90: {  	[sflag:s30] =	ssyncset.done $0x0  }
0x91: {  	s8 =	simm.s32 $0x7548;
	[sflag:s30] =	ssyncadd.s32 $0xFFFFF800  }
0x92: {  	[spmem:s1] =	stream.indirect.scatter.add.f32 [tilespmem:s24], [sflag:$0x6], $0x8, s8, s20, $0xb8;
	[tilespmem:$0x8F48] =	vst v63  }
0x93: {  	_ =	swait.ge [sflag:s26], $0x800  }
0x94: {  	[sflag:s26] =	ssyncset.done $0x0  }
0x95: {  	[sflag:s26] =	ssyncadd.s32 $0xFFFFF800  }
0x96: {  	_ =	swait.ge [sflag:s29], $0x800  }
0x97: {  	[sflag:s29] =	ssyncset.done $0x0  }
0x98: {  	[sflag:s29] =	ssyncadd.s32 $0xFFFFF800  }
0x99: {  	_ =	swait.ge [sflag:s31], $0x800  }
0x9a: {  	s3 =	simm.s32 @!p0 $0x100;
	[sflag:s31] =	ssyncset.done $0x0  }
0x9b: {  	s5 =	simm.s32 @!p0 $0x4E48;
	s6 =	simm.s32 @!p0 $0x7748;
	[sflag:s31] =	ssyncadd.s32 $0xFFFFF800  }
0x9c: {  	[tilespmem:s6], [sflag:$0x1] =	stream.indirect.gather @!p0 [spmem:s2], $0x8, s5, s3, $0xb8;
	[tilespmem:$0x8F48] =	vst v63  }
0x9d: {  	s5 =	simm.s32 @!p0 $0x1  }
0x9e: {  	_ =	swait.ge @!p0 [sflag:s5], $0x800  }
0x9f: {  	[sflag:s5] =	ssyncset.done @!p0 $0x0  }
0xa0: {  	[sflag:s5] =	ssyncadd.s32 @!p0 $0xFFFFF800;
	s5 =	simm.s32 @!p0 $0x7648  }
0xa1: {  	[spmem:s1] =	stream.indirect.scatter.add.f32 @!p0 [tilespmem:s6], [sflag:$0x7], $0x8, s5, s3, $0xb8;
	[tilespmem:$0x8F48] =	vst v63  }
0xa2: {  	s3 =	simm.s32 @!p0 $0x7  }
0xa3: {  	_ =	swait.ge @!p0 [sflag:s3], $0x800  }
0xa4: {  	s22 =	sadd.s32 $0x1, s22;
	[sflag:s3] =	ssyncset.done @!p0 $0x0  }
0xa5: {  	p2 =	sne.s32 s22, s12;
	[sflag:s3] =	ssyncadd.s32 @!p0 $0xFFFFF800  }
.Ltmp1:
0xa6: {  	s16 =	simm.s32 $0x10;
	[bflag:$0x0] =	sbarrier.arrive $0xFFFF;
	(pc) =	sbr.rel @p2 .LBB2_1-.Ltmp1, $4  }
0xa7: {  	[hbm:s11@s16], [sflag:s17] =	dma.strided [spmem:s0@s25], $0x278, s25, $0x1   }
0xa8: {  	_ =	swait.ge [sflag:s15], $0x278  }
0xa9: {  	[sflag:s15] =	ssyncset.done $0x0  }
0xaa: {  	[sflag:s15] =	ssyncadd.s32 $0xFFFFFD88  }
0xab: {  	_ =	sfence.sel $0x180000  }
0xac: {  	[bflag:$0x0] =	sbarrier.arrive $0xFFFF  }
0xad: {  	_ =	strace $0x90000050  }
0xae: {  	[bflag:$0x2] =	sbarrier.arrive $0xFFFF  }
0xaf: {  	s0 =	rddreg [dreg:$0x3]  }
0xb0: {  	s0 =	sadd.s32 @!p0 $0x100000, s0  }
0xb1: {  	[sflag:s0] =	ssyncadd.tile.s32 @!p0 $0x1;
	_ =	shalt  }
.Lfunc_end2:
_tile_overlayer_lowered:
.L_overlay_start_2:
0xb2: {  	(tag) =	ssettag $0x2  }
0xb3: {  	s0 =	rddreg [dreg:$0x0];
	s2 =	stileid.u32  }
0xb4: {  	s1 =	rddreg [dreg:$0x1];
	p0 =	sne.s32 s2, $0x0  }
0xb5: {  	s3 =	rddreg [dreg:$0x2];
	[bflag:$0x3] =	sbarrier.arrive $0xFFFF;
	s2 =	simm.s32 @!p0 $0x1C07  }
0xb6: {  	[timem:s3], [sflag:s2] =	dma.local @!p0 [hbm:s0], s1  }
0xb7: {  	s0 =	simm.s32 @!p0 $0x7  }
0xb8: {  	_ =	swait.ge @!p0 [sflag:s0], s1  }
0xb9: {  	s1 =	ssub.s32 @!p0 $0x0, s1;
	[sflag:s0] =	ssyncset.done @!p0 $0x0  }
0xba: {  	[sflag:s0] =	ssyncadd.s32 @!p0 s1  }
0xbb: {  	[bflag:$0x3] =	sbarrier.arrive $0xFFFF  }
0xbc: {  	_ =	shalt  }

</sc_bundles>
